<compile_context>
chip_gen: v7x
topology: tpu7x:2x2x1
jax: 0.10.2.dev20260603
libtpu: 0.0.44.dev20260713+nightly
codegen_flags: <defaults>
</compile_context>

<pallas_src>
import functools

import jax
import jax.numpy as jnp
from jax import lax
from jax.experimental import pallas as pl
from jax.experimental.pallas import tpu as pltpu
from jax.experimental.pallas import tpu_sc as plsc

POOL = 32
PLEN = 32
NCTX = 32
ED = 768
TOPK = 5
NCLS = 100
SUF = 12
NTOK = 1 + PLEN + NCTX + SUF
G = 4
NG = NCLS // G
NBUF = 4

L = 16
NCH = ED // L


def _fisr(x):
    i = lax.bitcast_convert_type(x, jnp.int32)
    i = jnp.int32(0x5F3759DF) - (i >> 1)
    y = lax.bitcast_convert_type(i, jnp.float32)
    for _ in range(4):
        y = y * (1.5 - 0.5 * x * y * y)
    return y


def _sc_route_body(x_hbm, key_hbm, small_hbm, w_hbm, pool_hbm, comb_hbm,
                   x_v, k0_v, k1_v, small_v, w_v, sims_v, sel_v, out_v,
                   st0_v, st1_v, shared, sem):
    c = lax.axis_index("c")
    s = lax.axis_index("s")
    p = c * 16 + s

    pltpu.sync_copy(x_hbm, x_v)
    pltpu.sync_copy(key_hbm.at[pl.ds(s * ED, ED)], k0_v)
    pltpu.sync_copy(key_hbm.at[pl.ds((s + 16) * ED, ED)], k1_v)
    pltpu.sync_copy(small_hbm, small_v)
    pltpu.sync_copy(w_hbm, w_v)

    def dot_body(i, carry):
        d0, d1, kk0, kk1 = carry
        xs = x_v[pl.ds(i * L, L)]
        for f in range(1, 16):
            xs = xs + x_v[pl.ds(f * ED + i * L, L)]
        a0 = k0_v[pl.ds(i * L, L)]
        a1 = k1_v[pl.ds(i * L, L)]
        return (d0 + xs * a0, d1 + xs * a1, kk0 + a0 * a0, kk1 + a1 * a1)

    zero = jnp.zeros((L,), jnp.float32)
    d0, d1, kk0, kk1 = lax.fori_loop(0, NCH, dot_body,
                                     (zero, zero, zero, zero))
    lanes = lax.broadcasted_iota(jnp.int32, (L,), 0)
    pen0 = jnp.sum(jnp.where(lanes == s, small_v[pl.ds(0, L)], 0.0))
    pen1 = jnp.sum(jnp.where(lanes == s, small_v[pl.ds(L, L)], 0.0))
    bf = small_v[pl.ds(32, L)]
    b = bf[0]
    flag = bf[1]
    s0 = jnp.sum(d0) * _fisr(jnp.sum(kk0))
    s1 = jnp.sum(d1) * _fisr(jnp.sum(kk1))
    s0 = jnp.where(flag != 0.0, s0 * pen0, s0)
    s1 = jnp.where(flag != 0.0, s1 * pen1, s1)

    st0_v[...] = jnp.full((L,), s0, jnp.float32)
    st1_v[...] = jnp.full((L,), s1, jnp.float32)
    pltpu.sync_copy(st0_v, shared.at[pl.ds(s * L, L)])
    pltpu.sync_copy(st1_v, shared.at[pl.ds((s + 16) * L, L)])
    plsc.subcore_barrier()
    pltpu.sync_copy(shared, sims_v)

    lane0 = lanes
    lane1 = lanes + 16
    sv0 = jnp.zeros((L,), jnp.float32)
    sv1 = jnp.zeros((L,), jnp.float32)
    for j in range(POOL):
        sj = sims_v[pl.ds(j * L, L)][0]
        if j < 16:
            sv0 = jnp.where(lane0 == j, sj, sv0)
        else:
            sv1 = jnp.where(lane1 == j, sj, sv1)
    r0 = jnp.zeros((L,), jnp.int32)
    r1 = jnp.zeros((L,), jnp.int32)
    for j in range(POOL):
        sj = sims_v[pl.ds(j * L, L)][0]
        r0 = r0 + ((sj > sv0) | ((sj == sv0) & (j < lane0))).astype(jnp.int32)
        r1 = r1 + ((sj > sv1) | ((sj == sv1) & (j < lane1))).astype(jnp.int32)

    gathers = []
    for k in range(TOPK):
        idx_k = (jnp.sum(jnp.where(r0 == k, lane0, 0))
                 + jnp.sum(jnp.where(r1 == k, lane1, 0)))
        g = pltpu.make_async_copy(
            pool_hbm.at[pl.ds(idx_k * PLEN * ED + p * ED, ED)],
            sel_v.at[pl.ds(k * ED, ED)], sem)
        g.start()
        gathers.append(g)
    for g in gathers:
        g.wait()

    def z_body(i, zacc):
        wv = w_v[pl.ds(i * L, L)]
        return tuple(zacc[k] + sel_v[pl.ds(k * ED + i * L, L)] * wv
                     for k in range(TOPK))

    zv = lax.fori_loop(0, NCH, z_body, (zero,) * TOPK)
    alphas = [1.0 / (1.0 + jnp.exp(jnp.full((L,), -(jnp.sum(zv[k]) + b),
                                             jnp.float32)))
              for k in range(TOPK)]

    def comb_body(i, _):
        acc = alphas[0] * sel_v[pl.ds(i * L, L)]
        for k in range(1, TOPK):
            acc = acc + alphas[k] * sel_v[pl.ds(k * ED + i * L, L)]
        out_v[pl.ds(i * L, L)] = acc
        return 0

    lax.fori_loop(0, NCH, comb_body, 0)
    pltpu.sync_copy(out_v, comb_hbm.at[pl.ds(p * ED, ED)])


def _sc_route(x_embed, prompt_key, small, w_alpha, prompt_pool):
    mesh = plsc.VectorSubcoreMesh(core_axis_name="c", subcore_axis_name="s")
    kern = functools.partial(
        pl.kernel,
        mesh=mesh,
        compiler_params=pltpu.CompilerParams(needs_layout_passes=False),
        out_type=jax.ShapeDtypeStruct((PLEN * ED,), jnp.float32),
        scratch_types=[
            pltpu.VMEM((16 * ED,), jnp.float32),
            pltpu.VMEM((ED,), jnp.float32),
            pltpu.VMEM((ED,), jnp.float32),
            pltpu.VMEM((48,), jnp.float32),
            pltpu.VMEM((ED,), jnp.float32),
            pltpu.VMEM((POOL * L,), jnp.float32),
            pltpu.VMEM((TOPK * ED,), jnp.float32),
            pltpu.VMEM((ED,), jnp.float32),
            pltpu.VMEM((L,), jnp.float32),
            pltpu.VMEM((L,), jnp.float32),
            pltpu.VMEM_SHARED((POOL * L,), jnp.float32),
            pltpu.SemaphoreType.DMA,
        ],
    )(_sc_route_body)
    return kern(x_embed, prompt_key, small, w_alpha, prompt_pool)


def _tc_body(key_ref, ctx_ref, pre_ref, suf_ref, comb_ref, pool_hbm,
             out_hbm, pool_out, key_out,
             ring_ref, pool_ref, fetch_sem, copy_sem, out_sem):
    pool_fetch = pltpu.make_async_copy(pool_hbm, pool_ref, fetch_sem)
    pool_fetch.start()
    cp_key = pltpu.make_async_copy(key_ref, key_out, copy_sem)
    cp_key.start()

    mid = jnp.concatenate([comb_ref[...], ctx_ref[...]], axis=0)
    midb = jnp.broadcast_to(mid[None], (G, PLEN + NCTX, ED))
    for buf in range(NBUF):
        ring_ref[buf, :, 1:1 + PLEN + NCTX, :] = midb

    pool_fetch.wait()
    cp_pool = pltpu.make_async_copy(pool_ref, pool_out, copy_sem)
    cp_pool.start()

    dmas = [None] * NG
    for grp in range(NG):
        slot = grp % NBUF
        if grp >= NBUF:
            dmas[grp - NBUF].wait()
        ring_ref[slot, :, 0:1, :] = pre_ref[pl.ds(grp * G, G)]
        ring_ref[slot, :, 1 + PLEN + NCTX:, :] = suf_ref[pl.ds(grp * G, G)]
        d = pltpu.make_async_copy(ring_ref.at[slot],
                                  out_hbm.at[pl.ds(grp * G, G)],
                                  out_sem.at[slot])
        d.start()
        dmas[grp] = d
    for grp in range(NG - NBUF, NG):
        dmas[grp].wait()
    cp_pool.wait()
    cp_key.wait()


@jax.jit
def _run(x_embed, prompt_pool, prompt_key, ctx, w_alpha, b_alpha,
         token_prefix, token_suffix, penalty_factors, train_flag):
    small = jnp.concatenate([
        penalty_factors,
        b_alpha,
        jnp.asarray(train_flag, jnp.float32).reshape(1),
        jnp.zeros((14,), jnp.float32),
    ])
    comb = _sc_route(x_embed.reshape(-1), prompt_key.reshape(-1), small,
                     w_alpha.reshape(-1), prompt_pool.reshape(-1))
    comb = comb.reshape(PLEN, ED)

    vmem = pl.BlockSpec(memory_space=pltpu.MemorySpace.VMEM)
    hbm = pl.BlockSpec(memory_space=pltpu.MemorySpace.HBM)
    return pl.pallas_call(
        _tc_body,
        in_specs=[vmem, vmem, vmem, vmem, vmem, hbm],
        out_specs=[hbm, hbm, hbm],
        out_shape=[
            jax.ShapeDtypeStruct((NCLS, NTOK, ED), jnp.float32),
            jax.ShapeDtypeStruct((POOL, PLEN, ED), jnp.float32),
            jax.ShapeDtypeStruct((POOL, ED), jnp.float32),
        ],
        scratch_shapes=[
            pltpu.VMEM((NBUF, G, NTOK, ED), jnp.float32),
            pltpu.VMEM((POOL, PLEN, ED), jnp.float32),
            pltpu.SemaphoreType.DMA,
            pltpu.SemaphoreType.DMA,
            pltpu.SemaphoreType.DMA((NBUF,)),
        ],
    )(prompt_key, ctx, token_prefix, token_suffix, comb, prompt_pool)


def kernel(x_embed, prompt_pool, prompt_key, ctx, w_alpha, b_alpha,
           token_prefix, token_suffix, penalty_factors, train_flag):
    prompts, pool_out, key_out = _run(
        x_embed, prompt_pool, prompt_key, ctx, w_alpha, b_alpha,
        token_prefix, token_suffix, penalty_factors, train_flag)
    return (prompts, pool_out, key_out)

# --- scband reference (transcript-rebuilt; emitter-appended) ---
"""Pipeline reference for scband-prompt-pool-58531814310368 (READ-ONLY COPY).

The authoritative reference and input builder live on the scoring server;
editing this copy changes nothing except your own understanding.
"""

import jax, jax.numpy as jnp
import numpy as np

POOL = 32
PLEN = 32   # prompt_length // 2
NCTX = 32   # prompt_length // 2
ED = 768
TOPK = 5
NCLS = 100
SUF = 77 - 1 - 64  # 12


def setup_inputs(seed: int = 0) -> dict:
    key = jax.random.key(seed)
    ks = jax.random.split(key, 8)
    x_embed = jax.random.normal(ks[0], (16, ED), dtype=jnp.float32)
    prompt_pool = 0.02 * jax.random.normal(ks[1], (POOL, PLEN, ED), dtype=jnp.float32)
    prompt_key = 0.02 * jax.random.normal(ks[2], (POOL, ED), dtype=jnp.float32)
    ctx = 0.02 * jax.random.normal(ks[3], (NCTX, ED), dtype=jnp.float32)
    w_alpha = jax.random.normal(ks[4], (1, ED), dtype=jnp.float32) / np.sqrt(ED)
    b_alpha = jnp.zeros((1,), dtype=jnp.float32)
    token_prefix = 0.02 * jax.random.normal(ks[5], (NCLS, 1, ED), dtype=jnp.float32)
    token_suffix = 0.02 * jax.random.normal(ks[6], (NCLS, SUF, ED), dtype=jnp.float32)
    freq = jnp.ones((POOL,), dtype=jnp.float32) / POOL
    penalty_factors = jnp.log(freq.max() / freq + 1.0)
    return {
        'x_embed': x_embed,
        'prompt_pool': prompt_pool,
        'prompt_key': prompt_key,
        'ctx': ctx,
        'w_alpha': w_alpha,
        'b_alpha': b_alpha,
        'token_prefix': token_prefix,
        'token_suffix': token_suffix,
        'penalty_factors': penalty_factors,
        'train_flag': 1,
    }


def reference(x_embed, prompt_pool, prompt_key, ctx, w_alpha, b_alpha,
              token_prefix, token_suffix, penalty_factors, train_flag):
    # x_embed: [F, ED] -> mean over frames
    x = jnp.mean(x_embed, axis=0)
    x_norm = x / jnp.linalg.norm(x, ord=2, axis=-1, keepdims=True)
    key_norm = prompt_key / jnp.linalg.norm(prompt_key, ord=2, axis=-1, keepdims=True)
    sim = x_norm @ key_norm.T  # [POOL]
    sim = jnp.where(train_flag != 0, sim * penalty_factors, sim)
    _, top_k_indices = jax.lax.top_k(sim, TOPK)
    # gather selected prompts: [TOPK, PLEN, ED]
    selected = jnp.take(prompt_pool, top_k_indices, axis=0)
    # alpha = Linear(ED,1) + sigmoid per prompt token
    aw = jax.nn.sigmoid(selected.reshape(-1, ED) @ w_alpha.T + b_alpha)
    aw = aw.reshape(TOPK, PLEN)[..., None]  # [TOPK, PLEN, 1]
    out = (aw * selected).sum(axis=0)  # [PLEN, ED]
    selected_prompts = jnp.broadcast_to(out[None, :, :], (NCLS, PLEN, ED))
    ctx_e = jnp.broadcast_to(ctx[None, :, :], (NCLS, NCTX, ED))
    prompts = jnp.concatenate([token_prefix, selected_prompts, ctx_e, token_suffix], axis=1)
    return (prompts, prompt_pool, prompt_key)

if __name__ == "__main__":
    import jax
    _d = setup_inputs()
    print(jax.jit(kernel)(*tuple(_d.values())))

</pallas_src>

<mosaic_0001>
#map = affine_map<(d0, d1) -> (0)>
module attributes {stable_mosaic.version = 14 : i64} {
  func.func @_sc_route_body(%arg0: i32, %arg1: i32, %arg2: memref<12288xf32, #tpu.memory_space<hbm>>, %arg3: memref<24576xf32, #tpu.memory_space<hbm>>, %arg4: memref<48xf32, #tpu.memory_space<hbm>>, %arg5: memref<768xf32, #tpu.memory_space<hbm>>, %arg6: memref<786432xf32, #tpu.memory_space<hbm>>, %arg7: memref<24576xf32, #tpu.memory_space<hbm>>, %arg8: memref<12288xf32, #tpu.memory_space<vmem>>, %arg9: memref<768xf32, #tpu.memory_space<vmem>>, %arg10: memref<768xf32, #tpu.memory_space<vmem>>, %arg11: memref<48xf32, #tpu.memory_space<vmem>>, %arg12: memref<768xf32, #tpu.memory_space<vmem>>, %arg13: memref<512xf32, #tpu.memory_space<vmem>>, %arg14: memref<3840xf32, #tpu.memory_space<vmem>>, %arg15: memref<768xf32, #tpu.memory_space<vmem>>, %arg16: memref<16xf32, #tpu.memory_space<vmem>>, %arg17: memref<16xf32, #tpu.memory_space<vmem>>, %arg18: memref<512xf32, #tpu.memory_space<vmem_shared>>, %arg19: memref<!tpu.dma_semaphore, #tpu.memory_space<semaphore_mem>>) attributes {dimension_semantics = [#tpu.dimension_semantics<core_parallel>, #tpu.dimension_semantics<subcore_parallel>], iteration_bounds = array<i64: 2, 16>, scalar_prefetch = 0 : i64, scratch_operands = 12 : i64, tpu.core_type = #tpu.core_type<sc_vector_subcore>, window_params = [{transform_indices = #map}, {transform_indices = #map}, {transform_indices = #map}, {transform_indices = #map}, {transform_indices = #map}, {transform_indices = #map}]} {
    %mul3A = arith.constant 16 : i32
    %mul3A_0 = arith.muli %arg0, %mul3A : i32
    %add3A = arith.addi %mul3A_0, %arg1 : i32
    "tpu.region"() ({
      %run_scoped3A = tpu.sem_alloc : memref<!tpu.dma_semaphore, #tpu.memory_space<semaphore_mem>>
      tpu.enqueue_dma source(%arg2 : memref<12288xf32, #tpu.memory_space<hbm>>) target(%arg8 : memref<12288xf32, #tpu.memory_space<vmem>>) target_semaphore(%run_scoped3A : memref<!tpu.dma_semaphore, #tpu.memory_space<semaphore_mem>>)
      tpu.wait_dma2 semaphore(%run_scoped3A : memref<!tpu.dma_semaphore, #tpu.memory_space<semaphore_mem>>) src(%arg2 : memref<12288xf32, #tpu.memory_space<hbm>>) dst(%arg8 : memref<12288xf32, #tpu.memory_space<vmem>>)
      tpu.yield
    }) : () -> ()
    %mul3A_1 = arith.constant 768 : i32
    %mul3A_2 = arith.muli %arg1, %mul3A_1 : i32
    "tpu.region"() ({
      %run_scoped3A = tpu.sem_alloc : memref<!tpu.dma_semaphore, #tpu.memory_space<semaphore_mem>>
      %dma_start3A_1547 = tpu.memref_slice %arg3[%mul3A_2] : memref<24576xf32, #tpu.memory_space<hbm>> -> memref<768xf32, #tpu.memory_space<hbm>>
      %dma_start3A_1548 = tpu.memref_slice %arg3[%mul3A_2] : memref<24576xf32, #tpu.memory_space<hbm>> -> memref<768xf32, #tpu.memory_space<hbm>>
      tpu.enqueue_dma source(%dma_start3A_1548 : memref<768xf32, #tpu.memory_space<hbm>>) target(%arg9 : memref<768xf32, #tpu.memory_space<vmem>>) target_semaphore(%run_scoped3A : memref<!tpu.dma_semaphore, #tpu.memory_space<semaphore_mem>>)
      %dma_wait3A_1549 = tpu.memref_slice %arg3[%mul3A_2] : memref<24576xf32, #tpu.memory_space<hbm>> -> memref<768xf32, #tpu.memory_space<hbm>>
      %dma_wait3A_1550 = tpu.memref_slice %arg3[%mul3A_2] : memref<24576xf32, #tpu.memory_space<hbm>> -> memref<768xf32, #tpu.memory_space<hbm>>
      tpu.wait_dma2 semaphore(%run_scoped3A : memref<!tpu.dma_semaphore, #tpu.memory_space<semaphore_mem>>) src(%dma_wait3A_1550 : memref<768xf32, #tpu.memory_space<hbm>>) dst(%arg9 : memref<768xf32, #tpu.memory_space<vmem>>)
      tpu.yield
    }) : () -> ()
    %add3A_3 = arith.constant 16 : i32
    %add3A_4 = arith.addi %arg1, %add3A_3 : i32
    %mul3A_5 = arith.constant 768 : i32
    %mul3A_6 = arith.muli %add3A_4, %mul3A_5 : i32
    "tpu.region"() ({
      %run_scoped3A = tpu.sem_alloc : memref<!tpu.dma_semaphore, #tpu.memory_space<semaphore_mem>>
      %dma_start3A_1547 = tpu.memref_slice %arg3[%mul3A_6] : memref<24576xf32, #tpu.memory_space<hbm>> -> memref<768xf32, #tpu.memory_space<hbm>>
      %dma_start3A_1548 = tpu.memref_slice %arg3[%mul3A_6] : memref<24576xf32, #tpu.memory_space<hbm>> -> memref<768xf32, #tpu.memory_space<hbm>>
      tpu.enqueue_dma source(%dma_start3A_1548 : memref<768xf32, #tpu.memory_space<hbm>>) target(%arg10 : memref<768xf32, #tpu.memory_space<vmem>>) target_semaphore(%run_scoped3A : memref<!tpu.dma_semaphore, #tpu.memory_space<semaphore_mem>>)
      %dma_wait3A_1549 = tpu.memref_slice %arg3[%mul3A_6] : memref<24576xf32, #tpu.memory_space<hbm>> -> memref<768xf32, #tpu.memory_space<hbm>>
      %dma_wait3A_1550 = tpu.memref_slice %arg3[%mul3A_6] : memref<24576xf32, #tpu.memory_space<hbm>> -> memref<768xf32, #tpu.memory_space<hbm>>
      tpu.wait_dma2 semaphore(%run_scoped3A : memref<!tpu.dma_semaphore, #tpu.memory_space<semaphore_mem>>) src(%dma_wait3A_1550 : memref<768xf32, #tpu.memory_space<hbm>>) dst(%arg10 : memref<768xf32, #tpu.memory_space<vmem>>)
      tpu.yield
    }) : () -> ()
    "tpu.region"() ({
      %run_scoped3A = tpu.sem_alloc : memref<!tpu.dma_semaphore, #tpu.memory_space<semaphore_mem>>
      tpu.enqueue_dma source(%arg4 : memref<48xf32, #tpu.memory_space<hbm>>) target(%arg11 : memref<48xf32, #tpu.memory_space<vmem>>) target_semaphore(%run_scoped3A : memref<!tpu.dma_semaphore, #tpu.memory_space<semaphore_mem>>)
      tpu.wait_dma2 semaphore(%run_scoped3A : memref<!tpu.dma_semaphore, #tpu.memory_space<semaphore_mem>>) src(%arg4 : memref<48xf32, #tpu.memory_space<hbm>>) dst(%arg11 : memref<48xf32, #tpu.memory_space<vmem>>)
      tpu.yield
    }) : () -> ()
    "tpu.region"() ({
      %run_scoped3A = tpu.sem_alloc : memref<!tpu.dma_semaphore, #tpu.memory_space<semaphore_mem>>
      tpu.enqueue_dma source(%arg5 : memref<768xf32, #tpu.memory_space<hbm>>) target(%arg12 : memref<768xf32, #tpu.memory_space<vmem>>) target_semaphore(%run_scoped3A : memref<!tpu.dma_semaphore, #tpu.memory_space<semaphore_mem>>)
      tpu.wait_dma2 semaphore(%run_scoped3A : memref<!tpu.dma_semaphore, #tpu.memory_space<semaphore_mem>>) src(%arg5 : memref<768xf32, #tpu.memory_space<hbm>>) dst(%arg12 : memref<768xf32, #tpu.memory_space<vmem>>)
      tpu.yield
    }) : () -> ()
    %broadcast_in_dim3A = arith.constant 0.000000e+00 : f32
    %broadcast_in_dim3A_7 = vector.broadcast %broadcast_in_dim3A : f32 to vector<16xf32>
    %scan3A = arith.constant 0 : i32
    %scan3A_8 = arith.constant 48 : i32
    %scan3A_9 = arith.addi %scan3A, %scan3A_8 : i32
    %scan3A_10 = arith.constant 1 : i32
    %scan3A_11:4 = scf.for %scan3A_1547 = %scan3A to %scan3A_9 step %scan3A_10 iter_args(%scan3A_1548 = %broadcast_in_dim3A_7, %scan3A_1549 = %broadcast_in_dim3A_7, %scan3A_1550 = %broadcast_in_dim3A_7, %scan3A_1551 = %broadcast_in_dim3A_7) -> (vector<16xf32>, vector<16xf32>, vector<16xf32>, vector<16xf32>)  : i32 {
      %mul3A_1552 = arith.constant 16 : i32
      %mul3A_1553 = arith.muli %scan3A_1547, %mul3A_1552 : i32
      %get3A_1554 = arith.index_cast %mul3A_1553 : i32 to index
      %get3A_1555 = tpu.vector_load %arg8[%get3A_1554] {strides = array<i32>} : memref<12288xf32, #tpu.memory_space<vmem>>, vector<16xf32>,
      %mul3A_1556 = arith.constant 16 : i32
      %mul3A_1557 = arith.muli %scan3A_1547, %mul3A_1556 : i32
      %add3A_1558 = arith.constant 768 : i32
      %add3A_1559 = arith.addi %add3A_1558, %mul3A_1557 : i32
      %get3A_1560 = arith.index_cast %add3A_1559 : i32 to index
      %get3A_1561 = tpu.vector_load %arg8[%get3A_1560] {strides = array<i32>} : memref<12288xf32, #tpu.memory_space<vmem>>, vector<16xf32>,
      %add3A_1562 = arith.addf %get3A_1555, %get3A_1561 : vector<16xf32>
      %mul3A_1563 = arith.constant 16 : i32
      %mul3A_1564 = arith.muli %scan3A_1547, %mul3A_1563 : i32
      %add3A_1565 = arith.constant 1536 : i32
      %add3A_1566 = arith.addi %add3A_1565, %mul3A_1564 : i32
      %get3A_1567 = arith.index_cast %add3A_1566 : i32 to index
      %get3A_1568 = tpu.vector_load %arg8[%get3A_1567] {strides = array<i32>} : memref<12288xf32, #tpu.memory_space<vmem>>, vector<16xf32>,
      %add3A_1569 = arith.addf %add3A_1562, %get3A_1568 : vector<16xf32>
      %mul3A_1570 = arith.constant 16 : i32
      %mul3A_1571 = arith.muli %scan3A_1547, %mul3A_1570 : i32
      %add3A_1572 = arith.constant 2304 : i32
      %add3A_1573 = arith.addi %add3A_1572, %mul3A_1571 : i32
      %get3A_1574 = arith.index_cast %add3A_1573 : i32 to index
      %get3A_1575 = tpu.vector_load %arg8[%get3A_1574] {strides = array<i32>} : memref<12288xf32, #tpu.memory_space<vmem>>, vector<16xf32>,
      %add3A_1576 = arith.addf %add3A_1569, %get3A_1575 : vector<16xf32>
      %mul3A_1577 = arith.constant 16 : i32
      %mul3A_1578 = arith.muli %scan3A_1547, %mul3A_1577 : i32
      %add3A_1579 = arith.constant 3072 : i32
      %add3A_1580 = arith.addi %add3A_1579, %mul3A_1578 : i32
      %get3A_1581 = arith.index_cast %add3A_1580 : i32 to index
      %get3A_1582 = tpu.vector_load %arg8[%get3A_1581] {strides = array<i32>} : memref<12288xf32, #tpu.memory_space<vmem>>, vector<16xf32>,
      %add3A_1583 = arith.addf %add3A_1576, %get3A_1582 : vector<16xf32>
      %mul3A_1584 = arith.constant 16 : i32
      %mul3A_1585 = arith.muli %scan3A_1547, %mul3A_1584 : i32
      %add3A_1586 = arith.constant 3840 : i32
      %add3A_1587 = arith.addi %add3A_1586, %mul3A_1585 : i32
      %get3A_1588 = arith.index_cast %add3A_1587 : i32 to index
      %get3A_1589 = tpu.vector_load %arg8[%get3A_1588] {strides = array<i32>} : memref<12288xf32, #tpu.memory_space<vmem>>, vector<16xf32>,
      %add3A_1590 = arith.addf %add3A_1583, %get3A_1589 : vector<16xf32>
      %mul3A_1591 = arith.constant 16 : i32
      %mul3A_1592 = arith.muli %scan3A_1547, %mul3A_1591 : i32
      %add3A_1593 = arith.constant 4608 : i32
      %add3A_1594 = arith.addi %add3A_1593, %mul3A_1592 : i32
      %get3A_1595 = arith.index_cast %add3A_1594 : i32 to index
      %get3A_1596 = tpu.vector_load %arg8[%get3A_1595] {strides = array<i32>} : memref<12288xf32, #tpu.memory_space<vmem>>, vector<16xf32>,
      %add3A_1597 = arith.addf %add3A_1590, %get3A_1596 : vector<16xf32>
      %mul3A_1598 = arith.constant 16 : i32
      %mul3A_1599 = arith.muli %scan3A_1547, %mul3A_1598 : i32
      %add3A_1600 = arith.constant 5376 : i32
      %add3A_1601 = arith.addi %add3A_1600, %mul3A_1599 : i32
      %get3A_1602 = arith.index_cast %add3A_1601 : i32 to index
      %get3A_1603 = tpu.vector_load %arg8[%get3A_1602] {strides = array<i32>} : memref<12288xf32, #tpu.memory_space<vmem>>, vector<16xf32>,
      %add3A_1604 = arith.addf %add3A_1597, %get3A_1603 : vector<16xf32>
      %mul3A_1605 = arith.constant 16 : i32
      %mul3A_1606 = arith.muli %scan3A_1547, %mul3A_1605 : i32
      %add3A_1607 = arith.constant 6144 : i32
      %add3A_1608 = arith.addi %add3A_1607, %mul3A_1606 : i32
      %get3A_1609 = arith.index_cast %add3A_1608 : i32 to index
      %get3A_1610 = tpu.vector_load %arg8[%get3A_1609] {strides = array<i32>} : memref<12288xf32, #tpu.memory_space<vmem>>, vector<16xf32>,
      %add3A_1611 = arith.addf %add3A_1604, %get3A_1610 : vector<16xf32>
      %mul3A_1612 = arith.constant 16 : i32
      %mul3A_1613 = arith.muli %scan3A_1547, %mul3A_1612 : i32
      %add3A_1614 = arith.constant 6912 : i32
      %add3A_1615 = arith.addi %add3A_1614, %mul3A_1613 : i32
      %get3A_1616 = arith.index_cast %add3A_1615 : i32 to index
      %get3A_1617 = tpu.vector_load %arg8[%get3A_1616] {strides = array<i32>} : memref<12288xf32, #tpu.memory_space<vmem>>, vector<16xf32>,
      %add3A_1618 = arith.addf %add3A_1611, %get3A_1617 : vector<16xf32>
      %mul3A_1619 = arith.constant 16 : i32
      %mul3A_1620 = arith.muli %scan3A_1547, %mul3A_1619 : i32
      %add3A_1621 = arith.constant 7680 : i32
      %add3A_1622 = arith.addi %add3A_1621, %mul3A_1620 : i32
      %get3A_1623 = arith.index_cast %add3A_1622 : i32 to index
      %get3A_1624 = tpu.vector_load %arg8[%get3A_1623] {strides = array<i32>} : memref<12288xf32, #tpu.memory_space<vmem>>, vector<16xf32>,
      %add3A_1625 = arith.addf %add3A_1618, %get3A_1624 : vector<16xf32>
      %mul3A_1626 = arith.constant 16 : i32
      %mul3A_1627 = arith.muli %scan3A_1547, %mul3A_1626 : i32
      %add3A_1628 = arith.constant 8448 : i32
      %add3A_1629 = arith.addi %add3A_1628, %mul3A_1627 : i32
      %get3A_1630 = arith.index_cast %add3A_1629 : i32 to index
      %get3A_1631 = tpu.vector_load %arg8[%get3A_1630] {strides = array<i32>} : memref<12288xf32, #tpu.memory_space<vmem>>, vector<16xf32>,
      %add3A_1632 = arith.addf %add3A_1625, %get3A_1631 : vector<16xf32>
      %mul3A_1633 = arith.constant 16 : i32
      %mul3A_1634 = arith.muli %scan3A_1547, %mul3A_1633 : i32
      %add3A_1635 = arith.constant 9216 : i32
      %add3A_1636 = arith.addi %add3A_1635, %mul3A_1634 : i32
      %get3A_1637 = arith.index_cast %add3A_1636 : i32 to index
      %get3A_1638 = tpu.vector_load %arg8[%get3A_1637] {strides = array<i32>} : memref<12288xf32, #tpu.memory_space<vmem>>, vector<16xf32>,
      %add3A_1639 = arith.addf %add3A_1632, %get3A_1638 : vector<16xf32>
      %mul3A_1640 = arith.constant 16 : i32
      %mul3A_1641 = arith.muli %scan3A_1547, %mul3A_1640 : i32
      %add3A_1642 = arith.constant 9984 : i32
      %add3A_1643 = arith.addi %add3A_1642, %mul3A_1641 : i32
      %get3A_1644 = arith.index_cast %add3A_1643 : i32 to index
      %get3A_1645 = tpu.vector_load %arg8[%get3A_1644] {strides = array<i32>} : memref<12288xf32, #tpu.memory_space<vmem>>, vector<16xf32>,
      %add3A_1646 = arith.addf %add3A_1639, %get3A_1645 : vector<16xf32>
      %mul3A_1647 = arith.constant 16 : i32
      %mul3A_1648 = arith.muli %scan3A_1547, %mul3A_1647 : i32
      %add3A_1649 = arith.constant 10752 : i32
      %add3A_1650 = arith.addi %add3A_1649, %mul3A_1648 : i32
      %get3A_1651 = arith.index_cast %add3A_1650 : i32 to index
      %get3A_1652 = tpu.vector_load %arg8[%get3A_1651] {strides = array<i32>} : memref<12288xf32, #tpu.memory_space<vmem>>, vector<16xf32>,
      %add3A_1653 = arith.addf %add3A_1646, %get3A_1652 : vector<16xf32>
      %mul3A_1654 = arith.constant 16 : i32
      %mul3A_1655 = arith.muli %scan3A_1547, %mul3A_1654 : i32
      %add3A_1656 = arith.constant 11520 : i32
      %add3A_1657 = arith.addi %add3A_1656, %mul3A_1655 : i32
      %get3A_1658 = arith.index_cast %add3A_1657 : i32 to index
      %get3A_1659 = tpu.vector_load %arg8[%get3A_1658] {strides = array<i32>} : memref<12288xf32, #tpu.memory_space<vmem>>, vector<16xf32>,
      %add3A_1660 = arith.addf %add3A_1653, %get3A_1659 : vector<16xf32>
      %mul3A_1661 = arith.constant 16 : i32
      %mul3A_1662 = arith.muli %scan3A_1547, %mul3A_1661 : i32
      %get3A_1663 = arith.index_cast %mul3A_1662 : i32 to index
      %get3A_1664 = tpu.vector_load %arg9[%get3A_1663] {strides = array<i32>} : memref<768xf32, #tpu.memory_space<vmem>>, vector<16xf32>,
      %mul3A_1665 = arith.constant 16 : i32
      %mul3A_1666 = arith.muli %scan3A_1547, %mul3A_1665 : i32
      %get3A_1667 = arith.index_cast %mul3A_1666 : i32 to index
      %get3A_1668 = tpu.vector_load %arg10[%get3A_1667] {strides = array<i32>} : memref<768xf32, #tpu.memory_space<vmem>>, vector<16xf32>,
      %mul3A_1669 = arith.mulf %add3A_1660, %get3A_1664 : vector<16xf32>
      %add3A_1670 = arith.addf %scan3A_1548, %mul3A_1669 : vector<16xf32>
      %mul3A_1671 = arith.mulf %add3A_1660, %get3A_1668 : vector<16xf32>
      %add3A_1672 = arith.addf %scan3A_1549, %mul3A_1671 : vector<16xf32>
      %mul3A_1673 = arith.mulf %get3A_1664, %get3A_1664 : vector<16xf32>
      %add3A_1674 = arith.addf %scan3A_1550, %mul3A_1673 : vector<16xf32>
      %mul3A_1675 = arith.mulf %get3A_1668, %get3A_1668 : vector<16xf32>
      %add3A_1676 = arith.addf %scan3A_1551, %mul3A_1675 : vector<16xf32>
      scf.yield %add3A_1670, %add3A_1672, %add3A_1674, %add3A_1676 : vector<16xf32>, vector<16xf32>, vector<16xf32>, vector<16xf32>
    }
    %scan3A_12 = arith.constant 48 : i32
    %iota3A = tpu.iota {dimensions = array<i32: 0>} : vector<16xi32>
    %eq3A = vector.broadcast %arg1 : i32 to vector<16xi32>
    %eq3A_13 = arith.cmpi eq, %iota3A, %eq3A : vector<16xi32>
    %get3A = arith.constant 0 : index
    %get3A_14 = tpu.vector_load %arg11[%get3A] {strides = array<i32>} : memref<48xf32, #tpu.memory_space<vmem>>, vector<16xf32>,
    %jit3A = arith.constant 0.000000e+00 : f32
    %broadcast_in_dim3A_15 = vector.broadcast %jit3A : f32 to vector<16xf32>
    %select_n3A = arith.select %eq3A_13, %get3A_14, %broadcast_in_dim3A_15 : vector<16xi1>, vector<16xf32>
    %reduce_sum3A = arith.constant true
    %reduce_sum3A_16 = vector.broadcast %reduce_sum3A : i1 to vector<16xi1>
    %reduce_sum3A_17 = tpu.scan <sum>, %select_n3A masked %reduce_sum3A_16 : vector<16xf32>, vector<16xi1> -> vector<16xf32>
    %reduce_sum3A_18 = vector.extract %reduce_sum3A_17[15] : f32 from vector<16xf32>
    %eq3A_19 = vector.broadcast %arg1 : i32 to vector<16xi32>
    %eq3A_20 = arith.cmpi eq, %iota3A, %eq3A_19 : vector<16xi32>
    %get3A_21 = arith.constant 16 : index
    %get3A_22 = tpu.vector_load %arg11[%get3A_21] {strides = array<i32>} : memref<48xf32, #tpu.memory_space<vmem>>, vector<16xf32>,
    %jit3A_23 = arith.constant 0.000000e+00 : f32
    %broadcast_in_dim3A_24 = vector.broadcast %jit3A_23 : f32 to vector<16xf32>
    %select_n3A_25 = arith.select %eq3A_20, %get3A_22, %broadcast_in_dim3A_24 : vector<16xi1>, vector<16xf32>
    %reduce_sum3A_26 = arith.constant true
    %reduce_sum3A_27 = vector.broadcast %reduce_sum3A_26 : i1 to vector<16xi1>
    %reduce_sum3A_28 = tpu.scan <sum>, %select_n3A_25 masked %reduce_sum3A_27 : vector<16xf32>, vector<16xi1> -> vector<16xf32>
    %reduce_sum3A_29 = vector.extract %reduce_sum3A_28[15] : f32 from vector<16xf32>
    %get3A_30 = arith.constant 32 : index
    %get3A_31 = tpu.vector_load %arg11[%get3A_30] {strides = array<i32>} : memref<48xf32, #tpu.memory_space<vmem>>, vector<16xf32>,
    %slice3A = vector.extract_strided_slice %get3A_31 {offsets = [0], sizes = [1], strides = [1]} : vector<16xf32> to vector<1xf32>
    %squeeze3A = vector.extract %slice3A[0] : f32 from vector<1xf32>
    %slice3A_32 = vector.extract_strided_slice %get3A_31 {offsets = [1], sizes = [1], strides = [1]} : vector<16xf32> to vector<1xf32>
    %squeeze3A_33 = vector.extract %slice3A_32[0] : f32 from vector<1xf32>
    %reduce_sum3A_34 = arith.constant true
    %reduce_sum3A_35 = vector.broadcast %reduce_sum3A_34 : i1 to vector<16xi1>
    %reduce_sum3A_36 = tpu.scan <sum>, %scan3A_11#0 masked %reduce_sum3A_35 : vector<16xf32>, vector<16xi1> -> vector<16xf32>
    %reduce_sum3A_37 = vector.extract %reduce_sum3A_36[15] : f32 from vector<16xf32>
    %reduce_sum3A_38 = arith.constant true
    %reduce_sum3A_39 = vector.broadcast %reduce_sum3A_38 : i1 to vector<16xi1>
    %reduce_sum3A_40 = tpu.scan <sum>, %scan3A_11#2 masked %reduce_sum3A_39 : vector<16xf32>, vector<16xi1> -> vector<16xf32>
    %reduce_sum3A_41 = vector.extract %reduce_sum3A_40[15] : f32 from vector<16xf32>
    %bitcast_convert_type3A = arith.bitcast %reduce_sum3A_41 : f32 to i32
    %shift_right_arithmetic3A = arith.constant 1 : i32
    %shift_right_arithmetic3A_42 = arith.shrsi %bitcast_convert_type3A, %shift_right_arithmetic3A : i32
    %sub3A = arith.constant 1597463007 : i32
    %sub3A_43 = arith.subi %sub3A, %shift_right_arithmetic3A_42 : i32
    %bitcast_convert_type3A_44 = arith.bitcast %sub3A_43 : i32 to f32
    %mul3A_45 = arith.constant 5.000000e-01 : f32
    %mul3A_46 = arith.mulf %mul3A_45, %reduce_sum3A_41 : f32
    %mul3A_47 = arith.mulf %mul3A_46, %bitcast_convert_type3A_44 : f32
    %mul3A_48 = arith.mulf %mul3A_47, %bitcast_convert_type3A_44 : f32
    %sub3A_49 = arith.constant 1.500000e+00 : f32
    %sub3A_50 = arith.subf %sub3A_49, %mul3A_48 : f32
    %mul3A_51 = arith.mulf %bitcast_convert_type3A_44, %sub3A_50 : f32
    %mul3A_52 = arith.constant 5.000000e-01 : f32
    %mul3A_53 = arith.mulf %mul3A_52, %reduce_sum3A_41 : f32
    %mul3A_54 = arith.mulf %mul3A_53, %mul3A_51 : f32
    %mul3A_55 = arith.mulf %mul3A_54, %mul3A_51 : f32
    %sub3A_56 = arith.constant 1.500000e+00 : f32
    %sub3A_57 = arith.subf %sub3A_56, %mul3A_55 : f32
    %mul3A_58 = arith.mulf %mul3A_51, %sub3A_57 : f32
    %mul3A_59 = arith.constant 5.000000e-01 : f32
    %mul3A_60 = arith.mulf %mul3A_59, %reduce_sum3A_41 : f32
    %mul3A_61 = arith.mulf %mul3A_60, %mul3A_58 : f32
    %mul3A_62 = arith.mulf %mul3A_61, %mul3A_58 : f32
    %sub3A_63 = arith.constant 1.500000e+00 : f32
    %sub3A_64 = arith.subf %sub3A_63, %mul3A_62 : f32
    %mul3A_65 = arith.mulf %mul3A_58, %sub3A_64 : f32
    %mul3A_66 = arith.constant 5.000000e-01 : f32
    %mul3A_67 = arith.mulf %mul3A_66, %reduce_sum3A_41 : f32
    %mul3A_68 = arith.mulf %mul3A_67, %mul3A_65 : f32
    %mul3A_69 = arith.mulf %mul3A_68, %mul3A_65 : f32
    %sub3A_70 = arith.constant 1.500000e+00 : f32
    %sub3A_71 = arith.subf %sub3A_70, %mul3A_69 : f32
    %mul3A_72 = arith.mulf %mul3A_65, %sub3A_71 : f32
    %mul3A_73 = arith.mulf %reduce_sum3A_37, %mul3A_72 : f32
    %reduce_sum3A_74 = arith.constant true
    %reduce_sum3A_75 = vector.broadcast %reduce_sum3A_74 : i1 to vector<16xi1>
    %reduce_sum3A_76 = tpu.scan <sum>, %scan3A_11#1 masked %reduce_sum3A_75 : vector<16xf32>, vector<16xi1> -> vector<16xf32>
    %reduce_sum3A_77 = vector.extract %reduce_sum3A_76[15] : f32 from vector<16xf32>
    %reduce_sum3A_78 = arith.constant true
    %reduce_sum3A_79 = vector.broadcast %reduce_sum3A_78 : i1 to vector<16xi1>
    %reduce_sum3A_80 = tpu.scan <sum>, %scan3A_11#3 masked %reduce_sum3A_79 : vector<16xf32>, vector<16xi1> -> vector<16xf32>
    %reduce_sum3A_81 = vector.extract %reduce_sum3A_80[15] : f32 from vector<16xf32>
    %bitcast_convert_type3A_82 = arith.bitcast %reduce_sum3A_81 : f32 to i32
    %shift_right_arithmetic3A_83 = arith.constant 1 : i32
    %shift_right_arithmetic3A_84 = arith.shrsi %bitcast_convert_type3A_82, %shift_right_arithmetic3A_83 : i32
    %sub3A_85 = arith.constant 1597463007 : i32
    %sub3A_86 = arith.subi %sub3A_85, %shift_right_arithmetic3A_84 : i32
    %bitcast_convert_type3A_87 = arith.bitcast %sub3A_86 : i32 to f32
    %mul3A_88 = arith.constant 5.000000e-01 : f32
    %mul3A_89 = arith.mulf %mul3A_88, %reduce_sum3A_81 : f32
    %mul3A_90 = arith.mulf %mul3A_89, %bitcast_convert_type3A_87 : f32
    %mul3A_91 = arith.mulf %mul3A_90, %bitcast_convert_type3A_87 : f32
    %sub3A_92 = arith.constant 1.500000e+00 : f32
    %sub3A_93 = arith.subf %sub3A_92, %mul3A_91 : f32
    %mul3A_94 = arith.mulf %bitcast_convert_type3A_87, %sub3A_93 : f32
    %mul3A_95 = arith.constant 5.000000e-01 : f32
    %mul3A_96 = arith.mulf %mul3A_95, %reduce_sum3A_81 : f32
    %mul3A_97 = arith.mulf %mul3A_96, %mul3A_94 : f32
    %mul3A_98 = arith.mulf %mul3A_97, %mul3A_94 : f32
    %sub3A_99 = arith.constant 1.500000e+00 : f32
    %sub3A_100 = arith.subf %sub3A_99, %mul3A_98 : f32
    %mul3A_101 = arith.mulf %mul3A_94, %sub3A_100 : f32
    %mul3A_102 = arith.constant 5.000000e-01 : f32
    %mul3A_103 = arith.mulf %mul3A_102, %reduce_sum3A_81 : f32
    %mul3A_104 = arith.mulf %mul3A_103, %mul3A_101 : f32
    %mul3A_105 = arith.mulf %mul3A_104, %mul3A_101 : f32
    %sub3A_106 = arith.constant 1.500000e+00 : f32
    %sub3A_107 = arith.subf %sub3A_106, %mul3A_105 : f32
    %mul3A_108 = arith.mulf %mul3A_101, %sub3A_107 : f32
    %mul3A_109 = arith.constant 5.000000e-01 : f32
    %mul3A_110 = arith.mulf %mul3A_109, %reduce_sum3A_81 : f32
    %mul3A_111 = arith.mulf %mul3A_110, %mul3A_108 : f32
    %mul3A_112 = arith.mulf %mul3A_111, %mul3A_108 : f32
    %sub3A_113 = arith.constant 1.500000e+00 : f32
    %sub3A_114 = arith.subf %sub3A_113, %mul3A_112 : f32
    %mul3A_115 = arith.mulf %mul3A_108, %sub3A_114 : f32
    %mul3A_116 = arith.mulf %reduce_sum3A_77, %mul3A_115 : f32
    %ne3A = arith.constant 0.000000e+00 : f32
    %ne3A_117 = arith.cmpf one, %squeeze3A_33, %ne3A : f32
    %mul3A_118 = arith.mulf %mul3A_73, %reduce_sum3A_18 : f32
    %select_n3A_119 = arith.select %ne3A_117, %mul3A_118, %mul3A_73 : f32
    %ne3A_120 = arith.constant 0.000000e+00 : f32
    %ne3A_121 = arith.cmpf one, %squeeze3A_33, %ne3A_120 : f32
    %mul3A_122 = arith.mulf %mul3A_116, %reduce_sum3A_29 : f32
    %select_n3A_123 = arith.select %ne3A_121, %mul3A_122, %mul3A_116 : f32
    %broadcast_in_dim3A_124 = vector.broadcast %select_n3A_119 : f32 to vector<16xf32>
    %swap3A = arith.constant 0 : index
    %swap3A_125 = tpu.vector_load %arg16[%swap3A] {strides = array<i32>} : memref<16xf32, #tpu.memory_space<vmem>>, vector<16xf32>,
    tpu.vector_store %arg16[%swap3A], %broadcast_in_dim3A_124 {strides = array<i32>} : memref<16xf32, #tpu.memory_space<vmem>>, vector<16xf32>,
    %broadcast_in_dim3A_126 = vector.broadcast %select_n3A_123 : f32 to vector<16xf32>
    %swap3A_127 = arith.constant 0 : index
    %swap3A_128 = tpu.vector_load %arg17[%swap3A_127] {strides = array<i32>} : memref<16xf32, #tpu.memory_space<vmem>>, vector<16xf32>,
    tpu.vector_store %arg17[%swap3A_127], %broadcast_in_dim3A_126 {strides = array<i32>} : memref<16xf32, #tpu.memory_space<vmem>>, vector<16xf32>,
    %mul3A_129 = arith.constant 16 : i32
    %mul3A_130 = arith.muli %arg1, %mul3A_129 : i32
    "tpu.region"() ({
      %run_scoped3A = tpu.sem_alloc : memref<!tpu.dma_semaphore, #tpu.memory_space<semaphore_mem>>
      %dma_start3A_1547 = tpu.memref_slice %arg18[%mul3A_130] : memref<512xf32, #tpu.memory_space<vmem_shared>> -> memref<16xf32, #tpu.memory_space<vmem_shared>>
      %dma_start3A_1548 = tpu.memref_slice %arg18[%mul3A_130] : memref<512xf32, #tpu.memory_space<vmem_shared>> -> memref<16xf32, #tpu.memory_space<vmem_shared>>
      tpu.enqueue_dma source(%arg16 : memref<16xf32, #tpu.memory_space<vmem>>) target(%dma_start3A_1548 : memref<16xf32, #tpu.memory_space<vmem_shared>>) target_semaphore(%run_scoped3A : memref<!tpu.dma_semaphore, #tpu.memory_space<semaphore_mem>>)
      %dma_wait3A_1549 = tpu.memref_slice %arg18[%mul3A_130] : memref<512xf32, #tpu.memory_space<vmem_shared>> -> memref<16xf32, #tpu.memory_space<vmem_shared>>
      %dma_wait3A_1550 = tpu.memref_slice %arg18[%mul3A_130] : memref<512xf32, #tpu.memory_space<vmem_shared>> -> memref<16xf32, #tpu.memory_space<vmem_shared>>
      tpu.wait_dma2 semaphore(%run_scoped3A : memref<!tpu.dma_semaphore, #tpu.memory_space<semaphore_mem>>) src(%arg16 : memref<16xf32, #tpu.memory_space<vmem>>) dst(%dma_wait3A_1550 : memref<16xf32, #tpu.memory_space<vmem_shared>>)
      tpu.yield
    }) : () -> ()
    %add3A_131 = arith.constant 16 : i32
    %add3A_132 = arith.addi %arg1, %add3A_131 : i32
    %mul3A_133 = arith.constant 16 : i32
    %mul3A_134 = arith.muli %add3A_132, %mul3A_133 : i32
    "tpu.region"() ({
      %run_scoped3A = tpu.sem_alloc : memref<!tpu.dma_semaphore, #tpu.memory_space<semaphore_mem>>
      %dma_start3A_1547 = tpu.memref_slice %arg18[%mul3A_134] : memref<512xf32, #tpu.memory_space<vmem_shared>> -> memref<16xf32, #tpu.memory_space<vmem_shared>>
      %dma_start3A_1548 = tpu.memref_slice %arg18[%mul3A_134] : memref<512xf32, #tpu.memory_space<vmem_shared>> -> memref<16xf32, #tpu.memory_space<vmem_shared>>
      tpu.enqueue_dma source(%arg17 : memref<16xf32, #tpu.memory_space<vmem>>) target(%dma_start3A_1548 : memref<16xf32, #tpu.memory_space<vmem_shared>>) target_semaphore(%run_scoped3A : memref<!tpu.dma_semaphore, #tpu.memory_space<semaphore_mem>>)
      %dma_wait3A_1549 = tpu.memref_slice %arg18[%mul3A_134] : memref<512xf32, #tpu.memory_space<vmem_shared>> -> memref<16xf32, #tpu.memory_space<vmem_shared>>
      %dma_wait3A_1550 = tpu.memref_slice %arg18[%mul3A_134] : memref<512xf32, #tpu.memory_space<vmem_shared>> -> memref<16xf32, #tpu.memory_space<vmem_shared>>
      tpu.wait_dma2 semaphore(%run_scoped3A : memref<!tpu.dma_semaphore, #tpu.memory_space<semaphore_mem>>) src(%arg17 : memref<16xf32, #tpu.memory_space<vmem>>) dst(%dma_wait3A_1550 : memref<16xf32, #tpu.memory_space<vmem_shared>>)
      tpu.yield
    }) : () -> ()
    %barrier3A = arith.constant 0 : index
    tpu.barrier barrier_id(%barrier3A)
    "tpu.region"() ({
      %run_scoped3A = tpu.sem_alloc : memref<!tpu.dma_semaphore, #tpu.memory_space<semaphore_mem>>
      tpu.enqueue_dma source(%arg18 : memref<512xf32, #tpu.memory_space<vmem_shared>>) target(%arg13 : memref<512xf32, #tpu.memory_space<vmem>>) target_semaphore(%run_scoped3A : memref<!tpu.dma_semaphore, #tpu.memory_space<semaphore_mem>>)
      tpu.wait_dma2 semaphore(%run_scoped3A : memref<!tpu.dma_semaphore, #tpu.memory_space<semaphore_mem>>) src(%arg18 : memref<512xf32, #tpu.memory_space<vmem_shared>>) dst(%arg13 : memref<512xf32, #tpu.memory_space<vmem>>)
      tpu.yield
    }) : () -> ()
    %add3A_135 = arith.constant 16 : i32
    %add3A_136 = vector.broadcast %add3A_135 : i32 to vector<16xi32>
    %add3A_137 = arith.addi %iota3A, %add3A_136 : vector<16xi32>
    %broadcast_in_dim3A_138 = arith.constant 0.000000e+00 : f32
    %broadcast_in_dim3A_139 = vector.broadcast %broadcast_in_dim3A_138 : f32 to vector<16xf32>
    %broadcast_in_dim3A_140 = arith.constant 0.000000e+00 : f32
    %broadcast_in_dim3A_141 = vector.broadcast %broadcast_in_dim3A_140 : f32 to vector<16xf32>
    %get3A_142 = arith.constant 0 : index
    %get3A_143 = tpu.vector_load %arg13[%get3A_142] {strides = array<i32>} : memref<512xf32, #tpu.memory_space<vmem>>, vector<16xf32>,
    %slice3A_144 = vector.extract_strided_slice %get3A_143 {offsets = [0], sizes = [1], strides = [1]} : vector<16xf32> to vector<1xf32>
    %squeeze3A_145 = vector.extract %slice3A_144[0] : f32 from vector<1xf32>
    %eq3A_146 = arith.constant 0 : i32
    %eq3A_147 = vector.broadcast %eq3A_146 : i32 to vector<16xi32>
    %eq3A_148 = arith.cmpi eq, %iota3A, %eq3A_147 : vector<16xi32>
    %broadcast_in_dim3A_149 = vector.broadcast %squeeze3A_145 : f32 to vector<16xf32>
    %select_n3A_150 = arith.select %eq3A_148, %broadcast_in_dim3A_149, %broadcast_in_dim3A_139 : vector<16xi1>, vector<16xf32>
    %get3A_151 = arith.constant 16 : index
    %get3A_152 = tpu.vector_load %arg13[%get3A_151] {strides = array<i32>} : memref<512xf32, #tpu.memory_space<vmem>>, vector<16xf32>,
    %slice3A_153 = vector.extract_strided_slice %get3A_152 {offsets = [0], sizes = [1], strides = [1]} : vector<16xf32> to vector<1xf32>
    %squeeze3A_154 = vector.extract %slice3A_153[0] : f32 from vector<1xf32>
    %eq3A_155 = arith.constant 1 : i32
    %eq3A_156 = vector.broadcast %eq3A_155 : i32 to vector<16xi32>
    %eq3A_157 = arith.cmpi eq, %iota3A, %eq3A_156 : vector<16xi32>
    %broadcast_in_dim3A_158 = vector.broadcast %squeeze3A_154 : f32 to vector<16xf32>
    %select_n3A_159 = arith.select %eq3A_157, %broadcast_in_dim3A_158, %select_n3A_150 : vector<16xi1>, vector<16xf32>
    %get3A_160 = arith.constant 32 : index
    %get3A_161 = tpu.vector_load %arg13[%get3A_160] {strides = array<i32>} : memref<512xf32, #tpu.memory_space<vmem>>, vector<16xf32>,
    %slice3A_162 = vector.extract_strided_slice %get3A_161 {offsets = [0], sizes = [1], strides = [1]} : vector<16xf32> to vector<1xf32>
    %squeeze3A_163 = vector.extract %slice3A_162[0] : f32 from vector<1xf32>
    %eq3A_164 = arith.constant 2 : i32
    %eq3A_165 = vector.broadcast %eq3A_164 : i32 to vector<16xi32>
    %eq3A_166 = arith.cmpi eq, %iota3A, %eq3A_165 : vector<16xi32>
    %broadcast_in_dim3A_167 = vector.broadcast %squeeze3A_163 : f32 to vector<16xf32>
    %select_n3A_168 = arith.select %eq3A_166, %broadcast_in_dim3A_167, %select_n3A_159 : vector<16xi1>, vector<16xf32>
    %get3A_169 = arith.constant 48 : index
    %get3A_170 = tpu.vector_load %arg13[%get3A_169] {strides = array<i32>} : memref<512xf32, #tpu.memory_space<vmem>>, vector<16xf32>,
    %slice3A_171 = vector.extract_strided_slice %get3A_170 {offsets = [0], sizes = [1], strides = [1]} : vector<16xf32> to vector<1xf32>
    %squeeze3A_172 = vector.extract %slice3A_171[0] : f32 from vector<1xf32>
    %eq3A_173 = arith.constant 3 : i32
    %eq3A_174 = vector.broadcast %eq3A_173 : i32 to vector<16xi32>
    %eq3A_175 = arith.cmpi eq, %iota3A, %eq3A_174 : vector<16xi32>
    %broadcast_in_dim3A_176 = vector.broadcast %squeeze3A_172 : f32 to vector<16xf32>
    %select_n3A_177 = arith.select %eq3A_175, %broadcast_in_dim3A_176, %select_n3A_168 : vector<16xi1>, vector<16xf32>
    %get3A_178 = arith.constant 64 : index
    %get3A_179 = tpu.vector_load %arg13[%get3A_178] {strides = array<i32>} : memref<512xf32, #tpu.memory_space<vmem>>, vector<16xf32>,
    %slice3A_180 = vector.extract_strided_slice %get3A_179 {offsets = [0], sizes = [1], strides = [1]} : vector<16xf32> to vector<1xf32>
    %squeeze3A_181 = vector.extract %slice3A_180[0] : f32 from vector<1xf32>
    %eq3A_182 = arith.constant 4 : i32
    %eq3A_183 = vector.broadcast %eq3A_182 : i32 to vector<16xi32>
    %eq3A_184 = arith.cmpi eq, %iota3A, %eq3A_183 : vector<16xi32>
    %broadcast_in_dim3A_185 = vector.broadcast %squeeze3A_181 : f32 to vector<16xf32>
    %select_n3A_186 = arith.select %eq3A_184, %broadcast_in_dim3A_185, %select_n3A_177 : vector<16xi1>, vector<16xf32>
    %get3A_187 = arith.constant 80 : index
    %get3A_188 = tpu.vector_load %arg13[%get3A_187] {strides = array<i32>} : memref<512xf32, #tpu.memory_space<vmem>>, vector<16xf32>,
    %slice3A_189 = vector.extract_strided_slice %get3A_188 {offsets = [0], sizes = [1], strides = [1]} : vector<16xf32> to vector<1xf32>
    %squeeze3A_190 = vector.extract %slice3A_189[0] : f32 from vector<1xf32>
    %eq3A_191 = arith.constant 5 : i32
    %eq3A_192 = vector.broadcast %eq3A_191 : i32 to vector<16xi32>
    %eq3A_193 = arith.cmpi eq, %iota3A, %eq3A_192 : vector<16xi32>
    %broadcast_in_dim3A_194 = vector.broadcast %squeeze3A_190 : f32 to vector<16xf32>
    %select_n3A_195 = arith.select %eq3A_193, %broadcast_in_dim3A_194, %select_n3A_186 : vector<16xi1>, vector<16xf32>
    %get3A_196 = arith.constant 96 : index
    %get3A_197 = tpu.vector_load %arg13[%get3A_196] {strides = array<i32>} : memref<512xf32, #tpu.memory_space<vmem>>, vector<16xf32>,
    %slice3A_198 = vector.extract_strided_slice %get3A_197 {offsets = [0], sizes = [1], strides = [1]} : vector<16xf32> to vector<1xf32>
    %squeeze3A_199 = vector.extract %slice3A_198[0] : f32 from vector<1xf32>
    %eq3A_200 = arith.constant 6 : i32
    %eq3A_201 = vector.broadcast %eq3A_200 : i32 to vector<16xi32>
    %eq3A_202 = arith.cmpi eq, %iota3A, %eq3A_201 : vector<16xi32>
    %broadcast_in_dim3A_203 = vector.broadcast %squeeze3A_199 : f32 to vector<16xf32>
    %select_n3A_204 = arith.select %eq3A_202, %broadcast_in_dim3A_203, %select_n3A_195 : vector<16xi1>, vector<16xf32>
    %get3A_205 = arith.constant 112 : index
    %get3A_206 = tpu.vector_load %arg13[%get3A_205] {strides = array<i32>} : memref<512xf32, #tpu.memory_space<vmem>>, vector<16xf32>,
    %slice3A_207 = vector.extract_strided_slice %get3A_206 {offsets = [0], sizes = [1], strides = [1]} : vector<16xf32> to vector<1xf32>
    %squeeze3A_208 = vector.extract %slice3A_207[0] : f32 from vector<1xf32>
    %eq3A_209 = arith.constant 7 : i32
    %eq3A_210 = vector.broadcast %eq3A_209 : i32 to vector<16xi32>
    %eq3A_211 = arith.cmpi eq, %iota3A, %eq3A_210 : vector<16xi32>
    %broadcast_in_dim3A_212 = vector.broadcast %squeeze3A_208 : f32 to vector<16xf32>
    %select_n3A_213 = arith.select %eq3A_211, %broadcast_in_dim3A_212, %select_n3A_204 : vector<16xi1>, vector<16xf32>
    %get3A_214 = arith.constant 128 : index
    %get3A_215 = tpu.vector_load %arg13[%get3A_214] {strides = array<i32>} : memref<512xf32, #tpu.memory_space<vmem>>, vector<16xf32>,
    %slice3A_216 = vector.extract_strided_slice %get3A_215 {offsets = [0], sizes = [1], strides = [1]} : vector<16xf32> to vector<1xf32>
    %squeeze3A_217 = vector.extract %slice3A_216[0] : f32 from vector<1xf32>
    %eq3A_218 = arith.constant 8 : i32
    %eq3A_219 = vector.broadcast %eq3A_218 : i32 to vector<16xi32>
    %eq3A_220 = arith.cmpi eq, %iota3A, %eq3A_219 : vector<16xi32>
    %broadcast_in_dim3A_221 = vector.broadcast %squeeze3A_217 : f32 to vector<16xf32>
    %select_n3A_222 = arith.select %eq3A_220, %broadcast_in_dim3A_221, %select_n3A_213 : vector<16xi1>, vector<16xf32>
    %get3A_223 = arith.constant 144 : index
    %get3A_224 = tpu.vector_load %arg13[%get3A_223] {strides = array<i32>} : memref<512xf32, #tpu.memory_space<vmem>>, vector<16xf32>,
    %slice3A_225 = vector.extract_strided_slice %get3A_224 {offsets = [0], sizes = [1], strides = [1]} : vector<16xf32> to vector<1xf32>
    %squeeze3A_226 = vector.extract %slice3A_225[0] : f32 from vector<1xf32>
    %eq3A_227 = arith.constant 9 : i32
    %eq3A_228 = vector.broadcast %eq3A_227 : i32 to vector<16xi32>
    %eq3A_229 = arith.cmpi eq, %iota3A, %eq3A_228 : vector<16xi32>
    %broadcast_in_dim3A_230 = vector.broadcast %squeeze3A_226 : f32 to vector<16xf32>
    %select_n3A_231 = arith.select %eq3A_229, %broadcast_in_dim3A_230, %select_n3A_222 : vector<16xi1>, vector<16xf32>
    %get3A_232 = arith.constant 160 : index
    %get3A_233 = tpu.vector_load %arg13[%get3A_232] {strides = array<i32>} : memref<512xf32, #tpu.memory_space<vmem>>, vector<16xf32>,
    %slice3A_234 = vector.extract_strided_slice %get3A_233 {offsets = [0], sizes = [1], strides = [1]} : vector<16xf32> to vector<1xf32>
    %squeeze3A_235 = vector.extract %slice3A_234[0] : f32 from vector<1xf32>
    %eq3A_236 = arith.constant 10 : i32
    %eq3A_237 = vector.broadcast %eq3A_236 : i32 to vector<16xi32>
    %eq3A_238 = arith.cmpi eq, %iota3A, %eq3A_237 : vector<16xi32>
    %broadcast_in_dim3A_239 = vector.broadcast %squeeze3A_235 : f32 to vector<16xf32>
    %select_n3A_240 = arith.select %eq3A_238, %broadcast_in_dim3A_239, %select_n3A_231 : vector<16xi1>, vector<16xf32>
    %get3A_241 = arith.constant 176 : index
    %get3A_242 = tpu.vector_load %arg13[%get3A_241] {strides = array<i32>} : memref<512xf32, #tpu.memory_space<vmem>>, vector<16xf32>,
    %slice3A_243 = vector.extract_strided_slice %get3A_242 {offsets = [0], sizes = [1], strides = [1]} : vector<16xf32> to vector<1xf32>
    %squeeze3A_244 = vector.extract %slice3A_243[0] : f32 from vector<1xf32>
    %eq3A_245 = arith.constant 11 : i32
    %eq3A_246 = vector.broadcast %eq3A_245 : i32 to vector<16xi32>
    %eq3A_247 = arith.cmpi eq, %iota3A, %eq3A_246 : vector<16xi32>
    %broadcast_in_dim3A_248 = vector.broadcast %squeeze3A_244 : f32 to vector<16xf32>
    %select_n3A_249 = arith.select %eq3A_247, %broadcast_in_dim3A_248, %select_n3A_240 : vector<16xi1>, vector<16xf32>
    %get3A_250 = arith.constant 192 : index
    %get3A_251 = tpu.vector_load %arg13[%get3A_250] {strides = array<i32>} : memref<512xf32, #tpu.memory_space<vmem>>, vector<16xf32>,
    %slice3A_252 = vector.extract_strided_slice %get3A_251 {offsets = [0], sizes = [1], strides = [1]} : vector<16xf32> to vector<1xf32>
    %squeeze3A_253 = vector.extract %slice3A_252[0] : f32 from vector<1xf32>
    %eq3A_254 = arith.constant 12 : i32
    %eq3A_255 = vector.broadcast %eq3A_254 : i32 to vector<16xi32>
    %eq3A_256 = arith.cmpi eq, %iota3A, %eq3A_255 : vector<16xi32>
    %broadcast_in_dim3A_257 = vector.broadcast %squeeze3A_253 : f32 to vector<16xf32>
    %select_n3A_258 = arith.select %eq3A_256, %broadcast_in_dim3A_257, %select_n3A_249 : vector<16xi1>, vector<16xf32>
    %get3A_259 = arith.constant 208 : index
    %get3A_260 = tpu.vector_load %arg13[%get3A_259] {strides = array<i32>} : memref<512xf32, #tpu.memory_space<vmem>>, vector<16xf32>,
    %slice3A_261 = vector.extract_strided_slice %get3A_260 {offsets = [0], sizes = [1], strides = [1]} : vector<16xf32> to vector<1xf32>
    %squeeze3A_262 = vector.extract %slice3A_261[0] : f32 from vector<1xf32>
    %eq3A_263 = arith.constant 13 : i32
    %eq3A_264 = vector.broadcast %eq3A_263 : i32 to vector<16xi32>
    %eq3A_265 = arith.cmpi eq, %iota3A, %eq3A_264 : vector<16xi32>
    %broadcast_in_dim3A_266 = vector.broadcast %squeeze3A_262 : f32 to vector<16xf32>
    %select_n3A_267 = arith.select %eq3A_265, %broadcast_in_dim3A_266, %select_n3A_258 : vector<16xi1>, vector<16xf32>
    %get3A_268 = arith.constant 224 : index
    %get3A_269 = tpu.vector_load %arg13[%get3A_268] {strides = array<i32>} : memref<512xf32, #tpu.memory_space<vmem>>, vector<16xf32>,
    %slice3A_270 = vector.extract_strided_slice %get3A_269 {offsets = [0], sizes = [1], strides = [1]} : vector<16xf32> to vector<1xf32>
    %squeeze3A_271 = vector.extract %slice3A_270[0] : f32 from vector<1xf32>
    %eq3A_272 = arith.constant 14 : i32
    %eq3A_273 = vector.broadcast %eq3A_272 : i32 to vector<16xi32>
    %eq3A_274 = arith.cmpi eq, %iota3A, %eq3A_273 : vector<16xi32>
    %broadcast_in_dim3A_275 = vector.broadcast %squeeze3A_271 : f32 to vector<16xf32>
    %select_n3A_276 = arith.select %eq3A_274, %broadcast_in_dim3A_275, %select_n3A_267 : vector<16xi1>, vector<16xf32>
    %get3A_277 = arith.constant 240 : index
    %get3A_278 = tpu.vector_load %arg13[%get3A_277] {strides = array<i32>} : memref<512xf32, #tpu.memory_space<vmem>>, vector<16xf32>,
    %slice3A_279 = vector.extract_strided_slice %get3A_278 {offsets = [0], sizes = [1], strides = [1]} : vector<16xf32> to vector<1xf32>
    %squeeze3A_280 = vector.extract %slice3A_279[0] : f32 from vector<1xf32>
    %eq3A_281 = arith.constant 15 : i32
    %eq3A_282 = vector.broadcast %eq3A_281 : i32 to vector<16xi32>
    %eq3A_283 = arith.cmpi eq, %iota3A, %eq3A_282 : vector<16xi32>
    %broadcast_in_dim3A_284 = vector.broadcast %squeeze3A_280 : f32 to vector<16xf32>
    %select_n3A_285 = arith.select %eq3A_283, %broadcast_in_dim3A_284, %select_n3A_276 : vector<16xi1>, vector<16xf32>
    %get3A_286 = arith.constant 256 : index
    %get3A_287 = tpu.vector_load %arg13[%get3A_286] {strides = array<i32>} : memref<512xf32, #tpu.memory_space<vmem>>, vector<16xf32>,
    %slice3A_288 = vector.extract_strided_slice %get3A_287 {offsets = [0], sizes = [1], strides = [1]} : vector<16xf32> to vector<1xf32>
    %squeeze3A_289 = vector.extract %slice3A_288[0] : f32 from vector<1xf32>
    %eq3A_290 = arith.constant 16 : i32
    %eq3A_291 = vector.broadcast %eq3A_290 : i32 to vector<16xi32>
    %eq3A_292 = arith.cmpi eq, %add3A_137, %eq3A_291 : vector<16xi32>
    %broadcast_in_dim3A_293 = vector.broadcast %squeeze3A_289 : f32 to vector<16xf32>
    %select_n3A_294 = arith.select %eq3A_292, %broadcast_in_dim3A_293, %broadcast_in_dim3A_141 : vector<16xi1>, vector<16xf32>
    %get3A_295 = arith.constant 272 : index
    %get3A_296 = tpu.vector_load %arg13[%get3A_295] {strides = array<i32>} : memref<512xf32, #tpu.memory_space<vmem>>, vector<16xf32>,
    %slice3A_297 = vector.extract_strided_slice %get3A_296 {offsets = [0], sizes = [1], strides = [1]} : vector<16xf32> to vector<1xf32>
    %squeeze3A_298 = vector.extract %slice3A_297[0] : f32 from vector<1xf32>
    %eq3A_299 = arith.constant 17 : i32
    %eq3A_300 = vector.broadcast %eq3A_299 : i32 to vector<16xi32>
    %eq3A_301 = arith.cmpi eq, %add3A_137, %eq3A_300 : vector<16xi32>
    %broadcast_in_dim3A_302 = vector.broadcast %squeeze3A_298 : f32 to vector<16xf32>
    %select_n3A_303 = arith.select %eq3A_301, %broadcast_in_dim3A_302, %select_n3A_294 : vector<16xi1>, vector<16xf32>
    %get3A_304 = arith.constant 288 : index
    %get3A_305 = tpu.vector_load %arg13[%get3A_304] {strides = array<i32>} : memref<512xf32, #tpu.memory_space<vmem>>, vector<16xf32>,
    %slice3A_306 = vector.extract_strided_slice %get3A_305 {offsets = [0], sizes = [1], strides = [1]} : vector<16xf32> to vector<1xf32>
    %squeeze3A_307 = vector.extract %slice3A_306[0] : f32 from vector<1xf32>
    %eq3A_308 = arith.constant 18 : i32
    %eq3A_309 = vector.broadcast %eq3A_308 : i32 to vector<16xi32>
    %eq3A_310 = arith.cmpi eq, %add3A_137, %eq3A_309 : vector<16xi32>
    %broadcast_in_dim3A_311 = vector.broadcast %squeeze3A_307 : f32 to vector<16xf32>
    %select_n3A_312 = arith.select %eq3A_310, %broadcast_in_dim3A_311, %select_n3A_303 : vector<16xi1>, vector<16xf32>
    %get3A_313 = arith.constant 304 : index
    %get3A_314 = tpu.vector_load %arg13[%get3A_313] {strides = array<i32>} : memref<512xf32, #tpu.memory_space<vmem>>, vector<16xf32>,
    %slice3A_315 = vector.extract_strided_slice %get3A_314 {offsets = [0], sizes = [1], strides = [1]} : vector<16xf32> to vector<1xf32>
    %squeeze3A_316 = vector.extract %slice3A_315[0] : f32 from vector<1xf32>
    %eq3A_317 = arith.constant 19 : i32
    %eq3A_318 = vector.broadcast %eq3A_317 : i32 to vector<16xi32>
    %eq3A_319 = arith.cmpi eq, %add3A_137, %eq3A_318 : vector<16xi32>
    %broadcast_in_dim3A_320 = vector.broadcast %squeeze3A_316 : f32 to vector<16xf32>
    %select_n3A_321 = arith.select %eq3A_319, %broadcast_in_dim3A_320, %select_n3A_312 : vector<16xi1>, vector<16xf32>
    %get3A_322 = arith.constant 320 : index
    %get3A_323 = tpu.vector_load %arg13[%get3A_322] {strides = array<i32>} : memref<512xf32, #tpu.memory_space<vmem>>, vector<16xf32>,
    %slice3A_324 = vector.extract_strided_slice %get3A_323 {offsets = [0], sizes = [1], strides = [1]} : vector<16xf32> to vector<1xf32>
    %squeeze3A_325 = vector.extract %slice3A_324[0] : f32 from vector<1xf32>
    %eq3A_326 = arith.constant 20 : i32
    %eq3A_327 = vector.broadcast %eq3A_326 : i32 to vector<16xi32>
    %eq3A_328 = arith.cmpi eq, %add3A_137, %eq3A_327 : vector<16xi32>
    %broadcast_in_dim3A_329 = vector.broadcast %squeeze3A_325 : f32 to vector<16xf32>
    %select_n3A_330 = arith.select %eq3A_328, %broadcast_in_dim3A_329, %select_n3A_321 : vector<16xi1>, vector<16xf32>
    %get3A_331 = arith.constant 336 : index
    %get3A_332 = tpu.vector_load %arg13[%get3A_331] {strides = array<i32>} : memref<512xf32, #tpu.memory_space<vmem>>, vector<16xf32>,
    %slice3A_333 = vector.extract_strided_slice %get3A_332 {offsets = [0], sizes = [1], strides = [1]} : vector<16xf32> to vector<1xf32>
    %squeeze3A_334 = vector.extract %slice3A_333[0] : f32 from vector<1xf32>
    %eq3A_335 = arith.constant 21 : i32
    %eq3A_336 = vector.broadcast %eq3A_335 : i32 to vector<16xi32>
    %eq3A_337 = arith.cmpi eq, %add3A_137, %eq3A_336 : vector<16xi32>
    %broadcast_in_dim3A_338 = vector.broadcast %squeeze3A_334 : f32 to vector<16xf32>
    %select_n3A_339 = arith.select %eq3A_337, %broadcast_in_dim3A_338, %select_n3A_330 : vector<16xi1>, vector<16xf32>
    %get3A_340 = arith.constant 352 : index
    %get3A_341 = tpu.vector_load %arg13[%get3A_340] {strides = array<i32>} : memref<512xf32, #tpu.memory_space<vmem>>, vector<16xf32>,
    %slice3A_342 = vector.extract_strided_slice %get3A_341 {offsets = [0], sizes = [1], strides = [1]} : vector<16xf32> to vector<1xf32>
    %squeeze3A_343 = vector.extract %slice3A_342[0] : f32 from vector<1xf32>
    %eq3A_344 = arith.constant 22 : i32
    %eq3A_345 = vector.broadcast %eq3A_344 : i32 to vector<16xi32>
    %eq3A_346 = arith.cmpi eq, %add3A_137, %eq3A_345 : vector<16xi32>
    %broadcast_in_dim3A_347 = vector.broadcast %squeeze3A_343 : f32 to vector<16xf32>
    %select_n3A_348 = arith.select %eq3A_346, %broadcast_in_dim3A_347, %select_n3A_339 : vector<16xi1>, vector<16xf32>
    %get3A_349 = arith.constant 368 : index
    %get3A_350 = tpu.vector_load %arg13[%get3A_349] {strides = array<i32>} : memref<512xf32, #tpu.memory_space<vmem>>, vector<16xf32>,
    %slice3A_351 = vector.extract_strided_slice %get3A_350 {offsets = [0], sizes = [1], strides = [1]} : vector<16xf32> to vector<1xf32>
    %squeeze3A_352 = vector.extract %slice3A_351[0] : f32 from vector<1xf32>
    %eq3A_353 = arith.constant 23 : i32
    %eq3A_354 = vector.broadcast %eq3A_353 : i32 to vector<16xi32>
    %eq3A_355 = arith.cmpi eq, %add3A_137, %eq3A_354 : vector<16xi32>
    %broadcast_in_dim3A_356 = vector.broadcast %squeeze3A_352 : f32 to vector<16xf32>
    %select_n3A_357 = arith.select %eq3A_355, %broadcast_in_dim3A_356, %select_n3A_348 : vector<16xi1>, vector<16xf32>
    %get3A_358 = arith.constant 384 : index
    %get3A_359 = tpu.vector_load %arg13[%get3A_358] {strides = array<i32>} : memref<512xf32, #tpu.memory_space<vmem>>, vector<16xf32>,
    %slice3A_360 = vector.extract_strided_slice %get3A_359 {offsets = [0], sizes = [1], strides = [1]} : vector<16xf32> to vector<1xf32>
    %squeeze3A_361 = vector.extract %slice3A_360[0] : f32 from vector<1xf32>
    %eq3A_362 = arith.constant 24 : i32
    %eq3A_363 = vector.broadcast %eq3A_362 : i32 to vector<16xi32>
    %eq3A_364 = arith.cmpi eq, %add3A_137, %eq3A_363 : vector<16xi32>
    %broadcast_in_dim3A_365 = vector.broadcast %squeeze3A_361 : f32 to vector<16xf32>
    %select_n3A_366 = arith.select %eq3A_364, %broadcast_in_dim3A_365, %select_n3A_357 : vector<16xi1>, vector<16xf32>
    %get3A_367 = arith.constant 400 : index
    %get3A_368 = tpu.vector_load %arg13[%get3A_367] {strides = array<i32>} : memref<512xf32, #tpu.memory_space<vmem>>, vector<16xf32>,
    %slice3A_369 = vector.extract_strided_slice %get3A_368 {offsets = [0], sizes = [1], strides = [1]} : vector<16xf32> to vector<1xf32>
    %squeeze3A_370 = vector.extract %slice3A_369[0] : f32 from vector<1xf32>
    %eq3A_371 = arith.constant 25 : i32
    %eq3A_372 = vector.broadcast %eq3A_371 : i32 to vector<16xi32>
    %eq3A_373 = arith.cmpi eq, %add3A_137, %eq3A_372 : vector<16xi32>
    %broadcast_in_dim3A_374 = vector.broadcast %squeeze3A_370 : f32 to vector<16xf32>
    %select_n3A_375 = arith.select %eq3A_373, %broadcast_in_dim3A_374, %select_n3A_366 : vector<16xi1>, vector<16xf32>
    %get3A_376 = arith.constant 416 : index
    %get3A_377 = tpu.vector_load %arg13[%get3A_376] {strides = array<i32>} : memref<512xf32, #tpu.memory_space<vmem>>, vector<16xf32>,
    %slice3A_378 = vector.extract_strided_slice %get3A_377 {offsets = [0], sizes = [1], strides = [1]} : vector<16xf32> to vector<1xf32>
    %squeeze3A_379 = vector.extract %slice3A_378[0] : f32 from vector<1xf32>
    %eq3A_380 = arith.constant 26 : i32
    %eq3A_381 = vector.broadcast %eq3A_380 : i32 to vector<16xi32>
    %eq3A_382 = arith.cmpi eq, %add3A_137, %eq3A_381 : vector<16xi32>
    %broadcast_in_dim3A_383 = vector.broadcast %squeeze3A_379 : f32 to vector<16xf32>
    %select_n3A_384 = arith.select %eq3A_382, %broadcast_in_dim3A_383, %select_n3A_375 : vector<16xi1>, vector<16xf32>
    %get3A_385 = arith.constant 432 : index
    %get3A_386 = tpu.vector_load %arg13[%get3A_385] {strides = array<i32>} : memref<512xf32, #tpu.memory_space<vmem>>, vector<16xf32>,
    %slice3A_387 = vector.extract_strided_slice %get3A_386 {offsets = [0], sizes = [1], strides = [1]} : vector<16xf32> to vector<1xf32>
    %squeeze3A_388 = vector.extract %slice3A_387[0] : f32 from vector<1xf32>
    %eq3A_389 = arith.constant 27 : i32
    %eq3A_390 = vector.broadcast %eq3A_389 : i32 to vector<16xi32>
    %eq3A_391 = arith.cmpi eq, %add3A_137, %eq3A_390 : vector<16xi32>
    %broadcast_in_dim3A_392 = vector.broadcast %squeeze3A_388 : f32 to vector<16xf32>
    %select_n3A_393 = arith.select %eq3A_391, %broadcast_in_dim3A_392, %select_n3A_384 : vector<16xi1>, vector<16xf32>
    %get3A_394 = arith.constant 448 : index
    %get3A_395 = tpu.vector_load %arg13[%get3A_394] {strides = array<i32>} : memref<512xf32, #tpu.memory_space<vmem>>, vector<16xf32>,
    %slice3A_396 = vector.extract_strided_slice %get3A_395 {offsets = [0], sizes = [1], strides = [1]} : vector<16xf32> to vector<1xf32>
    %squeeze3A_397 = vector.extract %slice3A_396[0] : f32 from vector<1xf32>
    %eq3A_398 = arith.constant 28 : i32
    %eq3A_399 = vector.broadcast %eq3A_398 : i32 to vector<16xi32>
    %eq3A_400 = arith.cmpi eq, %add3A_137, %eq3A_399 : vector<16xi32>
    %broadcast_in_dim3A_401 = vector.broadcast %squeeze3A_397 : f32 to vector<16xf32>
    %select_n3A_402 = arith.select %eq3A_400, %broadcast_in_dim3A_401, %select_n3A_393 : vector<16xi1>, vector<16xf32>
    %get3A_403 = arith.constant 464 : index
    %get3A_404 = tpu.vector_load %arg13[%get3A_403] {strides = array<i32>} : memref<512xf32, #tpu.memory_space<vmem>>, vector<16xf32>,
    %slice3A_405 = vector.extract_strided_slice %get3A_404 {offsets = [0], sizes = [1], strides = [1]} : vector<16xf32> to vector<1xf32>
    %squeeze3A_406 = vector.extract %slice3A_405[0] : f32 from vector<1xf32>
    %eq3A_407 = arith.constant 29 : i32
    %eq3A_408 = vector.broadcast %eq3A_407 : i32 to vector<16xi32>
    %eq3A_409 = arith.cmpi eq, %add3A_137, %eq3A_408 : vector<16xi32>
    %broadcast_in_dim3A_410 = vector.broadcast %squeeze3A_406 : f32 to vector<16xf32>
    %select_n3A_411 = arith.select %eq3A_409, %broadcast_in_dim3A_410, %select_n3A_402 : vector<16xi1>, vector<16xf32>
    %get3A_412 = arith.constant 480 : index
    %get3A_413 = tpu.vector_load %arg13[%get3A_412] {strides = array<i32>} : memref<512xf32, #tpu.memory_space<vmem>>, vector<16xf32>,
    %slice3A_414 = vector.extract_strided_slice %get3A_413 {offsets = [0], sizes = [1], strides = [1]} : vector<16xf32> to vector<1xf32>
    %squeeze3A_415 = vector.extract %slice3A_414[0] : f32 from vector<1xf32>
    %eq3A_416 = arith.constant 30 : i32
    %eq3A_417 = vector.broadcast %eq3A_416 : i32 to vector<16xi32>
    %eq3A_418 = arith.cmpi eq, %add3A_137, %eq3A_417 : vector<16xi32>
    %broadcast_in_dim3A_419 = vector.broadcast %squeeze3A_415 : f32 to vector<16xf32>
    %select_n3A_420 = arith.select %eq3A_418, %broadcast_in_dim3A_419, %select_n3A_411 : vector<16xi1>, vector<16xf32>
    %get3A_421 = arith.constant 496 : index
    %get3A_422 = tpu.vector_load %arg13[%get3A_421] {strides = array<i32>} : memref<512xf32, #tpu.memory_space<vmem>>, vector<16xf32>,
    %slice3A_423 = vector.extract_strided_slice %get3A_422 {offsets = [0], sizes = [1], strides = [1]} : vector<16xf32> to vector<1xf32>
    %squeeze3A_424 = vector.extract %slice3A_423[0] : f32 from vector<1xf32>
    %eq3A_425 = arith.constant 31 : i32
    %eq3A_426 = vector.broadcast %eq3A_425 : i32 to vector<16xi32>
    %eq3A_427 = arith.cmpi eq, %add3A_137, %eq3A_426 : vector<16xi32>
    %broadcast_in_dim3A_428 = vector.broadcast %squeeze3A_424 : f32 to vector<16xf32>
    %select_n3A_429 = arith.select %eq3A_427, %broadcast_in_dim3A_428, %select_n3A_420 : vector<16xi1>, vector<16xf32>
    %broadcast_in_dim3A_430 = arith.constant 0 : i32
    %broadcast_in_dim3A_431 = vector.broadcast %broadcast_in_dim3A_430 : i32 to vector<16xi32>
    %broadcast_in_dim3A_432 = arith.constant 0 : i32
    %broadcast_in_dim3A_433 = vector.broadcast %broadcast_in_dim3A_432 : i32 to vector<16xi32>
    %get3A_434 = arith.constant 0 : index
    %get3A_435 = tpu.vector_load %arg13[%get3A_434] {strides = array<i32>} : memref<512xf32, #tpu.memory_space<vmem>>, vector<16xf32>,
    %slice3A_436 = vector.extract_strided_slice %get3A_435 {offsets = [0], sizes = [1], strides = [1]} : vector<16xf32> to vector<1xf32>
    %squeeze3A_437 = vector.extract %slice3A_436[0] : f32 from vector<1xf32>
    %gt3A = vector.broadcast %squeeze3A_437 : f32 to vector<16xf32>
    %gt3A_438 = arith.cmpf ogt, %gt3A, %select_n3A_285 : vector<16xf32>
    %eq3A_439 = vector.broadcast %squeeze3A_437 : f32 to vector<16xf32>
    %eq3A_440 = arith.cmpf oeq, %eq3A_439, %select_n3A_285 : vector<16xf32>
    %gt3A_441 = arith.constant 0 : i32
    %gt3A_442 = vector.broadcast %gt3A_441 : i32 to vector<16xi32>
    %gt3A_443 = arith.cmpi sgt, %iota3A, %gt3A_442 : vector<16xi32>
    %and3A = arith.andi %eq3A_440, %gt3A_443 : vector<16xi1>
    %or3A = arith.ori %gt3A_438, %and3A : vector<16xi1>
    %convert_element_type3A = arith.extui %or3A : vector<16xi1> to vector<16xi32>
    %add3A_444 = arith.addi %broadcast_in_dim3A_431, %convert_element_type3A : vector<16xi32>
    %gt3A_445 = vector.broadcast %squeeze3A_437 : f32 to vector<16xf32>
    %gt3A_446 = arith.cmpf ogt, %gt3A_445, %select_n3A_429 : vector<16xf32>
    %eq3A_447 = vector.broadcast %squeeze3A_437 : f32 to vector<16xf32>
    %eq3A_448 = arith.cmpf oeq, %eq3A_447, %select_n3A_429 : vector<16xf32>
    %gt3A_449 = arith.constant 0 : i32
    %gt3A_450 = vector.broadcast %gt3A_449 : i32 to vector<16xi32>
    %gt3A_451 = arith.cmpi sgt, %add3A_137, %gt3A_450 : vector<16xi32>
    %and3A_452 = arith.andi %eq3A_448, %gt3A_451 : vector<16xi1>
    %or3A_453 = arith.ori %gt3A_446, %and3A_452 : vector<16xi1>
    %convert_element_type3A_454 = arith.extui %or3A_453 : vector<16xi1> to vector<16xi32>
    %add3A_455 = arith.addi %broadcast_in_dim3A_433, %convert_element_type3A_454 : vector<16xi32>
    %get3A_456 = arith.constant 16 : index
    %get3A_457 = tpu.vector_load %arg13[%get3A_456] {strides = array<i32>} : memref<512xf32, #tpu.memory_space<vmem>>, vector<16xf32>,
    %slice3A_458 = vector.extract_strided_slice %get3A_457 {offsets = [0], sizes = [1], strides = [1]} : vector<16xf32> to vector<1xf32>
    %squeeze3A_459 = vector.extract %slice3A_458[0] : f32 from vector<1xf32>
    %gt3A_460 = vector.broadcast %squeeze3A_459 : f32 to vector<16xf32>
    %gt3A_461 = arith.cmpf ogt, %gt3A_460, %select_n3A_285 : vector<16xf32>
    %eq3A_462 = vector.broadcast %squeeze3A_459 : f32 to vector<16xf32>
    %eq3A_463 = arith.cmpf oeq, %eq3A_462, %select_n3A_285 : vector<16xf32>
    %gt3A_464 = arith.constant 1 : i32
    %gt3A_465 = vector.broadcast %gt3A_464 : i32 to vector<16xi32>
    %gt3A_466 = arith.cmpi sgt, %iota3A, %gt3A_465 : vector<16xi32>
    %and3A_467 = arith.andi %eq3A_463, %gt3A_466 : vector<16xi1>
    %or3A_468 = arith.ori %gt3A_461, %and3A_467 : vector<16xi1>
    %convert_element_type3A_469 = arith.extui %or3A_468 : vector<16xi1> to vector<16xi32>
    %add3A_470 = arith.addi %add3A_444, %convert_element_type3A_469 : vector<16xi32>
    %gt3A_471 = vector.broadcast %squeeze3A_459 : f32 to vector<16xf32>
    %gt3A_472 = arith.cmpf ogt, %gt3A_471, %select_n3A_429 : vector<16xf32>
    %eq3A_473 = vector.broadcast %squeeze3A_459 : f32 to vector<16xf32>
    %eq3A_474 = arith.cmpf oeq, %eq3A_473, %select_n3A_429 : vector<16xf32>
    %gt3A_475 = arith.constant 1 : i32
    %gt3A_476 = vector.broadcast %gt3A_475 : i32 to vector<16xi32>
    %gt3A_477 = arith.cmpi sgt, %add3A_137, %gt3A_476 : vector<16xi32>
    %and3A_478 = arith.andi %eq3A_474, %gt3A_477 : vector<16xi1>
    %or3A_479 = arith.ori %gt3A_472, %and3A_478 : vector<16xi1>
    %convert_element_type3A_480 = arith.extui %or3A_479 : vector<16xi1> to vector<16xi32>
    %add3A_481 = arith.addi %add3A_455, %convert_element_type3A_480 : vector<16xi32>
    %get3A_482 = arith.constant 32 : index
    %get3A_483 = tpu.vector_load %arg13[%get3A_482] {strides = array<i32>} : memref<512xf32, #tpu.memory_space<vmem>>, vector<16xf32>,
    %slice3A_484 = vector.extract_strided_slice %get3A_483 {offsets = [0], sizes = [1], strides = [1]} : vector<16xf32> to vector<1xf32>
    %squeeze3A_485 = vector.extract %slice3A_484[0] : f32 from vector<1xf32>
    %gt3A_486 = vector.broadcast %squeeze3A_485 : f32 to vector<16xf32>
    %gt3A_487 = arith.cmpf ogt, %gt3A_486, %select_n3A_285 : vector<16xf32>
    %eq3A_488 = vector.broadcast %squeeze3A_485 : f32 to vector<16xf32>
    %eq3A_489 = arith.cmpf oeq, %eq3A_488, %select_n3A_285 : vector<16xf32>
    %gt3A_490 = arith.constant 2 : i32
    %gt3A_491 = vector.broadcast %gt3A_490 : i32 to vector<16xi32>
    %gt3A_492 = arith.cmpi sgt, %iota3A, %gt3A_491 : vector<16xi32>
    %and3A_493 = arith.andi %eq3A_489, %gt3A_492 : vector<16xi1>
    %or3A_494 = arith.ori %gt3A_487, %and3A_493 : vector<16xi1>
    %convert_element_type3A_495 = arith.extui %or3A_494 : vector<16xi1> to vector<16xi32>
    %add3A_496 = arith.addi %add3A_470, %convert_element_type3A_495 : vector<16xi32>
    %gt3A_497 = vector.broadcast %squeeze3A_485 : f32 to vector<16xf32>
    %gt3A_498 = arith.cmpf ogt, %gt3A_497, %select_n3A_429 : vector<16xf32>
    %eq3A_499 = vector.broadcast %squeeze3A_485 : f32 to vector<16xf32>
    %eq3A_500 = arith.cmpf oeq, %eq3A_499, %select_n3A_429 : vector<16xf32>
    %gt3A_501 = arith.constant 2 : i32
    %gt3A_502 = vector.broadcast %gt3A_501 : i32 to vector<16xi32>
    %gt3A_503 = arith.cmpi sgt, %add3A_137, %gt3A_502 : vector<16xi32>
    %and3A_504 = arith.andi %eq3A_500, %gt3A_503 : vector<16xi1>
    %or3A_505 = arith.ori %gt3A_498, %and3A_504 : vector<16xi1>
    %convert_element_type3A_506 = arith.extui %or3A_505 : vector<16xi1> to vector<16xi32>
    %add3A_507 = arith.addi %add3A_481, %convert_element_type3A_506 : vector<16xi32>
    %get3A_508 = arith.constant 48 : index
    %get3A_509 = tpu.vector_load %arg13[%get3A_508] {strides = array<i32>} : memref<512xf32, #tpu.memory_space<vmem>>, vector<16xf32>,
    %slice3A_510 = vector.extract_strided_slice %get3A_509 {offsets = [0], sizes = [1], strides = [1]} : vector<16xf32> to vector<1xf32>
    %squeeze3A_511 = vector.extract %slice3A_510[0] : f32 from vector<1xf32>
    %gt3A_512 = vector.broadcast %squeeze3A_511 : f32 to vector<16xf32>
    %gt3A_513 = arith.cmpf ogt, %gt3A_512, %select_n3A_285 : vector<16xf32>
    %eq3A_514 = vector.broadcast %squeeze3A_511 : f32 to vector<16xf32>
    %eq3A_515 = arith.cmpf oeq, %eq3A_514, %select_n3A_285 : vector<16xf32>
    %gt3A_516 = arith.constant 3 : i32
    %gt3A_517 = vector.broadcast %gt3A_516 : i32 to vector<16xi32>
    %gt3A_518 = arith.cmpi sgt, %iota3A, %gt3A_517 : vector<16xi32>
    %and3A_519 = arith.andi %eq3A_515, %gt3A_518 : vector<16xi1>
    %or3A_520 = arith.ori %gt3A_513, %and3A_519 : vector<16xi1>
    %convert_element_type3A_521 = arith.extui %or3A_520 : vector<16xi1> to vector<16xi32>
    %add3A_522 = arith.addi %add3A_496, %convert_element_type3A_521 : vector<16xi32>
    %gt3A_523 = vector.broadcast %squeeze3A_511 : f32 to vector<16xf32>
    %gt3A_524 = arith.cmpf ogt, %gt3A_523, %select_n3A_429 : vector<16xf32>
    %eq3A_525 = vector.broadcast %squeeze3A_511 : f32 to vector<16xf32>
    %eq3A_526 = arith.cmpf oeq, %eq3A_525, %select_n3A_429 : vector<16xf32>
    %gt3A_527 = arith.constant 3 : i32
    %gt3A_528 = vector.broadcast %gt3A_527 : i32 to vector<16xi32>
    %gt3A_529 = arith.cmpi sgt, %add3A_137, %gt3A_528 : vector<16xi32>
    %and3A_530 = arith.andi %eq3A_526, %gt3A_529 : vector<16xi1>
    %or3A_531 = arith.ori %gt3A_524, %and3A_530 : vector<16xi1>
    %convert_element_type3A_532 = arith.extui %or3A_531 : vector<16xi1> to vector<16xi32>
    %add3A_533 = arith.addi %add3A_507, %convert_element_type3A_532 : vector<16xi32>
    %get3A_534 = arith.constant 64 : index
    %get3A_535 = tpu.vector_load %arg13[%get3A_534] {strides = array<i32>} : memref<512xf32, #tpu.memory_space<vmem>>, vector<16xf32>,
    %slice3A_536 = vector.extract_strided_slice %get3A_535 {offsets = [0], sizes = [1], strides = [1]} : vector<16xf32> to vector<1xf32>
    %squeeze3A_537 = vector.extract %slice3A_536[0] : f32 from vector<1xf32>
    %gt3A_538 = vector.broadcast %squeeze3A_537 : f32 to vector<16xf32>
    %gt3A_539 = arith.cmpf ogt, %gt3A_538, %select_n3A_285 : vector<16xf32>
    %eq3A_540 = vector.broadcast %squeeze3A_537 : f32 to vector<16xf32>
    %eq3A_541 = arith.cmpf oeq, %eq3A_540, %select_n3A_285 : vector<16xf32>
    %gt3A_542 = arith.constant 4 : i32
    %gt3A_543 = vector.broadcast %gt3A_542 : i32 to vector<16xi32>
    %gt3A_544 = arith.cmpi sgt, %iota3A, %gt3A_543 : vector<16xi32>
    %and3A_545 = arith.andi %eq3A_541, %gt3A_544 : vector<16xi1>
    %or3A_546 = arith.ori %gt3A_539, %and3A_545 : vector<16xi1>
    %convert_element_type3A_547 = arith.extui %or3A_546 : vector<16xi1> to vector<16xi32>
    %add3A_548 = arith.addi %add3A_522, %convert_element_type3A_547 : vector<16xi32>
    %gt3A_549 = vector.broadcast %squeeze3A_537 : f32 to vector<16xf32>
    %gt3A_550 = arith.cmpf ogt, %gt3A_549, %select_n3A_429 : vector<16xf32>
    %eq3A_551 = vector.broadcast %squeeze3A_537 : f32 to vector<16xf32>
    %eq3A_552 = arith.cmpf oeq, %eq3A_551, %select_n3A_429 : vector<16xf32>
    %gt3A_553 = arith.constant 4 : i32
    %gt3A_554 = vector.broadcast %gt3A_553 : i32 to vector<16xi32>
    %gt3A_555 = arith.cmpi sgt, %add3A_137, %gt3A_554 : vector<16xi32>
    %and3A_556 = arith.andi %eq3A_552, %gt3A_555 : vector<16xi1>
    %or3A_557 = arith.ori %gt3A_550, %and3A_556 : vector<16xi1>
    %convert_element_type3A_558 = arith.extui %or3A_557 : vector<16xi1> to vector<16xi32>
    %add3A_559 = arith.addi %add3A_533, %convert_element_type3A_558 : vector<16xi32>
    %get3A_560 = arith.constant 80 : index
    %get3A_561 = tpu.vector_load %arg13[%get3A_560] {strides = array<i32>} : memref<512xf32, #tpu.memory_space<vmem>>, vector<16xf32>,
    %slice3A_562 = vector.extract_strided_slice %get3A_561 {offsets = [0], sizes = [1], strides = [1]} : vector<16xf32> to vector<1xf32>
    %squeeze3A_563 = vector.extract %slice3A_562[0] : f32 from vector<1xf32>
    %gt3A_564 = vector.broadcast %squeeze3A_563 : f32 to vector<16xf32>
    %gt3A_565 = arith.cmpf ogt, %gt3A_564, %select_n3A_285 : vector<16xf32>
    %eq3A_566 = vector.broadcast %squeeze3A_563 : f32 to vector<16xf32>
    %eq3A_567 = arith.cmpf oeq, %eq3A_566, %select_n3A_285 : vector<16xf32>
    %gt3A_568 = arith.constant 5 : i32
    %gt3A_569 = vector.broadcast %gt3A_568 : i32 to vector<16xi32>
    %gt3A_570 = arith.cmpi sgt, %iota3A, %gt3A_569 : vector<16xi32>
    %and3A_571 = arith.andi %eq3A_567, %gt3A_570 : vector<16xi1>
    %or3A_572 = arith.ori %gt3A_565, %and3A_571 : vector<16xi1>
    %convert_element_type3A_573 = arith.extui %or3A_572 : vector<16xi1> to vector<16xi32>
    %add3A_574 = arith.addi %add3A_548, %convert_element_type3A_573 : vector<16xi32>
    %gt3A_575 = vector.broadcast %squeeze3A_563 : f32 to vector<16xf32>
    %gt3A_576 = arith.cmpf ogt, %gt3A_575, %select_n3A_429 : vector<16xf32>
    %eq3A_577 = vector.broadcast %squeeze3A_563 : f32 to vector<16xf32>
    %eq3A_578 = arith.cmpf oeq, %eq3A_577, %select_n3A_429 : vector<16xf32>
    %gt3A_579 = arith.constant 5 : i32
    %gt3A_580 = vector.broadcast %gt3A_579 : i32 to vector<16xi32>
    %gt3A_581 = arith.cmpi sgt, %add3A_137, %gt3A_580 : vector<16xi32>
    %and3A_582 = arith.andi %eq3A_578, %gt3A_581 : vector<16xi1>
    %or3A_583 = arith.ori %gt3A_576, %and3A_582 : vector<16xi1>
    %convert_element_type3A_584 = arith.extui %or3A_583 : vector<16xi1> to vector<16xi32>
    %add3A_585 = arith.addi %add3A_559, %convert_element_type3A_584 : vector<16xi32>
    %get3A_586 = arith.constant 96 : index
    %get3A_587 = tpu.vector_load %arg13[%get3A_586] {strides = array<i32>} : memref<512xf32, #tpu.memory_space<vmem>>, vector<16xf32>,
    %slice3A_588 = vector.extract_strided_slice %get3A_587 {offsets = [0], sizes = [1], strides = [1]} : vector<16xf32> to vector<1xf32>
    %squeeze3A_589 = vector.extract %slice3A_588[0] : f32 from vector<1xf32>
    %gt3A_590 = vector.broadcast %squeeze3A_589 : f32 to vector<16xf32>
    %gt3A_591 = arith.cmpf ogt, %gt3A_590, %select_n3A_285 : vector<16xf32>
    %eq3A_592 = vector.broadcast %squeeze3A_589 : f32 to vector<16xf32>
    %eq3A_593 = arith.cmpf oeq, %eq3A_592, %select_n3A_285 : vector<16xf32>
    %gt3A_594 = arith.constant 6 : i32
    %gt3A_595 = vector.broadcast %gt3A_594 : i32 to vector<16xi32>
    %gt3A_596 = arith.cmpi sgt, %iota3A, %gt3A_595 : vector<16xi32>
    %and3A_597 = arith.andi %eq3A_593, %gt3A_596 : vector<16xi1>
    %or3A_598 = arith.ori %gt3A_591, %and3A_597 : vector<16xi1>
    %convert_element_type3A_599 = arith.extui %or3A_598 : vector<16xi1> to vector<16xi32>
    %add3A_600 = arith.addi %add3A_574, %convert_element_type3A_599 : vector<16xi32>
    %gt3A_601 = vector.broadcast %squeeze3A_589 : f32 to vector<16xf32>
    %gt3A_602 = arith.cmpf ogt, %gt3A_601, %select_n3A_429 : vector<16xf32>
    %eq3A_603 = vector.broadcast %squeeze3A_589 : f32 to vector<16xf32>
    %eq3A_604 = arith.cmpf oeq, %eq3A_603, %select_n3A_429 : vector<16xf32>
    %gt3A_605 = arith.constant 6 : i32
    %gt3A_606 = vector.broadcast %gt3A_605 : i32 to vector<16xi32>
    %gt3A_607 = arith.cmpi sgt, %add3A_137, %gt3A_606 : vector<16xi32>
    %and3A_608 = arith.andi %eq3A_604, %gt3A_607 : vector<16xi1>
    %or3A_609 = arith.ori %gt3A_602, %and3A_608 : vector<16xi1>
    %convert_element_type3A_610 = arith.extui %or3A_609 : vector<16xi1> to vector<16xi32>
    %add3A_611 = arith.addi %add3A_585, %convert_element_type3A_610 : vector<16xi32>
    %get3A_612 = arith.constant 112 : index
    %get3A_613 = tpu.vector_load %arg13[%get3A_612] {strides = array<i32>} : memref<512xf32, #tpu.memory_space<vmem>>, vector<16xf32>,
    %slice3A_614 = vector.extract_strided_slice %get3A_613 {offsets = [0], sizes = [1], strides = [1]} : vector<16xf32> to vector<1xf32>
    %squeeze3A_615 = vector.extract %slice3A_614[0] : f32 from vector<1xf32>
    %gt3A_616 = vector.broadcast %squeeze3A_615 : f32 to vector<16xf32>
    %gt3A_617 = arith.cmpf ogt, %gt3A_616, %select_n3A_285 : vector<16xf32>
    %eq3A_618 = vector.broadcast %squeeze3A_615 : f32 to vector<16xf32>
    %eq3A_619 = arith.cmpf oeq, %eq3A_618, %select_n3A_285 : vector<16xf32>
    %gt3A_620 = arith.constant 7 : i32
    %gt3A_621 = vector.broadcast %gt3A_620 : i32 to vector<16xi32>
    %gt3A_622 = arith.cmpi sgt, %iota3A, %gt3A_621 : vector<16xi32>
    %and3A_623 = arith.andi %eq3A_619, %gt3A_622 : vector<16xi1>
    %or3A_624 = arith.ori %gt3A_617, %and3A_623 : vector<16xi1>
    %convert_element_type3A_625 = arith.extui %or3A_624 : vector<16xi1> to vector<16xi32>
    %add3A_626 = arith.addi %add3A_600, %convert_element_type3A_625 : vector<16xi32>
    %gt3A_627 = vector.broadcast %squeeze3A_615 : f32 to vector<16xf32>
    %gt3A_628 = arith.cmpf ogt, %gt3A_627, %select_n3A_429 : vector<16xf32>
    %eq3A_629 = vector.broadcast %squeeze3A_615 : f32 to vector<16xf32>
    %eq3A_630 = arith.cmpf oeq, %eq3A_629, %select_n3A_429 : vector<16xf32>
    %gt3A_631 = arith.constant 7 : i32
    %gt3A_632 = vector.broadcast %gt3A_631 : i32 to vector<16xi32>
    %gt3A_633 = arith.cmpi sgt, %add3A_137, %gt3A_632 : vector<16xi32>
    %and3A_634 = arith.andi %eq3A_630, %gt3A_633 : vector<16xi1>
    %or3A_635 = arith.ori %gt3A_628, %and3A_634 : vector<16xi1>
    %convert_element_type3A_636 = arith.extui %or3A_635 : vector<16xi1> to vector<16xi32>
    %add3A_637 = arith.addi %add3A_611, %convert_element_type3A_636 : vector<16xi32>
    %get3A_638 = arith.constant 128 : index
    %get3A_639 = tpu.vector_load %arg13[%get3A_638] {strides = array<i32>} : memref<512xf32, #tpu.memory_space<vmem>>, vector<16xf32>,
    %slice3A_640 = vector.extract_strided_slice %get3A_639 {offsets = [0], sizes = [1], strides = [1]} : vector<16xf32> to vector<1xf32>
    %squeeze3A_641 = vector.extract %slice3A_640[0] : f32 from vector<1xf32>
    %gt3A_642 = vector.broadcast %squeeze3A_641 : f32 to vector<16xf32>
    %gt3A_643 = arith.cmpf ogt, %gt3A_642, %select_n3A_285 : vector<16xf32>
    %eq3A_644 = vector.broadcast %squeeze3A_641 : f32 to vector<16xf32>
    %eq3A_645 = arith.cmpf oeq, %eq3A_644, %select_n3A_285 : vector<16xf32>
    %gt3A_646 = arith.constant 8 : i32
    %gt3A_647 = vector.broadcast %gt3A_646 : i32 to vector<16xi32>
    %gt3A_648 = arith.cmpi sgt, %iota3A, %gt3A_647 : vector<16xi32>
    %and3A_649 = arith.andi %eq3A_645, %gt3A_648 : vector<16xi1>
    %or3A_650 = arith.ori %gt3A_643, %and3A_649 : vector<16xi1>
    %convert_element_type3A_651 = arith.extui %or3A_650 : vector<16xi1> to vector<16xi32>
    %add3A_652 = arith.addi %add3A_626, %convert_element_type3A_651 : vector<16xi32>
    %gt3A_653 = vector.broadcast %squeeze3A_641 : f32 to vector<16xf32>
    %gt3A_654 = arith.cmpf ogt, %gt3A_653, %select_n3A_429 : vector<16xf32>
    %eq3A_655 = vector.broadcast %squeeze3A_641 : f32 to vector<16xf32>
    %eq3A_656 = arith.cmpf oeq, %eq3A_655, %select_n3A_429 : vector<16xf32>
    %gt3A_657 = arith.constant 8 : i32
    %gt3A_658 = vector.broadcast %gt3A_657 : i32 to vector<16xi32>
    %gt3A_659 = arith.cmpi sgt, %add3A_137, %gt3A_658 : vector<16xi32>
    %and3A_660 = arith.andi %eq3A_656, %gt3A_659 : vector<16xi1>
    %or3A_661 = arith.ori %gt3A_654, %and3A_660 : vector<16xi1>
    %convert_element_type3A_662 = arith.extui %or3A_661 : vector<16xi1> to vector<16xi32>
    %add3A_663 = arith.addi %add3A_637, %convert_element_type3A_662 : vector<16xi32>
    %get3A_664 = arith.constant 144 : index
    %get3A_665 = tpu.vector_load %arg13[%get3A_664] {strides = array<i32>} : memref<512xf32, #tpu.memory_space<vmem>>, vector<16xf32>,
    %slice3A_666 = vector.extract_strided_slice %get3A_665 {offsets = [0], sizes = [1], strides = [1]} : vector<16xf32> to vector<1xf32>
    %squeeze3A_667 = vector.extract %slice3A_666[0] : f32 from vector<1xf32>
    %gt3A_668 = vector.broadcast %squeeze3A_667 : f32 to vector<16xf32>
    %gt3A_669 = arith.cmpf ogt, %gt3A_668, %select_n3A_285 : vector<16xf32>
    %eq3A_670 = vector.broadcast %squeeze3A_667 : f32 to vector<16xf32>
    %eq3A_671 = arith.cmpf oeq, %eq3A_670, %select_n3A_285 : vector<16xf32>
    %gt3A_672 = arith.constant 9 : i32
    %gt3A_673 = vector.broadcast %gt3A_672 : i32 to vector<16xi32>
    %gt3A_674 = arith.cmpi sgt, %iota3A, %gt3A_673 : vector<16xi32>
    %and3A_675 = arith.andi %eq3A_671, %gt3A_674 : vector<16xi1>
    %or3A_676 = arith.ori %gt3A_669, %and3A_675 : vector<16xi1>
    %convert_element_type3A_677 = arith.extui %or3A_676 : vector<16xi1> to vector<16xi32>
    %add3A_678 = arith.addi %add3A_652, %convert_element_type3A_677 : vector<16xi32>
    %gt3A_679 = vector.broadcast %squeeze3A_667 : f32 to vector<16xf32>
    %gt3A_680 = arith.cmpf ogt, %gt3A_679, %select_n3A_429 : vector<16xf32>
    %eq3A_681 = vector.broadcast %squeeze3A_667 : f32 to vector<16xf32>
    %eq3A_682 = arith.cmpf oeq, %eq3A_681, %select_n3A_429 : vector<16xf32>
    %gt3A_683 = arith.constant 9 : i32
    %gt3A_684 = vector.broadcast %gt3A_683 : i32 to vector<16xi32>
    %gt3A_685 = arith.cmpi sgt, %add3A_137, %gt3A_684 : vector<16xi32>
    %and3A_686 = arith.andi %eq3A_682, %gt3A_685 : vector<16xi1>
    %or3A_687 = arith.ori %gt3A_680, %and3A_686 : vector<16xi1>
    %convert_element_type3A_688 = arith.extui %or3A_687 : vector<16xi1> to vector<16xi32>
    %add3A_689 = arith.addi %add3A_663, %convert_element_type3A_688 : vector<16xi32>
    %get3A_690 = arith.constant 160 : index
    %get3A_691 = tpu.vector_load %arg13[%get3A_690] {strides = array<i32>} : memref<512xf32, #tpu.memory_space<vmem>>, vector<16xf32>,
    %slice3A_692 = vector.extract_strided_slice %get3A_691 {offsets = [0], sizes = [1], strides = [1]} : vector<16xf32> to vector<1xf32>
    %squeeze3A_693 = vector.extract %slice3A_692[0] : f32 from vector<1xf32>
    %gt3A_694 = vector.broadcast %squeeze3A_693 : f32 to vector<16xf32>
    %gt3A_695 = arith.cmpf ogt, %gt3A_694, %select_n3A_285 : vector<16xf32>
    %eq3A_696 = vector.broadcast %squeeze3A_693 : f32 to vector<16xf32>
    %eq3A_697 = arith.cmpf oeq, %eq3A_696, %select_n3A_285 : vector<16xf32>
    %gt3A_698 = arith.constant 10 : i32
    %gt3A_699 = vector.broadcast %gt3A_698 : i32 to vector<16xi32>
    %gt3A_700 = arith.cmpi sgt, %iota3A, %gt3A_699 : vector<16xi32>
    %and3A_701 = arith.andi %eq3A_697, %gt3A_700 : vector<16xi1>
    %or3A_702 = arith.ori %gt3A_695, %and3A_701 : vector<16xi1>
    %convert_element_type3A_703 = arith.extui %or3A_702 : vector<16xi1> to vector<16xi32>
    %add3A_704 = arith.addi %add3A_678, %convert_element_type3A_703 : vector<16xi32>
    %gt3A_705 = vector.broadcast %squeeze3A_693 : f32 to vector<16xf32>
    %gt3A_706 = arith.cmpf ogt, %gt3A_705, %select_n3A_429 : vector<16xf32>
    %eq3A_707 = vector.broadcast %squeeze3A_693 : f32 to vector<16xf32>
    %eq3A_708 = arith.cmpf oeq, %eq3A_707, %select_n3A_429 : vector<16xf32>
    %gt3A_709 = arith.constant 10 : i32
    %gt3A_710 = vector.broadcast %gt3A_709 : i32 to vector<16xi32>
    %gt3A_711 = arith.cmpi sgt, %add3A_137, %gt3A_710 : vector<16xi32>
    %and3A_712 = arith.andi %eq3A_708, %gt3A_711 : vector<16xi1>
    %or3A_713 = arith.ori %gt3A_706, %and3A_712 : vector<16xi1>
    %convert_element_type3A_714 = arith.extui %or3A_713 : vector<16xi1> to vector<16xi32>
    %add3A_715 = arith.addi %add3A_689, %convert_element_type3A_714 : vector<16xi32>
    %get3A_716 = arith.constant 176 : index
    %get3A_717 = tpu.vector_load %arg13[%get3A_716] {strides = array<i32>} : memref<512xf32, #tpu.memory_space<vmem>>, vector<16xf32>,
    %slice3A_718 = vector.extract_strided_slice %get3A_717 {offsets = [0], sizes = [1], strides = [1]} : vector<16xf32> to vector<1xf32>
    %squeeze3A_719 = vector.extract %slice3A_718[0] : f32 from vector<1xf32>
    %gt3A_720 = vector.broadcast %squeeze3A_719 : f32 to vector<16xf32>
    %gt3A_721 = arith.cmpf ogt, %gt3A_720, %select_n3A_285 : vector<16xf32>
    %eq3A_722 = vector.broadcast %squeeze3A_719 : f32 to vector<16xf32>
    %eq3A_723 = arith.cmpf oeq, %eq3A_722, %select_n3A_285 : vector<16xf32>
    %gt3A_724 = arith.constant 11 : i32
    %gt3A_725 = vector.broadcast %gt3A_724 : i32 to vector<16xi32>
    %gt3A_726 = arith.cmpi sgt, %iota3A, %gt3A_725 : vector<16xi32>
    %and3A_727 = arith.andi %eq3A_723, %gt3A_726 : vector<16xi1>
    %or3A_728 = arith.ori %gt3A_721, %and3A_727 : vector<16xi1>
    %convert_element_type3A_729 = arith.extui %or3A_728 : vector<16xi1> to vector<16xi32>
    %add3A_730 = arith.addi %add3A_704, %convert_element_type3A_729 : vector<16xi32>
    %gt3A_731 = vector.broadcast %squeeze3A_719 : f32 to vector<16xf32>
    %gt3A_732 = arith.cmpf ogt, %gt3A_731, %select_n3A_429 : vector<16xf32>
    %eq3A_733 = vector.broadcast %squeeze3A_719 : f32 to vector<16xf32>
    %eq3A_734 = arith.cmpf oeq, %eq3A_733, %select_n3A_429 : vector<16xf32>
    %gt3A_735 = arith.constant 11 : i32
    %gt3A_736 = vector.broadcast %gt3A_735 : i32 to vector<16xi32>
    %gt3A_737 = arith.cmpi sgt, %add3A_137, %gt3A_736 : vector<16xi32>
    %and3A_738 = arith.andi %eq3A_734, %gt3A_737 : vector<16xi1>
    %or3A_739 = arith.ori %gt3A_732, %and3A_738 : vector<16xi1>
    %convert_element_type3A_740 = arith.extui %or3A_739 : vector<16xi1> to vector<16xi32>
    %add3A_741 = arith.addi %add3A_715, %convert_element_type3A_740 : vector<16xi32>
    %get3A_742 = arith.constant 192 : index
    %get3A_743 = tpu.vector_load %arg13[%get3A_742] {strides = array<i32>} : memref<512xf32, #tpu.memory_space<vmem>>, vector<16xf32>,
    %slice3A_744 = vector.extract_strided_slice %get3A_743 {offsets = [0], sizes = [1], strides = [1]} : vector<16xf32> to vector<1xf32>
    %squeeze3A_745 = vector.extract %slice3A_744[0] : f32 from vector<1xf32>
    %gt3A_746 = vector.broadcast %squeeze3A_745 : f32 to vector<16xf32>
    %gt3A_747 = arith.cmpf ogt, %gt3A_746, %select_n3A_285 : vector<16xf32>
    %eq3A_748 = vector.broadcast %squeeze3A_745 : f32 to vector<16xf32>
    %eq3A_749 = arith.cmpf oeq, %eq3A_748, %select_n3A_285 : vector<16xf32>
    %gt3A_750 = arith.constant 12 : i32
    %gt3A_751 = vector.broadcast %gt3A_750 : i32 to vector<16xi32>
    %gt3A_752 = arith.cmpi sgt, %iota3A, %gt3A_751 : vector<16xi32>
    %and3A_753 = arith.andi %eq3A_749, %gt3A_752 : vector<16xi1>
    %or3A_754 = arith.ori %gt3A_747, %and3A_753 : vector<16xi1>
    %convert_element_type3A_755 = arith.extui %or3A_754 : vector<16xi1> to vector<16xi32>
    %add3A_756 = arith.addi %add3A_730, %convert_element_type3A_755 : vector<16xi32>
    %gt3A_757 = vector.broadcast %squeeze3A_745 : f32 to vector<16xf32>
    %gt3A_758 = arith.cmpf ogt, %gt3A_757, %select_n3A_429 : vector<16xf32>
    %eq3A_759 = vector.broadcast %squeeze3A_745 : f32 to vector<16xf32>
    %eq3A_760 = arith.cmpf oeq, %eq3A_759, %select_n3A_429 : vector<16xf32>
    %gt3A_761 = arith.constant 12 : i32
    %gt3A_762 = vector.broadcast %gt3A_761 : i32 to vector<16xi32>
    %gt3A_763 = arith.cmpi sgt, %add3A_137, %gt3A_762 : vector<16xi32>
    %and3A_764 = arith.andi %eq3A_760, %gt3A_763 : vector<16xi1>
    %or3A_765 = arith.ori %gt3A_758, %and3A_764 : vector<16xi1>
    %convert_element_type3A_766 = arith.extui %or3A_765 : vector<16xi1> to vector<16xi32>
    %add3A_767 = arith.addi %add3A_741, %convert_element_type3A_766 : vector<16xi32>
    %get3A_768 = arith.constant 208 : index
    %get3A_769 = tpu.vector_load %arg13[%get3A_768] {strides = array<i32>} : memref<512xf32, #tpu.memory_space<vmem>>, vector<16xf32>,
    %slice3A_770 = vector.extract_strided_slice %get3A_769 {offsets = [0], sizes = [1], strides = [1]} : vector<16xf32> to vector<1xf32>
    %squeeze3A_771 = vector.extract %slice3A_770[0] : f32 from vector<1xf32>
    %gt3A_772 = vector.broadcast %squeeze3A_771 : f32 to vector<16xf32>
    %gt3A_773 = arith.cmpf ogt, %gt3A_772, %select_n3A_285 : vector<16xf32>
    %eq3A_774 = vector.broadcast %squeeze3A_771 : f32 to vector<16xf32>
    %eq3A_775 = arith.cmpf oeq, %eq3A_774, %select_n3A_285 : vector<16xf32>
    %gt3A_776 = arith.constant 13 : i32
    %gt3A_777 = vector.broadcast %gt3A_776 : i32 to vector<16xi32>
    %gt3A_778 = arith.cmpi sgt, %iota3A, %gt3A_777 : vector<16xi32>
    %and3A_779 = arith.andi %eq3A_775, %gt3A_778 : vector<16xi1>
    %or3A_780 = arith.ori %gt3A_773, %and3A_779 : vector<16xi1>
    %convert_element_type3A_781 = arith.extui %or3A_780 : vector<16xi1> to vector<16xi32>
    %add3A_782 = arith.addi %add3A_756, %convert_element_type3A_781 : vector<16xi32>
    %gt3A_783 = vector.broadcast %squeeze3A_771 : f32 to vector<16xf32>
    %gt3A_784 = arith.cmpf ogt, %gt3A_783, %select_n3A_429 : vector<16xf32>
    %eq3A_785 = vector.broadcast %squeeze3A_771 : f32 to vector<16xf32>
    %eq3A_786 = arith.cmpf oeq, %eq3A_785, %select_n3A_429 : vector<16xf32>
    %gt3A_787 = arith.constant 13 : i32
    %gt3A_788 = vector.broadcast %gt3A_787 : i32 to vector<16xi32>
    %gt3A_789 = arith.cmpi sgt, %add3A_137, %gt3A_788 : vector<16xi32>
    %and3A_790 = arith.andi %eq3A_786, %gt3A_789 : vector<16xi1>
    %or3A_791 = arith.ori %gt3A_784, %and3A_790 : vector<16xi1>
    %convert_element_type3A_792 = arith.extui %or3A_791 : vector<16xi1> to vector<16xi32>
    %add3A_793 = arith.addi %add3A_767, %convert_element_type3A_792 : vector<16xi32>
    %get3A_794 = arith.constant 224 : index
    %get3A_795 = tpu.vector_load %arg13[%get3A_794] {strides = array<i32>} : memref<512xf32, #tpu.memory_space<vmem>>, vector<16xf32>,
    %slice3A_796 = vector.extract_strided_slice %get3A_795 {offsets = [0], sizes = [1], strides = [1]} : vector<16xf32> to vector<1xf32>
    %squeeze3A_797 = vector.extract %slice3A_796[0] : f32 from vector<1xf32>
    %gt3A_798 = vector.broadcast %squeeze3A_797 : f32 to vector<16xf32>
    %gt3A_799 = arith.cmpf ogt, %gt3A_798, %select_n3A_285 : vector<16xf32>
    %eq3A_800 = vector.broadcast %squeeze3A_797 : f32 to vector<16xf32>
    %eq3A_801 = arith.cmpf oeq, %eq3A_800, %select_n3A_285 : vector<16xf32>
    %gt3A_802 = arith.constant 14 : i32
    %gt3A_803 = vector.broadcast %gt3A_802 : i32 to vector<16xi32>
    %gt3A_804 = arith.cmpi sgt, %iota3A, %gt3A_803 : vector<16xi32>
    %and3A_805 = arith.andi %eq3A_801, %gt3A_804 : vector<16xi1>
    %or3A_806 = arith.ori %gt3A_799, %and3A_805 : vector<16xi1>
    %convert_element_type3A_807 = arith.extui %or3A_806 : vector<16xi1> to vector<16xi32>
    %add3A_808 = arith.addi %add3A_782, %convert_element_type3A_807 : vector<16xi32>
    %gt3A_809 = vector.broadcast %squeeze3A_797 : f32 to vector<16xf32>
    %gt3A_810 = arith.cmpf ogt, %gt3A_809, %select_n3A_429 : vector<16xf32>
    %eq3A_811 = vector.broadcast %squeeze3A_797 : f32 to vector<16xf32>
    %eq3A_812 = arith.cmpf oeq, %eq3A_811, %select_n3A_429 : vector<16xf32>
    %gt3A_813 = arith.constant 14 : i32
    %gt3A_814 = vector.broadcast %gt3A_813 : i32 to vector<16xi32>
    %gt3A_815 = arith.cmpi sgt, %add3A_137, %gt3A_814 : vector<16xi32>
    %and3A_816 = arith.andi %eq3A_812, %gt3A_815 : vector<16xi1>
    %or3A_817 = arith.ori %gt3A_810, %and3A_816 : vector<16xi1>
    %convert_element_type3A_818 = arith.extui %or3A_817 : vector<16xi1> to vector<16xi32>
    %add3A_819 = arith.addi %add3A_793, %convert_element_type3A_818 : vector<16xi32>
    %get3A_820 = arith.constant 240 : index
    %get3A_821 = tpu.vector_load %arg13[%get3A_820] {strides = array<i32>} : memref<512xf32, #tpu.memory_space<vmem>>, vector<16xf32>,
    %slice3A_822 = vector.extract_strided_slice %get3A_821 {offsets = [0], sizes = [1], strides = [1]} : vector<16xf32> to vector<1xf32>
    %squeeze3A_823 = vector.extract %slice3A_822[0] : f32 from vector<1xf32>
    %gt3A_824 = vector.broadcast %squeeze3A_823 : f32 to vector<16xf32>
    %gt3A_825 = arith.cmpf ogt, %gt3A_824, %select_n3A_285 : vector<16xf32>
    %eq3A_826 = vector.broadcast %squeeze3A_823 : f32 to vector<16xf32>
    %eq3A_827 = arith.cmpf oeq, %eq3A_826, %select_n3A_285 : vector<16xf32>
    %gt3A_828 = arith.constant 15 : i32
    %gt3A_829 = vector.broadcast %gt3A_828 : i32 to vector<16xi32>
    %gt3A_830 = arith.cmpi sgt, %iota3A, %gt3A_829 : vector<16xi32>
    %and3A_831 = arith.andi %eq3A_827, %gt3A_830 : vector<16xi1>
    %or3A_832 = arith.ori %gt3A_825, %and3A_831 : vector<16xi1>
    %convert_element_type3A_833 = arith.extui %or3A_832 : vector<16xi1> to vector<16xi32>
    %add3A_834 = arith.addi %add3A_808, %convert_element_type3A_833 : vector<16xi32>
    %gt3A_835 = vector.broadcast %squeeze3A_823 : f32 to vector<16xf32>
    %gt3A_836 = arith.cmpf ogt, %gt3A_835, %select_n3A_429 : vector<16xf32>
    %eq3A_837 = vector.broadcast %squeeze3A_823 : f32 to vector<16xf32>
    %eq3A_838 = arith.cmpf oeq, %eq3A_837, %select_n3A_429 : vector<16xf32>
    %gt3A_839 = arith.constant 15 : i32
    %gt3A_840 = vector.broadcast %gt3A_839 : i32 to vector<16xi32>
    %gt3A_841 = arith.cmpi sgt, %add3A_137, %gt3A_840 : vector<16xi32>
    %and3A_842 = arith.andi %eq3A_838, %gt3A_841 : vector<16xi1>
    %or3A_843 = arith.ori %gt3A_836, %and3A_842 : vector<16xi1>
    %convert_element_type3A_844 = arith.extui %or3A_843 : vector<16xi1> to vector<16xi32>
    %add3A_845 = arith.addi %add3A_819, %convert_element_type3A_844 : vector<16xi32>
    %get3A_846 = arith.constant 256 : index
    %get3A_847 = tpu.vector_load %arg13[%get3A_846] {strides = array<i32>} : memref<512xf32, #tpu.memory_space<vmem>>, vector<16xf32>,
    %slice3A_848 = vector.extract_strided_slice %get3A_847 {offsets = [0], sizes = [1], strides = [1]} : vector<16xf32> to vector<1xf32>
    %squeeze3A_849 = vector.extract %slice3A_848[0] : f32 from vector<1xf32>
    %gt3A_850 = vector.broadcast %squeeze3A_849 : f32 to vector<16xf32>
    %gt3A_851 = arith.cmpf ogt, %gt3A_850, %select_n3A_285 : vector<16xf32>
    %eq3A_852 = vector.broadcast %squeeze3A_849 : f32 to vector<16xf32>
    %eq3A_853 = arith.cmpf oeq, %eq3A_852, %select_n3A_285 : vector<16xf32>
    %gt3A_854 = arith.constant 16 : i32
    %gt3A_855 = vector.broadcast %gt3A_854 : i32 to vector<16xi32>
    %gt3A_856 = arith.cmpi sgt, %iota3A, %gt3A_855 : vector<16xi32>
    %and3A_857 = arith.andi %eq3A_853, %gt3A_856 : vector<16xi1>
    %or3A_858 = arith.ori %gt3A_851, %and3A_857 : vector<16xi1>
    %convert_element_type3A_859 = arith.extui %or3A_858 : vector<16xi1> to vector<16xi32>
    %add3A_860 = arith.addi %add3A_834, %convert_element_type3A_859 : vector<16xi32>
    %gt3A_861 = vector.broadcast %squeeze3A_849 : f32 to vector<16xf32>
    %gt3A_862 = arith.cmpf ogt, %gt3A_861, %select_n3A_429 : vector<16xf32>
    %eq3A_863 = vector.broadcast %squeeze3A_849 : f32 to vector<16xf32>
    %eq3A_864 = arith.cmpf oeq, %eq3A_863, %select_n3A_429 : vector<16xf32>
    %gt3A_865 = arith.constant 16 : i32
    %gt3A_866 = vector.broadcast %gt3A_865 : i32 to vector<16xi32>
    %gt3A_867 = arith.cmpi sgt, %add3A_137, %gt3A_866 : vector<16xi32>
    %and3A_868 = arith.andi %eq3A_864, %gt3A_867 : vector<16xi1>
    %or3A_869 = arith.ori %gt3A_862, %and3A_868 : vector<16xi1>
    %convert_element_type3A_870 = arith.extui %or3A_869 : vector<16xi1> to vector<16xi32>
    %add3A_871 = arith.addi %add3A_845, %convert_element_type3A_870 : vector<16xi32>
    %get3A_872 = arith.constant 272 : index
    %get3A_873 = tpu.vector_load %arg13[%get3A_872] {strides = array<i32>} : memref<512xf32, #tpu.memory_space<vmem>>, vector<16xf32>,
    %slice3A_874 = vector.extract_strided_slice %get3A_873 {offsets = [0], sizes = [1], strides = [1]} : vector<16xf32> to vector<1xf32>
    %squeeze3A_875 = vector.extract %slice3A_874[0] : f32 from vector<1xf32>
    %gt3A_876 = vector.broadcast %squeeze3A_875 : f32 to vector<16xf32>
    %gt3A_877 = arith.cmpf ogt, %gt3A_876, %select_n3A_285 : vector<16xf32>
    %eq3A_878 = vector.broadcast %squeeze3A_875 : f32 to vector<16xf32>
    %eq3A_879 = arith.cmpf oeq, %eq3A_878, %select_n3A_285 : vector<16xf32>
    %gt3A_880 = arith.constant 17 : i32
    %gt3A_881 = vector.broadcast %gt3A_880 : i32 to vector<16xi32>
    %gt3A_882 = arith.cmpi sgt, %iota3A, %gt3A_881 : vector<16xi32>
    %and3A_883 = arith.andi %eq3A_879, %gt3A_882 : vector<16xi1>
    %or3A_884 = arith.ori %gt3A_877, %and3A_883 : vector<16xi1>
    %convert_element_type3A_885 = arith.extui %or3A_884 : vector<16xi1> to vector<16xi32>
    %add3A_886 = arith.addi %add3A_860, %convert_element_type3A_885 : vector<16xi32>
    %gt3A_887 = vector.broadcast %squeeze3A_875 : f32 to vector<16xf32>
    %gt3A_888 = arith.cmpf ogt, %gt3A_887, %select_n3A_429 : vector<16xf32>
    %eq3A_889 = vector.broadcast %squeeze3A_875 : f32 to vector<16xf32>
    %eq3A_890 = arith.cmpf oeq, %eq3A_889, %select_n3A_429 : vector<16xf32>
    %gt3A_891 = arith.constant 17 : i32
    %gt3A_892 = vector.broadcast %gt3A_891 : i32 to vector<16xi32>
    %gt3A_893 = arith.cmpi sgt, %add3A_137, %gt3A_892 : vector<16xi32>
    %and3A_894 = arith.andi %eq3A_890, %gt3A_893 : vector<16xi1>
    %or3A_895 = arith.ori %gt3A_888, %and3A_894 : vector<16xi1>
    %convert_element_type3A_896 = arith.extui %or3A_895 : vector<16xi1> to vector<16xi32>
    %add3A_897 = arith.addi %add3A_871, %convert_element_type3A_896 : vector<16xi32>
    %get3A_898 = arith.constant 288 : index
    %get3A_899 = tpu.vector_load %arg13[%get3A_898] {strides = array<i32>} : memref<512xf32, #tpu.memory_space<vmem>>, vector<16xf32>,
    %slice3A_900 = vector.extract_strided_slice %get3A_899 {offsets = [0], sizes = [1], strides = [1]} : vector<16xf32> to vector<1xf32>
    %squeeze3A_901 = vector.extract %slice3A_900[0] : f32 from vector<1xf32>
    %gt3A_902 = vector.broadcast %squeeze3A_901 : f32 to vector<16xf32>
    %gt3A_903 = arith.cmpf ogt, %gt3A_902, %select_n3A_285 : vector<16xf32>
    %eq3A_904 = vector.broadcast %squeeze3A_901 : f32 to vector<16xf32>
    %eq3A_905 = arith.cmpf oeq, %eq3A_904, %select_n3A_285 : vector<16xf32>
    %gt3A_906 = arith.constant 18 : i32
    %gt3A_907 = vector.broadcast %gt3A_906 : i32 to vector<16xi32>
    %gt3A_908 = arith.cmpi sgt, %iota3A, %gt3A_907 : vector<16xi32>
    %and3A_909 = arith.andi %eq3A_905, %gt3A_908 : vector<16xi1>
    %or3A_910 = arith.ori %gt3A_903, %and3A_909 : vector<16xi1>
    %convert_element_type3A_911 = arith.extui %or3A_910 : vector<16xi1> to vector<16xi32>
    %add3A_912 = arith.addi %add3A_886, %convert_element_type3A_911 : vector<16xi32>
    %gt3A_913 = vector.broadcast %squeeze3A_901 : f32 to vector<16xf32>
    %gt3A_914 = arith.cmpf ogt, %gt3A_913, %select_n3A_429 : vector<16xf32>
    %eq3A_915 = vector.broadcast %squeeze3A_901 : f32 to vector<16xf32>
    %eq3A_916 = arith.cmpf oeq, %eq3A_915, %select_n3A_429 : vector<16xf32>
    %gt3A_917 = arith.constant 18 : i32
    %gt3A_918 = vector.broadcast %gt3A_917 : i32 to vector<16xi32>
    %gt3A_919 = arith.cmpi sgt, %add3A_137, %gt3A_918 : vector<16xi32>
    %and3A_920 = arith.andi %eq3A_916, %gt3A_919 : vector<16xi1>
    %or3A_921 = arith.ori %gt3A_914, %and3A_920 : vector<16xi1>
    %convert_element_type3A_922 = arith.extui %or3A_921 : vector<16xi1> to vector<16xi32>
    %add3A_923 = arith.addi %add3A_897, %convert_element_type3A_922 : vector<16xi32>
    %get3A_924 = arith.constant 304 : index
    %get3A_925 = tpu.vector_load %arg13[%get3A_924] {strides = array<i32>} : memref<512xf32, #tpu.memory_space<vmem>>, vector<16xf32>,
    %slice3A_926 = vector.extract_strided_slice %get3A_925 {offsets = [0], sizes = [1], strides = [1]} : vector<16xf32> to vector<1xf32>
    %squeeze3A_927 = vector.extract %slice3A_926[0] : f32 from vector<1xf32>
    %gt3A_928 = vector.broadcast %squeeze3A_927 : f32 to vector<16xf32>
    %gt3A_929 = arith.cmpf ogt, %gt3A_928, %select_n3A_285 : vector<16xf32>
    %eq3A_930 = vector.broadcast %squeeze3A_927 : f32 to vector<16xf32>
    %eq3A_931 = arith.cmpf oeq, %eq3A_930, %select_n3A_285 : vector<16xf32>
    %gt3A_932 = arith.constant 19 : i32
    %gt3A_933 = vector.broadcast %gt3A_932 : i32 to vector<16xi32>
    %gt3A_934 = arith.cmpi sgt, %iota3A, %gt3A_933 : vector<16xi32>
    %and3A_935 = arith.andi %eq3A_931, %gt3A_934 : vector<16xi1>
    %or3A_936 = arith.ori %gt3A_929, %and3A_935 : vector<16xi1>
    %convert_element_type3A_937 = arith.extui %or3A_936 : vector<16xi1> to vector<16xi32>
    %add3A_938 = arith.addi %add3A_912, %convert_element_type3A_937 : vector<16xi32>
    %gt3A_939 = vector.broadcast %squeeze3A_927 : f32 to vector<16xf32>
    %gt3A_940 = arith.cmpf ogt, %gt3A_939, %select_n3A_429 : vector<16xf32>
    %eq3A_941 = vector.broadcast %squeeze3A_927 : f32 to vector<16xf32>
    %eq3A_942 = arith.cmpf oeq, %eq3A_941, %select_n3A_429 : vector<16xf32>
    %gt3A_943 = arith.constant 19 : i32
    %gt3A_944 = vector.broadcast %gt3A_943 : i32 to vector<16xi32>
    %gt3A_945 = arith.cmpi sgt, %add3A_137, %gt3A_944 : vector<16xi32>
    %and3A_946 = arith.andi %eq3A_942, %gt3A_945 : vector<16xi1>
    %or3A_947 = arith.ori %gt3A_940, %and3A_946 : vector<16xi1>
    %convert_element_type3A_948 = arith.extui %or3A_947 : vector<16xi1> to vector<16xi32>
    %add3A_949 = arith.addi %add3A_923, %convert_element_type3A_948 : vector<16xi32>
    %get3A_950 = arith.constant 320 : index
    %get3A_951 = tpu.vector_load %arg13[%get3A_950] {strides = array<i32>} : memref<512xf32, #tpu.memory_space<vmem>>, vector<16xf32>,
    %slice3A_952 = vector.extract_strided_slice %get3A_951 {offsets = [0], sizes = [1], strides = [1]} : vector<16xf32> to vector<1xf32>
    %squeeze3A_953 = vector.extract %slice3A_952[0] : f32 from vector<1xf32>
    %gt3A_954 = vector.broadcast %squeeze3A_953 : f32 to vector<16xf32>
    %gt3A_955 = arith.cmpf ogt, %gt3A_954, %select_n3A_285 : vector<16xf32>
    %eq3A_956 = vector.broadcast %squeeze3A_953 : f32 to vector<16xf32>
    %eq3A_957 = arith.cmpf oeq, %eq3A_956, %select_n3A_285 : vector<16xf32>
    %gt3A_958 = arith.constant 20 : i32
    %gt3A_959 = vector.broadcast %gt3A_958 : i32 to vector<16xi32>
    %gt3A_960 = arith.cmpi sgt, %iota3A, %gt3A_959 : vector<16xi32>
    %and3A_961 = arith.andi %eq3A_957, %gt3A_960 : vector<16xi1>
    %or3A_962 = arith.ori %gt3A_955, %and3A_961 : vector<16xi1>
    %convert_element_type3A_963 = arith.extui %or3A_962 : vector<16xi1> to vector<16xi32>
    %add3A_964 = arith.addi %add3A_938, %convert_element_type3A_963 : vector<16xi32>
    %gt3A_965 = vector.broadcast %squeeze3A_953 : f32 to vector<16xf32>
    %gt3A_966 = arith.cmpf ogt, %gt3A_965, %select_n3A_429 : vector<16xf32>
    %eq3A_967 = vector.broadcast %squeeze3A_953 : f32 to vector<16xf32>
    %eq3A_968 = arith.cmpf oeq, %eq3A_967, %select_n3A_429 : vector<16xf32>
    %gt3A_969 = arith.constant 20 : i32
    %gt3A_970 = vector.broadcast %gt3A_969 : i32 to vector<16xi32>
    %gt3A_971 = arith.cmpi sgt, %add3A_137, %gt3A_970 : vector<16xi32>
    %and3A_972 = arith.andi %eq3A_968, %gt3A_971 : vector<16xi1>
    %or3A_973 = arith.ori %gt3A_966, %and3A_972 : vector<16xi1>
    %convert_element_type3A_974 = arith.extui %or3A_973 : vector<16xi1> to vector<16xi32>
    %add3A_975 = arith.addi %add3A_949, %convert_element_type3A_974 : vector<16xi32>
    %get3A_976 = arith.constant 336 : index
    %get3A_977 = tpu.vector_load %arg13[%get3A_976] {strides = array<i32>} : memref<512xf32, #tpu.memory_space<vmem>>, vector<16xf32>,
    %slice3A_978 = vector.extract_strided_slice %get3A_977 {offsets = [0], sizes = [1], strides = [1]} : vector<16xf32> to vector<1xf32>
    %squeeze3A_979 = vector.extract %slice3A_978[0] : f32 from vector<1xf32>
    %gt3A_980 = vector.broadcast %squeeze3A_979 : f32 to vector<16xf32>
    %gt3A_981 = arith.cmpf ogt, %gt3A_980, %select_n3A_285 : vector<16xf32>
    %eq3A_982 = vector.broadcast %squeeze3A_979 : f32 to vector<16xf32>
    %eq3A_983 = arith.cmpf oeq, %eq3A_982, %select_n3A_285 : vector<16xf32>
    %gt3A_984 = arith.constant 21 : i32
    %gt3A_985 = vector.broadcast %gt3A_984 : i32 to vector<16xi32>
    %gt3A_986 = arith.cmpi sgt, %iota3A, %gt3A_985 : vector<16xi32>
    %and3A_987 = arith.andi %eq3A_983, %gt3A_986 : vector<16xi1>
    %or3A_988 = arith.ori %gt3A_981, %and3A_987 : vector<16xi1>
    %convert_element_type3A_989 = arith.extui %or3A_988 : vector<16xi1> to vector<16xi32>
    %add3A_990 = arith.addi %add3A_964, %convert_element_type3A_989 : vector<16xi32>
    %gt3A_991 = vector.broadcast %squeeze3A_979 : f32 to vector<16xf32>
    %gt3A_992 = arith.cmpf ogt, %gt3A_991, %select_n3A_429 : vector<16xf32>
    %eq3A_993 = vector.broadcast %squeeze3A_979 : f32 to vector<16xf32>
    %eq3A_994 = arith.cmpf oeq, %eq3A_993, %select_n3A_429 : vector<16xf32>
    %gt3A_995 = arith.constant 21 : i32
    %gt3A_996 = vector.broadcast %gt3A_995 : i32 to vector<16xi32>
    %gt3A_997 = arith.cmpi sgt, %add3A_137, %gt3A_996 : vector<16xi32>
    %and3A_998 = arith.andi %eq3A_994, %gt3A_997 : vector<16xi1>
    %or3A_999 = arith.ori %gt3A_992, %and3A_998 : vector<16xi1>
    %convert_element_type3A_1000 = arith.extui %or3A_999 : vector<16xi1> to vector<16xi32>
    %add3A_1001 = arith.addi %add3A_975, %convert_element_type3A_1000 : vector<16xi32>
    %get3A_1002 = arith.constant 352 : index
    %get3A_1003 = tpu.vector_load %arg13[%get3A_1002] {strides = array<i32>} : memref<512xf32, #tpu.memory_space<vmem>>, vector<16xf32>,
    %slice3A_1004 = vector.extract_strided_slice %get3A_1003 {offsets = [0], sizes = [1], strides = [1]} : vector<16xf32> to vector<1xf32>
    %squeeze3A_1005 = vector.extract %slice3A_1004[0] : f32 from vector<1xf32>
    %gt3A_1006 = vector.broadcast %squeeze3A_1005 : f32 to vector<16xf32>
    %gt3A_1007 = arith.cmpf ogt, %gt3A_1006, %select_n3A_285 : vector<16xf32>
    %eq3A_1008 = vector.broadcast %squeeze3A_1005 : f32 to vector<16xf32>
    %eq3A_1009 = arith.cmpf oeq, %eq3A_1008, %select_n3A_285 : vector<16xf32>
    %gt3A_1010 = arith.constant 22 : i32
    %gt3A_1011 = vector.broadcast %gt3A_1010 : i32 to vector<16xi32>
    %gt3A_1012 = arith.cmpi sgt, %iota3A, %gt3A_1011 : vector<16xi32>
    %and3A_1013 = arith.andi %eq3A_1009, %gt3A_1012 : vector<16xi1>
    %or3A_1014 = arith.ori %gt3A_1007, %and3A_1013 : vector<16xi1>
    %convert_element_type3A_1015 = arith.extui %or3A_1014 : vector<16xi1> to vector<16xi32>
    %add3A_1016 = arith.addi %add3A_990, %convert_element_type3A_1015 : vector<16xi32>
    %gt3A_1017 = vector.broadcast %squeeze3A_1005 : f32 to vector<16xf32>
    %gt3A_1018 = arith.cmpf ogt, %gt3A_1017, %select_n3A_429 : vector<16xf32>
    %eq3A_1019 = vector.broadcast %squeeze3A_1005 : f32 to vector<16xf32>
    %eq3A_1020 = arith.cmpf oeq, %eq3A_1019, %select_n3A_429 : vector<16xf32>
    %gt3A_1021 = arith.constant 22 : i32
    %gt3A_1022 = vector.broadcast %gt3A_1021 : i32 to vector<16xi32>
    %gt3A_1023 = arith.cmpi sgt, %add3A_137, %gt3A_1022 : vector<16xi32>
    %and3A_1024 = arith.andi %eq3A_1020, %gt3A_1023 : vector<16xi1>
    %or3A_1025 = arith.ori %gt3A_1018, %and3A_1024 : vector<16xi1>
    %convert_element_type3A_1026 = arith.extui %or3A_1025 : vector<16xi1> to vector<16xi32>
    %add3A_1027 = arith.addi %add3A_1001, %convert_element_type3A_1026 : vector<16xi32>
    %get3A_1028 = arith.constant 368 : index
    %get3A_1029 = tpu.vector_load %arg13[%get3A_1028] {strides = array<i32>} : memref<512xf32, #tpu.memory_space<vmem>>, vector<16xf32>,
    %slice3A_1030 = vector.extract_strided_slice %get3A_1029 {offsets = [0], sizes = [1], strides = [1]} : vector<16xf32> to vector<1xf32>
    %squeeze3A_1031 = vector.extract %slice3A_1030[0] : f32 from vector<1xf32>
    %gt3A_1032 = vector.broadcast %squeeze3A_1031 : f32 to vector<16xf32>
    %gt3A_1033 = arith.cmpf ogt, %gt3A_1032, %select_n3A_285 : vector<16xf32>
    %eq3A_1034 = vector.broadcast %squeeze3A_1031 : f32 to vector<16xf32>
    %eq3A_1035 = arith.cmpf oeq, %eq3A_1034, %select_n3A_285 : vector<16xf32>
    %gt3A_1036 = arith.constant 23 : i32
    %gt3A_1037 = vector.broadcast %gt3A_1036 : i32 to vector<16xi32>
    %gt3A_1038 = arith.cmpi sgt, %iota3A, %gt3A_1037 : vector<16xi32>
    %and3A_1039 = arith.andi %eq3A_1035, %gt3A_1038 : vector<16xi1>
    %or3A_1040 = arith.ori %gt3A_1033, %and3A_1039 : vector<16xi1>
    %convert_element_type3A_1041 = arith.extui %or3A_1040 : vector<16xi1> to vector<16xi32>
    %add3A_1042 = arith.addi %add3A_1016, %convert_element_type3A_1041 : vector<16xi32>
    %gt3A_1043 = vector.broadcast %squeeze3A_1031 : f32 to vector<16xf32>
    %gt3A_1044 = arith.cmpf ogt, %gt3A_1043, %select_n3A_429 : vector<16xf32>
    %eq3A_1045 = vector.broadcast %squeeze3A_1031 : f32 to vector<16xf32>
    %eq3A_1046 = arith.cmpf oeq, %eq3A_1045, %select_n3A_429 : vector<16xf32>
    %gt3A_1047 = arith.constant 23 : i32
    %gt3A_1048 = vector.broadcast %gt3A_1047 : i32 to vector<16xi32>
    %gt3A_1049 = arith.cmpi sgt, %add3A_137, %gt3A_1048 : vector<16xi32>
    %and3A_1050 = arith.andi %eq3A_1046, %gt3A_1049 : vector<16xi1>
    %or3A_1051 = arith.ori %gt3A_1044, %and3A_1050 : vector<16xi1>
    %convert_element_type3A_1052 = arith.extui %or3A_1051 : vector<16xi1> to vector<16xi32>
    %add3A_1053 = arith.addi %add3A_1027, %convert_element_type3A_1052 : vector<16xi32>
    %get3A_1054 = arith.constant 384 : index
    %get3A_1055 = tpu.vector_load %arg13[%get3A_1054] {strides = array<i32>} : memref<512xf32, #tpu.memory_space<vmem>>, vector<16xf32>,
    %slice3A_1056 = vector.extract_strided_slice %get3A_1055 {offsets = [0], sizes = [1], strides = [1]} : vector<16xf32> to vector<1xf32>
    %squeeze3A_1057 = vector.extract %slice3A_1056[0] : f32 from vector<1xf32>
    %gt3A_1058 = vector.broadcast %squeeze3A_1057 : f32 to vector<16xf32>
    %gt3A_1059 = arith.cmpf ogt, %gt3A_1058, %select_n3A_285 : vector<16xf32>
    %eq3A_1060 = vector.broadcast %squeeze3A_1057 : f32 to vector<16xf32>
    %eq3A_1061 = arith.cmpf oeq, %eq3A_1060, %select_n3A_285 : vector<16xf32>
    %gt3A_1062 = arith.constant 24 : i32
    %gt3A_1063 = vector.broadcast %gt3A_1062 : i32 to vector<16xi32>
    %gt3A_1064 = arith.cmpi sgt, %iota3A, %gt3A_1063 : vector<16xi32>
    %and3A_1065 = arith.andi %eq3A_1061, %gt3A_1064 : vector<16xi1>
    %or3A_1066 = arith.ori %gt3A_1059, %and3A_1065 : vector<16xi1>
    %convert_element_type3A_1067 = arith.extui %or3A_1066 : vector<16xi1> to vector<16xi32>
    %add3A_1068 = arith.addi %add3A_1042, %convert_element_type3A_1067 : vector<16xi32>
    %gt3A_1069 = vector.broadcast %squeeze3A_1057 : f32 to vector<16xf32>
    %gt3A_1070 = arith.cmpf ogt, %gt3A_1069, %select_n3A_429 : vector<16xf32>
    %eq3A_1071 = vector.broadcast %squeeze3A_1057 : f32 to vector<16xf32>
    %eq3A_1072 = arith.cmpf oeq, %eq3A_1071, %select_n3A_429 : vector<16xf32>
    %gt3A_1073 = arith.constant 24 : i32
    %gt3A_1074 = vector.broadcast %gt3A_1073 : i32 to vector<16xi32>
    %gt3A_1075 = arith.cmpi sgt, %add3A_137, %gt3A_1074 : vector<16xi32>
    %and3A_1076 = arith.andi %eq3A_1072, %gt3A_1075 : vector<16xi1>
    %or3A_1077 = arith.ori %gt3A_1070, %and3A_1076 : vector<16xi1>
    %convert_element_type3A_1078 = arith.extui %or3A_1077 : vector<16xi1> to vector<16xi32>
    %add3A_1079 = arith.addi %add3A_1053, %convert_element_type3A_1078 : vector<16xi32>
    %get3A_1080 = arith.constant 400 : index
    %get3A_1081 = tpu.vector_load %arg13[%get3A_1080] {strides = array<i32>} : memref<512xf32, #tpu.memory_space<vmem>>, vector<16xf32>,
    %slice3A_1082 = vector.extract_strided_slice %get3A_1081 {offsets = [0], sizes = [1], strides = [1]} : vector<16xf32> to vector<1xf32>
    %squeeze3A_1083 = vector.extract %slice3A_1082[0] : f32 from vector<1xf32>
    %gt3A_1084 = vector.broadcast %squeeze3A_1083 : f32 to vector<16xf32>
    %gt3A_1085 = arith.cmpf ogt, %gt3A_1084, %select_n3A_285 : vector<16xf32>
    %eq3A_1086 = vector.broadcast %squeeze3A_1083 : f32 to vector<16xf32>
    %eq3A_1087 = arith.cmpf oeq, %eq3A_1086, %select_n3A_285 : vector<16xf32>
    %gt3A_1088 = arith.constant 25 : i32
    %gt3A_1089 = vector.broadcast %gt3A_1088 : i32 to vector<16xi32>
    %gt3A_1090 = arith.cmpi sgt, %iota3A, %gt3A_1089 : vector<16xi32>
    %and3A_1091 = arith.andi %eq3A_1087, %gt3A_1090 : vector<16xi1>
    %or3A_1092 = arith.ori %gt3A_1085, %and3A_1091 : vector<16xi1>
    %convert_element_type3A_1093 = arith.extui %or3A_1092 : vector<16xi1> to vector<16xi32>
    %add3A_1094 = arith.addi %add3A_1068, %convert_element_type3A_1093 : vector<16xi32>
    %gt3A_1095 = vector.broadcast %squeeze3A_1083 : f32 to vector<16xf32>
    %gt3A_1096 = arith.cmpf ogt, %gt3A_1095, %select_n3A_429 : vector<16xf32>
    %eq3A_1097 = vector.broadcast %squeeze3A_1083 : f32 to vector<16xf32>
    %eq3A_1098 = arith.cmpf oeq, %eq3A_1097, %select_n3A_429 : vector<16xf32>
    %gt3A_1099 = arith.constant 25 : i32
    %gt3A_1100 = vector.broadcast %gt3A_1099 : i32 to vector<16xi32>
    %gt3A_1101 = arith.cmpi sgt, %add3A_137, %gt3A_1100 : vector<16xi32>
    %and3A_1102 = arith.andi %eq3A_1098, %gt3A_1101 : vector<16xi1>
    %or3A_1103 = arith.ori %gt3A_1096, %and3A_1102 : vector<16xi1>
    %convert_element_type3A_1104 = arith.extui %or3A_1103 : vector<16xi1> to vector<16xi32>
    %add3A_1105 = arith.addi %add3A_1079, %convert_element_type3A_1104 : vector<16xi32>
    %get3A_1106 = arith.constant 416 : index
    %get3A_1107 = tpu.vector_load %arg13[%get3A_1106] {strides = array<i32>} : memref<512xf32, #tpu.memory_space<vmem>>, vector<16xf32>,
    %slice3A_1108 = vector.extract_strided_slice %get3A_1107 {offsets = [0], sizes = [1], strides = [1]} : vector<16xf32> to vector<1xf32>
    %squeeze3A_1109 = vector.extract %slice3A_1108[0] : f32 from vector<1xf32>
    %gt3A_1110 = vector.broadcast %squeeze3A_1109 : f32 to vector<16xf32>
    %gt3A_1111 = arith.cmpf ogt, %gt3A_1110, %select_n3A_285 : vector<16xf32>
    %eq3A_1112 = vector.broadcast %squeeze3A_1109 : f32 to vector<16xf32>
    %eq3A_1113 = arith.cmpf oeq, %eq3A_1112, %select_n3A_285 : vector<16xf32>
    %gt3A_1114 = arith.constant 26 : i32
    %gt3A_1115 = vector.broadcast %gt3A_1114 : i32 to vector<16xi32>
    %gt3A_1116 = arith.cmpi sgt, %iota3A, %gt3A_1115 : vector<16xi32>
    %and3A_1117 = arith.andi %eq3A_1113, %gt3A_1116 : vector<16xi1>
    %or3A_1118 = arith.ori %gt3A_1111, %and3A_1117 : vector<16xi1>
    %convert_element_type3A_1119 = arith.extui %or3A_1118 : vector<16xi1> to vector<16xi32>
    %add3A_1120 = arith.addi %add3A_1094, %convert_element_type3A_1119 : vector<16xi32>
    %gt3A_1121 = vector.broadcast %squeeze3A_1109 : f32 to vector<16xf32>
    %gt3A_1122 = arith.cmpf ogt, %gt3A_1121, %select_n3A_429 : vector<16xf32>
    %eq3A_1123 = vector.broadcast %squeeze3A_1109 : f32 to vector<16xf32>
    %eq3A_1124 = arith.cmpf oeq, %eq3A_1123, %select_n3A_429 : vector<16xf32>
    %gt3A_1125 = arith.constant 26 : i32
    %gt3A_1126 = vector.broadcast %gt3A_1125 : i32 to vector<16xi32>
    %gt3A_1127 = arith.cmpi sgt, %add3A_137, %gt3A_1126 : vector<16xi32>
    %and3A_1128 = arith.andi %eq3A_1124, %gt3A_1127 : vector<16xi1>
    %or3A_1129 = arith.ori %gt3A_1122, %and3A_1128 : vector<16xi1>
    %convert_element_type3A_1130 = arith.extui %or3A_1129 : vector<16xi1> to vector<16xi32>
    %add3A_1131 = arith.addi %add3A_1105, %convert_element_type3A_1130 : vector<16xi32>
    %get3A_1132 = arith.constant 432 : index
    %get3A_1133 = tpu.vector_load %arg13[%get3A_1132] {strides = array<i32>} : memref<512xf32, #tpu.memory_space<vmem>>, vector<16xf32>,
    %slice3A_1134 = vector.extract_strided_slice %get3A_1133 {offsets = [0], sizes = [1], strides = [1]} : vector<16xf32> to vector<1xf32>
    %squeeze3A_1135 = vector.extract %slice3A_1134[0] : f32 from vector<1xf32>
    %gt3A_1136 = vector.broadcast %squeeze3A_1135 : f32 to vector<16xf32>
    %gt3A_1137 = arith.cmpf ogt, %gt3A_1136, %select_n3A_285 : vector<16xf32>
    %eq3A_1138 = vector.broadcast %squeeze3A_1135 : f32 to vector<16xf32>
    %eq3A_1139 = arith.cmpf oeq, %eq3A_1138, %select_n3A_285 : vector<16xf32>
    %gt3A_1140 = arith.constant 27 : i32
    %gt3A_1141 = vector.broadcast %gt3A_1140 : i32 to vector<16xi32>
    %gt3A_1142 = arith.cmpi sgt, %iota3A, %gt3A_1141 : vector<16xi32>
    %and3A_1143 = arith.andi %eq3A_1139, %gt3A_1142 : vector<16xi1>
    %or3A_1144 = arith.ori %gt3A_1137, %and3A_1143 : vector<16xi1>
    %convert_element_type3A_1145 = arith.extui %or3A_1144 : vector<16xi1> to vector<16xi32>
    %add3A_1146 = arith.addi %add3A_1120, %convert_element_type3A_1145 : vector<16xi32>
    %gt3A_1147 = vector.broadcast %squeeze3A_1135 : f32 to vector<16xf32>
    %gt3A_1148 = arith.cmpf ogt, %gt3A_1147, %select_n3A_429 : vector<16xf32>
    %eq3A_1149 = vector.broadcast %squeeze3A_1135 : f32 to vector<16xf32>
    %eq3A_1150 = arith.cmpf oeq, %eq3A_1149, %select_n3A_429 : vector<16xf32>
    %gt3A_1151 = arith.constant 27 : i32
    %gt3A_1152 = vector.broadcast %gt3A_1151 : i32 to vector<16xi32>
    %gt3A_1153 = arith.cmpi sgt, %add3A_137, %gt3A_1152 : vector<16xi32>
    %and3A_1154 = arith.andi %eq3A_1150, %gt3A_1153 : vector<16xi1>
    %or3A_1155 = arith.ori %gt3A_1148, %and3A_1154 : vector<16xi1>
    %convert_element_type3A_1156 = arith.extui %or3A_1155 : vector<16xi1> to vector<16xi32>
    %add3A_1157 = arith.addi %add3A_1131, %convert_element_type3A_1156 : vector<16xi32>
    %get3A_1158 = arith.constant 448 : index
    %get3A_1159 = tpu.vector_load %arg13[%get3A_1158] {strides = array<i32>} : memref<512xf32, #tpu.memory_space<vmem>>, vector<16xf32>,
    %slice3A_1160 = vector.extract_strided_slice %get3A_1159 {offsets = [0], sizes = [1], strides = [1]} : vector<16xf32> to vector<1xf32>
    %squeeze3A_1161 = vector.extract %slice3A_1160[0] : f32 from vector<1xf32>
    %gt3A_1162 = vector.broadcast %squeeze3A_1161 : f32 to vector<16xf32>
    %gt3A_1163 = arith.cmpf ogt, %gt3A_1162, %select_n3A_285 : vector<16xf32>
    %eq3A_1164 = vector.broadcast %squeeze3A_1161 : f32 to vector<16xf32>
    %eq3A_1165 = arith.cmpf oeq, %eq3A_1164, %select_n3A_285 : vector<16xf32>
    %gt3A_1166 = arith.constant 28 : i32
    %gt3A_1167 = vector.broadcast %gt3A_1166 : i32 to vector<16xi32>
    %gt3A_1168 = arith.cmpi sgt, %iota3A, %gt3A_1167 : vector<16xi32>
    %and3A_1169 = arith.andi %eq3A_1165, %gt3A_1168 : vector<16xi1>
    %or3A_1170 = arith.ori %gt3A_1163, %and3A_1169 : vector<16xi1>
    %convert_element_type3A_1171 = arith.extui %or3A_1170 : vector<16xi1> to vector<16xi32>
    %add3A_1172 = arith.addi %add3A_1146, %convert_element_type3A_1171 : vector<16xi32>
    %gt3A_1173 = vector.broadcast %squeeze3A_1161 : f32 to vector<16xf32>
    %gt3A_1174 = arith.cmpf ogt, %gt3A_1173, %select_n3A_429 : vector<16xf32>
    %eq3A_1175 = vector.broadcast %squeeze3A_1161 : f32 to vector<16xf32>
    %eq3A_1176 = arith.cmpf oeq, %eq3A_1175, %select_n3A_429 : vector<16xf32>
    %gt3A_1177 = arith.constant 28 : i32
    %gt3A_1178 = vector.broadcast %gt3A_1177 : i32 to vector<16xi32>
    %gt3A_1179 = arith.cmpi sgt, %add3A_137, %gt3A_1178 : vector<16xi32>
    %and3A_1180 = arith.andi %eq3A_1176, %gt3A_1179 : vector<16xi1>
    %or3A_1181 = arith.ori %gt3A_1174, %and3A_1180 : vector<16xi1>
    %convert_element_type3A_1182 = arith.extui %or3A_1181 : vector<16xi1> to vector<16xi32>
    %add3A_1183 = arith.addi %add3A_1157, %convert_element_type3A_1182 : vector<16xi32>
    %get3A_1184 = arith.constant 464 : index
    %get3A_1185 = tpu.vector_load %arg13[%get3A_1184] {strides = array<i32>} : memref<512xf32, #tpu.memory_space<vmem>>, vector<16xf32>,
    %slice3A_1186 = vector.extract_strided_slice %get3A_1185 {offsets = [0], sizes = [1], strides = [1]} : vector<16xf32> to vector<1xf32>
    %squeeze3A_1187 = vector.extract %slice3A_1186[0] : f32 from vector<1xf32>
    %gt3A_1188 = vector.broadcast %squeeze3A_1187 : f32 to vector<16xf32>
    %gt3A_1189 = arith.cmpf ogt, %gt3A_1188, %select_n3A_285 : vector<16xf32>
    %eq3A_1190 = vector.broadcast %squeeze3A_1187 : f32 to vector<16xf32>
    %eq3A_1191 = arith.cmpf oeq, %eq3A_1190, %select_n3A_285 : vector<16xf32>
    %gt3A_1192 = arith.constant 29 : i32
    %gt3A_1193 = vector.broadcast %gt3A_1192 : i32 to vector<16xi32>
    %gt3A_1194 = arith.cmpi sgt, %iota3A, %gt3A_1193 : vector<16xi32>
    %and3A_1195 = arith.andi %eq3A_1191, %gt3A_1194 : vector<16xi1>
    %or3A_1196 = arith.ori %gt3A_1189, %and3A_1195 : vector<16xi1>
    %convert_element_type3A_1197 = arith.extui %or3A_1196 : vector<16xi1> to vector<16xi32>
    %add3A_1198 = arith.addi %add3A_1172, %convert_element_type3A_1197 : vector<16xi32>
    %gt3A_1199 = vector.broadcast %squeeze3A_1187 : f32 to vector<16xf32>
    %gt3A_1200 = arith.cmpf ogt, %gt3A_1199, %select_n3A_429 : vector<16xf32>
    %eq3A_1201 = vector.broadcast %squeeze3A_1187 : f32 to vector<16xf32>
    %eq3A_1202 = arith.cmpf oeq, %eq3A_1201, %select_n3A_429 : vector<16xf32>
    %gt3A_1203 = arith.constant 29 : i32
    %gt3A_1204 = vector.broadcast %gt3A_1203 : i32 to vector<16xi32>
    %gt3A_1205 = arith.cmpi sgt, %add3A_137, %gt3A_1204 : vector<16xi32>
    %and3A_1206 = arith.andi %eq3A_1202, %gt3A_1205 : vector<16xi1>
    %or3A_1207 = arith.ori %gt3A_1200, %and3A_1206 : vector<16xi1>
    %convert_element_type3A_1208 = arith.extui %or3A_1207 : vector<16xi1> to vector<16xi32>
    %add3A_1209 = arith.addi %add3A_1183, %convert_element_type3A_1208 : vector<16xi32>
    %get3A_1210 = arith.constant 480 : index
    %get3A_1211 = tpu.vector_load %arg13[%get3A_1210] {strides = array<i32>} : memref<512xf32, #tpu.memory_space<vmem>>, vector<16xf32>,
    %slice3A_1212 = vector.extract_strided_slice %get3A_1211 {offsets = [0], sizes = [1], strides = [1]} : vector<16xf32> to vector<1xf32>
    %squeeze3A_1213 = vector.extract %slice3A_1212[0] : f32 from vector<1xf32>
    %gt3A_1214 = vector.broadcast %squeeze3A_1213 : f32 to vector<16xf32>
    %gt3A_1215 = arith.cmpf ogt, %gt3A_1214, %select_n3A_285 : vector<16xf32>
    %eq3A_1216 = vector.broadcast %squeeze3A_1213 : f32 to vector<16xf32>
    %eq3A_1217 = arith.cmpf oeq, %eq3A_1216, %select_n3A_285 : vector<16xf32>
    %gt3A_1218 = arith.constant 30 : i32
    %gt3A_1219 = vector.broadcast %gt3A_1218 : i32 to vector<16xi32>
    %gt3A_1220 = arith.cmpi sgt, %iota3A, %gt3A_1219 : vector<16xi32>
    %and3A_1221 = arith.andi %eq3A_1217, %gt3A_1220 : vector<16xi1>
    %or3A_1222 = arith.ori %gt3A_1215, %and3A_1221 : vector<16xi1>
    %convert_element_type3A_1223 = arith.extui %or3A_1222 : vector<16xi1> to vector<16xi32>
    %add3A_1224 = arith.addi %add3A_1198, %convert_element_type3A_1223 : vector<16xi32>
    %gt3A_1225 = vector.broadcast %squeeze3A_1213 : f32 to vector<16xf32>
    %gt3A_1226 = arith.cmpf ogt, %gt3A_1225, %select_n3A_429 : vector<16xf32>
    %eq3A_1227 = vector.broadcast %squeeze3A_1213 : f32 to vector<16xf32>
    %eq3A_1228 = arith.cmpf oeq, %eq3A_1227, %select_n3A_429 : vector<16xf32>
    %gt3A_1229 = arith.constant 30 : i32
    %gt3A_1230 = vector.broadcast %gt3A_1229 : i32 to vector<16xi32>
    %gt3A_1231 = arith.cmpi sgt, %add3A_137, %gt3A_1230 : vector<16xi32>
    %and3A_1232 = arith.andi %eq3A_1228, %gt3A_1231 : vector<16xi1>
    %or3A_1233 = arith.ori %gt3A_1226, %and3A_1232 : vector<16xi1>
    %convert_element_type3A_1234 = arith.extui %or3A_1233 : vector<16xi1> to vector<16xi32>
    %add3A_1235 = arith.addi %add3A_1209, %convert_element_type3A_1234 : vector<16xi32>
    %get3A_1236 = arith.constant 496 : index
    %get3A_1237 = tpu.vector_load %arg13[%get3A_1236] {strides = array<i32>} : memref<512xf32, #tpu.memory_space<vmem>>, vector<16xf32>,
    %slice3A_1238 = vector.extract_strided_slice %get3A_1237 {offsets = [0], sizes = [1], strides = [1]} : vector<16xf32> to vector<1xf32>
    %squeeze3A_1239 = vector.extract %slice3A_1238[0] : f32 from vector<1xf32>
    %gt3A_1240 = vector.broadcast %squeeze3A_1239 : f32 to vector<16xf32>
    %gt3A_1241 = arith.cmpf ogt, %gt3A_1240, %select_n3A_285 : vector<16xf32>
    %eq3A_1242 = vector.broadcast %squeeze3A_1239 : f32 to vector<16xf32>
    %eq3A_1243 = arith.cmpf oeq, %eq3A_1242, %select_n3A_285 : vector<16xf32>
    %gt3A_1244 = arith.constant 31 : i32
    %gt3A_1245 = vector.broadcast %gt3A_1244 : i32 to vector<16xi32>
    %gt3A_1246 = arith.cmpi sgt, %iota3A, %gt3A_1245 : vector<16xi32>
    %and3A_1247 = arith.andi %eq3A_1243, %gt3A_1246 : vector<16xi1>
    %or3A_1248 = arith.ori %gt3A_1241, %and3A_1247 : vector<16xi1>
    %convert_element_type3A_1249 = arith.extui %or3A_1248 : vector<16xi1> to vector<16xi32>
    %add3A_1250 = arith.addi %add3A_1224, %convert_element_type3A_1249 : vector<16xi32>
    %gt3A_1251 = vector.broadcast %squeeze3A_1239 : f32 to vector<16xf32>
    %gt3A_1252 = arith.cmpf ogt, %gt3A_1251, %select_n3A_429 : vector<16xf32>
    %eq3A_1253 = vector.broadcast %squeeze3A_1239 : f32 to vector<16xf32>
    %eq3A_1254 = arith.cmpf oeq, %eq3A_1253, %select_n3A_429 : vector<16xf32>
    %gt3A_1255 = arith.constant 31 : i32
    %gt3A_1256 = vector.broadcast %gt3A_1255 : i32 to vector<16xi32>
    %gt3A_1257 = arith.cmpi sgt, %add3A_137, %gt3A_1256 : vector<16xi32>
    %and3A_1258 = arith.andi %eq3A_1254, %gt3A_1257 : vector<16xi1>
    %or3A_1259 = arith.ori %gt3A_1252, %and3A_1258 : vector<16xi1>
    %convert_element_type3A_1260 = arith.extui %or3A_1259 : vector<16xi1> to vector<16xi32>
    %add3A_1261 = arith.addi %add3A_1235, %convert_element_type3A_1260 : vector<16xi32>
    %eq3A_1262 = arith.constant 0 : i32
    %eq3A_1263 = vector.broadcast %eq3A_1262 : i32 to vector<16xi32>
    %eq3A_1264 = arith.cmpi eq, %add3A_1250, %eq3A_1263 : vector<16xi32>
    %jit3A_1265 = arith.constant 0 : i32
    %broadcast_in_dim3A_1266 = vector.broadcast %jit3A_1265 : i32 to vector<16xi32>
    %select_n3A_1267 = arith.select %eq3A_1264, %iota3A, %broadcast_in_dim3A_1266 : vector<16xi1>, vector<16xi32>
    %reduce_sum3A_1268 = arith.constant true
    %reduce_sum3A_1269 = vector.broadcast %reduce_sum3A_1268 : i1 to vector<16xi1>
    %reduce_sum3A_1270 = tpu.scan <sum>, %select_n3A_1267 masked %reduce_sum3A_1269 : vector<16xi32>, vector<16xi1> -> vector<16xi32>
    %reduce_sum3A_1271 = vector.extract %reduce_sum3A_1270[15] : i32 from vector<16xi32>
    %eq3A_1272 = arith.constant 0 : i32
    %eq3A_1273 = vector.broadcast %eq3A_1272 : i32 to vector<16xi32>
    %eq3A_1274 = arith.cmpi eq, %add3A_1261, %eq3A_1273 : vector<16xi32>
    %jit3A_1275 = arith.constant 0 : i32
    %broadcast_in_dim3A_1276 = vector.broadcast %jit3A_1275 : i32 to vector<16xi32>
    %select_n3A_1277 = arith.select %eq3A_1274, %add3A_137, %broadcast_in_dim3A_1276 : vector<16xi1>, vector<16xi32>
    %reduce_sum3A_1278 = arith.constant true
    %reduce_sum3A_1279 = vector.broadcast %reduce_sum3A_1278 : i1 to vector<16xi1>
    %reduce_sum3A_1280 = tpu.scan <sum>, %select_n3A_1277 masked %reduce_sum3A_1279 : vector<16xi32>, vector<16xi1> -> vector<16xi32>
    %reduce_sum3A_1281 = vector.extract %reduce_sum3A_1280[15] : i32 from vector<16xi32>
    %add3A_1282 = arith.addi %reduce_sum3A_1271, %reduce_sum3A_1281 : i32
    %mul3A_1283 = arith.constant 32 : i32
    %mul3A_1284 = arith.muli %add3A_1282, %mul3A_1283 : i32
    %mul3A_1285 = arith.constant 768 : i32
    %mul3A_1286 = arith.muli %mul3A_1284, %mul3A_1285 : i32
    %mul3A_1287 = arith.constant 768 : i32
    %mul3A_1288 = arith.muli %add3A, %mul3A_1287 : i32
    %add3A_1289 = arith.addi %mul3A_1286, %mul3A_1288 : i32
    %dma_start3A = arith.constant 0 : i32
    %dma_start3A_1290 = tpu.memref_slice %arg14[%dma_start3A] : memref<3840xf32, #tpu.memory_space<vmem>> -> memref<768xf32, #tpu.memory_space<vmem>>
    %dma_start3A_1291 = tpu.memref_slice %arg6[%add3A_1289] : memref<786432xf32, #tpu.memory_space<hbm>> -> memref<768xf32, #tpu.memory_space<hbm>>
    %dma_start3A_1292 = arith.constant 0 : i32
    %dma_start3A_1293 = tpu.memref_slice %arg14[%dma_start3A_1292] : memref<3840xf32, #tpu.memory_space<vmem>> -> memref<768xf32, #tpu.memory_space<vmem>>
    %dma_start3A_1294 = tpu.memref_slice %arg6[%add3A_1289] : memref<786432xf32, #tpu.memory_space<hbm>> -> memref<768xf32, #tpu.memory_space<hbm>>
    tpu.enqueue_dma source(%dma_start3A_1294 : memref<768xf32, #tpu.memory_space<hbm>>) target(%dma_start3A_1293 : memref<768xf32, #tpu.memory_space<vmem>>) target_semaphore(%arg19 : memref<!tpu.dma_semaphore, #tpu.memory_space<semaphore_mem>>)
    %eq3A_1295 = arith.constant 1 : i32
    %eq3A_1296 = vector.broadcast %eq3A_1295 : i32 to vector<16xi32>
    %eq3A_1297 = arith.cmpi eq, %add3A_1250, %eq3A_1296 : vector<16xi32>
    %jit3A_1298 = arith.constant 0 : i32
    %broadcast_in_dim3A_1299 = vector.broadcast %jit3A_1298 : i32 to vector<16xi32>
    %select_n3A_1300 = arith.select %eq3A_1297, %iota3A, %broadcast_in_dim3A_1299 : vector<16xi1>, vector<16xi32>
    %reduce_sum3A_1301 = arith.constant true
    %reduce_sum3A_1302 = vector.broadcast %reduce_sum3A_1301 : i1 to vector<16xi1>
    %reduce_sum3A_1303 = tpu.scan <sum>, %select_n3A_1300 masked %reduce_sum3A_1302 : vector<16xi32>, vector<16xi1> -> vector<16xi32>
    %reduce_sum3A_1304 = vector.extract %reduce_sum3A_1303[15] : i32 from vector<16xi32>
    %eq3A_1305 = arith.constant 1 : i32
    %eq3A_1306 = vector.broadcast %eq3A_1305 : i32 to vector<16xi32>
    %eq3A_1307 = arith.cmpi eq, %add3A_1261, %eq3A_1306 : vector<16xi32>
    %jit3A_1308 = arith.constant 0 : i32
    %broadcast_in_dim3A_1309 = vector.broadcast %jit3A_1308 : i32 to vector<16xi32>
    %select_n3A_1310 = arith.select %eq3A_1307, %add3A_137, %broadcast_in_dim3A_1309 : vector<16xi1>, vector<16xi32>
    %reduce_sum3A_1311 = arith.constant true
    %reduce_sum3A_1312 = vector.broadcast %reduce_sum3A_1311 : i1 to vector<16xi1>
    %reduce_sum3A_1313 = tpu.scan <sum>, %select_n3A_1310 masked %reduce_sum3A_1312 : vector<16xi32>, vector<16xi1> -> vector<16xi32>
    %reduce_sum3A_1314 = vector.extract %reduce_sum3A_1313[15] : i32 from vector<16xi32>
    %add3A_1315 = arith.addi %reduce_sum3A_1304, %reduce_sum3A_1314 : i32
    %mul3A_1316 = arith.constant 32 : i32
    %mul3A_1317 = arith.muli %add3A_1315, %mul3A_1316 : i32
    %mul3A_1318 = arith.constant 768 : i32
    %mul3A_1319 = arith.muli %mul3A_1317, %mul3A_1318 : i32
    %mul3A_1320 = arith.constant 768 : i32
    %mul3A_1321 = arith.muli %add3A, %mul3A_1320 : i32
    %add3A_1322 = arith.addi %mul3A_1319, %mul3A_1321 : i32
    %dma_start3A_1323 = arith.constant 768 : i32
    %dma_start3A_1324 = tpu.memref_slice %arg14[%dma_start3A_1323] : memref<3840xf32, #tpu.memory_space<vmem>> -> memref<768xf32, #tpu.memory_space<vmem>>
    %dma_start3A_1325 = tpu.memref_slice %arg6[%add3A_1322] : memref<786432xf32, #tpu.memory_space<hbm>> -> memref<768xf32, #tpu.memory_space<hbm>>
    %dma_start3A_1326 = arith.constant 768 : i32
    %dma_start3A_1327 = tpu.memref_slice %arg14[%dma_start3A_1326] : memref<3840xf32, #tpu.memory_space<vmem>> -> memref<768xf32, #tpu.memory_space<vmem>>
    %dma_start3A_1328 = tpu.memref_slice %arg6[%add3A_1322] : memref<786432xf32, #tpu.memory_space<hbm>> -> memref<768xf32, #tpu.memory_space<hbm>>
    tpu.enqueue_dma source(%dma_start3A_1328 : memref<768xf32, #tpu.memory_space<hbm>>) target(%dma_start3A_1327 : memref<768xf32, #tpu.memory_space<vmem>>) target_semaphore(%arg19 : memref<!tpu.dma_semaphore, #tpu.memory_space<semaphore_mem>>)
    %eq3A_1329 = arith.constant 2 : i32
    %eq3A_1330 = vector.broadcast %eq3A_1329 : i32 to vector<16xi32>
    %eq3A_1331 = arith.cmpi eq, %add3A_1250, %eq3A_1330 : vector<16xi32>
    %jit3A_1332 = arith.constant 0 : i32
    %broadcast_in_dim3A_1333 = vector.broadcast %jit3A_1332 : i32 to vector<16xi32>
    %select_n3A_1334 = arith.select %eq3A_1331, %iota3A, %broadcast_in_dim3A_1333 : vector<16xi1>, vector<16xi32>
    %reduce_sum3A_1335 = arith.constant true
    %reduce_sum3A_1336 = vector.broadcast %reduce_sum3A_1335 : i1 to vector<16xi1>
    %reduce_sum3A_1337 = tpu.scan <sum>, %select_n3A_1334 masked %reduce_sum3A_1336 : vector<16xi32>, vector<16xi1> -> vector<16xi32>
    %reduce_sum3A_1338 = vector.extract %reduce_sum3A_1337[15] : i32 from vector<16xi32>
    %eq3A_1339 = arith.constant 2 : i32
    %eq3A_1340 = vector.broadcast %eq3A_1339 : i32 to vector<16xi32>
    %eq3A_1341 = arith.cmpi eq, %add3A_1261, %eq3A_1340 : vector<16xi32>
    %jit3A_1342 = arith.constant 0 : i32
    %broadcast_in_dim3A_1343 = vector.broadcast %jit3A_1342 : i32 to vector<16xi32>
    %select_n3A_1344 = arith.select %eq3A_1341, %add3A_137, %broadcast_in_dim3A_1343 : vector<16xi1>, vector<16xi32>
    %reduce_sum3A_1345 = arith.constant true
    %reduce_sum3A_1346 = vector.broadcast %reduce_sum3A_1345 : i1 to vector<16xi1>
    %reduce_sum3A_1347 = tpu.scan <sum>, %select_n3A_1344 masked %reduce_sum3A_1346 : vector<16xi32>, vector<16xi1> -> vector<16xi32>
    %reduce_sum3A_1348 = vector.extract %reduce_sum3A_1347[15] : i32 from vector<16xi32>
    %add3A_1349 = arith.addi %reduce_sum3A_1338, %reduce_sum3A_1348 : i32
    %mul3A_1350 = arith.constant 32 : i32
    %mul3A_1351 = arith.muli %add3A_1349, %mul3A_1350 : i32
    %mul3A_1352 = arith.constant 768 : i32
    %mul3A_1353 = arith.muli %mul3A_1351, %mul3A_1352 : i32
    %mul3A_1354 = arith.constant 768 : i32
    %mul3A_1355 = arith.muli %add3A, %mul3A_1354 : i32
    %add3A_1356 = arith.addi %mul3A_1353, %mul3A_1355 : i32
    %dma_start3A_1357 = arith.constant 1536 : i32
    %dma_start3A_1358 = tpu.memref_slice %arg14[%dma_start3A_1357] : memref<3840xf32, #tpu.memory_space<vmem>> -> memref<768xf32, #tpu.memory_space<vmem>>
    %dma_start3A_1359 = tpu.memref_slice %arg6[%add3A_1356] : memref<786432xf32, #tpu.memory_space<hbm>> -> memref<768xf32, #tpu.memory_space<hbm>>
    %dma_start3A_1360 = arith.constant 1536 : i32
    %dma_start3A_1361 = tpu.memref_slice %arg14[%dma_start3A_1360] : memref<3840xf32, #tpu.memory_space<vmem>> -> memref<768xf32, #tpu.memory_space<vmem>>
    %dma_start3A_1362 = tpu.memref_slice %arg6[%add3A_1356] : memref<786432xf32, #tpu.memory_space<hbm>> -> memref<768xf32, #tpu.memory_space<hbm>>
    tpu.enqueue_dma source(%dma_start3A_1362 : memref<768xf32, #tpu.memory_space<hbm>>) target(%dma_start3A_1361 : memref<768xf32, #tpu.memory_space<vmem>>) target_semaphore(%arg19 : memref<!tpu.dma_semaphore, #tpu.memory_space<semaphore_mem>>)
    %eq3A_1363 = arith.constant 3 : i32
    %eq3A_1364 = vector.broadcast %eq3A_1363 : i32 to vector<16xi32>
    %eq3A_1365 = arith.cmpi eq, %add3A_1250, %eq3A_1364 : vector<16xi32>
    %jit3A_1366 = arith.constant 0 : i32
    %broadcast_in_dim3A_1367 = vector.broadcast %jit3A_1366 : i32 to vector<16xi32>
    %select_n3A_1368 = arith.select %eq3A_1365, %iota3A, %broadcast_in_dim3A_1367 : vector<16xi1>, vector<16xi32>
    %reduce_sum3A_1369 = arith.constant true
    %reduce_sum3A_1370 = vector.broadcast %reduce_sum3A_1369 : i1 to vector<16xi1>
    %reduce_sum3A_1371 = tpu.scan <sum>, %select_n3A_1368 masked %reduce_sum3A_1370 : vector<16xi32>, vector<16xi1> -> vector<16xi32>
    %reduce_sum3A_1372 = vector.extract %reduce_sum3A_1371[15] : i32 from vector<16xi32>
    %eq3A_1373 = arith.constant 3 : i32
    %eq3A_1374 = vector.broadcast %eq3A_1373 : i32 to vector<16xi32>
    %eq3A_1375 = arith.cmpi eq, %add3A_1261, %eq3A_1374 : vector<16xi32>
    %jit3A_1376 = arith.constant 0 : i32
    %broadcast_in_dim3A_1377 = vector.broadcast %jit3A_1376 : i32 to vector<16xi32>
    %select_n3A_1378 = arith.select %eq3A_1375, %add3A_137, %broadcast_in_dim3A_1377 : vector<16xi1>, vector<16xi32>
    %reduce_sum3A_1379 = arith.constant true
    %reduce_sum3A_1380 = vector.broadcast %reduce_sum3A_1379 : i1 to vector<16xi1>
    %reduce_sum3A_1381 = tpu.scan <sum>, %select_n3A_1378 masked %reduce_sum3A_1380 : vector<16xi32>, vector<16xi1> -> vector<16xi32>
    %reduce_sum3A_1382 = vector.extract %reduce_sum3A_1381[15] : i32 from vector<16xi32>
    %add3A_1383 = arith.addi %reduce_sum3A_1372, %reduce_sum3A_1382 : i32
    %mul3A_1384 = arith.constant 32 : i32
    %mul3A_1385 = arith.muli %add3A_1383, %mul3A_1384 : i32
    %mul3A_1386 = arith.constant 768 : i32
    %mul3A_1387 = arith.muli %mul3A_1385, %mul3A_1386 : i32
    %mul3A_1388 = arith.constant 768 : i32
    %mul3A_1389 = arith.muli %add3A, %mul3A_1388 : i32
    %add3A_1390 = arith.addi %mul3A_1387, %mul3A_1389 : i32
    %dma_start3A_1391 = arith.constant 2304 : i32
    %dma_start3A_1392 = tpu.memref_slice %arg14[%dma_start3A_1391] : memref<3840xf32, #tpu.memory_space<vmem>> -> memref<768xf32, #tpu.memory_space<vmem>>
    %dma_start3A_1393 = tpu.memref_slice %arg6[%add3A_1390] : memref<786432xf32, #tpu.memory_space<hbm>> -> memref<768xf32, #tpu.memory_space<hbm>>
    %dma_start3A_1394 = arith.constant 2304 : i32
    %dma_start3A_1395 = tpu.memref_slice %arg14[%dma_start3A_1394] : memref<3840xf32, #tpu.memory_space<vmem>> -> memref<768xf32, #tpu.memory_space<vmem>>
    %dma_start3A_1396 = tpu.memref_slice %arg6[%add3A_1390] : memref<786432xf32, #tpu.memory_space<hbm>> -> memref<768xf32, #tpu.memory_space<hbm>>
    tpu.enqueue_dma source(%dma_start3A_1396 : memref<768xf32, #tpu.memory_space<hbm>>) target(%dma_start3A_1395 : memref<768xf32, #tpu.memory_space<vmem>>) target_semaphore(%arg19 : memref<!tpu.dma_semaphore, #tpu.memory_space<semaphore_mem>>)
    %eq3A_1397 = arith.constant 4 : i32
    %eq3A_1398 = vector.broadcast %eq3A_1397 : i32 to vector<16xi32>
    %eq3A_1399 = arith.cmpi eq, %add3A_1250, %eq3A_1398 : vector<16xi32>
    %jit3A_1400 = arith.constant 0 : i32
    %broadcast_in_dim3A_1401 = vector.broadcast %jit3A_1400 : i32 to vector<16xi32>
    %select_n3A_1402 = arith.select %eq3A_1399, %iota3A, %broadcast_in_dim3A_1401 : vector<16xi1>, vector<16xi32>
    %reduce_sum3A_1403 = arith.constant true
    %reduce_sum3A_1404 = vector.broadcast %reduce_sum3A_1403 : i1 to vector<16xi1>
    %reduce_sum3A_1405 = tpu.scan <sum>, %select_n3A_1402 masked %reduce_sum3A_1404 : vector<16xi32>, vector<16xi1> -> vector<16xi32>
    %reduce_sum3A_1406 = vector.extract %reduce_sum3A_1405[15] : i32 from vector<16xi32>
    %eq3A_1407 = arith.constant 4 : i32
    %eq3A_1408 = vector.broadcast %eq3A_1407 : i32 to vector<16xi32>
    %eq3A_1409 = arith.cmpi eq, %add3A_1261, %eq3A_1408 : vector<16xi32>
    %jit3A_1410 = arith.constant 0 : i32
    %broadcast_in_dim3A_1411 = vector.broadcast %jit3A_1410 : i32 to vector<16xi32>
    %select_n3A_1412 = arith.select %eq3A_1409, %add3A_137, %broadcast_in_dim3A_1411 : vector<16xi1>, vector<16xi32>
    %reduce_sum3A_1413 = arith.constant true
    %reduce_sum3A_1414 = vector.broadcast %reduce_sum3A_1413 : i1 to vector<16xi1>
    %reduce_sum3A_1415 = tpu.scan <sum>, %select_n3A_1412 masked %reduce_sum3A_1414 : vector<16xi32>, vector<16xi1> -> vector<16xi32>
    %reduce_sum3A_1416 = vector.extract %reduce_sum3A_1415[15] : i32 from vector<16xi32>
    %add3A_1417 = arith.addi %reduce_sum3A_1406, %reduce_sum3A_1416 : i32
    %mul3A_1418 = arith.constant 32 : i32
    %mul3A_1419 = arith.muli %add3A_1417, %mul3A_1418 : i32
    %mul3A_1420 = arith.constant 768 : i32
    %mul3A_1421 = arith.muli %mul3A_1419, %mul3A_1420 : i32
    %mul3A_1422 = arith.constant 768 : i32
    %mul3A_1423 = arith.muli %add3A, %mul3A_1422 : i32
    %add3A_1424 = arith.addi %mul3A_1421, %mul3A_1423 : i32
    %dma_start3A_1425 = arith.constant 3072 : i32
    %dma_start3A_1426 = tpu.memref_slice %arg14[%dma_start3A_1425] : memref<3840xf32, #tpu.memory_space<vmem>> -> memref<768xf32, #tpu.memory_space<vmem>>
    %dma_start3A_1427 = tpu.memref_slice %arg6[%add3A_1424] : memref<786432xf32, #tpu.memory_space<hbm>> -> memref<768xf32, #tpu.memory_space<hbm>>
    %dma_start3A_1428 = arith.constant 3072 : i32
    %dma_start3A_1429 = tpu.memref_slice %arg14[%dma_start3A_1428] : memref<3840xf32, #tpu.memory_space<vmem>> -> memref<768xf32, #tpu.memory_space<vmem>>
    %dma_start3A_1430 = tpu.memref_slice %arg6[%add3A_1424] : memref<786432xf32, #tpu.memory_space<hbm>> -> memref<768xf32, #tpu.memory_space<hbm>>
    tpu.enqueue_dma source(%dma_start3A_1430 : memref<768xf32, #tpu.memory_space<hbm>>) target(%dma_start3A_1429 : memref<768xf32, #tpu.memory_space<vmem>>) target_semaphore(%arg19 : memref<!tpu.dma_semaphore, #tpu.memory_space<semaphore_mem>>)
    %dma_wait3A = arith.constant 0 : i32
    %dma_wait3A_1431 = tpu.memref_slice %arg14[%dma_wait3A] : memref<3840xf32, #tpu.memory_space<vmem>> -> memref<768xf32, #tpu.memory_space<vmem>>
    %dma_wait3A_1432 = tpu.memref_slice %arg6[%add3A_1289] : memref<786432xf32, #tpu.memory_space<hbm>> -> memref<768xf32, #tpu.memory_space<hbm>>
    %dma_wait3A_1433 = arith.constant 0 : i32
    %dma_wait3A_1434 = tpu.memref_slice %arg14[%dma_wait3A_1433] : memref<3840xf32, #tpu.memory_space<vmem>> -> memref<768xf32, #tpu.memory_space<vmem>>
    %dma_wait3A_1435 = tpu.memref_slice %arg6[%add3A_1289] : memref<786432xf32, #tpu.memory_space<hbm>> -> memref<768xf32, #tpu.memory_space<hbm>>
    tpu.wait_dma2 semaphore(%arg19 : memref<!tpu.dma_semaphore, #tpu.memory_space<semaphore_mem>>) src(%dma_wait3A_1435 : memref<768xf32, #tpu.memory_space<hbm>>) dst(%dma_wait3A_1434 : memref<768xf32, #tpu.memory_space<vmem>>)
    %dma_wait3A_1436 = arith.constant 768 : i32
    %dma_wait3A_1437 = tpu.memref_slice %arg14[%dma_wait3A_1436] : memref<3840xf32, #tpu.memory_space<vmem>> -> memref<768xf32, #tpu.memory_space<vmem>>
    %dma_wait3A_1438 = tpu.memref_slice %arg6[%add3A_1322] : memref<786432xf32, #tpu.memory_space<hbm>> -> memref<768xf32, #tpu.memory_space<hbm>>
    %dma_wait3A_1439 = arith.constant 768 : i32
    %dma_wait3A_1440 = tpu.memref_slice %arg14[%dma_wait3A_1439] : memref<3840xf32, #tpu.memory_space<vmem>> -> memref<768xf32, #tpu.memory_space<vmem>>
    %dma_wait3A_1441 = tpu.memref_slice %arg6[%add3A_1322] : memref<786432xf32, #tpu.memory_space<hbm>> -> memref<768xf32, #tpu.memory_space<hbm>>
    tpu.wait_dma2 semaphore(%arg19 : memref<!tpu.dma_semaphore, #tpu.memory_space<semaphore_mem>>) src(%dma_wait3A_1441 : memref<768xf32, #tpu.memory_space<hbm>>) dst(%dma_wait3A_1440 : memref<768xf32, #tpu.memory_space<vmem>>)
    %dma_wait3A_1442 = arith.constant 1536 : i32
    %dma_wait3A_1443 = tpu.memref_slice %arg14[%dma_wait3A_1442] : memref<3840xf32, #tpu.memory_space<vmem>> -> memref<768xf32, #tpu.memory_space<vmem>>
    %dma_wait3A_1444 = tpu.memref_slice %arg6[%add3A_1356] : memref<786432xf32, #tpu.memory_space<hbm>> -> memref<768xf32, #tpu.memory_space<hbm>>
    %dma_wait3A_1445 = arith.constant 1536 : i32
    %dma_wait3A_1446 = tpu.memref_slice %arg14[%dma_wait3A_1445] : memref<3840xf32, #tpu.memory_space<vmem>> -> memref<768xf32, #tpu.memory_space<vmem>>
    %dma_wait3A_1447 = tpu.memref_slice %arg6[%add3A_1356] : memref<786432xf32, #tpu.memory_space<hbm>> -> memref<768xf32, #tpu.memory_space<hbm>>
    tpu.wait_dma2 semaphore(%arg19 : memref<!tpu.dma_semaphore, #tpu.memory_space<semaphore_mem>>) src(%dma_wait3A_1447 : memref<768xf32, #tpu.memory_space<hbm>>) dst(%dma_wait3A_1446 : memref<768xf32, #tpu.memory_space<vmem>>)
    %dma_wait3A_1448 = arith.constant 2304 : i32
    %dma_wait3A_1449 = tpu.memref_slice %arg14[%dma_wait3A_1448] : memref<3840xf32, #tpu.memory_space<vmem>> -> memref<768xf32, #tpu.memory_space<vmem>>
    %dma_wait3A_1450 = tpu.memref_slice %arg6[%add3A_1390] : memref<786432xf32, #tpu.memory_space<hbm>> -> memref<768xf32, #tpu.memory_space<hbm>>
    %dma_wait3A_1451 = arith.constant 2304 : i32
    %dma_wait3A_1452 = tpu.memref_slice %arg14[%dma_wait3A_1451] : memref<3840xf32, #tpu.memory_space<vmem>> -> memref<768xf32, #tpu.memory_space<vmem>>
    %dma_wait3A_1453 = tpu.memref_slice %arg6[%add3A_1390] : memref<786432xf32, #tpu.memory_space<hbm>> -> memref<768xf32, #tpu.memory_space<hbm>>
    tpu.wait_dma2 semaphore(%arg19 : memref<!tpu.dma_semaphore, #tpu.memory_space<semaphore_mem>>) src(%dma_wait3A_1453 : memref<768xf32, #tpu.memory_space<hbm>>) dst(%dma_wait3A_1452 : memref<768xf32, #tpu.memory_space<vmem>>)
    %dma_wait3A_1454 = arith.constant 3072 : i32
    %dma_wait3A_1455 = tpu.memref_slice %arg14[%dma_wait3A_1454] : memref<3840xf32, #tpu.memory_space<vmem>> -> memref<768xf32, #tpu.memory_space<vmem>>
    %dma_wait3A_1456 = tpu.memref_slice %arg6[%add3A_1424] : memref<786432xf32, #tpu.memory_space<hbm>> -> memref<768xf32, #tpu.memory_space<hbm>>
    %dma_wait3A_1457 = arith.constant 3072 : i32
    %dma_wait3A_1458 = tpu.memref_slice %arg14[%dma_wait3A_1457] : memref<3840xf32, #tpu.memory_space<vmem>> -> memref<768xf32, #tpu.memory_space<vmem>>
    %dma_wait3A_1459 = tpu.memref_slice %arg6[%add3A_1424] : memref<786432xf32, #tpu.memory_space<hbm>> -> memref<768xf32, #tpu.memory_space<hbm>>
    tpu.wait_dma2 semaphore(%arg19 : memref<!tpu.dma_semaphore, #tpu.memory_space<semaphore_mem>>) src(%dma_wait3A_1459 : memref<768xf32, #tpu.memory_space<hbm>>) dst(%dma_wait3A_1458 : memref<768xf32, #tpu.memory_space<vmem>>)
    %scan3A_1460 = arith.constant 0 : i32
    %scan3A_1461 = arith.constant 48 : i32
    %scan3A_1462 = arith.addi %scan3A_1460, %scan3A_1461 : i32
    %scan3A_1463 = arith.constant 1 : i32
    %scan3A_1464:5 = scf.for %scan3A_1547 = %scan3A_1460 to %scan3A_1462 step %scan3A_1463 iter_args(%scan3A_1548 = %broadcast_in_dim3A_7, %scan3A_1549 = %broadcast_in_dim3A_7, %scan3A_1550 = %broadcast_in_dim3A_7, %scan3A_1551 = %broadcast_in_dim3A_7, %scan3A_1552 = %broadcast_in_dim3A_7) -> (vector<16xf32>, vector<16xf32>, vector<16xf32>, vector<16xf32>, vector<16xf32>)  : i32 {
      %mul3A_1553 = arith.constant 16 : i32
      %mul3A_1554 = arith.muli %scan3A_1547, %mul3A_1553 : i32
      %get3A_1555 = arith.index_cast %mul3A_1554 : i32 to index
      %get3A_1556 = tpu.vector_load %arg12[%get3A_1555] {strides = array<i32>} : memref<768xf32, #tpu.memory_space<vmem>>, vector<16xf32>,
      %mul3A_1557 = arith.constant 16 : i32
      %mul3A_1558 = arith.muli %scan3A_1547, %mul3A_1557 : i32
      %add3A_1559 = arith.constant 0 : i32
      %add3A_1560 = arith.addi %add3A_1559, %mul3A_1558 : i32
      %get3A_1561 = arith.index_cast %add3A_1560 : i32 to index
      %get3A_1562 = tpu.vector_load %arg14[%get3A_1561] {strides = array<i32>} : memref<3840xf32, #tpu.memory_space<vmem>>, vector<16xf32>,
      %mul3A_1563 = arith.mulf %get3A_1562, %get3A_1556 : vector<16xf32>
      %add3A_1564 = arith.addf %scan3A_1548, %mul3A_1563 : vector<16xf32>
      %mul3A_1565 = arith.constant 16 : i32
      %mul3A_1566 = arith.muli %scan3A_1547, %mul3A_1565 : i32
      %add3A_1567 = arith.constant 768 : i32
      %add3A_1568 = arith.addi %add3A_1567, %mul3A_1566 : i32
      %get3A_1569 = arith.index_cast %add3A_1568 : i32 to index
      %get3A_1570 = tpu.vector_load %arg14[%get3A_1569] {strides = array<i32>} : memref<3840xf32, #tpu.memory_space<vmem>>, vector<16xf32>,
      %mul3A_1571 = arith.mulf %get3A_1570, %get3A_1556 : vector<16xf32>
      %add3A_1572 = arith.addf %scan3A_1549, %mul3A_1571 : vector<16xf32>
      %mul3A_1573 = arith.constant 16 : i32
      %mul3A_1574 = arith.muli %scan3A_1547, %mul3A_1573 : i32
      %add3A_1575 = arith.constant 1536 : i32
      %add3A_1576 = arith.addi %add3A_1575, %mul3A_1574 : i32
      %get3A_1577 = arith.index_cast %add3A_1576 : i32 to index
      %get3A_1578 = tpu.vector_load %arg14[%get3A_1577] {strides = array<i32>} : memref<3840xf32, #tpu.memory_space<vmem>>, vector<16xf32>,
      %mul3A_1579 = arith.mulf %get3A_1578, %get3A_1556 : vector<16xf32>
      %add3A_1580 = arith.addf %scan3A_1550, %mul3A_1579 : vector<16xf32>
      %mul3A_1581 = arith.constant 16 : i32
      %mul3A_1582 = arith.muli %scan3A_1547, %mul3A_1581 : i32
      %add3A_1583 = arith.constant 2304 : i32
      %add3A_1584 = arith.addi %add3A_1583, %mul3A_1582 : i32
      %get3A_1585 = arith.index_cast %add3A_1584 : i32 to index
      %get3A_1586 = tpu.vector_load %arg14[%get3A_1585] {strides = array<i32>} : memref<3840xf32, #tpu.memory_space<vmem>>, vector<16xf32>,
      %mul3A_1587 = arith.mulf %get3A_1586, %get3A_1556 : vector<16xf32>
      %add3A_1588 = arith.addf %scan3A_1551, %mul3A_1587 : vector<16xf32>
      %mul3A_1589 = arith.constant 16 : i32
      %mul3A_1590 = arith.muli %scan3A_1547, %mul3A_1589 : i32
      %add3A_1591 = arith.constant 3072 : i32
      %add3A_1592 = arith.addi %add3A_1591, %mul3A_1590 : i32
      %get3A_1593 = arith.index_cast %add3A_1592 : i32 to index
      %get3A_1594 = tpu.vector_load %arg14[%get3A_1593] {strides = array<i32>} : memref<3840xf32, #tpu.memory_space<vmem>>, vector<16xf32>,
      %mul3A_1595 = arith.mulf %get3A_1594, %get3A_1556 : vector<16xf32>
      %add3A_1596 = arith.addf %scan3A_1552, %mul3A_1595 : vector<16xf32>
      scf.yield %add3A_1564, %add3A_1572, %add3A_1580, %add3A_1588, %add3A_1596 : vector<16xf32>, vector<16xf32>, vector<16xf32>, vector<16xf32>, vector<16xf32>
    }
    %scan3A_1465 = arith.constant 48 : i32
    %reduce_sum3A_1466 = arith.constant true
    %reduce_sum3A_1467 = vector.broadcast %reduce_sum3A_1466 : i1 to vector<16xi1>
    %reduce_sum3A_1468 = tpu.scan <sum>, %scan3A_1464#0 masked %reduce_sum3A_1467 : vector<16xf32>, vector<16xi1> -> vector<16xf32>
    %reduce_sum3A_1469 = vector.extract %reduce_sum3A_1468[15] : f32 from vector<16xf32>
    %add3A_1470 = arith.addf %reduce_sum3A_1469, %squeeze3A : f32
    %neg3A = arith.constant 0.000000e+00 : f32
    %neg3A_1471 = arith.subf %neg3A, %add3A_1470 : f32
    %broadcast_in_dim3A_1472 = vector.broadcast %neg3A_1471 : f32 to vector<16xf32>
    %exp3A = math.exp %broadcast_in_dim3A_1472 : vector<16xf32>
    %add3A_1473 = arith.constant 1.000000e+00 : f32
    %add3A_1474 = vector.broadcast %add3A_1473 : f32 to vector<16xf32>
    %add3A_1475 = arith.addf %add3A_1474, %exp3A : vector<16xf32>
    %div3A = arith.constant 1.000000e+00 : f32
    %div3A_1476 = vector.broadcast %div3A : f32 to vector<16xf32>
    %div3A_1477 = arith.divf %div3A_1476, %add3A_1475 : vector<16xf32>
    %reduce_sum3A_1478 = arith.constant true
    %reduce_sum3A_1479 = vector.broadcast %reduce_sum3A_1478 : i1 to vector<16xi1>
    %reduce_sum3A_1480 = tpu.scan <sum>, %scan3A_1464#1 masked %reduce_sum3A_1479 : vector<16xf32>, vector<16xi1> -> vector<16xf32>
    %reduce_sum3A_1481 = vector.extract %reduce_sum3A_1480[15] : f32 from vector<16xf32>
    %add3A_1482 = arith.addf %reduce_sum3A_1481, %squeeze3A : f32
    %neg3A_1483 = arith.constant 0.000000e+00 : f32
    %neg3A_1484 = arith.subf %neg3A_1483, %add3A_1482 : f32
    %broadcast_in_dim3A_1485 = vector.broadcast %neg3A_1484 : f32 to vector<16xf32>
    %exp3A_1486 = math.exp %broadcast_in_dim3A_1485 : vector<16xf32>
    %add3A_1487 = arith.constant 1.000000e+00 : f32
    %add3A_1488 = vector.broadcast %add3A_1487 : f32 to vector<16xf32>
    %add3A_1489 = arith.addf %add3A_1488, %exp3A_1486 : vector<16xf32>
    %div3A_1490 = arith.constant 1.000000e+00 : f32
    %div3A_1491 = vector.broadcast %div3A_1490 : f32 to vector<16xf32>
    %div3A_1492 = arith.divf %div3A_1491, %add3A_1489 : vector<16xf32>
    %reduce_sum3A_1493 = arith.constant true
    %reduce_sum3A_1494 = vector.broadcast %reduce_sum3A_1493 : i1 to vector<16xi1>
    %reduce_sum3A_1495 = tpu.scan <sum>, %scan3A_1464#2 masked %reduce_sum3A_1494 : vector<16xf32>, vector<16xi1> -> vector<16xf32>
    %reduce_sum3A_1496 = vector.extract %reduce_sum3A_1495[15] : f32 from vector<16xf32>
    %add3A_1497 = arith.addf %reduce_sum3A_1496, %squeeze3A : f32
    %neg3A_1498 = arith.constant 0.000000e+00 : f32
    %neg3A_1499 = arith.subf %neg3A_1498, %add3A_1497 : f32
    %broadcast_in_dim3A_1500 = vector.broadcast %neg3A_1499 : f32 to vector<16xf32>
    %exp3A_1501 = math.exp %broadcast_in_dim3A_1500 : vector<16xf32>
    %add3A_1502 = arith.constant 1.000000e+00 : f32
    %add3A_1503 = vector.broadcast %add3A_1502 : f32 to vector<16xf32>
    %add3A_1504 = arith.addf %add3A_1503, %exp3A_1501 : vector<16xf32>
    %div3A_1505 = arith.constant 1.000000e+00 : f32
    %div3A_1506 = vector.broadcast %div3A_1505 : f32 to vector<16xf32>
    %div3A_1507 = arith.divf %div3A_1506, %add3A_1504 : vector<16xf32>
    %reduce_sum3A_1508 = arith.constant true
    %reduce_sum3A_1509 = vector.broadcast %reduce_sum3A_1508 : i1 to vector<16xi1>
    %reduce_sum3A_1510 = tpu.scan <sum>, %scan3A_1464#3 masked %reduce_sum3A_1509 : vector<16xf32>, vector<16xi1> -> vector<16xf32>
    %reduce_sum3A_1511 = vector.extract %reduce_sum3A_1510[15] : f32 from vector<16xf32>
    %add3A_1512 = arith.addf %reduce_sum3A_1511, %squeeze3A : f32
    %neg3A_1513 = arith.constant 0.000000e+00 : f32
    %neg3A_1514 = arith.subf %neg3A_1513, %add3A_1512 : f32
    %broadcast_in_dim3A_1515 = vector.broadcast %neg3A_1514 : f32 to vector<16xf32>
    %exp3A_1516 = math.exp %broadcast_in_dim3A_1515 : vector<16xf32>
    %add3A_1517 = arith.constant 1.000000e+00 : f32
    %add3A_1518 = vector.broadcast %add3A_1517 : f32 to vector<16xf32>
    %add3A_1519 = arith.addf %add3A_1518, %exp3A_1516 : vector<16xf32>
    %div3A_1520 = arith.constant 1.000000e+00 : f32
    %div3A_1521 = vector.broadcast %div3A_1520 : f32 to vector<16xf32>
    %div3A_1522 = arith.divf %div3A_1521, %add3A_1519 : vector<16xf32>
    %reduce_sum3A_1523 = arith.constant true
    %reduce_sum3A_1524 = vector.broadcast %reduce_sum3A_1523 : i1 to vector<16xi1>
    %reduce_sum3A_1525 = tpu.scan <sum>, %scan3A_1464#4 masked %reduce_sum3A_1524 : vector<16xf32>, vector<16xi1> -> vector<16xf32>
    %reduce_sum3A_1526 = vector.extract %reduce_sum3A_1525[15] : f32 from vector<16xf32>
    %add3A_1527 = arith.addf %reduce_sum3A_1526, %squeeze3A : f32
    %neg3A_1528 = arith.constant 0.000000e+00 : f32
    %neg3A_1529 = arith.subf %neg3A_1528, %add3A_1527 : f32
    %broadcast_in_dim3A_1530 = vector.broadcast %neg3A_1529 : f32 to vector<16xf32>
    %exp3A_1531 = math.exp %broadcast_in_dim3A_1530 : vector<16xf32>
    %add3A_1532 = arith.constant 1.000000e+00 : f32
    %add3A_1533 = vector.broadcast %add3A_1532 : f32 to vector<16xf32>
    %add3A_1534 = arith.addf %add3A_1533, %exp3A_1531 : vector<16xf32>
    %div3A_1535 = arith.constant 1.000000e+00 : f32
    %div3A_1536 = vector.broadcast %div3A_1535 : f32 to vector<16xf32>
    %div3A_1537 = arith.divf %div3A_1536, %add3A_1534 : vector<16xf32>
    %scan3A_1538 = arith.constant 0 : i32
    %scan3A_1539 = arith.constant 0 : i32
    %scan3A_1540 = arith.constant 48 : i32
    %scan3A_1541 = arith.addi %scan3A_1539, %scan3A_1540 : i32
    %scan3A_1542 = arith.constant 1 : i32
    %scan3A_1543 = scf.for %scan3A_1547 = %scan3A_1539 to %scan3A_1541 step %scan3A_1542 iter_args(%scan3A_1548 = %scan3A_1538) -> (i32)  : i32 {
      %mul3A_1549 = arith.constant 16 : i32
      %mul3A_1550 = arith.muli %scan3A_1547, %mul3A_1549 : i32
      %get3A_1551 = arith.index_cast %mul3A_1550 : i32 to index
      %get3A_1552 = tpu.vector_load %arg14[%get3A_1551] {strides = array<i32>} : memref<3840xf32, #tpu.memory_space<vmem>>, vector<16xf32>,
      %mul3A_1553 = arith.mulf %div3A_1477, %get3A_1552 : vector<16xf32>
      %mul3A_1554 = arith.constant 16 : i32
      %mul3A_1555 = arith.muli %scan3A_1547, %mul3A_1554 : i32
      %add3A_1556 = arith.constant 768 : i32
      %add3A_1557 = arith.addi %add3A_1556, %mul3A_1555 : i32
      %get3A_1558 = arith.index_cast %add3A_1557 : i32 to index
      %get3A_1559 = tpu.vector_load %arg14[%get3A_1558] {strides = array<i32>} : memref<3840xf32, #tpu.memory_space<vmem>>, vector<16xf32>,
      %mul3A_1560 = arith.mulf %div3A_1492, %get3A_1559 : vector<16xf32>
      %add3A_1561 = arith.addf %mul3A_1553, %mul3A_1560 : vector<16xf32>
      %mul3A_1562 = arith.constant 16 : i32
      %mul3A_1563 = arith.muli %scan3A_1547, %mul3A_1562 : i32
      %add3A_1564 = arith.constant 1536 : i32
      %add3A_1565 = arith.addi %add3A_1564, %mul3A_1563 : i32
      %get3A_1566 = arith.index_cast %add3A_1565 : i32 to index
      %get3A_1567 = tpu.vector_load %arg14[%get3A_1566] {strides = array<i32>} : memref<3840xf32, #tpu.memory_space<vmem>>, vector<16xf32>,
      %mul3A_1568 = arith.mulf %div3A_1507, %get3A_1567 : vector<16xf32>
      %add3A_1569 = arith.addf %add3A_1561, %mul3A_1568 : vector<16xf32>
      %mul3A_1570 = arith.constant 16 : i32
      %mul3A_1571 = arith.muli %scan3A_1547, %mul3A_1570 : i32
      %add3A_1572 = arith.constant 2304 : i32
      %add3A_1573 = arith.addi %add3A_1572, %mul3A_1571 : i32
      %get3A_1574 = arith.index_cast %add3A_1573 : i32 to index
      %get3A_1575 = tpu.vector_load %arg14[%get3A_1574] {strides = array<i32>} : memref<3840xf32, #tpu.memory_space<vmem>>, vector<16xf32>,
      %mul3A_1576 = arith.mulf %div3A_1522, %get3A_1575 : vector<16xf32>
      %add3A_1577 = arith.addf %add3A_1569, %mul3A_1576 : vector<16xf32>
      %mul3A_1578 = arith.constant 16 : i32
      %mul3A_1579 = arith.muli %scan3A_1547, %mul3A_1578 : i32
      %add3A_1580 = arith.constant 3072 : i32
      %add3A_1581 = arith.addi %add3A_1580, %mul3A_1579 : i32
      %get3A_1582 = arith.index_cast %add3A_1581 : i32 to index
      %get3A_1583 = tpu.vector_load %arg14[%get3A_1582] {strides = array<i32>} : memref<3840xf32, #tpu.memory_space<vmem>>, vector<16xf32>,
      %mul3A_1584 = arith.mulf %div3A_1537, %get3A_1583 : vector<16xf32>
      %add3A_1585 = arith.addf %add3A_1577, %mul3A_1584 : vector<16xf32>
      %mul3A_1586 = arith.constant 16 : i32
      %mul3A_1587 = arith.muli %scan3A_1547, %mul3A_1586 : i32
      %swap3A_1588 = arith.index_cast %mul3A_1587 : i32 to index
      %swap3A_1589 = tpu.vector_load %arg15[%swap3A_1588] {strides = array<i32>} : memref<768xf32, #tpu.memory_space<vmem>>, vector<16xf32>,
      tpu.vector_store %arg15[%swap3A_1588], %add3A_1585 {strides = array<i32>} : memref<768xf32, #tpu.memory_space<vmem>>, vector<16xf32>,
      %scan3A_1590 = arith.constant 0 : i32
      scf.yield %scan3A_1590 : i32
    }
    %scan3A_1544 = arith.constant 48 : i32
    %mul3A_1545 = arith.constant 768 : i32
    %mul3A_1546 = arith.muli %add3A, %mul3A_1545 : i32
    "tpu.region"() ({
      %run_scoped3A = tpu.sem_alloc : memref<!tpu.dma_semaphore, #tpu.memory_space<semaphore_mem>>
      %dma_start3A_1547 = tpu.memref_slice %arg7[%mul3A_1546] : memref<24576xf32, #tpu.memory_space<hbm>> -> memref<768xf32, #tpu.memory_space<hbm>>
      %dma_start3A_1548 = tpu.memref_slice %arg7[%mul3A_1546] : memref<24576xf32, #tpu.memory_space<hbm>> -> memref<768xf32, #tpu.memory_space<hbm>>
      tpu.enqueue_dma source(%arg15 : memref<768xf32, #tpu.memory_space<vmem>>) target(%dma_start3A_1548 : memref<768xf32, #tpu.memory_space<hbm>>) target_semaphore(%run_scoped3A : memref<!tpu.dma_semaphore, #tpu.memory_space<semaphore_mem>>)
      %dma_wait3A_1549 = tpu.memref_slice %arg7[%mul3A_1546] : memref<24576xf32, #tpu.memory_space<hbm>> -> memref<768xf32, #tpu.memory_space<hbm>>
      %dma_wait3A_1550 = tpu.memref_slice %arg7[%mul3A_1546] : memref<24576xf32, #tpu.memory_space<hbm>> -> memref<768xf32, #tpu.memory_space<hbm>>
      tpu.wait_dma2 semaphore(%run_scoped3A : memref<!tpu.dma_semaphore, #tpu.memory_space<semaphore_mem>>) src(%arg15 : memref<768xf32, #tpu.memory_space<vmem>>) dst(%dma_wait3A_1550 : memref<768xf32, #tpu.memory_space<hbm>>)
      tpu.yield
    }) : () -> ()
    return
  }
}

module attributes {stable_mosaic.version = 14 : i64} {
  func.func @_tc_body(%arg0: memref<32x768xf32, #tpu.memory_space<vmem>>, %arg1: memref<32x768xf32, #tpu.memory_space<vmem>>, %arg2: memref<100x1x768xf32, #tpu.memory_space<vmem>>, %arg3: memref<100x12x768xf32, #tpu.memory_space<vmem>>, %arg4: memref<32x768xf32, #tpu.memory_space<vmem>>, %arg5: memref<32x32x768xf32, #tpu.memory_space<hbm>>, %arg6: memref<100x77x768xf32, #tpu.memory_space<hbm>>, %arg7: memref<32x32x768xf32, #tpu.memory_space<hbm>>, %arg8: memref<32x768xf32, #tpu.memory_space<hbm>>, %arg9: memref<4x4x77x768xf32, #tpu.memory_space<vmem>>, %arg10: memref<32x32x768xf32, #tpu.memory_space<vmem>>, %arg11: memref<!tpu.dma_semaphore, #tpu.memory_space<semaphore_mem>>, %arg12: memref<!tpu.dma_semaphore, #tpu.memory_space<semaphore_mem>>, %arg13: memref<4x!tpu.dma_semaphore, #tpu.memory_space<semaphore_mem>>) attributes {dimension_semantics = [], scalar_prefetch = 0 : i64, scratch_operands = 5 : i64, tpu.core_type = #tpu.core_type<tc>} {
    tpu.enqueue_dma source(%arg5 : memref<32x32x768xf32, #tpu.memory_space<hbm>>) target(%arg10 : memref<32x32x768xf32, #tpu.memory_space<vmem>>) target_semaphore(%arg11 : memref<!tpu.dma_semaphore, #tpu.memory_space<semaphore_mem>>)
    tpu.enqueue_dma source(%arg0 : memref<32x768xf32, #tpu.memory_space<vmem>>) target(%arg8 : memref<32x768xf32, #tpu.memory_space<hbm>>) target_semaphore(%arg12 : memref<!tpu.dma_semaphore, #tpu.memory_space<semaphore_mem>>)
    %get3A = arith.constant 0 : index
    %get3A_0 = arith.constant 0 : index
    %get3A_1 = vector.load %arg4[%get3A, %get3A_0] : memref<32x768xf32, #tpu.memory_space<vmem>>, vector<32x768xf32>
    %get3A_2 = arith.constant 0 : index
    %get3A_3 = arith.constant 0 : index
    %get3A_4 = vector.load %arg1[%get3A_2, %get3A_3] : memref<32x768xf32, #tpu.memory_space<vmem>>, vector<32x768xf32>
    %concatenate3A = tpu.concatenate %get3A_1, %get3A_4 in 0 : vector<32x768xf32>, vector<32x768xf32> -> vector<64x768xf32>
    %broadcast_in_dim3A = vector.shape_cast %concatenate3A : vector<64x768xf32> to vector<1x64x768xf32>
    %broadcast_in_dim3A_5 = vector.shape_cast %broadcast_in_dim3A : vector<1x64x768xf32> to vector<1x64x768xf32>
    %broadcast_in_dim3A_6 = vector.broadcast %broadcast_in_dim3A_5 : vector<1x64x768xf32> to vector<4x64x768xf32>
    %swap3A = arith.constant 0 : index
    %swap3A_7 = arith.constant 0 : index
    %swap3A_8 = arith.constant 1 : index
    %swap3A_9 = arith.constant 0 : index
    %swap3A_10 = vector.load %arg9[%swap3A, %swap3A_7, %swap3A_8, %swap3A_9] : memref<4x4x77x768xf32, #tpu.memory_space<vmem>>, vector<1x4x64x768xf32>
    %swap3A_11 = vector.shape_cast %swap3A_10 : vector<1x4x64x768xf32> to vector<4x64x768xf32>
    %swap3A_12 = vector.shape_cast %broadcast_in_dim3A_6 : vector<4x64x768xf32> to vector<1x4x64x768xf32>
    tpu.vector_store %arg9[%swap3A, %swap3A_7, %swap3A_8, %swap3A_9], %swap3A_12 {strides = array<i32>} : memref<4x4x77x768xf32, #tpu.memory_space<vmem>>, vector<1x4x64x768xf32>,
    %swap3A_13 = arith.constant 1 : index
    %swap3A_14 = arith.constant 0 : index
    %swap3A_15 = arith.constant 1 : index
    %swap3A_16 = arith.constant 0 : index
    %swap3A_17 = vector.load %arg9[%swap3A_13, %swap3A_14, %swap3A_15, %swap3A_16] : memref<4x4x77x768xf32, #tpu.memory_space<vmem>>, vector<1x4x64x768xf32>
    %swap3A_18 = vector.shape_cast %swap3A_17 : vector<1x4x64x768xf32> to vector<4x64x768xf32>
    %swap3A_19 = vector.shape_cast %broadcast_in_dim3A_6 : vector<4x64x768xf32> to vector<1x4x64x768xf32>
    tpu.vector_store %arg9[%swap3A_13, %swap3A_14, %swap3A_15, %swap3A_16], %swap3A_19 {strides = array<i32>} : memref<4x4x77x768xf32, #tpu.memory_space<vmem>>, vector<1x4x64x768xf32>,
    %swap3A_20 = arith.constant 2 : index
    %swap3A_21 = arith.constant 0 : index
    %swap3A_22 = arith.constant 1 : index
    %swap3A_23 = arith.constant 0 : index
    %swap3A_24 = vector.load %arg9[%swap3A_20, %swap3A_21, %swap3A_22, %swap3A_23] : memref<4x4x77x768xf32, #tpu.memory_space<vmem>>, vector<1x4x64x768xf32>
    %swap3A_25 = vector.shape_cast %swap3A_24 : vector<1x4x64x768xf32> to vector<4x64x768xf32>
    %swap3A_26 = vector.shape_cast %broadcast_in_dim3A_6 : vector<4x64x768xf32> to vector<1x4x64x768xf32>
    tpu.vector_store %arg9[%swap3A_20, %swap3A_21, %swap3A_22, %swap3A_23], %swap3A_26 {strides = array<i32>} : memref<4x4x77x768xf32, #tpu.memory_space<vmem>>, vector<1x4x64x768xf32>,
    %swap3A_27 = arith.constant 3 : index
    %swap3A_28 = arith.constant 0 : index
    %swap3A_29 = arith.constant 1 : index
    %swap3A_30 = arith.constant 0 : index
    %swap3A_31 = vector.load %arg9[%swap3A_27, %swap3A_28, %swap3A_29, %swap3A_30] : memref<4x4x77x768xf32, #tpu.memory_space<vmem>>, vector<1x4x64x768xf32>
    %swap3A_32 = vector.shape_cast %swap3A_31 : vector<1x4x64x768xf32> to vector<4x64x768xf32>
    %swap3A_33 = vector.shape_cast %broadcast_in_dim3A_6 : vector<4x64x768xf32> to vector<1x4x64x768xf32>
    tpu.vector_store %arg9[%swap3A_27, %swap3A_28, %swap3A_29, %swap3A_30], %swap3A_33 {strides = array<i32>} : memref<4x4x77x768xf32, #tpu.memory_space<vmem>>, vector<1x4x64x768xf32>,
    tpu.wait_dma2 semaphore(%arg11 : memref<!tpu.dma_semaphore, #tpu.memory_space<semaphore_mem>>) src(%arg5 : memref<32x32x768xf32, #tpu.memory_space<hbm>>) dst(%arg10 : memref<32x32x768xf32, #tpu.memory_space<vmem>>)
    tpu.enqueue_dma source(%arg10 : memref<32x32x768xf32, #tpu.memory_space<vmem>>) target(%arg7 : memref<32x32x768xf32, #tpu.memory_space<hbm>>) target_semaphore(%arg12 : memref<!tpu.dma_semaphore, #tpu.memory_space<semaphore_mem>>)
    %get3A_34 = arith.constant 0 : index
    %get3A_35 = arith.constant 0 : index
    %get3A_36 = arith.constant 0 : index
    %get3A_37 = vector.load %arg2[%get3A_34, %get3A_35, %get3A_36] : memref<100x1x768xf32, #tpu.memory_space<vmem>>, vector<4x1x768xf32>
    %swap3A_38 = arith.constant 0 : index
    %swap3A_39 = arith.constant 0 : index
    %swap3A_40 = arith.constant 0 : index
    %swap3A_41 = arith.constant 0 : index
    %swap3A_42 = vector.load %arg9[%swap3A_38, %swap3A_39, %swap3A_40, %swap3A_41] : memref<4x4x77x768xf32, #tpu.memory_space<vmem>>, vector<1x4x1x768xf32>
    %swap3A_43 = vector.shape_cast %swap3A_42 : vector<1x4x1x768xf32> to vector<4x1x768xf32>
    %swap3A_44 = vector.shape_cast %get3A_37 : vector<4x1x768xf32> to vector<1x4x1x768xf32>
    tpu.vector_store %arg9[%swap3A_38, %swap3A_39, %swap3A_40, %swap3A_41], %swap3A_44 {strides = array<i32>} : memref<4x4x77x768xf32, #tpu.memory_space<vmem>>, vector<1x4x1x768xf32>,
    %get3A_45 = arith.constant 0 : index
    %get3A_46 = arith.constant 0 : index
    %get3A_47 = arith.constant 0 : index
    %get3A_48 = vector.load %arg3[%get3A_45, %get3A_46, %get3A_47] : memref<100x12x768xf32, #tpu.memory_space<vmem>>, vector<4x12x768xf32>
    %swap3A_49 = arith.constant 0 : index
    %swap3A_50 = arith.constant 0 : index
    %swap3A_51 = arith.constant 65 : index
    %swap3A_52 = arith.constant 0 : index
    %swap3A_53 = vector.load %arg9[%swap3A_49, %swap3A_50, %swap3A_51, %swap3A_52] : memref<4x4x77x768xf32, #tpu.memory_space<vmem>>, vector<1x4x12x768xf32>
    %swap3A_54 = vector.shape_cast %swap3A_53 : vector<1x4x12x768xf32> to vector<4x12x768xf32>
    %swap3A_55 = vector.shape_cast %get3A_48 : vector<4x12x768xf32> to vector<1x4x12x768xf32>
    tpu.vector_store %arg9[%swap3A_49, %swap3A_50, %swap3A_51, %swap3A_52], %swap3A_55 {strides = array<i32>} : memref<4x4x77x768xf32, #tpu.memory_space<vmem>>, vector<1x4x12x768xf32>,
    %dma_start3A = arith.constant 0 : i32
    %dma_start3A_56 = arith.constant 0 : i32
    %dma_start3A_57 = tpu.memref_slice %arg13[%dma_start3A_56] : memref<4x!tpu.dma_semaphore, #tpu.memory_space<semaphore_mem>> -> memref<1x!tpu.dma_semaphore, #tpu.memory_space<semaphore_mem>>
    %dma_start3A_58 = tpu.memref_squeeze %dma_start3A_57 : memref<1x!tpu.dma_semaphore, #tpu.memory_space<semaphore_mem>> -> memref<!tpu.dma_semaphore, #tpu.memory_space<semaphore_mem>>
    %dma_start3A_59 = arith.constant 0 : i32
    %dma_start3A_60 = arith.constant 0 : i32
    %dma_start3A_61 = arith.constant 0 : i32
    %dma_start3A_62 = tpu.memref_slice %arg6[%dma_start3A_59, %dma_start3A_60, %dma_start3A_61] : memref<100x77x768xf32, #tpu.memory_space<hbm>> -> memref<4x77x768xf32, #tpu.memory_space<hbm>>
    %dma_start3A_63 = arith.constant 0 : i32
    %dma_start3A_64 = arith.constant 0 : i32
    %dma_start3A_65 = arith.constant 0 : i32
    %dma_start3A_66 = tpu.memref_slice %arg9[%dma_start3A, %dma_start3A_63, %dma_start3A_64, %dma_start3A_65] : memref<4x4x77x768xf32, #tpu.memory_space<vmem>> -> memref<1x4x77x768xf32, #tpu.memory_space<vmem>>
    %dma_start3A_67 = tpu.memref_squeeze %dma_start3A_66 : memref<1x4x77x768xf32, #tpu.memory_space<vmem>> -> memref<4x77x768xf32, #tpu.memory_space<vmem>>
    tpu.enqueue_dma source(%dma_start3A_67 : memref<4x77x768xf32, #tpu.memory_space<vmem>>) target(%dma_start3A_62 : memref<4x77x768xf32, #tpu.memory_space<hbm>>) target_semaphore(%dma_start3A_58 : memref<!tpu.dma_semaphore, #tpu.memory_space<semaphore_mem>>)
    %get3A_68 = arith.constant 4 : index
    %get3A_69 = arith.constant 0 : index
    %get3A_70 = arith.constant 0 : index
    %get3A_71 = vector.load %arg2[%get3A_68, %get3A_69, %get3A_70] : memref<100x1x768xf32, #tpu.memory_space<vmem>>, vector<4x1x768xf32>
    %swap3A_72 = arith.constant 1 : index
    %swap3A_73 = arith.constant 0 : index
    %swap3A_74 = arith.constant 0 : index
    %swap3A_75 = arith.constant 0 : index
    %swap3A_76 = vector.load %arg9[%swap3A_72, %swap3A_73, %swap3A_74, %swap3A_75] : memref<4x4x77x768xf32, #tpu.memory_space<vmem>>, vector<1x4x1x768xf32>
    %swap3A_77 = vector.shape_cast %swap3A_76 : vector<1x4x1x768xf32> to vector<4x1x768xf32>
    %swap3A_78 = vector.shape_cast %get3A_71 : vector<4x1x768xf32> to vector<1x4x1x768xf32>
    tpu.vector_store %arg9[%swap3A_72, %swap3A_73, %swap3A_74, %swap3A_75], %swap3A_78 {strides = array<i32>} : memref<4x4x77x768xf32, #tpu.memory_space<vmem>>, vector<1x4x1x768xf32>,
    %get3A_79 = arith.constant 4 : index
    %get3A_80 = arith.constant 0 : index
    %get3A_81 = arith.constant 0 : index
    %get3A_82 = vector.load %arg3[%get3A_79, %get3A_80, %get3A_81] : memref<100x12x768xf32, #tpu.memory_space<vmem>>, vector<4x12x768xf32>
    %swap3A_83 = arith.constant 1 : index
    %swap3A_84 = arith.constant 0 : index
    %swap3A_85 = arith.constant 65 : index
    %swap3A_86 = arith.constant 0 : index
    %swap3A_87 = vector.load %arg9[%swap3A_83, %swap3A_84, %swap3A_85, %swap3A_86] : memref<4x4x77x768xf32, #tpu.memory_space<vmem>>, vector<1x4x12x768xf32>
    %swap3A_88 = vector.shape_cast %swap3A_87 : vector<1x4x12x768xf32> to vector<4x12x768xf32>
    %swap3A_89 = vector.shape_cast %get3A_82 : vector<4x12x768xf32> to vector<1x4x12x768xf32>
    tpu.vector_store %arg9[%swap3A_83, %swap3A_84, %swap3A_85, %swap3A_86], %swap3A_89 {strides = array<i32>} : memref<4x4x77x768xf32, #tpu.memory_space<vmem>>, vector<1x4x12x768xf32>,
    %dma_start3A_90 = arith.constant 1 : i32
    %dma_start3A_91 = arith.constant 1 : i32
    %dma_start3A_92 = tpu.memref_slice %arg13[%dma_start3A_91] : memref<4x!tpu.dma_semaphore, #tpu.memory_space<semaphore_mem>> -> memref<1x!tpu.dma_semaphore, #tpu.memory_space<semaphore_mem>>
    %dma_start3A_93 = tpu.memref_squeeze %dma_start3A_92 : memref<1x!tpu.dma_semaphore, #tpu.memory_space<semaphore_mem>> -> memref<!tpu.dma_semaphore, #tpu.memory_space<semaphore_mem>>
    %dma_start3A_94 = arith.constant 4 : i32
    %dma_start3A_95 = arith.constant 0 : i32
    %dma_start3A_96 = arith.constant 0 : i32
    %dma_start3A_97 = tpu.memref_slice %arg6[%dma_start3A_94, %dma_start3A_95, %dma_start3A_96] : memref<100x77x768xf32, #tpu.memory_space<hbm>> -> memref<4x77x768xf32, #tpu.memory_space<hbm>>
    %dma_start3A_98 = arith.constant 0 : i32
    %dma_start3A_99 = arith.constant 0 : i32
    %dma_start3A_100 = arith.constant 0 : i32
    %dma_start3A_101 = tpu.memref_slice %arg9[%dma_start3A_90, %dma_start3A_98, %dma_start3A_99, %dma_start3A_100] : memref<4x4x77x768xf32, #tpu.memory_space<vmem>> -> memref<1x4x77x768xf32, #tpu.memory_space<vmem>>
    %dma_start3A_102 = tpu.memref_squeeze %dma_start3A_101 : memref<1x4x77x768xf32, #tpu.memory_space<vmem>> -> memref<4x77x768xf32, #tpu.memory_space<vmem>>
    tpu.enqueue_dma source(%dma_start3A_102 : memref<4x77x768xf32, #tpu.memory_space<vmem>>) target(%dma_start3A_97 : memref<4x77x768xf32, #tpu.memory_space<hbm>>) target_semaphore(%dma_start3A_93 : memref<!tpu.dma_semaphore, #tpu.memory_space<semaphore_mem>>)
    %get3A_103 = arith.constant 8 : index
    %get3A_104 = arith.constant 0 : index
    %get3A_105 = arith.constant 0 : index
    %get3A_106 = vector.load %arg2[%get3A_103, %get3A_104, %get3A_105] : memref<100x1x768xf32, #tpu.memory_space<vmem>>, vector<4x1x768xf32>
    %swap3A_107 = arith.constant 2 : index
    %swap3A_108 = arith.constant 0 : index
    %swap3A_109 = arith.constant 0 : index
    %swap3A_110 = arith.constant 0 : index
    %swap3A_111 = vector.load %arg9[%swap3A_107, %swap3A_108, %swap3A_109, %swap3A_110] : memref<4x4x77x768xf32, #tpu.memory_space<vmem>>, vector<1x4x1x768xf32>
    %swap3A_112 = vector.shape_cast %swap3A_111 : vector<1x4x1x768xf32> to vector<4x1x768xf32>
    %swap3A_113 = vector.shape_cast %get3A_106 : vector<4x1x768xf32> to vector<1x4x1x768xf32>
    tpu.vector_store %arg9[%swap3A_107, %swap3A_108, %swap3A_109, %swap3A_110], %swap3A_113 {strides = array<i32>} : memref<4x4x77x768xf32, #tpu.memory_space<vmem>>, vector<1x4x1x768xf32>,
    %get3A_114 = arith.constant 8 : index
    %get3A_115 = arith.constant 0 : index
    %get3A_116 = arith.constant 0 : index
    %get3A_117 = vector.load %arg3[%get3A_114, %get3A_115, %get3A_116] : memref<100x12x768xf32, #tpu.memory_space<vmem>>, vector<4x12x768xf32>
    %swap3A_118 = arith.constant 2 : index
    %swap3A_119 = arith.constant 0 : index
    %swap3A_120 = arith.constant 65 : index
    %swap3A_121 = arith.constant 0 : index
    %swap3A_122 = vector.load %arg9[%swap3A_118, %swap3A_119, %swap3A_120, %swap3A_121] : memref<4x4x77x768xf32, #tpu.memory_space<vmem>>, vector<1x4x12x768xf32>
    %swap3A_123 = vector.shape_cast %swap3A_122 : vector<1x4x12x768xf32> to vector<4x12x768xf32>
    %swap3A_124 = vector.shape_cast %get3A_117 : vector<4x12x768xf32> to vector<1x4x12x768xf32>
    tpu.vector_store %arg9[%swap3A_118, %swap3A_119, %swap3A_120, %swap3A_121], %swap3A_124 {strides = array<i32>} : memref<4x4x77x768xf32, #tpu.memory_space<vmem>>, vector<1x4x12x768xf32>,
    %dma_start3A_125 = arith.constant 2 : i32
    %dma_start3A_126 = arith.constant 2 : i32
    %dma_start3A_127 = tpu.memref_slice %arg13[%dma_start3A_126] : memref<4x!tpu.dma_semaphore, #tpu.memory_space<semaphore_mem>> -> memref<1x!tpu.dma_semaphore, #tpu.memory_space<semaphore_mem>>
    %dma_start3A_128 = tpu.memref_squeeze %dma_start3A_127 : memref<1x!tpu.dma_semaphore, #tpu.memory_space<semaphore_mem>> -> memref<!tpu.dma_semaphore, #tpu.memory_space<semaphore_mem>>
    %dma_start3A_129 = arith.constant 8 : i32
    %dma_start3A_130 = arith.constant 0 : i32
    %dma_start3A_131 = arith.constant 0 : i32
    %dma_start3A_132 = tpu.memref_slice %arg6[%dma_start3A_129, %dma_start3A_130, %dma_start3A_131] : memref<100x77x768xf32, #tpu.memory_space<hbm>> -> memref<4x77x768xf32, #tpu.memory_space<hbm>>
    %dma_start3A_133 = arith.constant 0 : i32
    %dma_start3A_134 = arith.constant 0 : i32
    %dma_start3A_135 = arith.constant 0 : i32
    %dma_start3A_136 = tpu.memref_slice %arg9[%dma_start3A_125, %dma_start3A_133, %dma_start3A_134, %dma_start3A_135] : memref<4x4x77x768xf32, #tpu.memory_space<vmem>> -> memref<1x4x77x768xf32, #tpu.memory_space<vmem>>
    %dma_start3A_137 = tpu.memref_squeeze %dma_start3A_136 : memref<1x4x77x768xf32, #tpu.memory_space<vmem>> -> memref<4x77x768xf32, #tpu.memory_space<vmem>>
    tpu.enqueue_dma source(%dma_start3A_137 : memref<4x77x768xf32, #tpu.memory_space<vmem>>) target(%dma_start3A_132 : memref<4x77x768xf32, #tpu.memory_space<hbm>>) target_semaphore(%dma_start3A_128 : memref<!tpu.dma_semaphore, #tpu.memory_space<semaphore_mem>>)
    %get3A_138 = arith.constant 12 : index
    %get3A_139 = arith.constant 0 : index
    %get3A_140 = arith.constant 0 : index
    %get3A_141 = vector.load %arg2[%get3A_138, %get3A_139, %get3A_140] : memref<100x1x768xf32, #tpu.memory_space<vmem>>, vector<4x1x768xf32>
    %swap3A_142 = arith.constant 3 : index
    %swap3A_143 = arith.constant 0 : index
    %swap3A_144 = arith.constant 0 : index
    %swap3A_145 = arith.constant 0 : index
    %swap3A_146 = vector.load %arg9[%swap3A_142, %swap3A_143, %swap3A_144, %swap3A_145] : memref<4x4x77x768xf32, #tpu.memory_space<vmem>>, vector<1x4x1x768xf32>
    %swap3A_147 = vector.shape_cast %swap3A_146 : vector<1x4x1x768xf32> to vector<4x1x768xf32>
    %swap3A_148 = vector.shape_cast %get3A_141 : vector<4x1x768xf32> to vector<1x4x1x768xf32>
    tpu.vector_store %arg9[%swap3A_142, %swap3A_143, %swap3A_144, %swap3A_145], %swap3A_148 {strides = array<i32>} : memref<4x4x77x768xf32, #tpu.memory_space<vmem>>, vector<1x4x1x768xf32>,
    %get3A_149 = arith.constant 12 : index
    %get3A_150 = arith.constant 0 : index
    %get3A_151 = arith.constant 0 : index
    %get3A_152 = vector.load %arg3[%get3A_149, %get3A_150, %get3A_151] : memref<100x12x768xf32, #tpu.memory_space<vmem>>, vector<4x12x768xf32>
    %swap3A_153 = arith.constant 3 : index
    %swap3A_154 = arith.constant 0 : index
    %swap3A_155 = arith.constant 65 : index
    %swap3A_156 = arith.constant 0 : index
    %swap3A_157 = vector.load %arg9[%swap3A_153, %swap3A_154, %swap3A_155, %swap3A_156] : memref<4x4x77x768xf32, #tpu.memory_space<vmem>>, vector<1x4x12x768xf32>
    %swap3A_158 = vector.shape_cast %swap3A_157 : vector<1x4x12x768xf32> to vector<4x12x768xf32>
    %swap3A_159 = vector.shape_cast %get3A_152 : vector<4x12x768xf32> to vector<1x4x12x768xf32>
    tpu.vector_store %arg9[%swap3A_153, %swap3A_154, %swap3A_155, %swap3A_156], %swap3A_159 {strides = array<i32>} : memref<4x4x77x768xf32, #tpu.memory_space<vmem>>, vector<1x4x12x768xf32>,
    %dma_start3A_160 = arith.constant 3 : i32
    %dma_start3A_161 = arith.constant 3 : i32
    %dma_start3A_162 = tpu.memref_slice %arg13[%dma_start3A_161] : memref<4x!tpu.dma_semaphore, #tpu.memory_space<semaphore_mem>> -> memref<1x!tpu.dma_semaphore, #tpu.memory_space<semaphore_mem>>
    %dma_start3A_163 = tpu.memref_squeeze %dma_start3A_162 : memref<1x!tpu.dma_semaphore, #tpu.memory_space<semaphore_mem>> -> memref<!tpu.dma_semaphore, #tpu.memory_space<semaphore_mem>>
    %dma_start3A_164 = arith.constant 12 : i32
    %dma_start3A_165 = arith.constant 0 : i32
    %dma_start3A_166 = arith.constant 0 : i32
    %dma_start3A_167 = tpu.memref_slice %arg6[%dma_start3A_164, %dma_start3A_165, %dma_start3A_166] : memref<100x77x768xf32, #tpu.memory_space<hbm>> -> memref<4x77x768xf32, #tpu.memory_space<hbm>>
    %dma_start3A_168 = arith.constant 0 : i32
    %dma_start3A_169 = arith.constant 0 : i32
    %dma_start3A_170 = arith.constant 0 : i32
    %dma_start3A_171 = tpu.memref_slice %arg9[%dma_start3A_160, %dma_start3A_168, %dma_start3A_169, %dma_start3A_170] : memref<4x4x77x768xf32, #tpu.memory_space<vmem>> -> memref<1x4x77x768xf32, #tpu.memory_space<vmem>>
    %dma_start3A_172 = tpu.memref_squeeze %dma_start3A_171 : memref<1x4x77x768xf32, #tpu.memory_space<vmem>> -> memref<4x77x768xf32, #tpu.memory_space<vmem>>
    tpu.enqueue_dma source(%dma_start3A_172 : memref<4x77x768xf32, #tpu.memory_space<vmem>>) target(%dma_start3A_167 : memref<4x77x768xf32, #tpu.memory_space<hbm>>) target_semaphore(%dma_start3A_163 : memref<!tpu.dma_semaphore, #tpu.memory_space<semaphore_mem>>)
    %dma_wait3A = arith.constant 0 : i32
    %dma_wait3A_173 = arith.constant 0 : i32
    %dma_wait3A_174 = tpu.memref_slice %arg13[%dma_wait3A_173] : memref<4x!tpu.dma_semaphore, #tpu.memory_space<semaphore_mem>> -> memref<1x!tpu.dma_semaphore, #tpu.memory_space<semaphore_mem>>
    %dma_wait3A_175 = tpu.memref_squeeze %dma_wait3A_174 : memref<1x!tpu.dma_semaphore, #tpu.memory_space<semaphore_mem>> -> memref<!tpu.dma_semaphore, #tpu.memory_space<semaphore_mem>>
    %dma_wait3A_176 = arith.constant 0 : i32
    %dma_wait3A_177 = arith.constant 0 : i32
    %dma_wait3A_178 = arith.constant 0 : i32
    %dma_wait3A_179 = tpu.memref_slice %arg6[%dma_wait3A_176, %dma_wait3A_177, %dma_wait3A_178] : memref<100x77x768xf32, #tpu.memory_space<hbm>> -> memref<4x77x768xf32, #tpu.memory_space<hbm>>
    %dma_wait3A_180 = arith.constant 0 : i32
    %dma_wait3A_181 = arith.constant 0 : i32
    %dma_wait3A_182 = arith.constant 0 : i32
    %dma_wait3A_183 = tpu.memref_slice %arg9[%dma_wait3A, %dma_wait3A_180, %dma_wait3A_181, %dma_wait3A_182] : memref<4x4x77x768xf32, #tpu.memory_space<vmem>> -> memref<1x4x77x768xf32, #tpu.memory_space<vmem>>
    %dma_wait3A_184 = tpu.memref_squeeze %dma_wait3A_183 : memref<1x4x77x768xf32, #tpu.memory_space<vmem>> -> memref<4x77x768xf32, #tpu.memory_space<vmem>>
    tpu.wait_dma2 semaphore(%dma_wait3A_175 : memref<!tpu.dma_semaphore, #tpu.memory_space<semaphore_mem>>) src(%dma_wait3A_184 : memref<4x77x768xf32, #tpu.memory_space<vmem>>) dst(%dma_wait3A_179 : memref<4x77x768xf32, #tpu.memory_space<hbm>>)
    %get3A_185 = arith.constant 16 : index
    %get3A_186 = arith.constant 0 : index
    %get3A_187 = arith.constant 0 : index
    %get3A_188 = vector.load %arg2[%get3A_185, %get3A_186, %get3A_187] : memref<100x1x768xf32, #tpu.memory_space<vmem>>, vector<4x1x768xf32>
    %swap3A_189 = arith.constant 0 : index
    %swap3A_190 = arith.constant 0 : index
    %swap3A_191 = arith.constant 0 : index
    %swap3A_192 = arith.constant 0 : index
    %swap3A_193 = vector.load %arg9[%swap3A_189, %swap3A_190, %swap3A_191, %swap3A_192] : memref<4x4x77x768xf32, #tpu.memory_space<vmem>>, vector<1x4x1x768xf32>
    %swap3A_194 = vector.shape_cast %swap3A_193 : vector<1x4x1x768xf32> to vector<4x1x768xf32>
    %swap3A_195 = vector.shape_cast %get3A_188 : vector<4x1x768xf32> to vector<1x4x1x768xf32>
    tpu.vector_store %arg9[%swap3A_189, %swap3A_190, %swap3A_191, %swap3A_192], %swap3A_195 {strides = array<i32>} : memref<4x4x77x768xf32, #tpu.memory_space<vmem>>, vector<1x4x1x768xf32>,
    %get3A_196 = arith.constant 16 : index
    %get3A_197 = arith.constant 0 : index
    %get3A_198 = arith.constant 0 : index
    %get3A_199 = vector.load %arg3[%get3A_196, %get3A_197, %get3A_198] : memref<100x12x768xf32, #tpu.memory_space<vmem>>, vector<4x12x768xf32>
    %swap3A_200 = arith.constant 0 : index
    %swap3A_201 = arith.constant 0 : index
    %swap3A_202 = arith.constant 65 : index
    %swap3A_203 = arith.constant 0 : index
    %swap3A_204 = vector.load %arg9[%swap3A_200, %swap3A_201, %swap3A_202, %swap3A_203] : memref<4x4x77x768xf32, #tpu.memory_space<vmem>>, vector<1x4x12x768xf32>
    %swap3A_205 = vector.shape_cast %swap3A_204 : vector<1x4x12x768xf32> to vector<4x12x768xf32>
    %swap3A_206 = vector.shape_cast %get3A_199 : vector<4x12x768xf32> to vector<1x4x12x768xf32>
    tpu.vector_store %arg9[%swap3A_200, %swap3A_201, %swap3A_202, %swap3A_203], %swap3A_206 {strides = array<i32>} : memref<4x4x77x768xf32, #tpu.memory_space<vmem>>, vector<1x4x12x768xf32>,
    %dma_start3A_207 = arith.constant 0 : i32
    %dma_start3A_208 = arith.constant 0 : i32
    %dma_start3A_209 = tpu.memref_slice %arg13[%dma_start3A_208] : memref<4x!tpu.dma_semaphore, #tpu.memory_space<semaphore_mem>> -> memref<1x!tpu.dma_semaphore, #tpu.memory_space<semaphore_mem>>
    %dma_start3A_210 = tpu.memref_squeeze %dma_start3A_209 : memref<1x!tpu.dma_semaphore, #tpu.memory_space<semaphore_mem>> -> memref<!tpu.dma_semaphore, #tpu.memory_space<semaphore_mem>>
    %dma_start3A_211 = arith.constant 16 : i32
    %dma_start3A_212 = arith.constant 0 : i32
    %dma_start3A_213 = arith.constant 0 : i32
    %dma_start3A_214 = tpu.memref_slice %arg6[%dma_start3A_211, %dma_start3A_212, %dma_start3A_213] : memref<100x77x768xf32, #tpu.memory_space<hbm>> -> memref<4x77x768xf32, #tpu.memory_space<hbm>>
    %dma_start3A_215 = arith.constant 0 : i32
    %dma_start3A_216 = arith.constant 0 : i32
    %dma_start3A_217 = arith.constant 0 : i32
    %dma_start3A_218 = tpu.memref_slice %arg9[%dma_start3A_207, %dma_start3A_215, %dma_start3A_216, %dma_start3A_217] : memref<4x4x77x768xf32, #tpu.memory_space<vmem>> -> memref<1x4x77x768xf32, #tpu.memory_space<vmem>>
    %dma_start3A_219 = tpu.memref_squeeze %dma_start3A_218 : memref<1x4x77x768xf32, #tpu.memory_space<vmem>> -> memref<4x77x768xf32, #tpu.memory_space<vmem>>
    tpu.enqueue_dma source(%dma_start3A_219 : memref<4x77x768xf32, #tpu.memory_space<vmem>>) target(%dma_start3A_214 : memref<4x77x768xf32, #tpu.memory_space<hbm>>) target_semaphore(%dma_start3A_210 : memref<!tpu.dma_semaphore, #tpu.memory_space<semaphore_mem>>)
    %dma_wait3A_220 = arith.constant 1 : i32
    %dma_wait3A_221 = arith.constant 1 : i32
    %dma_wait3A_222 = tpu.memref_slice %arg13[%dma_wait3A_221] : memref<4x!tpu.dma_semaphore, #tpu.memory_space<semaphore_mem>> -> memref<1x!tpu.dma_semaphore, #tpu.memory_space<semaphore_mem>>
    %dma_wait3A_223 = tpu.memref_squeeze %dma_wait3A_222 : memref<1x!tpu.dma_semaphore, #tpu.memory_space<semaphore_mem>> -> memref<!tpu.dma_semaphore, #tpu.memory_space<semaphore_mem>>
    %dma_wait3A_224 = arith.constant 4 : i32
    %dma_wait3A_225 = arith.constant 0 : i32
    %dma_wait3A_226 = arith.constant 0 : i32
    %dma_wait3A_227 = tpu.memref_slice %arg6[%dma_wait3A_224, %dma_wait3A_225, %dma_wait3A_226] : memref<100x77x768xf32, #tpu.memory_space<hbm>> -> memref<4x77x768xf32, #tpu.memory_space<hbm>>
    %dma_wait3A_228 = arith.constant 0 : i32
    %dma_wait3A_229 = arith.constant 0 : i32
    %dma_wait3A_230 = arith.constant 0 : i32
    %dma_wait3A_231 = tpu.memref_slice %arg9[%dma_wait3A_220, %dma_wait3A_228, %dma_wait3A_229, %dma_wait3A_230] : memref<4x4x77x768xf32, #tpu.memory_space<vmem>> -> memref<1x4x77x768xf32, #tpu.memory_space<vmem>>
    %dma_wait3A_232 = tpu.memref_squeeze %dma_wait3A_231 : memref<1x4x77x768xf32, #tpu.memory_space<vmem>> -> memref<4x77x768xf32, #tpu.memory_space<vmem>>
    tpu.wait_dma2 semaphore(%dma_wait3A_223 : memref<!tpu.dma_semaphore, #tpu.memory_space<semaphore_mem>>) src(%dma_wait3A_232 : memref<4x77x768xf32, #tpu.memory_space<vmem>>) dst(%dma_wait3A_227 : memref<4x77x768xf32, #tpu.memory_space<hbm>>)
    %get3A_233 = arith.constant 20 : index
    %get3A_234 = arith.constant 0 : index
    %get3A_235 = arith.constant 0 : index
    %get3A_236 = vector.load %arg2[%get3A_233, %get3A_234, %get3A_235] : memref<100x1x768xf32, #tpu.memory_space<vmem>>, vector<4x1x768xf32>
    %swap3A_237 = arith.constant 1 : index
    %swap3A_238 = arith.constant 0 : index
    %swap3A_239 = arith.constant 0 : index
    %swap3A_240 = arith.constant 0 : index
    %swap3A_241 = vector.load %arg9[%swap3A_237, %swap3A_238, %swap3A_239, %swap3A_240] : memref<4x4x77x768xf32, #tpu.memory_space<vmem>>, vector<1x4x1x768xf32>
    %swap3A_242 = vector.shape_cast %swap3A_241 : vector<1x4x1x768xf32> to vector<4x1x768xf32>
    %swap3A_243 = vector.shape_cast %get3A_236 : vector<4x1x768xf32> to vector<1x4x1x768xf32>
    tpu.vector_store %arg9[%swap3A_237, %swap3A_238, %swap3A_239, %swap3A_240], %swap3A_243 {strides = array<i32>} : memref<4x4x77x768xf32, #tpu.memory_space<vmem>>, vector<1x4x1x768xf32>,
    %get3A_244 = arith.constant 20 : index
    %get3A_245 = arith.constant 0 : index
    %get3A_246 = arith.constant 0 : index
    %get3A_247 = vector.load %arg3[%get3A_244, %get3A_245, %get3A_246] : memref<100x12x768xf32, #tpu.memory_space<vmem>>, vector<4x12x768xf32>
    %swap3A_248 = arith.constant 1 : index
    %swap3A_249 = arith.constant 0 : index
    %swap3A_250 = arith.constant 65 : index
    %swap3A_251 = arith.constant 0 : index
    %swap3A_252 = vector.load %arg9[%swap3A_248, %swap3A_249, %swap3A_250, %swap3A_251] : memref<4x4x77x768xf32, #tpu.memory_space<vmem>>, vector<1x4x12x768xf32>
    %swap3A_253 = vector.shape_cast %swap3A_252 : vector<1x4x12x768xf32> to vector<4x12x768xf32>
    %swap3A_254 = vector.shape_cast %get3A_247 : vector<4x12x768xf32> to vector<1x4x12x768xf32>
    tpu.vector_store %arg9[%swap3A_248, %swap3A_249, %swap3A_250, %swap3A_251], %swap3A_254 {strides = array<i32>} : memref<4x4x77x768xf32, #tpu.memory_space<vmem>>, vector<1x4x12x768xf32>,
    %dma_start3A_255 = arith.constant 1 : i32
    %dma_start3A_256 = arith.constant 1 : i32
    %dma_start3A_257 = tpu.memref_slice %arg13[%dma_start3A_256] : memref<4x!tpu.dma_semaphore, #tpu.memory_space<semaphore_mem>> -> memref<1x!tpu.dma_semaphore, #tpu.memory_space<semaphore_mem>>
    %dma_start3A_258 = tpu.memref_squeeze %dma_start3A_257 : memref<1x!tpu.dma_semaphore, #tpu.memory_space<semaphore_mem>> -> memref<!tpu.dma_semaphore, #tpu.memory_space<semaphore_mem>>
    %dma_start3A_259 = arith.constant 20 : i32
    %dma_start3A_260 = arith.constant 0 : i32
    %dma_start3A_261 = arith.constant 0 : i32
    %dma_start3A_262 = tpu.memref_slice %arg6[%dma_start3A_259, %dma_start3A_260, %dma_start3A_261] : memref<100x77x768xf32, #tpu.memory_space<hbm>> -> memref<4x77x768xf32, #tpu.memory_space<hbm>>
    %dma_start3A_263 = arith.constant 0 : i32
    %dma_start3A_264 = arith.constant 0 : i32
    %dma_start3A_265 = arith.constant 0 : i32
    %dma_start3A_266 = tpu.memref_slice %arg9[%dma_start3A_255, %dma_start3A_263, %dma_start3A_264, %dma_start3A_265] : memref<4x4x77x768xf32, #tpu.memory_space<vmem>> -> memref<1x4x77x768xf32, #tpu.memory_space<vmem>>
    %dma_start3A_267 = tpu.memref_squeeze %dma_start3A_266 : memref<1x4x77x768xf32, #tpu.memory_space<vmem>> -> memref<4x77x768xf32, #tpu.memory_space<vmem>>
    tpu.enqueue_dma source(%dma_start3A_267 : memref<4x77x768xf32, #tpu.memory_space<vmem>>) target(%dma_start3A_262 : memref<4x77x768xf32, #tpu.memory_space<hbm>>) target_semaphore(%dma_start3A_258 : memref<!tpu.dma_semaphore, #tpu.memory_space<semaphore_mem>>)
    %dma_wait3A_268 = arith.constant 2 : i32
    %dma_wait3A_269 = arith.constant 2 : i32
    %dma_wait3A_270 = tpu.memref_slice %arg13[%dma_wait3A_269] : memref<4x!tpu.dma_semaphore, #tpu.memory_space<semaphore_mem>> -> memref<1x!tpu.dma_semaphore, #tpu.memory_space<semaphore_mem>>
    %dma_wait3A_271 = tpu.memref_squeeze %dma_wait3A_270 : memref<1x!tpu.dma_semaphore, #tpu.memory_space<semaphore_mem>> -> memref<!tpu.dma_semaphore, #tpu.memory_space<semaphore_mem>>
    %dma_wait3A_272 = arith.constant 8 : i32
    %dma_wait3A_273 = arith.constant 0 : i32
    %dma_wait3A_274 = arith.constant 0 : i32
    %dma_wait3A_275 = tpu.memref_slice %arg6[%dma_wait3A_272, %dma_wait3A_273, %dma_wait3A_274] : memref<100x77x768xf32, #tpu.memory_space<hbm>> -> memref<4x77x768xf32, #tpu.memory_space<hbm>>
    %dma_wait3A_276 = arith.constant 0 : i32
    %dma_wait3A_277 = arith.constant 0 : i32
    %dma_wait3A_278 = arith.constant 0 : i32
    %dma_wait3A_279 = tpu.memref_slice %arg9[%dma_wait3A_268, %dma_wait3A_276, %dma_wait3A_277, %dma_wait3A_278] : memref<4x4x77x768xf32, #tpu.memory_space<vmem>> -> memref<1x4x77x768xf32, #tpu.memory_space<vmem>>
    %dma_wait3A_280 = tpu.memref_squeeze %dma_wait3A_279 : memref<1x4x77x768xf32, #tpu.memory_space<vmem>> -> memref<4x77x768xf32, #tpu.memory_space<vmem>>
    tpu.wait_dma2 semaphore(%dma_wait3A_271 : memref<!tpu.dma_semaphore, #tpu.memory_space<semaphore_mem>>) src(%dma_wait3A_280 : memref<4x77x768xf32, #tpu.memory_space<vmem>>) dst(%dma_wait3A_275 : memref<4x77x768xf32, #tpu.memory_space<hbm>>)
    %get3A_281 = arith.constant 24 : index
    %get3A_282 = arith.constant 0 : index
    %get3A_283 = arith.constant 0 : index
    %get3A_284 = vector.load %arg2[%get3A_281, %get3A_282, %get3A_283] : memref<100x1x768xf32, #tpu.memory_space<vmem>>, vector<4x1x768xf32>
    %swap3A_285 = arith.constant 2 : index
    %swap3A_286 = arith.constant 0 : index
    %swap3A_287 = arith.constant 0 : index
    %swap3A_288 = arith.constant 0 : index
    %swap3A_289 = vector.load %arg9[%swap3A_285, %swap3A_286, %swap3A_287, %swap3A_288] : memref<4x4x77x768xf32, #tpu.memory_space<vmem>>, vector<1x4x1x768xf32>
    %swap3A_290 = vector.shape_cast %swap3A_289 : vector<1x4x1x768xf32> to vector<4x1x768xf32>
    %swap3A_291 = vector.shape_cast %get3A_284 : vector<4x1x768xf32> to vector<1x4x1x768xf32>
    tpu.vector_store %arg9[%swap3A_285, %swap3A_286, %swap3A_287, %swap3A_288], %swap3A_291 {strides = array<i32>} : memref<4x4x77x768xf32, #tpu.memory_space<vmem>>, vector<1x4x1x768xf32>,
    %get3A_292 = arith.constant 24 : index
    %get3A_293 = arith.constant 0 : index
    %get3A_294 = arith.constant 0 : index
    %get3A_295 = vector.load %arg3[%get3A_292, %get3A_293, %get3A_294] : memref<100x12x768xf32, #tpu.memory_space<vmem>>, vector<4x12x768xf32>
    %swap3A_296 = arith.constant 2 : index
    %swap3A_297 = arith.constant 0 : index
    %swap3A_298 = arith.constant 65 : index
    %swap3A_299 = arith.constant 0 : index
    %swap3A_300 = vector.load %arg9[%swap3A_296, %swap3A_297, %swap3A_298, %swap3A_299] : memref<4x4x77x768xf32, #tpu.memory_space<vmem>>, vector<1x4x12x768xf32>
    %swap3A_301 = vector.shape_cast %swap3A_300 : vector<1x4x12x768xf32> to vector<4x12x768xf32>
    %swap3A_302 = vector.shape_cast %get3A_295 : vector<4x12x768xf32> to vector<1x4x12x768xf32>
    tpu.vector_store %arg9[%swap3A_296, %swap3A_297, %swap3A_298, %swap3A_299], %swap3A_302 {strides = array<i32>} : memref<4x4x77x768xf32, #tpu.memory_space<vmem>>, vector<1x4x12x768xf32>,
    %dma_start3A_303 = arith.constant 2 : i32
    %dma_start3A_304 = arith.constant 2 : i32
    %dma_start3A_305 = tpu.memref_slice %arg13[%dma_start3A_304] : memref<4x!tpu.dma_semaphore, #tpu.memory_space<semaphore_mem>> -> memref<1x!tpu.dma_semaphore, #tpu.memory_space<semaphore_mem>>
    %dma_start3A_306 = tpu.memref_squeeze %dma_start3A_305 : memref<1x!tpu.dma_semaphore, #tpu.memory_space<semaphore_mem>> -> memref<!tpu.dma_semaphore, #tpu.memory_space<semaphore_mem>>
    %dma_start3A_307 = arith.constant 24 : i32
    %dma_start3A_308 = arith.constant 0 : i32
    %dma_start3A_309 = arith.constant 0 : i32
    %dma_start3A_310 = tpu.memref_slice %arg6[%dma_start3A_307, %dma_start3A_308, %dma_start3A_309] : memref<100x77x768xf32, #tpu.memory_space<hbm>> -> memref<4x77x768xf32, #tpu.memory_space<hbm>>
    %dma_start3A_311 = arith.constant 0 : i32
    %dma_start3A_312 = arith.constant 0 : i32
    %dma_start3A_313 = arith.constant 0 : i32
    %dma_start3A_314 = tpu.memref_slice %arg9[%dma_start3A_303, %dma_start3A_311, %dma_start3A_312, %dma_start3A_313] : memref<4x4x77x768xf32, #tpu.memory_space<vmem>> -> memref<1x4x77x768xf32, #tpu.memory_space<vmem>>
    %dma_start3A_315 = tpu.memref_squeeze %dma_start3A_314 : memref<1x4x77x768xf32, #tpu.memory_space<vmem>> -> memref<4x77x768xf32, #tpu.memory_space<vmem>>
    tpu.enqueue_dma source(%dma_start3A_315 : memref<4x77x768xf32, #tpu.memory_space<vmem>>) target(%dma_start3A_310 : memref<4x77x768xf32, #tpu.memory_space<hbm>>) target_semaphore(%dma_start3A_306 : memref<!tpu.dma_semaphore, #tpu.memory_space<semaphore_mem>>)
    %dma_wait3A_316 = arith.constant 3 : i32
    %dma_wait3A_317 = arith.constant 3 : i32
    %dma_wait3A_318 = tpu.memref_slice %arg13[%dma_wait3A_317] : memref<4x!tpu.dma_semaphore, #tpu.memory_space<semaphore_mem>> -> memref<1x!tpu.dma_semaphore, #tpu.memory_space<semaphore_mem>>
    %dma_wait3A_319 = tpu.memref_squeeze %dma_wait3A_318 : memref<1x!tpu.dma_semaphore, #tpu.memory_space<semaphore_mem>> -> memref<!tpu.dma_semaphore, #tpu.memory_space<semaphore_mem>>
    %dma_wait3A_320 = arith.constant 12 : i32
    %dma_wait3A_321 = arith.constant 0 : i32
    %dma_wait3A_322 = arith.constant 0 : i32
    %dma_wait3A_323 = tpu.memref_slice %arg6[%dma_wait3A_320, %dma_wait3A_321, %dma_wait3A_322] : memref<100x77x768xf32, #tpu.memory_space<hbm>> -> memref<4x77x768xf32, #tpu.memory_space<hbm>>
    %dma_wait3A_324 = arith.constant 0 : i32
    %dma_wait3A_325 = arith.constant 0 : i32
    %dma_wait3A_326 = arith.constant 0 : i32
    %dma_wait3A_327 = tpu.memref_slice %arg9[%dma_wait3A_316, %dma_wait3A_324, %dma_wait3A_325, %dma_wait3A_326] : memref<4x4x77x768xf32, #tpu.memory_space<vmem>> -> memref<1x4x77x768xf32, #tpu.memory_space<vmem>>
    %dma_wait3A_328 = tpu.memref_squeeze %dma_wait3A_327 : memref<1x4x77x768xf32, #tpu.memory_space<vmem>> -> memref<4x77x768xf32, #tpu.memory_space<vmem>>
    tpu.wait_dma2 semaphore(%dma_wait3A_319 : memref<!tpu.dma_semaphore, #tpu.memory_space<semaphore_mem>>) src(%dma_wait3A_328 : memref<4x77x768xf32, #tpu.memory_space<vmem>>) dst(%dma_wait3A_323 : memref<4x77x768xf32, #tpu.memory_space<hbm>>)
    %get3A_329 = arith.constant 28 : index
    %get3A_330 = arith.constant 0 : index
    %get3A_331 = arith.constant 0 : index
    %get3A_332 = vector.load %arg2[%get3A_329, %get3A_330, %get3A_331] : memref<100x1x768xf32, #tpu.memory_space<vmem>>, vector<4x1x768xf32>
    %swap3A_333 = arith.constant 3 : index
    %swap3A_334 = arith.constant 0 : index
    %swap3A_335 = arith.constant 0 : index
    %swap3A_336 = arith.constant 0 : index
    %swap3A_337 = vector.load %arg9[%swap3A_333, %swap3A_334, %swap3A_335, %swap3A_336] : memref<4x4x77x768xf32, #tpu.memory_space<vmem>>, vector<1x4x1x768xf32>
    %swap3A_338 = vector.shape_cast %swap3A_337 : vector<1x4x1x768xf32> to vector<4x1x768xf32>
    %swap3A_339 = vector.shape_cast %get3A_332 : vector<4x1x768xf32> to vector<1x4x1x768xf32>
    tpu.vector_store %arg9[%swap3A_333, %swap3A_334, %swap3A_335, %swap3A_336], %swap3A_339 {strides = array<i32>} : memref<4x4x77x768xf32, #tpu.memory_space<vmem>>, vector<1x4x1x768xf32>,
    %get3A_340 = arith.constant 28 : index
    %get3A_341 = arith.constant 0 : index
    %get3A_342 = arith.constant 0 : index
    %get3A_343 = vector.load %arg3[%get3A_340, %get3A_341, %get3A_342] : memref<100x12x768xf32, #tpu.memory_space<vmem>>, vector<4x12x768xf32>
    %swap3A_344 = arith.constant 3 : index
    %swap3A_345 = arith.constant 0 : index
    %swap3A_346 = arith.constant 65 : index
    %swap3A_347 = arith.constant 0 : index
    %swap3A_348 = vector.load %arg9[%swap3A_344, %swap3A_345, %swap3A_346, %swap3A_347] : memref<4x4x77x768xf32, #tpu.memory_space<vmem>>, vector<1x4x12x768xf32>
    %swap3A_349 = vector.shape_cast %swap3A_348 : vector<1x4x12x768xf32> to vector<4x12x768xf32>
    %swap3A_350 = vector.shape_cast %get3A_343 : vector<4x12x768xf32> to vector<1x4x12x768xf32>
    tpu.vector_store %arg9[%swap3A_344, %swap3A_345, %swap3A_346, %swap3A_347], %swap3A_350 {strides = array<i32>} : memref<4x4x77x768xf32, #tpu.memory_space<vmem>>, vector<1x4x12x768xf32>,
    %dma_start3A_351 = arith.constant 3 : i32
    %dma_start3A_352 = arith.constant 3 : i32
    %dma_start3A_353 = tpu.memref_slice %arg13[%dma_start3A_352] : memref<4x!tpu.dma_semaphore, #tpu.memory_space<semaphore_mem>> -> memref<1x!tpu.dma_semaphore, #tpu.memory_space<semaphore_mem>>
    %dma_start3A_354 = tpu.memref_squeeze %dma_start3A_353 : memref<1x!tpu.dma_semaphore, #tpu.memory_space<semaphore_mem>> -> memref<!tpu.dma_semaphore, #tpu.memory_space<semaphore_mem>>
    %dma_start3A_355 = arith.constant 28 : i32
    %dma_start3A_356 = arith.constant 0 : i32
    %dma_start3A_357 = arith.constant 0 : i32
    %dma_start3A_358 = tpu.memref_slice %arg6[%dma_start3A_355, %dma_start3A_356, %dma_start3A_357] : memref<100x77x768xf32, #tpu.memory_space<hbm>> -> memref<4x77x768xf32, #tpu.memory_space<hbm>>
    %dma_start3A_359 = arith.constant 0 : i32
    %dma_start3A_360 = arith.constant 0 : i32
    %dma_start3A_361 = arith.constant 0 : i32
    %dma_start3A_362 = tpu.memref_slice %arg9[%dma_start3A_351, %dma_start3A_359, %dma_start3A_360, %dma_start3A_361] : memref<4x4x77x768xf32, #tpu.memory_space<vmem>> -> memref<1x4x77x768xf32, #tpu.memory_space<vmem>>
    %dma_start3A_363 = tpu.memref_squeeze %dma_start3A_362 : memref<1x4x77x768xf32, #tpu.memory_space<vmem>> -> memref<4x77x768xf32, #tpu.memory_space<vmem>>
    tpu.enqueue_dma source(%dma_start3A_363 : memref<4x77x768xf32, #tpu.memory_space<vmem>>) target(%dma_start3A_358 : memref<4x77x768xf32, #tpu.memory_space<hbm>>) target_semaphore(%dma_start3A_354 : memref<!tpu.dma_semaphore, #tpu.memory_space<semaphore_mem>>)
    %dma_wait3A_364 = arith.constant 0 : i32
    %dma_wait3A_365 = arith.constant 0 : i32
    %dma_wait3A_366 = tpu.memref_slice %arg13[%dma_wait3A_365] : memref<4x!tpu.dma_semaphore, #tpu.memory_space<semaphore_mem>> -> memref<1x!tpu.dma_semaphore, #tpu.memory_space<semaphore_mem>>
    %dma_wait3A_367 = tpu.memref_squeeze %dma_wait3A_366 : memref<1x!tpu.dma_semaphore, #tpu.memory_space<semaphore_mem>> -> memref<!tpu.dma_semaphore, #tpu.memory_space<semaphore_mem>>
    %dma_wait3A_368 = arith.constant 16 : i32
    %dma_wait3A_369 = arith.constant 0 : i32
    %dma_wait3A_370 = arith.constant 0 : i32
    %dma_wait3A_371 = tpu.memref_slice %arg6[%dma_wait3A_368, %dma_wait3A_369, %dma_wait3A_370] : memref<100x77x768xf32, #tpu.memory_space<hbm>> -> memref<4x77x768xf32, #tpu.memory_space<hbm>>
    %dma_wait3A_372 = arith.constant 0 : i32
    %dma_wait3A_373 = arith.constant 0 : i32
    %dma_wait3A_374 = arith.constant 0 : i32
    %dma_wait3A_375 = tpu.memref_slice %arg9[%dma_wait3A_364, %dma_wait3A_372, %dma_wait3A_373, %dma_wait3A_374] : memref<4x4x77x768xf32, #tpu.memory_space<vmem>> -> memref<1x4x77x768xf32, #tpu.memory_space<vmem>>
    %dma_wait3A_376 = tpu.memref_squeeze %dma_wait3A_375 : memref<1x4x77x768xf32, #tpu.memory_space<vmem>> -> memref<4x77x768xf32, #tpu.memory_space<vmem>>
    tpu.wait_dma2 semaphore(%dma_wait3A_367 : memref<!tpu.dma_semaphore, #tpu.memory_space<semaphore_mem>>) src(%dma_wait3A_376 : memref<4x77x768xf32, #tpu.memory_space<vmem>>) dst(%dma_wait3A_371 : memref<4x77x768xf32, #tpu.memory_space<hbm>>)
    %get3A_377 = arith.constant 32 : index
    %get3A_378 = arith.constant 0 : index
    %get3A_379 = arith.constant 0 : index
    %get3A_380 = vector.load %arg2[%get3A_377, %get3A_378, %get3A_379] : memref<100x1x768xf32, #tpu.memory_space<vmem>>, vector<4x1x768xf32>
    %swap3A_381 = arith.constant 0 : index
    %swap3A_382 = arith.constant 0 : index
    %swap3A_383 = arith.constant 0 : index
    %swap3A_384 = arith.constant 0 : index
    %swap3A_385 = vector.load %arg9[%swap3A_381, %swap3A_382, %swap3A_383, %swap3A_384] : memref<4x4x77x768xf32, #tpu.memory_space<vmem>>, vector<1x4x1x768xf32>
    %swap3A_386 = vector.shape_cast %swap3A_385 : vector<1x4x1x768xf32> to vector<4x1x768xf32>
    %swap3A_387 = vector.shape_cast %get3A_380 : vector<4x1x768xf32> to vector<1x4x1x768xf32>
    tpu.vector_store %arg9[%swap3A_381, %swap3A_382, %swap3A_383, %swap3A_384], %swap3A_387 {strides = array<i32>} : memref<4x4x77x768xf32, #tpu.memory_space<vmem>>, vector<1x4x1x768xf32>,
    %get3A_388 = arith.constant 32 : index
    %get3A_389 = arith.constant 0 : index
    %get3A_390 = arith.constant 0 : index
    %get3A_391 = vector.load %arg3[%get3A_388, %get3A_389, %get3A_390] : memref<100x12x768xf32, #tpu.memory_space<vmem>>, vector<4x12x768xf32>
    %swap3A_392 = arith.constant 0 : index
    %swap3A_393 = arith.constant 0 : index
    %swap3A_394 = arith.constant 65 : index
    %swap3A_395 = arith.constant 0 : index
    %swap3A_396 = vector.load %arg9[%swap3A_392, %swap3A_393, %swap3A_394, %swap3A_395] : memref<4x4x77x768xf32, #tpu.memory_space<vmem>>, vector<1x4x12x768xf32>
    %swap3A_397 = vector.shape_cast %swap3A_396 : vector<1x4x12x768xf32> to vector<4x12x768xf32>
    %swap3A_398 = vector.shape_cast %get3A_391 : vector<4x12x768xf32> to vector<1x4x12x768xf32>
    tpu.vector_store %arg9[%swap3A_392, %swap3A_393, %swap3A_394, %swap3A_395], %swap3A_398 {strides = array<i32>} : memref<4x4x77x768xf32, #tpu.memory_space<vmem>>, vector<1x4x12x768xf32>,
    %dma_start3A_399 = arith.constant 0 : i32
    %dma_start3A_400 = arith.constant 0 : i32
    %dma_start3A_401 = tpu.memref_slice %arg13[%dma_start3A_400] : memref<4x!tpu.dma_semaphore, #tpu.memory_space<semaphore_mem>> -> memref<1x!tpu.dma_semaphore, #tpu.memory_space<semaphore_mem>>
    %dma_start3A_402 = tpu.memref_squeeze %dma_start3A_401 : memref<1x!tpu.dma_semaphore, #tpu.memory_space<semaphore_mem>> -> memref<!tpu.dma_semaphore, #tpu.memory_space<semaphore_mem>>
    %dma_start3A_403 = arith.constant 32 : i32
    %dma_start3A_404 = arith.constant 0 : i32
    %dma_start3A_405 = arith.constant 0 : i32
    %dma_start3A_406 = tpu.memref_slice %arg6[%dma_start3A_403, %dma_start3A_404, %dma_start3A_405] : memref<100x77x768xf32, #tpu.memory_space<hbm>> -> memref<4x77x768xf32, #tpu.memory_space<hbm>>
    %dma_start3A_407 = arith.constant 0 : i32
    %dma_start3A_408 = arith.constant 0 : i32
    %dma_start3A_409 = arith.constant 0 : i32
    %dma_start3A_410 = tpu.memref_slice %arg9[%dma_start3A_399, %dma_start3A_407, %dma_start3A_408, %dma_start3A_409] : memref<4x4x77x768xf32, #tpu.memory_space<vmem>> -> memref<1x4x77x768xf32, #tpu.memory_space<vmem>>
    %dma_start3A_411 = tpu.memref_squeeze %dma_start3A_410 : memref<1x4x77x768xf32, #tpu.memory_space<vmem>> -> memref<4x77x768xf32, #tpu.memory_space<vmem>>
    tpu.enqueue_dma source(%dma_start3A_411 : memref<4x77x768xf32, #tpu.memory_space<vmem>>) target(%dma_start3A_406 : memref<4x77x768xf32, #tpu.memory_space<hbm>>) target_semaphore(%dma_start3A_402 : memref<!tpu.dma_semaphore, #tpu.memory_space<semaphore_mem>>)
    %dma_wait3A_412 = arith.constant 1 : i32
    %dma_wait3A_413 = arith.constant 1 : i32
    %dma_wait3A_414 = tpu.memref_slice %arg13[%dma_wait3A_413] : memref<4x!tpu.dma_semaphore, #tpu.memory_space<semaphore_mem>> -> memref<1x!tpu.dma_semaphore, #tpu.memory_space<semaphore_mem>>
    %dma_wait3A_415 = tpu.memref_squeeze %dma_wait3A_414 : memref<1x!tpu.dma_semaphore, #tpu.memory_space<semaphore_mem>> -> memref<!tpu.dma_semaphore, #tpu.memory_space<semaphore_mem>>
    %dma_wait3A_416 = arith.constant 20 : i32
    %dma_wait3A_417 = arith.constant 0 : i32
    %dma_wait3A_418 = arith.constant 0 : i32
    %dma_wait3A_419 = tpu.memref_slice %arg6[%dma_wait3A_416, %dma_wait3A_417, %dma_wait3A_418] : memref<100x77x768xf32, #tpu.memory_space<hbm>> -> memref<4x77x768xf32, #tpu.memory_space<hbm>>
    %dma_wait3A_420 = arith.constant 0 : i32
    %dma_wait3A_421 = arith.constant 0 : i32
    %dma_wait3A_422 = arith.constant 0 : i32
    %dma_wait3A_423 = tpu.memref_slice %arg9[%dma_wait3A_412, %dma_wait3A_420, %dma_wait3A_421, %dma_wait3A_422] : memref<4x4x77x768xf32, #tpu.memory_space<vmem>> -> memref<1x4x77x768xf32, #tpu.memory_space<vmem>>
    %dma_wait3A_424 = tpu.memref_squeeze %dma_wait3A_423 : memref<1x4x77x768xf32, #tpu.memory_space<vmem>> -> memref<4x77x768xf32, #tpu.memory_space<vmem>>
    tpu.wait_dma2 semaphore(%dma_wait3A_415 : memref<!tpu.dma_semaphore, #tpu.memory_space<semaphore_mem>>) src(%dma_wait3A_424 : memref<4x77x768xf32, #tpu.memory_space<vmem>>) dst(%dma_wait3A_419 : memref<4x77x768xf32, #tpu.memory_space<hbm>>)
    %get3A_425 = arith.constant 36 : index
    %get3A_426 = arith.constant 0 : index
    %get3A_427 = arith.constant 0 : index
    %get3A_428 = vector.load %arg2[%get3A_425, %get3A_426, %get3A_427] : memref<100x1x768xf32, #tpu.memory_space<vmem>>, vector<4x1x768xf32>
    %swap3A_429 = arith.constant 1 : index
    %swap3A_430 = arith.constant 0 : index
    %swap3A_431 = arith.constant 0 : index
    %swap3A_432 = arith.constant 0 : index
    %swap3A_433 = vector.load %arg9[%swap3A_429, %swap3A_430, %swap3A_431, %swap3A_432] : memref<4x4x77x768xf32, #tpu.memory_space<vmem>>, vector<1x4x1x768xf32>
    %swap3A_434 = vector.shape_cast %swap3A_433 : vector<1x4x1x768xf32> to vector<4x1x768xf32>
    %swap3A_435 = vector.shape_cast %get3A_428 : vector<4x1x768xf32> to vector<1x4x1x768xf32>
    tpu.vector_store %arg9[%swap3A_429, %swap3A_430, %swap3A_431, %swap3A_432], %swap3A_435 {strides = array<i32>} : memref<4x4x77x768xf32, #tpu.memory_space<vmem>>, vector<1x4x1x768xf32>,
    %get3A_436 = arith.constant 36 : index
    %get3A_437 = arith.constant 0 : index
    %get3A_438 = arith.constant 0 : index
    %get3A_439 = vector.load %arg3[%get3A_436, %get3A_437, %get3A_438] : memref<100x12x768xf32, #tpu.memory_space<vmem>>, vector<4x12x768xf32>
    %swap3A_440 = arith.constant 1 : index
    %swap3A_441 = arith.constant 0 : index
    %swap3A_442 = arith.constant 65 : index
    %swap3A_443 = arith.constant 0 : index
    %swap3A_444 = vector.load %arg9[%swap3A_440, %swap3A_441, %swap3A_442, %swap3A_443] : memref<4x4x77x768xf32, #tpu.memory_space<vmem>>, vector<1x4x12x768xf32>
    %swap3A_445 = vector.shape_cast %swap3A_444 : vector<1x4x12x768xf32> to vector<4x12x768xf32>
    %swap3A_446 = vector.shape_cast %get3A_439 : vector<4x12x768xf32> to vector<1x4x12x768xf32>
    tpu.vector_store %arg9[%swap3A_440, %swap3A_441, %swap3A_442, %swap3A_443], %swap3A_446 {strides = array<i32>} : memref<4x4x77x768xf32, #tpu.memory_space<vmem>>, vector<1x4x12x768xf32>,
    %dma_start3A_447 = arith.constant 1 : i32
    %dma_start3A_448 = arith.constant 1 : i32
    %dma_start3A_449 = tpu.memref_slice %arg13[%dma_start3A_448] : memref<4x!tpu.dma_semaphore, #tpu.memory_space<semaphore_mem>> -> memref<1x!tpu.dma_semaphore, #tpu.memory_space<semaphore_mem>>
    %dma_start3A_450 = tpu.memref_squeeze %dma_start3A_449 : memref<1x!tpu.dma_semaphore, #tpu.memory_space<semaphore_mem>> -> memref<!tpu.dma_semaphore, #tpu.memory_space<semaphore_mem>>
    %dma_start3A_451 = arith.constant 36 : i32
    %dma_start3A_452 = arith.constant 0 : i32
    %dma_start3A_453 = arith.constant 0 : i32
    %dma_start3A_454 = tpu.memref_slice %arg6[%dma_start3A_451, %dma_start3A_452, %dma_start3A_453] : memref<100x77x768xf32, #tpu.memory_space<hbm>> -> memref<4x77x768xf32, #tpu.memory_space<hbm>>
    %dma_start3A_455 = arith.constant 0 : i32
    %dma_start3A_456 = arith.constant 0 : i32
    %dma_start3A_457 = arith.constant 0 : i32
    %dma_start3A_458 = tpu.memref_slice %arg9[%dma_start3A_447, %dma_start3A_455, %dma_start3A_456, %dma_start3A_457] : memref<4x4x77x768xf32, #tpu.memory_space<vmem>> -> memref<1x4x77x768xf32, #tpu.memory_space<vmem>>
    %dma_start3A_459 = tpu.memref_squeeze %dma_start3A_458 : memref<1x4x77x768xf32, #tpu.memory_space<vmem>> -> memref<4x77x768xf32, #tpu.memory_space<vmem>>
    tpu.enqueue_dma source(%dma_start3A_459 : memref<4x77x768xf32, #tpu.memory_space<vmem>>) target(%dma_start3A_454 : memref<4x77x768xf32, #tpu.memory_space<hbm>>) target_semaphore(%dma_start3A_450 : memref<!tpu.dma_semaphore, #tpu.memory_space<semaphore_mem>>)
    %dma_wait3A_460 = arith.constant 2 : i32
    %dma_wait3A_461 = arith.constant 2 : i32
    %dma_wait3A_462 = tpu.memref_slice %arg13[%dma_wait3A_461] : memref<4x!tpu.dma_semaphore, #tpu.memory_space<semaphore_mem>> -> memref<1x!tpu.dma_semaphore, #tpu.memory_space<semaphore_mem>>
    %dma_wait3A_463 = tpu.memref_squeeze %dma_wait3A_462 : memref<1x!tpu.dma_semaphore, #tpu.memory_space<semaphore_mem>> -> memref<!tpu.dma_semaphore, #tpu.memory_space<semaphore_mem>>
    %dma_wait3A_464 = arith.constant 24 : i32
    %dma_wait3A_465 = arith.constant 0 : i32
    %dma_wait3A_466 = arith.constant 0 : i32
    %dma_wait3A_467 = tpu.memref_slice %arg6[%dma_wait3A_464, %dma_wait3A_465, %dma_wait3A_466] : memref<100x77x768xf32, #tpu.memory_space<hbm>> -> memref<4x77x768xf32, #tpu.memory_space<hbm>>
    %dma_wait3A_468 = arith.constant 0 : i32
    %dma_wait3A_469 = arith.constant 0 : i32
    %dma_wait3A_470 = arith.constant 0 : i32
    %dma_wait3A_471 = tpu.memref_slice %arg9[%dma_wait3A_460, %dma_wait3A_468, %dma_wait3A_469, %dma_wait3A_470] : memref<4x4x77x768xf32, #tpu.memory_space<vmem>> -> memref<1x4x77x768xf32, #tpu.memory_space<vmem>>
    %dma_wait3A_472 = tpu.memref_squeeze %dma_wait3A_471 : memref<1x4x77x768xf32, #tpu.memory_space<vmem>> -> memref<4x77x768xf32, #tpu.memory_space<vmem>>
    tpu.wait_dma2 semaphore(%dma_wait3A_463 : memref<!tpu.dma_semaphore, #tpu.memory_space<semaphore_mem>>) src(%dma_wait3A_472 : memref<4x77x768xf32, #tpu.memory_space<vmem>>) dst(%dma_wait3A_467 : memref<4x77x768xf32, #tpu.memory_space<hbm>>)
    %get3A_473 = arith.constant 40 : index
    %get3A_474 = arith.constant 0 : index
    %get3A_475 = arith.constant 0 : index
    %get3A_476 = vector.load %arg2[%get3A_473, %get3A_474, %get3A_475] : memref<100x1x768xf32, #tpu.memory_space<vmem>>, vector<4x1x768xf32>
    %swap3A_477 = arith.constant 2 : index
    %swap3A_478 = arith.constant 0 : index
    %swap3A_479 = arith.constant 0 : index
    %swap3A_480 = arith.constant 0 : index
    %swap3A_481 = vector.load %arg9[%swap3A_477, %swap3A_478, %swap3A_479, %swap3A_480] : memref<4x4x77x768xf32, #tpu.memory_space<vmem>>, vector<1x4x1x768xf32>
    %swap3A_482 = vector.shape_cast %swap3A_481 : vector<1x4x1x768xf32> to vector<4x1x768xf32>
    %swap3A_483 = vector.shape_cast %get3A_476 : vector<4x1x768xf32> to vector<1x4x1x768xf32>
    tpu.vector_store %arg9[%swap3A_477, %swap3A_478, %swap3A_479, %swap3A_480], %swap3A_483 {strides = array<i32>} : memref<4x4x77x768xf32, #tpu.memory_space<vmem>>, vector<1x4x1x768xf32>,
    %get3A_484 = arith.constant 40 : index
    %get3A_485 = arith.constant 0 : index
    %get3A_486 = arith.constant 0 : index
    %get3A_487 = vector.load %arg3[%get3A_484, %get3A_485, %get3A_486] : memref<100x12x768xf32, #tpu.memory_space<vmem>>, vector<4x12x768xf32>
    %swap3A_488 = arith.constant 2 : index
    %swap3A_489 = arith.constant 0 : index
    %swap3A_490 = arith.constant 65 : index
    %swap3A_491 = arith.constant 0 : index
    %swap3A_492 = vector.load %arg9[%swap3A_488, %swap3A_489, %swap3A_490, %swap3A_491] : memref<4x4x77x768xf32, #tpu.memory_space<vmem>>, vector<1x4x12x768xf32>
    %swap3A_493 = vector.shape_cast %swap3A_492 : vector<1x4x12x768xf32> to vector<4x12x768xf32>
    %swap3A_494 = vector.shape_cast %get3A_487 : vector<4x12x768xf32> to vector<1x4x12x768xf32>
    tpu.vector_store %arg9[%swap3A_488, %swap3A_489, %swap3A_490, %swap3A_491], %swap3A_494 {strides = array<i32>} : memref<4x4x77x768xf32, #tpu.memory_space<vmem>>, vector<1x4x12x768xf32>,
    %dma_start3A_495 = arith.constant 2 : i32
    %dma_start3A_496 = arith.constant 2 : i32
    %dma_start3A_497 = tpu.memref_slice %arg13[%dma_start3A_496] : memref<4x!tpu.dma_semaphore, #tpu.memory_space<semaphore_mem>> -> memref<1x!tpu.dma_semaphore, #tpu.memory_space<semaphore_mem>>
    %dma_start3A_498 = tpu.memref_squeeze %dma_start3A_497 : memref<1x!tpu.dma_semaphore, #tpu.memory_space<semaphore_mem>> -> memref<!tpu.dma_semaphore, #tpu.memory_space<semaphore_mem>>
    %dma_start3A_499 = arith.constant 40 : i32
    %dma_start3A_500 = arith.constant 0 : i32
    %dma_start3A_501 = arith.constant 0 : i32
    %dma_start3A_502 = tpu.memref_slice %arg6[%dma_start3A_499, %dma_start3A_500, %dma_start3A_501] : memref<100x77x768xf32, #tpu.memory_space<hbm>> -> memref<4x77x768xf32, #tpu.memory_space<hbm>>
    %dma_start3A_503 = arith.constant 0 : i32
    %dma_start3A_504 = arith.constant 0 : i32
    %dma_start3A_505 = arith.constant 0 : i32
    %dma_start3A_506 = tpu.memref_slice %arg9[%dma_start3A_495, %dma_start3A_503, %dma_start3A_504, %dma_start3A_505] : memref<4x4x77x768xf32, #tpu.memory_space<vmem>> -> memref<1x4x77x768xf32, #tpu.memory_space<vmem>>
    %dma_start3A_507 = tpu.memref_squeeze %dma_start3A_506 : memref<1x4x77x768xf32, #tpu.memory_space<vmem>> -> memref<4x77x768xf32, #tpu.memory_space<vmem>>
    tpu.enqueue_dma source(%dma_start3A_507 : memref<4x77x768xf32, #tpu.memory_space<vmem>>) target(%dma_start3A_502 : memref<4x77x768xf32, #tpu.memory_space<hbm>>) target_semaphore(%dma_start3A_498 : memref<!tpu.dma_semaphore, #tpu.memory_space<semaphore_mem>>)
    %dma_wait3A_508 = arith.constant 3 : i32
    %dma_wait3A_509 = arith.constant 3 : i32
    %dma_wait3A_510 = tpu.memref_slice %arg13[%dma_wait3A_509] : memref<4x!tpu.dma_semaphore, #tpu.memory_space<semaphore_mem>> -> memref<1x!tpu.dma_semaphore, #tpu.memory_space<semaphore_mem>>
    %dma_wait3A_511 = tpu.memref_squeeze %dma_wait3A_510 : memref<1x!tpu.dma_semaphore, #tpu.memory_space<semaphore_mem>> -> memref<!tpu.dma_semaphore, #tpu.memory_space<semaphore_mem>>
    %dma_wait3A_512 = arith.constant 28 : i32
    %dma_wait3A_513 = arith.constant 0 : i32
    %dma_wait3A_514 = arith.constant 0 : i32
    %dma_wait3A_515 = tpu.memref_slice %arg6[%dma_wait3A_512, %dma_wait3A_513, %dma_wait3A_514] : memref<100x77x768xf32, #tpu.memory_space<hbm>> -> memref<4x77x768xf32, #tpu.memory_space<hbm>>
    %dma_wait3A_516 = arith.constant 0 : i32
    %dma_wait3A_517 = arith.constant 0 : i32
    %dma_wait3A_518 = arith.constant 0 : i32
    %dma_wait3A_519 = tpu.memref_slice %arg9[%dma_wait3A_508, %dma_wait3A_516, %dma_wait3A_517, %dma_wait3A_518] : memref<4x4x77x768xf32, #tpu.memory_space<vmem>> -> memref<1x4x77x768xf32, #tpu.memory_space<vmem>>
    %dma_wait3A_520 = tpu.memref_squeeze %dma_wait3A_519 : memref<1x4x77x768xf32, #tpu.memory_space<vmem>> -> memref<4x77x768xf32, #tpu.memory_space<vmem>>
    tpu.wait_dma2 semaphore(%dma_wait3A_511 : memref<!tpu.dma_semaphore, #tpu.memory_space<semaphore_mem>>) src(%dma_wait3A_520 : memref<4x77x768xf32, #tpu.memory_space<vmem>>) dst(%dma_wait3A_515 : memref<4x77x768xf32, #tpu.memory_space<hbm>>)
    %get3A_521 = arith.constant 44 : index
    %get3A_522 = arith.constant 0 : index
    %get3A_523 = arith.constant 0 : index
    %get3A_524 = vector.load %arg2[%get3A_521, %get3A_522, %get3A_523] : memref<100x1x768xf32, #tpu.memory_space<vmem>>, vector<4x1x768xf32>
    %swap3A_525 = arith.constant 3 : index
    %swap3A_526 = arith.constant 0 : index
    %swap3A_527 = arith.constant 0 : index
    %swap3A_528 = arith.constant 0 : index
    %swap3A_529 = vector.load %arg9[%swap3A_525, %swap3A_526, %swap3A_527, %swap3A_528] : memref<4x4x77x768xf32, #tpu.memory_space<vmem>>, vector<1x4x1x768xf32>
    %swap3A_530 = vector.shape_cast %swap3A_529 : vector<1x4x1x768xf32> to vector<4x1x768xf32>
    %swap3A_531 = vector.shape_cast %get3A_524 : vector<4x1x768xf32> to vector<1x4x1x768xf32>
    tpu.vector_store %arg9[%swap3A_525, %swap3A_526, %swap3A_527, %swap3A_528], %swap3A_531 {strides = array<i32>} : memref<4x4x77x768xf32, #tpu.memory_space<vmem>>, vector<1x4x1x768xf32>,
    %get3A_532 = arith.constant 44 : index
    %get3A_533 = arith.constant 0 : index
    %get3A_534 = arith.constant 0 : index
    %get3A_535 = vector.load %arg3[%get3A_532, %get3A_533, %get3A_534] : memref<100x12x768xf32, #tpu.memory_space<vmem>>, vector<4x12x768xf32>
    %swap3A_536 = arith.constant 3 : index
    %swap3A_537 = arith.constant 0 : index
    %swap3A_538 = arith.constant 65 : index
    %swap3A_539 = arith.constant 0 : index
    %swap3A_540 = vector.load %arg9[%swap3A_536, %swap3A_537, %swap3A_538, %swap3A_539] : memref<4x4x77x768xf32, #tpu.memory_space<vmem>>, vector<1x4x12x768xf32>
    %swap3A_541 = vector.shape_cast %swap3A_540 : vector<1x4x12x768xf32> to vector<4x12x768xf32>
    %swap3A_542 = vector.shape_cast %get3A_535 : vector<4x12x768xf32> to vector<1x4x12x768xf32>
    tpu.vector_store %arg9[%swap3A_536, %swap3A_537, %swap3A_538, %swap3A_539], %swap3A_542 {strides = array<i32>} : memref<4x4x77x768xf32, #tpu.memory_space<vmem>>, vector<1x4x12x768xf32>,
    %dma_start3A_543 = arith.constant 3 : i32
    %dma_start3A_544 = arith.constant 3 : i32
    %dma_start3A_545 = tpu.memref_slice %arg13[%dma_start3A_544] : memref<4x!tpu.dma_semaphore, #tpu.memory_space<semaphore_mem>> -> memref<1x!tpu.dma_semaphore, #tpu.memory_space<semaphore_mem>>
    %dma_start3A_546 = tpu.memref_squeeze %dma_start3A_545 : memref<1x!tpu.dma_semaphore, #tpu.memory_space<semaphore_mem>> -> memref<!tpu.dma_semaphore, #tpu.memory_space<semaphore_mem>>
    %dma_start3A_547 = arith.constant 44 : i32
    %dma_start3A_548 = arith.constant 0 : i32
    %dma_start3A_549 = arith.constant 0 : i32
    %dma_start3A_550 = tpu.memref_slice %arg6[%dma_start3A_547, %dma_start3A_548, %dma_start3A_549] : memref<100x77x768xf32, #tpu.memory_space<hbm>> -> memref<4x77x768xf32, #tpu.memory_space<hbm>>
    %dma_start3A_551 = arith.constant 0 : i32
    %dma_start3A_552 = arith.constant 0 : i32
    %dma_start3A_553 = arith.constant 0 : i32
    %dma_start3A_554 = tpu.memref_slice %arg9[%dma_start3A_543, %dma_start3A_551, %dma_start3A_552, %dma_start3A_553] : memref<4x4x77x768xf32, #tpu.memory_space<vmem>> -> memref<1x4x77x768xf32, #tpu.memory_space<vmem>>
    %dma_start3A_555 = tpu.memref_squeeze %dma_start3A_554 : memref<1x4x77x768xf32, #tpu.memory_space<vmem>> -> memref<4x77x768xf32, #tpu.memory_space<vmem>>
    tpu.enqueue_dma source(%dma_start3A_555 : memref<4x77x768xf32, #tpu.memory_space<vmem>>) target(%dma_start3A_550 : memref<4x77x768xf32, #tpu.memory_space<hbm>>) target_semaphore(%dma_start3A_546 : memref<!tpu.dma_semaphore, #tpu.memory_space<semaphore_mem>>)
    %dma_wait3A_556 = arith.constant 0 : i32
    %dma_wait3A_557 = arith.constant 0 : i32
    %dma_wait3A_558 = tpu.memref_slice %arg13[%dma_wait3A_557] : memref<4x!tpu.dma_semaphore, #tpu.memory_space<semaphore_mem>> -> memref<1x!tpu.dma_semaphore, #tpu.memory_space<semaphore_mem>>
    %dma_wait3A_559 = tpu.memref_squeeze %dma_wait3A_558 : memref<1x!tpu.dma_semaphore, #tpu.memory_space<semaphore_mem>> -> memref<!tpu.dma_semaphore, #tpu.memory_space<semaphore_mem>>
    %dma_wait3A_560 = arith.constant 32 : i32
    %dma_wait3A_561 = arith.constant 0 : i32
    %dma_wait3A_562 = arith.constant 0 : i32
    %dma_wait3A_563 = tpu.memref_slice %arg6[%dma_wait3A_560, %dma_wait3A_561, %dma_wait3A_562] : memref<100x77x768xf32, #tpu.memory_space<hbm>> -> memref<4x77x768xf32, #tpu.memory_space<hbm>>
    %dma_wait3A_564 = arith.constant 0 : i32
    %dma_wait3A_565 = arith.constant 0 : i32
    %dma_wait3A_566 = arith.constant 0 : i32
    %dma_wait3A_567 = tpu.memref_slice %arg9[%dma_wait3A_556, %dma_wait3A_564, %dma_wait3A_565, %dma_wait3A_566] : memref<4x4x77x768xf32, #tpu.memory_space<vmem>> -> memref<1x4x77x768xf32, #tpu.memory_space<vmem>>
    %dma_wait3A_568 = tpu.memref_squeeze %dma_wait3A_567 : memref<1x4x77x768xf32, #tpu.memory_space<vmem>> -> memref<4x77x768xf32, #tpu.memory_space<vmem>>
    tpu.wait_dma2 semaphore(%dma_wait3A_559 : memref<!tpu.dma_semaphore, #tpu.memory_space<semaphore_mem>>) src(%dma_wait3A_568 : memref<4x77x768xf32, #tpu.memory_space<vmem>>) dst(%dma_wait3A_563 : memref<4x77x768xf32, #tpu.memory_space<hbm>>)
    %get3A_569 = arith.constant 48 : index
    %get3A_570 = arith.constant 0 : index
    %get3A_571 = arith.constant 0 : index
    %get3A_572 = vector.load %arg2[%get3A_569, %get3A_570, %get3A_571] : memref<100x1x768xf32, #tpu.memory_space<vmem>>, vector<4x1x768xf32>
    %swap3A_573 = arith.constant 0 : index
    %swap3A_574 = arith.constant 0 : index
    %swap3A_575 = arith.constant 0 : index
    %swap3A_576 = arith.constant 0 : index
    %swap3A_577 = vector.load %arg9[%swap3A_573, %swap3A_574, %swap3A_575, %swap3A_576] : memref<4x4x77x768xf32, #tpu.memory_space<vmem>>, vector<1x4x1x768xf32>
    %swap3A_578 = vector.shape_cast %swap3A_577 : vector<1x4x1x768xf32> to vector<4x1x768xf32>
    %swap3A_579 = vector.shape_cast %get3A_572 : vector<4x1x768xf32> to vector<1x4x1x768xf32>
    tpu.vector_store %arg9[%swap3A_573, %swap3A_574, %swap3A_575, %swap3A_576], %swap3A_579 {strides = array<i32>} : memref<4x4x77x768xf32, #tpu.memory_space<vmem>>, vector<1x4x1x768xf32>,
    %get3A_580 = arith.constant 48 : index
    %get3A_581 = arith.constant 0 : index
    %get3A_582 = arith.constant 0 : index
    %get3A_583 = vector.load %arg3[%get3A_580, %get3A_581, %get3A_582] : memref<100x12x768xf32, #tpu.memory_space<vmem>>, vector<4x12x768xf32>
    %swap3A_584 = arith.constant 0 : index
    %swap3A_585 = arith.constant 0 : index
    %swap3A_586 = arith.constant 65 : index
    %swap3A_587 = arith.constant 0 : index
    %swap3A_588 = vector.load %arg9[%swap3A_584, %swap3A_585, %swap3A_586, %swap3A_587] : memref<4x4x77x768xf32, #tpu.memory_space<vmem>>, vector<1x4x12x768xf32>
    %swap3A_589 = vector.shape_cast %swap3A_588 : vector<1x4x12x768xf32> to vector<4x12x768xf32>
    %swap3A_590 = vector.shape_cast %get3A_583 : vector<4x12x768xf32> to vector<1x4x12x768xf32>
    tpu.vector_store %arg9[%swap3A_584, %swap3A_585, %swap3A_586, %swap3A_587], %swap3A_590 {strides = array<i32>} : memref<4x4x77x768xf32, #tpu.memory_space<vmem>>, vector<1x4x12x768xf32>,
    %dma_start3A_591 = arith.constant 0 : i32
    %dma_start3A_592 = arith.constant 0 : i32
    %dma_start3A_593 = tpu.memref_slice %arg13[%dma_start3A_592] : memref<4x!tpu.dma_semaphore, #tpu.memory_space<semaphore_mem>> -> memref<1x!tpu.dma_semaphore, #tpu.memory_space<semaphore_mem>>
    %dma_start3A_594 = tpu.memref_squeeze %dma_start3A_593 : memref<1x!tpu.dma_semaphore, #tpu.memory_space<semaphore_mem>> -> memref<!tpu.dma_semaphore, #tpu.memory_space<semaphore_mem>>
    %dma_start3A_595 = arith.constant 48 : i32
    %dma_start3A_596 = arith.constant 0 : i32
    %dma_start3A_597 = arith.constant 0 : i32
    %dma_start3A_598 = tpu.memref_slice %arg6[%dma_start3A_595, %dma_start3A_596, %dma_start3A_597] : memref<100x77x768xf32, #tpu.memory_space<hbm>> -> memref<4x77x768xf32, #tpu.memory_space<hbm>>
    %dma_start3A_599 = arith.constant 0 : i32
    %dma_start3A_600 = arith.constant 0 : i32
    %dma_start3A_601 = arith.constant 0 : i32
    %dma_start3A_602 = tpu.memref_slice %arg9[%dma_start3A_591, %dma_start3A_599, %dma_start3A_600, %dma_start3A_601] : memref<4x4x77x768xf32, #tpu.memory_space<vmem>> -> memref<1x4x77x768xf32, #tpu.memory_space<vmem>>
    %dma_start3A_603 = tpu.memref_squeeze %dma_start3A_602 : memref<1x4x77x768xf32, #tpu.memory_space<vmem>> -> memref<4x77x768xf32, #tpu.memory_space<vmem>>
    tpu.enqueue_dma source(%dma_start3A_603 : memref<4x77x768xf32, #tpu.memory_space<vmem>>) target(%dma_start3A_598 : memref<4x77x768xf32, #tpu.memory_space<hbm>>) target_semaphore(%dma_start3A_594 : memref<!tpu.dma_semaphore, #tpu.memory_space<semaphore_mem>>)
    %dma_wait3A_604 = arith.constant 1 : i32
    %dma_wait3A_605 = arith.constant 1 : i32
    %dma_wait3A_606 = tpu.memref_slice %arg13[%dma_wait3A_605] : memref<4x!tpu.dma_semaphore, #tpu.memory_space<semaphore_mem>> -> memref<1x!tpu.dma_semaphore, #tpu.memory_space<semaphore_mem>>
    %dma_wait3A_607 = tpu.memref_squeeze %dma_wait3A_606 : memref<1x!tpu.dma_semaphore, #tpu.memory_space<semaphore_mem>> -> memref<!tpu.dma_semaphore, #tpu.memory_space<semaphore_mem>>
    %dma_wait3A_608 = arith.constant 36 : i32
    %dma_wait3A_609 = arith.constant 0 : i32
    %dma_wait3A_610 = arith.constant 0 : i32
    %dma_wait3A_611 = tpu.memref_slice %arg6[%dma_wait3A_608, %dma_wait3A_609, %dma_wait3A_610] : memref<100x77x768xf32, #tpu.memory_space<hbm>> -> memref<4x77x768xf32, #tpu.memory_space<hbm>>
    %dma_wait3A_612 = arith.constant 0 : i32
    %dma_wait3A_613 = arith.constant 0 : i32
    %dma_wait3A_614 = arith.constant 0 : i32
    %dma_wait3A_615 = tpu.memref_slice %arg9[%dma_wait3A_604, %dma_wait3A_612, %dma_wait3A_613, %dma_wait3A_614] : memref<4x4x77x768xf32, #tpu.memory_space<vmem>> -> memref<1x4x77x768xf32, #tpu.memory_space<vmem>>
    %dma_wait3A_616 = tpu.memref_squeeze %dma_wait3A_615 : memref<1x4x77x768xf32, #tpu.memory_space<vmem>> -> memref<4x77x768xf32, #tpu.memory_space<vmem>>
    tpu.wait_dma2 semaphore(%dma_wait3A_607 : memref<!tpu.dma_semaphore, #tpu.memory_space<semaphore_mem>>) src(%dma_wait3A_616 : memref<4x77x768xf32, #tpu.memory_space<vmem>>) dst(%dma_wait3A_611 : memref<4x77x768xf32, #tpu.memory_space<hbm>>)
    %get3A_617 = arith.constant 52 : index
    %get3A_618 = arith.constant 0 : index
    %get3A_619 = arith.constant 0 : index
    %get3A_620 = vector.load %arg2[%get3A_617, %get3A_618, %get3A_619] : memref<100x1x768xf32, #tpu.memory_space<vmem>>, vector<4x1x768xf32>
    %swap3A_621 = arith.constant 1 : index
    %swap3A_622 = arith.constant 0 : index
    %swap3A_623 = arith.constant 0 : index
    %swap3A_624 = arith.constant 0 : index
    %swap3A_625 = vector.load %arg9[%swap3A_621, %swap3A_622, %swap3A_623, %swap3A_624] : memref<4x4x77x768xf32, #tpu.memory_space<vmem>>, vector<1x4x1x768xf32>
    %swap3A_626 = vector.shape_cast %swap3A_625 : vector<1x4x1x768xf32> to vector<4x1x768xf32>
    %swap3A_627 = vector.shape_cast %get3A_620 : vector<4x1x768xf32> to vector<1x4x1x768xf32>
    tpu.vector_store %arg9[%swap3A_621, %swap3A_622, %swap3A_623, %swap3A_624], %swap3A_627 {strides = array<i32>} : memref<4x4x77x768xf32, #tpu.memory_space<vmem>>, vector<1x4x1x768xf32>,
    %get3A_628 = arith.constant 52 : index
    %get3A_629 = arith.constant 0 : index
    %get3A_630 = arith.constant 0 : index
    %get3A_631 = vector.load %arg3[%get3A_628, %get3A_629, %get3A_630] : memref<100x12x768xf32, #tpu.memory_space<vmem>>, vector<4x12x768xf32>
    %swap3A_632 = arith.constant 1 : index
    %swap3A_633 = arith.constant 0 : index
    %swap3A_634 = arith.constant 65 : index
    %swap3A_635 = arith.constant 0 : index
    %swap3A_636 = vector.load %arg9[%swap3A_632, %swap3A_633, %swap3A_634, %swap3A_635] : memref<4x4x77x768xf32, #tpu.memory_space<vmem>>, vector<1x4x12x768xf32>
    %swap3A_637 = vector.shape_cast %swap3A_636 : vector<1x4x12x768xf32> to vector<4x12x768xf32>
    %swap3A_638 = vector.shape_cast %get3A_631 : vector<4x12x768xf32> to vector<1x4x12x768xf32>
    tpu.vector_store %arg9[%swap3A_632, %swap3A_633, %swap3A_634, %swap3A_635], %swap3A_638 {strides = array<i32>} : memref<4x4x77x768xf32, #tpu.memory_space<vmem>>, vector<1x4x12x768xf32>,
    %dma_start3A_639 = arith.constant 1 : i32
    %dma_start3A_640 = arith.constant 1 : i32
    %dma_start3A_641 = tpu.memref_slice %arg13[%dma_start3A_640] : memref<4x!tpu.dma_semaphore, #tpu.memory_space<semaphore_mem>> -> memref<1x!tpu.dma_semaphore, #tpu.memory_space<semaphore_mem>>
    %dma_start3A_642 = tpu.memref_squeeze %dma_start3A_641 : memref<1x!tpu.dma_semaphore, #tpu.memory_space<semaphore_mem>> -> memref<!tpu.dma_semaphore, #tpu.memory_space<semaphore_mem>>
    %dma_start3A_643 = arith.constant 52 : i32
    %dma_start3A_644 = arith.constant 0 : i32
    %dma_start3A_645 = arith.constant 0 : i32
    %dma_start3A_646 = tpu.memref_slice %arg6[%dma_start3A_643, %dma_start3A_644, %dma_start3A_645] : memref<100x77x768xf32, #tpu.memory_space<hbm>> -> memref<4x77x768xf32, #tpu.memory_space<hbm>>
    %dma_start3A_647 = arith.constant 0 : i32
    %dma_start3A_648 = arith.constant 0 : i32
    %dma_start3A_649 = arith.constant 0 : i32
    %dma_start3A_650 = tpu.memref_slice %arg9[%dma_start3A_639, %dma_start3A_647, %dma_start3A_648, %dma_start3A_649] : memref<4x4x77x768xf32, #tpu.memory_space<vmem>> -> memref<1x4x77x768xf32, #tpu.memory_space<vmem>>
    %dma_start3A_651 = tpu.memref_squeeze %dma_start3A_650 : memref<1x4x77x768xf32, #tpu.memory_space<vmem>> -> memref<4x77x768xf32, #tpu.memory_space<vmem>>
    tpu.enqueue_dma source(%dma_start3A_651 : memref<4x77x768xf32, #tpu.memory_space<vmem>>) target(%dma_start3A_646 : memref<4x77x768xf32, #tpu.memory_space<hbm>>) target_semaphore(%dma_start3A_642 : memref<!tpu.dma_semaphore, #tpu.memory_space<semaphore_mem>>)
    %dma_wait3A_652 = arith.constant 2 : i32
    %dma_wait3A_653 = arith.constant 2 : i32
    %dma_wait3A_654 = tpu.memref_slice %arg13[%dma_wait3A_653] : memref<4x!tpu.dma_semaphore, #tpu.memory_space<semaphore_mem>> -> memref<1x!tpu.dma_semaphore, #tpu.memory_space<semaphore_mem>>
    %dma_wait3A_655 = tpu.memref_squeeze %dma_wait3A_654 : memref<1x!tpu.dma_semaphore, #tpu.memory_space<semaphore_mem>> -> memref<!tpu.dma_semaphore, #tpu.memory_space<semaphore_mem>>
    %dma_wait3A_656 = arith.constant 40 : i32
    %dma_wait3A_657 = arith.constant 0 : i32
    %dma_wait3A_658 = arith.constant 0 : i32
    %dma_wait3A_659 = tpu.memref_slice %arg6[%dma_wait3A_656, %dma_wait3A_657, %dma_wait3A_658] : memref<100x77x768xf32, #tpu.memory_space<hbm>> -> memref<4x77x768xf32, #tpu.memory_space<hbm>>
    %dma_wait3A_660 = arith.constant 0 : i32
    %dma_wait3A_661 = arith.constant 0 : i32
    %dma_wait3A_662 = arith.constant 0 : i32
    %dma_wait3A_663 = tpu.memref_slice %arg9[%dma_wait3A_652, %dma_wait3A_660, %dma_wait3A_661, %dma_wait3A_662] : memref<4x4x77x768xf32, #tpu.memory_space<vmem>> -> memref<1x4x77x768xf32, #tpu.memory_space<vmem>>
    %dma_wait3A_664 = tpu.memref_squeeze %dma_wait3A_663 : memref<1x4x77x768xf32, #tpu.memory_space<vmem>> -> memref<4x77x768xf32, #tpu.memory_space<vmem>>
    tpu.wait_dma2 semaphore(%dma_wait3A_655 : memref<!tpu.dma_semaphore, #tpu.memory_space<semaphore_mem>>) src(%dma_wait3A_664 : memref<4x77x768xf32, #tpu.memory_space<vmem>>) dst(%dma_wait3A_659 : memref<4x77x768xf32, #tpu.memory_space<hbm>>)
    %get3A_665 = arith.constant 56 : index
    %get3A_666 = arith.constant 0 : index
    %get3A_667 = arith.constant 0 : index
    %get3A_668 = vector.load %arg2[%get3A_665, %get3A_666, %get3A_667] : memref<100x1x768xf32, #tpu.memory_space<vmem>>, vector<4x1x768xf32>
    %swap3A_669 = arith.constant 2 : index
    %swap3A_670 = arith.constant 0 : index
    %swap3A_671 = arith.constant 0 : index
    %swap3A_672 = arith.constant 0 : index
    %swap3A_673 = vector.load %arg9[%swap3A_669, %swap3A_670, %swap3A_671, %swap3A_672] : memref<4x4x77x768xf32, #tpu.memory_space<vmem>>, vector<1x4x1x768xf32>
    %swap3A_674 = vector.shape_cast %swap3A_673 : vector<1x4x1x768xf32> to vector<4x1x768xf32>
    %swap3A_675 = vector.shape_cast %get3A_668 : vector<4x1x768xf32> to vector<1x4x1x768xf32>
    tpu.vector_store %arg9[%swap3A_669, %swap3A_670, %swap3A_671, %swap3A_672], %swap3A_675 {strides = array<i32>} : memref<4x4x77x768xf32, #tpu.memory_space<vmem>>, vector<1x4x1x768xf32>,
    %get3A_676 = arith.constant 56 : index
    %get3A_677 = arith.constant 0 : index
    %get3A_678 = arith.constant 0 : index
    %get3A_679 = vector.load %arg3[%get3A_676, %get3A_677, %get3A_678] : memref<100x12x768xf32, #tpu.memory_space<vmem>>, vector<4x12x768xf32>
    %swap3A_680 = arith.constant 2 : index
    %swap3A_681 = arith.constant 0 : index
    %swap3A_682 = arith.constant 65 : index
    %swap3A_683 = arith.constant 0 : index
    %swap3A_684 = vector.load %arg9[%swap3A_680, %swap3A_681, %swap3A_682, %swap3A_683] : memref<4x4x77x768xf32, #tpu.memory_space<vmem>>, vector<1x4x12x768xf32>
    %swap3A_685 = vector.shape_cast %swap3A_684 : vector<1x4x12x768xf32> to vector<4x12x768xf32>
    %swap3A_686 = vector.shape_cast %get3A_679 : vector<4x12x768xf32> to vector<1x4x12x768xf32>
    tpu.vector_store %arg9[%swap3A_680, %swap3A_681, %swap3A_682, %swap3A_683], %swap3A_686 {strides = array<i32>} : memref<4x4x77x768xf32, #tpu.memory_space<vmem>>, vector<1x4x12x768xf32>,
    %dma_start3A_687 = arith.constant 2 : i32
    %dma_start3A_688 = arith.constant 2 : i32
    %dma_start3A_689 = tpu.memref_slice %arg13[%dma_start3A_688] : memref<4x!tpu.dma_semaphore, #tpu.memory_space<semaphore_mem>> -> memref<1x!tpu.dma_semaphore, #tpu.memory_space<semaphore_mem>>
    %dma_start3A_690 = tpu.memref_squeeze %dma_start3A_689 : memref<1x!tpu.dma_semaphore, #tpu.memory_space<semaphore_mem>> -> memref<!tpu.dma_semaphore, #tpu.memory_space<semaphore_mem>>
    %dma_start3A_691 = arith.constant 56 : i32
    %dma_start3A_692 = arith.constant 0 : i32
    %dma_start3A_693 = arith.constant 0 : i32
    %dma_start3A_694 = tpu.memref_slice %arg6[%dma_start3A_691, %dma_start3A_692, %dma_start3A_693] : memref<100x77x768xf32, #tpu.memory_space<hbm>> -> memref<4x77x768xf32, #tpu.memory_space<hbm>>
    %dma_start3A_695 = arith.constant 0 : i32
    %dma_start3A_696 = arith.constant 0 : i32
    %dma_start3A_697 = arith.constant 0 : i32
    %dma_start3A_698 = tpu.memref_slice %arg9[%dma_start3A_687, %dma_start3A_695, %dma_start3A_696, %dma_start3A_697] : memref<4x4x77x768xf32, #tpu.memory_space<vmem>> -> memref<1x4x77x768xf32, #tpu.memory_space<vmem>>
    %dma_start3A_699 = tpu.memref_squeeze %dma_start3A_698 : memref<1x4x77x768xf32, #tpu.memory_space<vmem>> -> memref<4x77x768xf32, #tpu.memory_space<vmem>>
    tpu.enqueue_dma source(%dma_start3A_699 : memref<4x77x768xf32, #tpu.memory_space<vmem>>) target(%dma_start3A_694 : memref<4x77x768xf32, #tpu.memory_space<hbm>>) target_semaphore(%dma_start3A_690 : memref<!tpu.dma_semaphore, #tpu.memory_space<semaphore_mem>>)
    %dma_wait3A_700 = arith.constant 3 : i32
    %dma_wait3A_701 = arith.constant 3 : i32
    %dma_wait3A_702 = tpu.memref_slice %arg13[%dma_wait3A_701] : memref<4x!tpu.dma_semaphore, #tpu.memory_space<semaphore_mem>> -> memref<1x!tpu.dma_semaphore, #tpu.memory_space<semaphore_mem>>
    %dma_wait3A_703 = tpu.memref_squeeze %dma_wait3A_702 : memref<1x!tpu.dma_semaphore, #tpu.memory_space<semaphore_mem>> -> memref<!tpu.dma_semaphore, #tpu.memory_space<semaphore_mem>>
    %dma_wait3A_704 = arith.constant 44 : i32
    %dma_wait3A_705 = arith.constant 0 : i32
    %dma_wait3A_706 = arith.constant 0 : i32
    %dma_wait3A_707 = tpu.memref_slice %arg6[%dma_wait3A_704, %dma_wait3A_705, %dma_wait3A_706] : memref<100x77x768xf32, #tpu.memory_space<hbm>> -> memref<4x77x768xf32, #tpu.memory_space<hbm>>
    %dma_wait3A_708 = arith.constant 0 : i32
    %dma_wait3A_709 = arith.constant 0 : i32
    %dma_wait3A_710 = arith.constant 0 : i32
    %dma_wait3A_711 = tpu.memref_slice %arg9[%dma_wait3A_700, %dma_wait3A_708, %dma_wait3A_709, %dma_wait3A_710] : memref<4x4x77x768xf32, #tpu.memory_space<vmem>> -> memref<1x4x77x768xf32, #tpu.memory_space<vmem>>
    %dma_wait3A_712 = tpu.memref_squeeze %dma_wait3A_711 : memref<1x4x77x768xf32, #tpu.memory_space<vmem>> -> memref<4x77x768xf32, #tpu.memory_space<vmem>>
    tpu.wait_dma2 semaphore(%dma_wait3A_703 : memref<!tpu.dma_semaphore, #tpu.memory_space<semaphore_mem>>) src(%dma_wait3A_712 : memref<4x77x768xf32, #tpu.memory_space<vmem>>) dst(%dma_wait3A_707 : memref<4x77x768xf32, #tpu.memory_space<hbm>>)
    %get3A_713 = arith.constant 60 : index
    %get3A_714 = arith.constant 0 : index
    %get3A_715 = arith.constant 0 : index
    %get3A_716 = vector.load %arg2[%get3A_713, %get3A_714, %get3A_715] : memref<100x1x768xf32, #tpu.memory_space<vmem>>, vector<4x1x768xf32>
    %swap3A_717 = arith.constant 3 : index
    %swap3A_718 = arith.constant 0 : index
    %swap3A_719 = arith.constant 0 : index
    %swap3A_720 = arith.constant 0 : index
    %swap3A_721 = vector.load %arg9[%swap3A_717, %swap3A_718, %swap3A_719, %swap3A_720] : memref<4x4x77x768xf32, #tpu.memory_space<vmem>>, vector<1x4x1x768xf32>
    %swap3A_722 = vector.shape_cast %swap3A_721 : vector<1x4x1x768xf32> to vector<4x1x768xf32>
    %swap3A_723 = vector.shape_cast %get3A_716 : vector<4x1x768xf32> to vector<1x4x1x768xf32>
    tpu.vector_store %arg9[%swap3A_717, %swap3A_718, %swap3A_719, %swap3A_720], %swap3A_723 {strides = array<i32>} : memref<4x4x77x768xf32, #tpu.memory_space<vmem>>, vector<1x4x1x768xf32>,
    %get3A_724 = arith.constant 60 : index
    %get3A_725 = arith.constant 0 : index
    %get3A_726 = arith.constant 0 : index
    %get3A_727 = vector.load %arg3[%get3A_724, %get3A_725, %get3A_726] : memref<100x12x768xf32, #tpu.memory_space<vmem>>, vector<4x12x768xf32>
    %swap3A_728 = arith.constant 3 : index
    %swap3A_729 = arith.constant 0 : index
    %swap3A_730 = arith.constant 65 : index
    %swap3A_731 = arith.constant 0 : index
    %swap3A_732 = vector.load %arg9[%swap3A_728, %swap3A_729, %swap3A_730, %swap3A_731] : memref<4x4x77x768xf32, #tpu.memory_space<vmem>>, vector<1x4x12x768xf32>
    %swap3A_733 = vector.shape_cast %swap3A_732 : vector<1x4x12x768xf32> to vector<4x12x768xf32>
    %swap3A_734 = vector.shape_cast %get3A_727 : vector<4x12x768xf32> to vector<1x4x12x768xf32>
    tpu.vector_store %arg9[%swap3A_728, %swap3A_729, %swap3A_730, %swap3A_731], %swap3A_734 {strides = array<i32>} : memref<4x4x77x768xf32, #tpu.memory_space<vmem>>, vector<1x4x12x768xf32>,
    %dma_start3A_735 = arith.constant 3 : i32
    %dma_start3A_736 = arith.constant 3 : i32
    %dma_start3A_737 = tpu.memref_slice %arg13[%dma_start3A_736] : memref<4x!tpu.dma_semaphore, #tpu.memory_space<semaphore_mem>> -> memref<1x!tpu.dma_semaphore, #tpu.memory_space<semaphore_mem>>
    %dma_start3A_738 = tpu.memref_squeeze %dma_start3A_737 : memref<1x!tpu.dma_semaphore, #tpu.memory_space<semaphore_mem>> -> memref<!tpu.dma_semaphore, #tpu.memory_space<semaphore_mem>>
    %dma_start3A_739 = arith.constant 60 : i32
    %dma_start3A_740 = arith.constant 0 : i32
    %dma_start3A_741 = arith.constant 0 : i32
    %dma_start3A_742 = tpu.memref_slice %arg6[%dma_start3A_739, %dma_start3A_740, %dma_start3A_741] : memref<100x77x768xf32, #tpu.memory_space<hbm>> -> memref<4x77x768xf32, #tpu.memory_space<hbm>>
    %dma_start3A_743 = arith.constant 0 : i32
    %dma_start3A_744 = arith.constant 0 : i32
    %dma_start3A_745 = arith.constant 0 : i32
    %dma_start3A_746 = tpu.memref_slice %arg9[%dma_start3A_735, %dma_start3A_743, %dma_start3A_744, %dma_start3A_745] : memref<4x4x77x768xf32, #tpu.memory_space<vmem>> -> memref<1x4x77x768xf32, #tpu.memory_space<vmem>>
    %dma_start3A_747 = tpu.memref_squeeze %dma_start3A_746 : memref<1x4x77x768xf32, #tpu.memory_space<vmem>> -> memref<4x77x768xf32, #tpu.memory_space<vmem>>
    tpu.enqueue_dma source(%dma_start3A_747 : memref<4x77x768xf32, #tpu.memory_space<vmem>>) target(%dma_start3A_742 : memref<4x77x768xf32, #tpu.memory_space<hbm>>) target_semaphore(%dma_start3A_738 : memref<!tpu.dma_semaphore, #tpu.memory_space<semaphore_mem>>)
    %dma_wait3A_748 = arith.constant 0 : i32
    %dma_wait3A_749 = arith.constant 0 : i32
    %dma_wait3A_750 = tpu.memref_slice %arg13[%dma_wait3A_749] : memref<4x!tpu.dma_semaphore, #tpu.memory_space<semaphore_mem>> -> memref<1x!tpu.dma_semaphore, #tpu.memory_space<semaphore_mem>>
    %dma_wait3A_751 = tpu.memref_squeeze %dma_wait3A_750 : memref<1x!tpu.dma_semaphore, #tpu.memory_space<semaphore_mem>> -> memref<!tpu.dma_semaphore, #tpu.memory_space<semaphore_mem>>
    %dma_wait3A_752 = arith.constant 48 : i32
    %dma_wait3A_753 = arith.constant 0 : i32
    %dma_wait3A_754 = arith.constant 0 : i32
    %dma_wait3A_755 = tpu.memref_slice %arg6[%dma_wait3A_752, %dma_wait3A_753, %dma_wait3A_754] : memref<100x77x768xf32, #tpu.memory_space<hbm>> -> memref<4x77x768xf32, #tpu.memory_space<hbm>>
    %dma_wait3A_756 = arith.constant 0 : i32
    %dma_wait3A_757 = arith.constant 0 : i32
    %dma_wait3A_758 = arith.constant 0 : i32
    %dma_wait3A_759 = tpu.memref_slice %arg9[%dma_wait3A_748, %dma_wait3A_756, %dma_wait3A_757, %dma_wait3A_758] : memref<4x4x77x768xf32, #tpu.memory_space<vmem>> -> memref<1x4x77x768xf32, #tpu.memory_space<vmem>>
    %dma_wait3A_760 = tpu.memref_squeeze %dma_wait3A_759 : memref<1x4x77x768xf32, #tpu.memory_space<vmem>> -> memref<4x77x768xf32, #tpu.memory_space<vmem>>
    tpu.wait_dma2 semaphore(%dma_wait3A_751 : memref<!tpu.dma_semaphore, #tpu.memory_space<semaphore_mem>>) src(%dma_wait3A_760 : memref<4x77x768xf32, #tpu.memory_space<vmem>>) dst(%dma_wait3A_755 : memref<4x77x768xf32, #tpu.memory_space<hbm>>)
    %get3A_761 = arith.constant 64 : index
    %get3A_762 = arith.constant 0 : index
    %get3A_763 = arith.constant 0 : index
    %get3A_764 = vector.load %arg2[%get3A_761, %get3A_762, %get3A_763] : memref<100x1x768xf32, #tpu.memory_space<vmem>>, vector<4x1x768xf32>
    %swap3A_765 = arith.constant 0 : index
    %swap3A_766 = arith.constant 0 : index
    %swap3A_767 = arith.constant 0 : index
    %swap3A_768 = arith.constant 0 : index
    %swap3A_769 = vector.load %arg9[%swap3A_765, %swap3A_766, %swap3A_767, %swap3A_768] : memref<4x4x77x768xf32, #tpu.memory_space<vmem>>, vector<1x4x1x768xf32>
    %swap3A_770 = vector.shape_cast %swap3A_769 : vector<1x4x1x768xf32> to vector<4x1x768xf32>
    %swap3A_771 = vector.shape_cast %get3A_764 : vector<4x1x768xf32> to vector<1x4x1x768xf32>
    tpu.vector_store %arg9[%swap3A_765, %swap3A_766, %swap3A_767, %swap3A_768], %swap3A_771 {strides = array<i32>} : memref<4x4x77x768xf32, #tpu.memory_space<vmem>>, vector<1x4x1x768xf32>,
    %get3A_772 = arith.constant 64 : index
    %get3A_773 = arith.constant 0 : index
    %get3A_774 = arith.constant 0 : index
    %get3A_775 = vector.load %arg3[%get3A_772, %get3A_773, %get3A_774] : memref<100x12x768xf32, #tpu.memory_space<vmem>>, vector<4x12x768xf32>
    %swap3A_776 = arith.constant 0 : index
    %swap3A_777 = arith.constant 0 : index
    %swap3A_778 = arith.constant 65 : index
    %swap3A_779 = arith.constant 0 : index
    %swap3A_780 = vector.load %arg9[%swap3A_776, %swap3A_777, %swap3A_778, %swap3A_779] : memref<4x4x77x768xf32, #tpu.memory_space<vmem>>, vector<1x4x12x768xf32>
    %swap3A_781 = vector.shape_cast %swap3A_780 : vector<1x4x12x768xf32> to vector<4x12x768xf32>
    %swap3A_782 = vector.shape_cast %get3A_775 : vector<4x12x768xf32> to vector<1x4x12x768xf32>
    tpu.vector_store %arg9[%swap3A_776, %swap3A_777, %swap3A_778, %swap3A_779], %swap3A_782 {strides = array<i32>} : memref<4x4x77x768xf32, #tpu.memory_space<vmem>>, vector<1x4x12x768xf32>,
    %dma_start3A_783 = arith.constant 0 : i32
    %dma_start3A_784 = arith.constant 0 : i32
    %dma_start3A_785 = tpu.memref_slice %arg13[%dma_start3A_784] : memref<4x!tpu.dma_semaphore, #tpu.memory_space<semaphore_mem>> -> memref<1x!tpu.dma_semaphore, #tpu.memory_space<semaphore_mem>>
    %dma_start3A_786 = tpu.memref_squeeze %dma_start3A_785 : memref<1x!tpu.dma_semaphore, #tpu.memory_space<semaphore_mem>> -> memref<!tpu.dma_semaphore, #tpu.memory_space<semaphore_mem>>
    %dma_start3A_787 = arith.constant 64 : i32
    %dma_start3A_788 = arith.constant 0 : i32
    %dma_start3A_789 = arith.constant 0 : i32
    %dma_start3A_790 = tpu.memref_slice %arg6[%dma_start3A_787, %dma_start3A_788, %dma_start3A_789] : memref<100x77x768xf32, #tpu.memory_space<hbm>> -> memref<4x77x768xf32, #tpu.memory_space<hbm>>
    %dma_start3A_791 = arith.constant 0 : i32
    %dma_start3A_792 = arith.constant 0 : i32
    %dma_start3A_793 = arith.constant 0 : i32
    %dma_start3A_794 = tpu.memref_slice %arg9[%dma_start3A_783, %dma_start3A_791, %dma_start3A_792, %dma_start3A_793] : memref<4x4x77x768xf32, #tpu.memory_space<vmem>> -> memref<1x4x77x768xf32, #tpu.memory_space<vmem>>
    %dma_start3A_795 = tpu.memref_squeeze %dma_start3A_794 : memref<1x4x77x768xf32, #tpu.memory_space<vmem>> -> memref<4x77x768xf32, #tpu.memory_space<vmem>>
    tpu.enqueue_dma source(%dma_start3A_795 : memref<4x77x768xf32, #tpu.memory_space<vmem>>) target(%dma_start3A_790 : memref<4x77x768xf32, #tpu.memory_space<hbm>>) target_semaphore(%dma_start3A_786 : memref<!tpu.dma_semaphore, #tpu.memory_space<semaphore_mem>>)
    %dma_wait3A_796 = arith.constant 1 : i32
    %dma_wait3A_797 = arith.constant 1 : i32
    %dma_wait3A_798 = tpu.memref_slice %arg13[%dma_wait3A_797] : memref<4x!tpu.dma_semaphore, #tpu.memory_space<semaphore_mem>> -> memref<1x!tpu.dma_semaphore, #tpu.memory_space<semaphore_mem>>
    %dma_wait3A_799 = tpu.memref_squeeze %dma_wait3A_798 : memref<1x!tpu.dma_semaphore, #tpu.memory_space<semaphore_mem>> -> memref<!tpu.dma_semaphore, #tpu.memory_space<semaphore_mem>>
    %dma_wait3A_800 = arith.constant 52 : i32
    %dma_wait3A_801 = arith.constant 0 : i32
    %dma_wait3A_802 = arith.constant 0 : i32
    %dma_wait3A_803 = tpu.memref_slice %arg6[%dma_wait3A_800, %dma_wait3A_801, %dma_wait3A_802] : memref<100x77x768xf32, #tpu.memory_space<hbm>> -> memref<4x77x768xf32, #tpu.memory_space<hbm>>
    %dma_wait3A_804 = arith.constant 0 : i32
    %dma_wait3A_805 = arith.constant 0 : i32
    %dma_wait3A_806 = arith.constant 0 : i32
    %dma_wait3A_807 = tpu.memref_slice %arg9[%dma_wait3A_796, %dma_wait3A_804, %dma_wait3A_805, %dma_wait3A_806] : memref<4x4x77x768xf32, #tpu.memory_space<vmem>> -> memref<1x4x77x768xf32, #tpu.memory_space<vmem>>
    %dma_wait3A_808 = tpu.memref_squeeze %dma_wait3A_807 : memref<1x4x77x768xf32, #tpu.memory_space<vmem>> -> memref<4x77x768xf32, #tpu.memory_space<vmem>>
    tpu.wait_dma2 semaphore(%dma_wait3A_799 : memref<!tpu.dma_semaphore, #tpu.memory_space<semaphore_mem>>) src(%dma_wait3A_808 : memref<4x77x768xf32, #tpu.memory_space<vmem>>) dst(%dma_wait3A_803 : memref<4x77x768xf32, #tpu.memory_space<hbm>>)
    %get3A_809 = arith.constant 68 : index
    %get3A_810 = arith.constant 0 : index
    %get3A_811 = arith.constant 0 : index
    %get3A_812 = vector.load %arg2[%get3A_809, %get3A_810, %get3A_811] : memref<100x1x768xf32, #tpu.memory_space<vmem>>, vector<4x1x768xf32>
    %swap3A_813 = arith.constant 1 : index
    %swap3A_814 = arith.constant 0 : index
    %swap3A_815 = arith.constant 0 : index
    %swap3A_816 = arith.constant 0 : index
    %swap3A_817 = vector.load %arg9[%swap3A_813, %swap3A_814, %swap3A_815, %swap3A_816] : memref<4x4x77x768xf32, #tpu.memory_space<vmem>>, vector<1x4x1x768xf32>
    %swap3A_818 = vector.shape_cast %swap3A_817 : vector<1x4x1x768xf32> to vector<4x1x768xf32>
    %swap3A_819 = vector.shape_cast %get3A_812 : vector<4x1x768xf32> to vector<1x4x1x768xf32>
    tpu.vector_store %arg9[%swap3A_813, %swap3A_814, %swap3A_815, %swap3A_816], %swap3A_819 {strides = array<i32>} : memref<4x4x77x768xf32, #tpu.memory_space<vmem>>, vector<1x4x1x768xf32>,
    %get3A_820 = arith.constant 68 : index
    %get3A_821 = arith.constant 0 : index
    %get3A_822 = arith.constant 0 : index
    %get3A_823 = vector.load %arg3[%get3A_820, %get3A_821, %get3A_822] : memref<100x12x768xf32, #tpu.memory_space<vmem>>, vector<4x12x768xf32>
    %swap3A_824 = arith.constant 1 : index
    %swap3A_825 = arith.constant 0 : index
    %swap3A_826 = arith.constant 65 : index
    %swap3A_827 = arith.constant 0 : index
    %swap3A_828 = vector.load %arg9[%swap3A_824, %swap3A_825, %swap3A_826, %swap3A_827] : memref<4x4x77x768xf32, #tpu.memory_space<vmem>>, vector<1x4x12x768xf32>
    %swap3A_829 = vector.shape_cast %swap3A_828 : vector<1x4x12x768xf32> to vector<4x12x768xf32>
    %swap3A_830 = vector.shape_cast %get3A_823 : vector<4x12x768xf32> to vector<1x4x12x768xf32>
    tpu.vector_store %arg9[%swap3A_824, %swap3A_825, %swap3A_826, %swap3A_827], %swap3A_830 {strides = array<i32>} : memref<4x4x77x768xf32, #tpu.memory_space<vmem>>, vector<1x4x12x768xf32>,
    %dma_start3A_831 = arith.constant 1 : i32
    %dma_start3A_832 = arith.constant 1 : i32
    %dma_start3A_833 = tpu.memref_slice %arg13[%dma_start3A_832] : memref<4x!tpu.dma_semaphore, #tpu.memory_space<semaphore_mem>> -> memref<1x!tpu.dma_semaphore, #tpu.memory_space<semaphore_mem>>
    %dma_start3A_834 = tpu.memref_squeeze %dma_start3A_833 : memref<1x!tpu.dma_semaphore, #tpu.memory_space<semaphore_mem>> -> memref<!tpu.dma_semaphore, #tpu.memory_space<semaphore_mem>>
    %dma_start3A_835 = arith.constant 68 : i32
    %dma_start3A_836 = arith.constant 0 : i32
    %dma_start3A_837 = arith.constant 0 : i32
    %dma_start3A_838 = tpu.memref_slice %arg6[%dma_start3A_835, %dma_start3A_836, %dma_start3A_837] : memref<100x77x768xf32, #tpu.memory_space<hbm>> -> memref<4x77x768xf32, #tpu.memory_space<hbm>>
    %dma_start3A_839 = arith.constant 0 : i32
    %dma_start3A_840 = arith.constant 0 : i32
    %dma_start3A_841 = arith.constant 0 : i32
    %dma_start3A_842 = tpu.memref_slice %arg9[%dma_start3A_831, %dma_start3A_839, %dma_start3A_840, %dma_start3A_841] : memref<4x4x77x768xf32, #tpu.memory_space<vmem>> -> memref<1x4x77x768xf32, #tpu.memory_space<vmem>>
    %dma_start3A_843 = tpu.memref_squeeze %dma_start3A_842 : memref<1x4x77x768xf32, #tpu.memory_space<vmem>> -> memref<4x77x768xf32, #tpu.memory_space<vmem>>
    tpu.enqueue_dma source(%dma_start3A_843 : memref<4x77x768xf32, #tpu.memory_space<vmem>>) target(%dma_start3A_838 : memref<4x77x768xf32, #tpu.memory_space<hbm>>) target_semaphore(%dma_start3A_834 : memref<!tpu.dma_semaphore, #tpu.memory_space<semaphore_mem>>)
    %dma_wait3A_844 = arith.constant 2 : i32
    %dma_wait3A_845 = arith.constant 2 : i32
    %dma_wait3A_846 = tpu.memref_slice %arg13[%dma_wait3A_845] : memref<4x!tpu.dma_semaphore, #tpu.memory_space<semaphore_mem>> -> memref<1x!tpu.dma_semaphore, #tpu.memory_space<semaphore_mem>>
    %dma_wait3A_847 = tpu.memref_squeeze %dma_wait3A_846 : memref<1x!tpu.dma_semaphore, #tpu.memory_space<semaphore_mem>> -> memref<!tpu.dma_semaphore, #tpu.memory_space<semaphore_mem>>
    %dma_wait3A_848 = arith.constant 56 : i32
    %dma_wait3A_849 = arith.constant 0 : i32
    %dma_wait3A_850 = arith.constant 0 : i32
    %dma_wait3A_851 = tpu.memref_slice %arg6[%dma_wait3A_848, %dma_wait3A_849, %dma_wait3A_850] : memref<100x77x768xf32, #tpu.memory_space<hbm>> -> memref<4x77x768xf32, #tpu.memory_space<hbm>>
    %dma_wait3A_852 = arith.constant 0 : i32
    %dma_wait3A_853 = arith.constant 0 : i32
    %dma_wait3A_854 = arith.constant 0 : i32
    %dma_wait3A_855 = tpu.memref_slice %arg9[%dma_wait3A_844, %dma_wait3A_852, %dma_wait3A_853, %dma_wait3A_854] : memref<4x4x77x768xf32, #tpu.memory_space<vmem>> -> memref<1x4x77x768xf32, #tpu.memory_space<vmem>>
    %dma_wait3A_856 = tpu.memref_squeeze %dma_wait3A_855 : memref<1x4x77x768xf32, #tpu.memory_space<vmem>> -> memref<4x77x768xf32, #tpu.memory_space<vmem>>
    tpu.wait_dma2 semaphore(%dma_wait3A_847 : memref<!tpu.dma_semaphore, #tpu.memory_space<semaphore_mem>>) src(%dma_wait3A_856 : memref<4x77x768xf32, #tpu.memory_space<vmem>>) dst(%dma_wait3A_851 : memref<4x77x768xf32, #tpu.memory_space<hbm>>)
    %get3A_857 = arith.constant 72 : index
    %get3A_858 = arith.constant 0 : index
    %get3A_859 = arith.constant 0 : index
    %get3A_860 = vector.load %arg2[%get3A_857, %get3A_858, %get3A_859] : memref<100x1x768xf32, #tpu.memory_space<vmem>>, vector<4x1x768xf32>
    %swap3A_861 = arith.constant 2 : index
    %swap3A_862 = arith.constant 0 : index
    %swap3A_863 = arith.constant 0 : index
    %swap3A_864 = arith.constant 0 : index
    %swap3A_865 = vector.load %arg9[%swap3A_861, %swap3A_862, %swap3A_863, %swap3A_864] : memref<4x4x77x768xf32, #tpu.memory_space<vmem>>, vector<1x4x1x768xf32>
    %swap3A_866 = vector.shape_cast %swap3A_865 : vector<1x4x1x768xf32> to vector<4x1x768xf32>
    %swap3A_867 = vector.shape_cast %get3A_860 : vector<4x1x768xf32> to vector<1x4x1x768xf32>
    tpu.vector_store %arg9[%swap3A_861, %swap3A_862, %swap3A_863, %swap3A_864], %swap3A_867 {strides = array<i32>} : memref<4x4x77x768xf32, #tpu.memory_space<vmem>>, vector<1x4x1x768xf32>,
    %get3A_868 = arith.constant 72 : index
    %get3A_869 = arith.constant 0 : index
    %get3A_870 = arith.constant 0 : index
    %get3A_871 = vector.load %arg3[%get3A_868, %get3A_869, %get3A_870] : memref<100x12x768xf32, #tpu.memory_space<vmem>>, vector<4x12x768xf32>
    %swap3A_872 = arith.constant 2 : index
    %swap3A_873 = arith.constant 0 : index
    %swap3A_874 = arith.constant 65 : index
    %swap3A_875 = arith.constant 0 : index
    %swap3A_876 = vector.load %arg9[%swap3A_872, %swap3A_873, %swap3A_874, %swap3A_875] : memref<4x4x77x768xf32, #tpu.memory_space<vmem>>, vector<1x4x12x768xf32>
    %swap3A_877 = vector.shape_cast %swap3A_876 : vector<1x4x12x768xf32> to vector<4x12x768xf32>
    %swap3A_878 = vector.shape_cast %get3A_871 : vector<4x12x768xf32> to vector<1x4x12x768xf32>
    tpu.vector_store %arg9[%swap3A_872, %swap3A_873, %swap3A_874, %swap3A_875], %swap3A_878 {strides = array<i32>} : memref<4x4x77x768xf32, #tpu.memory_space<vmem>>, vector<1x4x12x768xf32>,
    %dma_start3A_879 = arith.constant 2 : i32
    %dma_start3A_880 = arith.constant 2 : i32
    %dma_start3A_881 = tpu.memref_slice %arg13[%dma_start3A_880] : memref<4x!tpu.dma_semaphore, #tpu.memory_space<semaphore_mem>> -> memref<1x!tpu.dma_semaphore, #tpu.memory_space<semaphore_mem>>
    %dma_start3A_882 = tpu.memref_squeeze %dma_start3A_881 : memref<1x!tpu.dma_semaphore, #tpu.memory_space<semaphore_mem>> -> memref<!tpu.dma_semaphore, #tpu.memory_space<semaphore_mem>>
    %dma_start3A_883 = arith.constant 72 : i32
    %dma_start3A_884 = arith.constant 0 : i32
    %dma_start3A_885 = arith.constant 0 : i32
    %dma_start3A_886 = tpu.memref_slice %arg6[%dma_start3A_883, %dma_start3A_884, %dma_start3A_885] : memref<100x77x768xf32, #tpu.memory_space<hbm>> -> memref<4x77x768xf32, #tpu.memory_space<hbm>>
    %dma_start3A_887 = arith.constant 0 : i32
    %dma_start3A_888 = arith.constant 0 : i32
    %dma_start3A_889 = arith.constant 0 : i32
    %dma_start3A_890 = tpu.memref_slice %arg9[%dma_start3A_879, %dma_start3A_887, %dma_start3A_888, %dma_start3A_889] : memref<4x4x77x768xf32, #tpu.memory_space<vmem>> -> memref<1x4x77x768xf32, #tpu.memory_space<vmem>>
    %dma_start3A_891 = tpu.memref_squeeze %dma_start3A_890 : memref<1x4x77x768xf32, #tpu.memory_space<vmem>> -> memref<4x77x768xf32, #tpu.memory_space<vmem>>
    tpu.enqueue_dma source(%dma_start3A_891 : memref<4x77x768xf32, #tpu.memory_space<vmem>>) target(%dma_start3A_886 : memref<4x77x768xf32, #tpu.memory_space<hbm>>) target_semaphore(%dma_start3A_882 : memref<!tpu.dma_semaphore, #tpu.memory_space<semaphore_mem>>)
    %dma_wait3A_892 = arith.constant 3 : i32
    %dma_wait3A_893 = arith.constant 3 : i32
    %dma_wait3A_894 = tpu.memref_slice %arg13[%dma_wait3A_893] : memref<4x!tpu.dma_semaphore, #tpu.memory_space<semaphore_mem>> -> memref<1x!tpu.dma_semaphore, #tpu.memory_space<semaphore_mem>>
    %dma_wait3A_895 = tpu.memref_squeeze %dma_wait3A_894 : memref<1x!tpu.dma_semaphore, #tpu.memory_space<semaphore_mem>> -> memref<!tpu.dma_semaphore, #tpu.memory_space<semaphore_mem>>
    %dma_wait3A_896 = arith.constant 60 : i32
    %dma_wait3A_897 = arith.constant 0 : i32
    %dma_wait3A_898 = arith.constant 0 : i32
    %dma_wait3A_899 = tpu.memref_slice %arg6[%dma_wait3A_896, %dma_wait3A_897, %dma_wait3A_898] : memref<100x77x768xf32, #tpu.memory_space<hbm>> -> memref<4x77x768xf32, #tpu.memory_space<hbm>>
    %dma_wait3A_900 = arith.constant 0 : i32
    %dma_wait3A_901 = arith.constant 0 : i32
    %dma_wait3A_902 = arith.constant 0 : i32
    %dma_wait3A_903 = tpu.memref_slice %arg9[%dma_wait3A_892, %dma_wait3A_900, %dma_wait3A_901, %dma_wait3A_902] : memref<4x4x77x768xf32, #tpu.memory_space<vmem>> -> memref<1x4x77x768xf32, #tpu.memory_space<vmem>>
    %dma_wait3A_904 = tpu.memref_squeeze %dma_wait3A_903 : memref<1x4x77x768xf32, #tpu.memory_space<vmem>> -> memref<4x77x768xf32, #tpu.memory_space<vmem>>
    tpu.wait_dma2 semaphore(%dma_wait3A_895 : memref<!tpu.dma_semaphore, #tpu.memory_space<semaphore_mem>>) src(%dma_wait3A_904 : memref<4x77x768xf32, #tpu.memory_space<vmem>>) dst(%dma_wait3A_899 : memref<4x77x768xf32, #tpu.memory_space<hbm>>)
    %get3A_905 = arith.constant 76 : index
    %get3A_906 = arith.constant 0 : index
    %get3A_907 = arith.constant 0 : index
    %get3A_908 = vector.load %arg2[%get3A_905, %get3A_906, %get3A_907] : memref<100x1x768xf32, #tpu.memory_space<vmem>>, vector<4x1x768xf32>
    %swap3A_909 = arith.constant 3 : index
    %swap3A_910 = arith.constant 0 : index
    %swap3A_911 = arith.constant 0 : index
    %swap3A_912 = arith.constant 0 : index
    %swap3A_913 = vector.load %arg9[%swap3A_909, %swap3A_910, %swap3A_911, %swap3A_912] : memref<4x4x77x768xf32, #tpu.memory_space<vmem>>, vector<1x4x1x768xf32>
    %swap3A_914 = vector.shape_cast %swap3A_913 : vector<1x4x1x768xf32> to vector<4x1x768xf32>
    %swap3A_915 = vector.shape_cast %get3A_908 : vector<4x1x768xf32> to vector<1x4x1x768xf32>
    tpu.vector_store %arg9[%swap3A_909, %swap3A_910, %swap3A_911, %swap3A_912], %swap3A_915 {strides = array<i32>} : memref<4x4x77x768xf32, #tpu.memory_space<vmem>>, vector<1x4x1x768xf32>,
    %get3A_916 = arith.constant 76 : index
    %get3A_917 = arith.constant 0 : index
    %get3A_918 = arith.constant 0 : index
    %get3A_919 = vector.load %arg3[%get3A_916, %get3A_917, %get3A_918] : memref<100x12x768xf32, #tpu.memory_space<vmem>>, vector<4x12x768xf32>
    %swap3A_920 = arith.constant 3 : index
    %swap3A_921 = arith.constant 0 : index
    %swap3A_922 = arith.constant 65 : index
    %swap3A_923 = arith.constant 0 : index
    %swap3A_924 = vector.load %arg9[%swap3A_920, %swap3A_921, %swap3A_922, %swap3A_923] : memref<4x4x77x768xf32, #tpu.memory_space<vmem>>, vector<1x4x12x768xf32>
    %swap3A_925 = vector.shape_cast %swap3A_924 : vector<1x4x12x768xf32> to vector<4x12x768xf32>
    %swap3A_926 = vector.shape_cast %get3A_919 : vector<4x12x768xf32> to vector<1x4x12x768xf32>
    tpu.vector_store %arg9[%swap3A_920, %swap3A_921, %swap3A_922, %swap3A_923], %swap3A_926 {strides = array<i32>} : memref<4x4x77x768xf32, #tpu.memory_space<vmem>>, vector<1x4x12x768xf32>,
    %dma_start3A_927 = arith.constant 3 : i32
    %dma_start3A_928 = arith.constant 3 : i32
    %dma_start3A_929 = tpu.memref_slice %arg13[%dma_start3A_928] : memref<4x!tpu.dma_semaphore, #tpu.memory_space<semaphore_mem>> -> memref<1x!tpu.dma_semaphore, #tpu.memory_space<semaphore_mem>>
    %dma_start3A_930 = tpu.memref_squeeze %dma_start3A_929 : memref<1x!tpu.dma_semaphore, #tpu.memory_space<semaphore_mem>> -> memref<!tpu.dma_semaphore, #tpu.memory_space<semaphore_mem>>
    %dma_start3A_931 = arith.constant 76 : i32
    %dma_start3A_932 = arith.constant 0 : i32
    %dma_start3A_933 = arith.constant 0 : i32
    %dma_start3A_934 = tpu.memref_slice %arg6[%dma_start3A_931, %dma_start3A_932, %dma_start3A_933] : memref<100x77x768xf32, #tpu.memory_space<hbm>> -> memref<4x77x768xf32, #tpu.memory_space<hbm>>
    %dma_start3A_935 = arith.constant 0 : i32
    %dma_start3A_936 = arith.constant 0 : i32
    %dma_start3A_937 = arith.constant 0 : i32
    %dma_start3A_938 = tpu.memref_slice %arg9[%dma_start3A_927, %dma_start3A_935, %dma_start3A_936, %dma_start3A_937] : memref<4x4x77x768xf32, #tpu.memory_space<vmem>> -> memref<1x4x77x768xf32, #tpu.memory_space<vmem>>
    %dma_start3A_939 = tpu.memref_squeeze %dma_start3A_938 : memref<1x4x77x768xf32, #tpu.memory_space<vmem>> -> memref<4x77x768xf32, #tpu.memory_space<vmem>>
    tpu.enqueue_dma source(%dma_start3A_939 : memref<4x77x768xf32, #tpu.memory_space<vmem>>) target(%dma_start3A_934 : memref<4x77x768xf32, #tpu.memory_space<hbm>>) target_semaphore(%dma_start3A_930 : memref<!tpu.dma_semaphore, #tpu.memory_space<semaphore_mem>>)
    %dma_wait3A_940 = arith.constant 0 : i32
    %dma_wait3A_941 = arith.constant 0 : i32
    %dma_wait3A_942 = tpu.memref_slice %arg13[%dma_wait3A_941] : memref<4x!tpu.dma_semaphore, #tpu.memory_space<semaphore_mem>> -> memref<1x!tpu.dma_semaphore, #tpu.memory_space<semaphore_mem>>
    %dma_wait3A_943 = tpu.memref_squeeze %dma_wait3A_942 : memref<1x!tpu.dma_semaphore, #tpu.memory_space<semaphore_mem>> -> memref<!tpu.dma_semaphore, #tpu.memory_space<semaphore_mem>>
    %dma_wait3A_944 = arith.constant 64 : i32
    %dma_wait3A_945 = arith.constant 0 : i32
    %dma_wait3A_946 = arith.constant 0 : i32
    %dma_wait3A_947 = tpu.memref_slice %arg6[%dma_wait3A_944, %dma_wait3A_945, %dma_wait3A_946] : memref<100x77x768xf32, #tpu.memory_space<hbm>> -> memref<4x77x768xf32, #tpu.memory_space<hbm>>
    %dma_wait3A_948 = arith.constant 0 : i32
    %dma_wait3A_949 = arith.constant 0 : i32
    %dma_wait3A_950 = arith.constant 0 : i32
    %dma_wait3A_951 = tpu.memref_slice %arg9[%dma_wait3A_940, %dma_wait3A_948, %dma_wait3A_949, %dma_wait3A_950] : memref<4x4x77x768xf32, #tpu.memory_space<vmem>> -> memref<1x4x77x768xf32, #tpu.memory_space<vmem>>
    %dma_wait3A_952 = tpu.memref_squeeze %dma_wait3A_951 : memref<1x4x77x768xf32, #tpu.memory_space<vmem>> -> memref<4x77x768xf32, #tpu.memory_space<vmem>>
    tpu.wait_dma2 semaphore(%dma_wait3A_943 : memref<!tpu.dma_semaphore, #tpu.memory_space<semaphore_mem>>) src(%dma_wait3A_952 : memref<4x77x768xf32, #tpu.memory_space<vmem>>) dst(%dma_wait3A_947 : memref<4x77x768xf32, #tpu.memory_space<hbm>>)
    %get3A_953 = arith.constant 80 : index
    %get3A_954 = arith.constant 0 : index
    %get3A_955 = arith.constant 0 : index
    %get3A_956 = vector.load %arg2[%get3A_953, %get3A_954, %get3A_955] : memref<100x1x768xf32, #tpu.memory_space<vmem>>, vector<4x1x768xf32>
    %swap3A_957 = arith.constant 0 : index
    %swap3A_958 = arith.constant 0 : index
    %swap3A_959 = arith.constant 0 : index
    %swap3A_960 = arith.constant 0 : index
    %swap3A_961 = vector.load %arg9[%swap3A_957, %swap3A_958, %swap3A_959, %swap3A_960] : memref<4x4x77x768xf32, #tpu.memory_space<vmem>>, vector<1x4x1x768xf32>
    %swap3A_962 = vector.shape_cast %swap3A_961 : vector<1x4x1x768xf32> to vector<4x1x768xf32>
    %swap3A_963 = vector.shape_cast %get3A_956 : vector<4x1x768xf32> to vector<1x4x1x768xf32>
    tpu.vector_store %arg9[%swap3A_957, %swap3A_958, %swap3A_959, %swap3A_960], %swap3A_963 {strides = array<i32>} : memref<4x4x77x768xf32, #tpu.memory_space<vmem>>, vector<1x4x1x768xf32>,
    %get3A_964 = arith.constant 80 : index
    %get3A_965 = arith.constant 0 : index
    %get3A_966 = arith.constant 0 : index
    %get3A_967 = vector.load %arg3[%get3A_964, %get3A_965, %get3A_966] : memref<100x12x768xf32, #tpu.memory_space<vmem>>, vector<4x12x768xf32>
    %swap3A_968 = arith.constant 0 : index
    %swap3A_969 = arith.constant 0 : index
    %swap3A_970 = arith.constant 65 : index
    %swap3A_971 = arith.constant 0 : index
    %swap3A_972 = vector.load %arg9[%swap3A_968, %swap3A_969, %swap3A_970, %swap3A_971] : memref<4x4x77x768xf32, #tpu.memory_space<vmem>>, vector<1x4x12x768xf32>
    %swap3A_973 = vector.shape_cast %swap3A_972 : vector<1x4x12x768xf32> to vector<4x12x768xf32>
    %swap3A_974 = vector.shape_cast %get3A_967 : vector<4x12x768xf32> to vector<1x4x12x768xf32>
    tpu.vector_store %arg9[%swap3A_968, %swap3A_969, %swap3A_970, %swap3A_971], %swap3A_974 {strides = array<i32>} : memref<4x4x77x768xf32, #tpu.memory_space<vmem>>, vector<1x4x12x768xf32>,
    %dma_start3A_975 = arith.constant 0 : i32
    %dma_start3A_976 = arith.constant 0 : i32
    %dma_start3A_977 = tpu.memref_slice %arg13[%dma_start3A_976] : memref<4x!tpu.dma_semaphore, #tpu.memory_space<semaphore_mem>> -> memref<1x!tpu.dma_semaphore, #tpu.memory_space<semaphore_mem>>
    %dma_start3A_978 = tpu.memref_squeeze %dma_start3A_977 : memref<1x!tpu.dma_semaphore, #tpu.memory_space<semaphore_mem>> -> memref<!tpu.dma_semaphore, #tpu.memory_space<semaphore_mem>>
    %dma_start3A_979 = arith.constant 80 : i32
    %dma_start3A_980 = arith.constant 0 : i32
    %dma_start3A_981 = arith.constant 0 : i32
    %dma_start3A_982 = tpu.memref_slice %arg6[%dma_start3A_979, %dma_start3A_980, %dma_start3A_981] : memref<100x77x768xf32, #tpu.memory_space<hbm>> -> memref<4x77x768xf32, #tpu.memory_space<hbm>>
    %dma_start3A_983 = arith.constant 0 : i32
    %dma_start3A_984 = arith.constant 0 : i32
    %dma_start3A_985 = arith.constant 0 : i32
    %dma_start3A_986 = tpu.memref_slice %arg9[%dma_start3A_975, %dma_start3A_983, %dma_start3A_984, %dma_start3A_985] : memref<4x4x77x768xf32, #tpu.memory_space<vmem>> -> memref<1x4x77x768xf32, #tpu.memory_space<vmem>>
    %dma_start3A_987 = tpu.memref_squeeze %dma_start3A_986 : memref<1x4x77x768xf32, #tpu.memory_space<vmem>> -> memref<4x77x768xf32, #tpu.memory_space<vmem>>
    tpu.enqueue_dma source(%dma_start3A_987 : memref<4x77x768xf32, #tpu.memory_space<vmem>>) target(%dma_start3A_982 : memref<4x77x768xf32, #tpu.memory_space<hbm>>) target_semaphore(%dma_start3A_978 : memref<!tpu.dma_semaphore, #tpu.memory_space<semaphore_mem>>)
    %dma_wait3A_988 = arith.constant 1 : i32
    %dma_wait3A_989 = arith.constant 1 : i32
    %dma_wait3A_990 = tpu.memref_slice %arg13[%dma_wait3A_989] : memref<4x!tpu.dma_semaphore, #tpu.memory_space<semaphore_mem>> -> memref<1x!tpu.dma_semaphore, #tpu.memory_space<semaphore_mem>>
    %dma_wait3A_991 = tpu.memref_squeeze %dma_wait3A_990 : memref<1x!tpu.dma_semaphore, #tpu.memory_space<semaphore_mem>> -> memref<!tpu.dma_semaphore, #tpu.memory_space<semaphore_mem>>
    %dma_wait3A_992 = arith.constant 68 : i32
    %dma_wait3A_993 = arith.constant 0 : i32
    %dma_wait3A_994 = arith.constant 0 : i32
    %dma_wait3A_995 = tpu.memref_slice %arg6[%dma_wait3A_992, %dma_wait3A_993, %dma_wait3A_994] : memref<100x77x768xf32, #tpu.memory_space<hbm>> -> memref<4x77x768xf32, #tpu.memory_space<hbm>>
    %dma_wait3A_996 = arith.constant 0 : i32
    %dma_wait3A_997 = arith.constant 0 : i32
    %dma_wait3A_998 = arith.constant 0 : i32
    %dma_wait3A_999 = tpu.memref_slice %arg9[%dma_wait3A_988, %dma_wait3A_996, %dma_wait3A_997, %dma_wait3A_998] : memref<4x4x77x768xf32, #tpu.memory_space<vmem>> -> memref<1x4x77x768xf32, #tpu.memory_space<vmem>>
    %dma_wait3A_1000 = tpu.memref_squeeze %dma_wait3A_999 : memref<1x4x77x768xf32, #tpu.memory_space<vmem>> -> memref<4x77x768xf32, #tpu.memory_space<vmem>>
    tpu.wait_dma2 semaphore(%dma_wait3A_991 : memref<!tpu.dma_semaphore, #tpu.memory_space<semaphore_mem>>) src(%dma_wait3A_1000 : memref<4x77x768xf32, #tpu.memory_space<vmem>>) dst(%dma_wait3A_995 : memref<4x77x768xf32, #tpu.memory_space<hbm>>)
    %get3A_1001 = arith.constant 84 : index
    %get3A_1002 = arith.constant 0 : index
    %get3A_1003 = arith.constant 0 : index
    %get3A_1004 = vector.load %arg2[%get3A_1001, %get3A_1002, %get3A_1003] : memref<100x1x768xf32, #tpu.memory_space<vmem>>, vector<4x1x768xf32>
    %swap3A_1005 = arith.constant 1 : index
    %swap3A_1006 = arith.constant 0 : index
    %swap3A_1007 = arith.constant 0 : index
    %swap3A_1008 = arith.constant 0 : index
    %swap3A_1009 = vector.load %arg9[%swap3A_1005, %swap3A_1006, %swap3A_1007, %swap3A_1008] : memref<4x4x77x768xf32, #tpu.memory_space<vmem>>, vector<1x4x1x768xf32>
    %swap3A_1010 = vector.shape_cast %swap3A_1009 : vector<1x4x1x768xf32> to vector<4x1x768xf32>
    %swap3A_1011 = vector.shape_cast %get3A_1004 : vector<4x1x768xf32> to vector<1x4x1x768xf32>
    tpu.vector_store %arg9[%swap3A_1005, %swap3A_1006, %swap3A_1007, %swap3A_1008], %swap3A_1011 {strides = array<i32>} : memref<4x4x77x768xf32, #tpu.memory_space<vmem>>, vector<1x4x1x768xf32>,
    %get3A_1012 = arith.constant 84 : index
    %get3A_1013 = arith.constant 0 : index
    %get3A_1014 = arith.constant 0 : index
    %get3A_1015 = vector.load %arg3[%get3A_1012, %get3A_1013, %get3A_1014] : memref<100x12x768xf32, #tpu.memory_space<vmem>>, vector<4x12x768xf32>
    %swap3A_1016 = arith.constant 1 : index
    %swap3A_1017 = arith.constant 0 : index
    %swap3A_1018 = arith.constant 65 : index
    %swap3A_1019 = arith.constant 0 : index
    %swap3A_1020 = vector.load %arg9[%swap3A_1016, %swap3A_1017, %swap3A_1018, %swap3A_1019] : memref<4x4x77x768xf32, #tpu.memory_space<vmem>>, vector<1x4x12x768xf32>
    %swap3A_1021 = vector.shape_cast %swap3A_1020 : vector<1x4x12x768xf32> to vector<4x12x768xf32>
    %swap3A_1022 = vector.shape_cast %get3A_1015 : vector<4x12x768xf32> to vector<1x4x12x768xf32>
    tpu.vector_store %arg9[%swap3A_1016, %swap3A_1017, %swap3A_1018, %swap3A_1019], %swap3A_1022 {strides = array<i32>} : memref<4x4x77x768xf32, #tpu.memory_space<vmem>>, vector<1x4x12x768xf32>,
    %dma_start3A_1023 = arith.constant 1 : i32
    %dma_start3A_1024 = arith.constant 1 : i32
    %dma_start3A_1025 = tpu.memref_slice %arg13[%dma_start3A_1024] : memref<4x!tpu.dma_semaphore, #tpu.memory_space<semaphore_mem>> -> memref<1x!tpu.dma_semaphore, #tpu.memory_space<semaphore_mem>>
    %dma_start3A_1026 = tpu.memref_squeeze %dma_start3A_1025 : memref<1x!tpu.dma_semaphore, #tpu.memory_space<semaphore_mem>> -> memref<!tpu.dma_semaphore, #tpu.memory_space<semaphore_mem>>
    %dma_start3A_1027 = arith.constant 84 : i32
    %dma_start3A_1028 = arith.constant 0 : i32
    %dma_start3A_1029 = arith.constant 0 : i32
    %dma_start3A_1030 = tpu.memref_slice %arg6[%dma_start3A_1027, %dma_start3A_1028, %dma_start3A_1029] : memref<100x77x768xf32, #tpu.memory_space<hbm>> -> memref<4x77x768xf32, #tpu.memory_space<hbm>>
    %dma_start3A_1031 = arith.constant 0 : i32
    %dma_start3A_1032 = arith.constant 0 : i32
    %dma_start3A_1033 = arith.constant 0 : i32
    %dma_start3A_1034 = tpu.memref_slice %arg9[%dma_start3A_1023, %dma_start3A_1031, %dma_start3A_1032, %dma_start3A_1033] : memref<4x4x77x768xf32, #tpu.memory_space<vmem>> -> memref<1x4x77x768xf32, #tpu.memory_space<vmem>>
    %dma_start3A_1035 = tpu.memref_squeeze %dma_start3A_1034 : memref<1x4x77x768xf32, #tpu.memory_space<vmem>> -> memref<4x77x768xf32, #tpu.memory_space<vmem>>
    tpu.enqueue_dma source(%dma_start3A_1035 : memref<4x77x768xf32, #tpu.memory_space<vmem>>) target(%dma_start3A_1030 : memref<4x77x768xf32, #tpu.memory_space<hbm>>) target_semaphore(%dma_start3A_1026 : memref<!tpu.dma_semaphore, #tpu.memory_space<semaphore_mem>>)
    %dma_wait3A_1036 = arith.constant 2 : i32
    %dma_wait3A_1037 = arith.constant 2 : i32
    %dma_wait3A_1038 = tpu.memref_slice %arg13[%dma_wait3A_1037] : memref<4x!tpu.dma_semaphore, #tpu.memory_space<semaphore_mem>> -> memref<1x!tpu.dma_semaphore, #tpu.memory_space<semaphore_mem>>
    %dma_wait3A_1039 = tpu.memref_squeeze %dma_wait3A_1038 : memref<1x!tpu.dma_semaphore, #tpu.memory_space<semaphore_mem>> -> memref<!tpu.dma_semaphore, #tpu.memory_space<semaphore_mem>>
    %dma_wait3A_1040 = arith.constant 72 : i32
    %dma_wait3A_1041 = arith.constant 0 : i32
    %dma_wait3A_1042 = arith.constant 0 : i32
    %dma_wait3A_1043 = tpu.memref_slice %arg6[%dma_wait3A_1040, %dma_wait3A_1041, %dma_wait3A_1042] : memref<100x77x768xf32, #tpu.memory_space<hbm>> -> memref<4x77x768xf32, #tpu.memory_space<hbm>>
    %dma_wait3A_1044 = arith.constant 0 : i32
    %dma_wait3A_1045 = arith.constant 0 : i32
    %dma_wait3A_1046 = arith.constant 0 : i32
    %dma_wait3A_1047 = tpu.memref_slice %arg9[%dma_wait3A_1036, %dma_wait3A_1044, %dma_wait3A_1045, %dma_wait3A_1046] : memref<4x4x77x768xf32, #tpu.memory_space<vmem>> -> memref<1x4x77x768xf32, #tpu.memory_space<vmem>>
    %dma_wait3A_1048 = tpu.memref_squeeze %dma_wait3A_1047 : memref<1x4x77x768xf32, #tpu.memory_space<vmem>> -> memref<4x77x768xf32, #tpu.memory_space<vmem>>
    tpu.wait_dma2 semaphore(%dma_wait3A_1039 : memref<!tpu.dma_semaphore, #tpu.memory_space<semaphore_mem>>) src(%dma_wait3A_1048 : memref<4x77x768xf32, #tpu.memory_space<vmem>>) dst(%dma_wait3A_1043 : memref<4x77x768xf32, #tpu.memory_space<hbm>>)
    %get3A_1049 = arith.constant 88 : index
    %get3A_1050 = arith.constant 0 : index
    %get3A_1051 = arith.constant 0 : index
    %get3A_1052 = vector.load %arg2[%get3A_1049, %get3A_1050, %get3A_1051] : memref<100x1x768xf32, #tpu.memory_space<vmem>>, vector<4x1x768xf32>
    %swap3A_1053 = arith.constant 2 : index
    %swap3A_1054 = arith.constant 0 : index
    %swap3A_1055 = arith.constant 0 : index
    %swap3A_1056 = arith.constant 0 : index
    %swap3A_1057 = vector.load %arg9[%swap3A_1053, %swap3A_1054, %swap3A_1055, %swap3A_1056] : memref<4x4x77x768xf32, #tpu.memory_space<vmem>>, vector<1x4x1x768xf32>
    %swap3A_1058 = vector.shape_cast %swap3A_1057 : vector<1x4x1x768xf32> to vector<4x1x768xf32>
    %swap3A_1059 = vector.shape_cast %get3A_1052 : vector<4x1x768xf32> to vector<1x4x1x768xf32>
    tpu.vector_store %arg9[%swap3A_1053, %swap3A_1054, %swap3A_1055, %swap3A_1056], %swap3A_1059 {strides = array<i32>} : memref<4x4x77x768xf32, #tpu.memory_space<vmem>>, vector<1x4x1x768xf32>,
    %get3A_1060 = arith.constant 88 : index
    %get3A_1061 = arith.constant 0 : index
    %get3A_1062 = arith.constant 0 : index
    %get3A_1063 = vector.load %arg3[%get3A_1060, %get3A_1061, %get3A_1062] : memref<100x12x768xf32, #tpu.memory_space<vmem>>, vector<4x12x768xf32>
    %swap3A_1064 = arith.constant 2 : index
    %swap3A_1065 = arith.constant 0 : index
    %swap3A_1066 = arith.constant 65 : index
    %swap3A_1067 = arith.constant 0 : index
    %swap3A_1068 = vector.load %arg9[%swap3A_1064, %swap3A_1065, %swap3A_1066, %swap3A_1067] : memref<4x4x77x768xf32, #tpu.memory_space<vmem>>, vector<1x4x12x768xf32>
    %swap3A_1069 = vector.shape_cast %swap3A_1068 : vector<1x4x12x768xf32> to vector<4x12x768xf32>
    %swap3A_1070 = vector.shape_cast %get3A_1063 : vector<4x12x768xf32> to vector<1x4x12x768xf32>
    tpu.vector_store %arg9[%swap3A_1064, %swap3A_1065, %swap3A_1066, %swap3A_1067], %swap3A_1070 {strides = array<i32>} : memref<4x4x77x768xf32, #tpu.memory_space<vmem>>, vector<1x4x12x768xf32>,
    %dma_start3A_1071 = arith.constant 2 : i32
    %dma_start3A_1072 = arith.constant 2 : i32
    %dma_start3A_1073 = tpu.memref_slice %arg13[%dma_start3A_1072] : memref<4x!tpu.dma_semaphore, #tpu.memory_space<semaphore_mem>> -> memref<1x!tpu.dma_semaphore, #tpu.memory_space<semaphore_mem>>
    %dma_start3A_1074 = tpu.memref_squeeze %dma_start3A_1073 : memref<1x!tpu.dma_semaphore, #tpu.memory_space<semaphore_mem>> -> memref<!tpu.dma_semaphore, #tpu.memory_space<semaphore_mem>>
    %dma_start3A_1075 = arith.constant 88 : i32
    %dma_start3A_1076 = arith.constant 0 : i32
    %dma_start3A_1077 = arith.constant 0 : i32
    %dma_start3A_1078 = tpu.memref_slice %arg6[%dma_start3A_1075, %dma_start3A_1076, %dma_start3A_1077] : memref<100x77x768xf32, #tpu.memory_space<hbm>> -> memref<4x77x768xf32, #tpu.memory_space<hbm>>
    %dma_start3A_1079 = arith.constant 0 : i32
    %dma_start3A_1080 = arith.constant 0 : i32
    %dma_start3A_1081 = arith.constant 0 : i32
    %dma_start3A_1082 = tpu.memref_slice %arg9[%dma_start3A_1071, %dma_start3A_1079, %dma_start3A_1080, %dma_start3A_1081] : memref<4x4x77x768xf32, #tpu.memory_space<vmem>> -> memref<1x4x77x768xf32, #tpu.memory_space<vmem>>
    %dma_start3A_1083 = tpu.memref_squeeze %dma_start3A_1082 : memref<1x4x77x768xf32, #tpu.memory_space<vmem>> -> memref<4x77x768xf32, #tpu.memory_space<vmem>>
    tpu.enqueue_dma source(%dma_start3A_1083 : memref<4x77x768xf32, #tpu.memory_space<vmem>>) target(%dma_start3A_1078 : memref<4x77x768xf32, #tpu.memory_space<hbm>>) target_semaphore(%dma_start3A_1074 : memref<!tpu.dma_semaphore, #tpu.memory_space<semaphore_mem>>)
    %dma_wait3A_1084 = arith.constant 3 : i32
    %dma_wait3A_1085 = arith.constant 3 : i32
    %dma_wait3A_1086 = tpu.memref_slice %arg13[%dma_wait3A_1085] : memref<4x!tpu.dma_semaphore, #tpu.memory_space<semaphore_mem>> -> memref<1x!tpu.dma_semaphore, #tpu.memory_space<semaphore_mem>>
    %dma_wait3A_1087 = tpu.memref_squeeze %dma_wait3A_1086 : memref<1x!tpu.dma_semaphore, #tpu.memory_space<semaphore_mem>> -> memref<!tpu.dma_semaphore, #tpu.memory_space<semaphore_mem>>
    %dma_wait3A_1088 = arith.constant 76 : i32
    %dma_wait3A_1089 = arith.constant 0 : i32
    %dma_wait3A_1090 = arith.constant 0 : i32
    %dma_wait3A_1091 = tpu.memref_slice %arg6[%dma_wait3A_1088, %dma_wait3A_1089, %dma_wait3A_1090] : memref<100x77x768xf32, #tpu.memory_space<hbm>> -> memref<4x77x768xf32, #tpu.memory_space<hbm>>
    %dma_wait3A_1092 = arith.constant 0 : i32
    %dma_wait3A_1093 = arith.constant 0 : i32
    %dma_wait3A_1094 = arith.constant 0 : i32
    %dma_wait3A_1095 = tpu.memref_slice %arg9[%dma_wait3A_1084, %dma_wait3A_1092, %dma_wait3A_1093, %dma_wait3A_1094] : memref<4x4x77x768xf32, #tpu.memory_space<vmem>> -> memref<1x4x77x768xf32, #tpu.memory_space<vmem>>
    %dma_wait3A_1096 = tpu.memref_squeeze %dma_wait3A_1095 : memref<1x4x77x768xf32, #tpu.memory_space<vmem>> -> memref<4x77x768xf32, #tpu.memory_space<vmem>>
    tpu.wait_dma2 semaphore(%dma_wait3A_1087 : memref<!tpu.dma_semaphore, #tpu.memory_space<semaphore_mem>>) src(%dma_wait3A_1096 : memref<4x77x768xf32, #tpu.memory_space<vmem>>) dst(%dma_wait3A_1091 : memref<4x77x768xf32, #tpu.memory_space<hbm>>)
    %get3A_1097 = arith.constant 92 : index
    %get3A_1098 = arith.constant 0 : index
    %get3A_1099 = arith.constant 0 : index
    %get3A_1100 = vector.load %arg2[%get3A_1097, %get3A_1098, %get3A_1099] : memref<100x1x768xf32, #tpu.memory_space<vmem>>, vector<4x1x768xf32>
    %swap3A_1101 = arith.constant 3 : index
    %swap3A_1102 = arith.constant 0 : index
    %swap3A_1103 = arith.constant 0 : index
    %swap3A_1104 = arith.constant 0 : index
    %swap3A_1105 = vector.load %arg9[%swap3A_1101, %swap3A_1102, %swap3A_1103, %swap3A_1104] : memref<4x4x77x768xf32, #tpu.memory_space<vmem>>, vector<1x4x1x768xf32>
    %swap3A_1106 = vector.shape_cast %swap3A_1105 : vector<1x4x1x768xf32> to vector<4x1x768xf32>
    %swap3A_1107 = vector.shape_cast %get3A_1100 : vector<4x1x768xf32> to vector<1x4x1x768xf32>
    tpu.vector_store %arg9[%swap3A_1101, %swap3A_1102, %swap3A_1103, %swap3A_1104], %swap3A_1107 {strides = array<i32>} : memref<4x4x77x768xf32, #tpu.memory_space<vmem>>, vector<1x4x1x768xf32>,
    %get3A_1108 = arith.constant 92 : index
    %get3A_1109 = arith.constant 0 : index
    %get3A_1110 = arith.constant 0 : index
    %get3A_1111 = vector.load %arg3[%get3A_1108, %get3A_1109, %get3A_1110] : memref<100x12x768xf32, #tpu.memory_space<vmem>>, vector<4x12x768xf32>
    %swap3A_1112 = arith.constant 3 : index
    %swap3A_1113 = arith.constant 0 : index
    %swap3A_1114 = arith.constant 65 : index
    %swap3A_1115 = arith.constant 0 : index
    %swap3A_1116 = vector.load %arg9[%swap3A_1112, %swap3A_1113, %swap3A_1114, %swap3A_1115] : memref<4x4x77x768xf32, #tpu.memory_space<vmem>>, vector<1x4x12x768xf32>
    %swap3A_1117 = vector.shape_cast %swap3A_1116 : vector<1x4x12x768xf32> to vector<4x12x768xf32>
    %swap3A_1118 = vector.shape_cast %get3A_1111 : vector<4x12x768xf32> to vector<1x4x12x768xf32>
    tpu.vector_store %arg9[%swap3A_1112, %swap3A_1113, %swap3A_1114, %swap3A_1115], %swap3A_1118 {strides = array<i32>} : memref<4x4x77x768xf32, #tpu.memory_space<vmem>>, vector<1x4x12x768xf32>,
    %dma_start3A_1119 = arith.constant 3 : i32
    %dma_start3A_1120 = arith.constant 3 : i32
    %dma_start3A_1121 = tpu.memref_slice %arg13[%dma_start3A_1120] : memref<4x!tpu.dma_semaphore, #tpu.memory_space<semaphore_mem>> -> memref<1x!tpu.dma_semaphore, #tpu.memory_space<semaphore_mem>>
    %dma_start3A_1122 = tpu.memref_squeeze %dma_start3A_1121 : memref<1x!tpu.dma_semaphore, #tpu.memory_space<semaphore_mem>> -> memref<!tpu.dma_semaphore, #tpu.memory_space<semaphore_mem>>
    %dma_start3A_1123 = arith.constant 92 : i32
    %dma_start3A_1124 = arith.constant 0 : i32
    %dma_start3A_1125 = arith.constant 0 : i32
    %dma_start3A_1126 = tpu.memref_slice %arg6[%dma_start3A_1123, %dma_start3A_1124, %dma_start3A_1125] : memref<100x77x768xf32, #tpu.memory_space<hbm>> -> memref<4x77x768xf32, #tpu.memory_space<hbm>>
    %dma_start3A_1127 = arith.constant 0 : i32
    %dma_start3A_1128 = arith.constant 0 : i32
    %dma_start3A_1129 = arith.constant 0 : i32
    %dma_start3A_1130 = tpu.memref_slice %arg9[%dma_start3A_1119, %dma_start3A_1127, %dma_start3A_1128, %dma_start3A_1129] : memref<4x4x77x768xf32, #tpu.memory_space<vmem>> -> memref<1x4x77x768xf32, #tpu.memory_space<vmem>>
    %dma_start3A_1131 = tpu.memref_squeeze %dma_start3A_1130 : memref<1x4x77x768xf32, #tpu.memory_space<vmem>> -> memref<4x77x768xf32, #tpu.memory_space<vmem>>
    tpu.enqueue_dma source(%dma_start3A_1131 : memref<4x77x768xf32, #tpu.memory_space<vmem>>) target(%dma_start3A_1126 : memref<4x77x768xf32, #tpu.memory_space<hbm>>) target_semaphore(%dma_start3A_1122 : memref<!tpu.dma_semaphore, #tpu.memory_space<semaphore_mem>>)
    %dma_wait3A_1132 = arith.constant 0 : i32
    %dma_wait3A_1133 = arith.constant 0 : i32
    %dma_wait3A_1134 = tpu.memref_slice %arg13[%dma_wait3A_1133] : memref<4x!tpu.dma_semaphore, #tpu.memory_space<semaphore_mem>> -> memref<1x!tpu.dma_semaphore, #tpu.memory_space<semaphore_mem>>
    %dma_wait3A_1135 = tpu.memref_squeeze %dma_wait3A_1134 : memref<1x!tpu.dma_semaphore, #tpu.memory_space<semaphore_mem>> -> memref<!tpu.dma_semaphore, #tpu.memory_space<semaphore_mem>>
    %dma_wait3A_1136 = arith.constant 80 : i32
    %dma_wait3A_1137 = arith.constant 0 : i32
    %dma_wait3A_1138 = arith.constant 0 : i32
    %dma_wait3A_1139 = tpu.memref_slice %arg6[%dma_wait3A_1136, %dma_wait3A_1137, %dma_wait3A_1138] : memref<100x77x768xf32, #tpu.memory_space<hbm>> -> memref<4x77x768xf32, #tpu.memory_space<hbm>>
    %dma_wait3A_1140 = arith.constant 0 : i32
    %dma_wait3A_1141 = arith.constant 0 : i32
    %dma_wait3A_1142 = arith.constant 0 : i32
    %dma_wait3A_1143 = tpu.memref_slice %arg9[%dma_wait3A_1132, %dma_wait3A_1140, %dma_wait3A_1141, %dma_wait3A_1142] : memref<4x4x77x768xf32, #tpu.memory_space<vmem>> -> memref<1x4x77x768xf32, #tpu.memory_space<vmem>>
    %dma_wait3A_1144 = tpu.memref_squeeze %dma_wait3A_1143 : memref<1x4x77x768xf32, #tpu.memory_space<vmem>> -> memref<4x77x768xf32, #tpu.memory_space<vmem>>
    tpu.wait_dma2 semaphore(%dma_wait3A_1135 : memref<!tpu.dma_semaphore, #tpu.memory_space<semaphore_mem>>) src(%dma_wait3A_1144 : memref<4x77x768xf32, #tpu.memory_space<vmem>>) dst(%dma_wait3A_1139 : memref<4x77x768xf32, #tpu.memory_space<hbm>>)
    %get3A_1145 = arith.constant 96 : index
    %get3A_1146 = arith.constant 0 : index
    %get3A_1147 = arith.constant 0 : index
    %get3A_1148 = vector.load %arg2[%get3A_1145, %get3A_1146, %get3A_1147] : memref<100x1x768xf32, #tpu.memory_space<vmem>>, vector<4x1x768xf32>
    %swap3A_1149 = arith.constant 0 : index
    %swap3A_1150 = arith.constant 0 : index
    %swap3A_1151 = arith.constant 0 : index
    %swap3A_1152 = arith.constant 0 : index
    %swap3A_1153 = vector.load %arg9[%swap3A_1149, %swap3A_1150, %swap3A_1151, %swap3A_1152] : memref<4x4x77x768xf32, #tpu.memory_space<vmem>>, vector<1x4x1x768xf32>
    %swap3A_1154 = vector.shape_cast %swap3A_1153 : vector<1x4x1x768xf32> to vector<4x1x768xf32>
    %swap3A_1155 = vector.shape_cast %get3A_1148 : vector<4x1x768xf32> to vector<1x4x1x768xf32>
    tpu.vector_store %arg9[%swap3A_1149, %swap3A_1150, %swap3A_1151, %swap3A_1152], %swap3A_1155 {strides = array<i32>} : memref<4x4x77x768xf32, #tpu.memory_space<vmem>>, vector<1x4x1x768xf32>,
    %get3A_1156 = arith.constant 96 : index
    %get3A_1157 = arith.constant 0 : index
    %get3A_1158 = arith.constant 0 : index
    %get3A_1159 = vector.load %arg3[%get3A_1156, %get3A_1157, %get3A_1158] : memref<100x12x768xf32, #tpu.memory_space<vmem>>, vector<4x12x768xf32>
    %swap3A_1160 = arith.constant 0 : index
    %swap3A_1161 = arith.constant 0 : index
    %swap3A_1162 = arith.constant 65 : index
    %swap3A_1163 = arith.constant 0 : index
    %swap3A_1164 = vector.load %arg9[%swap3A_1160, %swap3A_1161, %swap3A_1162, %swap3A_1163] : memref<4x4x77x768xf32, #tpu.memory_space<vmem>>, vector<1x4x12x768xf32>
    %swap3A_1165 = vector.shape_cast %swap3A_1164 : vector<1x4x12x768xf32> to vector<4x12x768xf32>
    %swap3A_1166 = vector.shape_cast %get3A_1159 : vector<4x12x768xf32> to vector<1x4x12x768xf32>
    tpu.vector_store %arg9[%swap3A_1160, %swap3A_1161, %swap3A_1162, %swap3A_1163], %swap3A_1166 {strides = array<i32>} : memref<4x4x77x768xf32, #tpu.memory_space<vmem>>, vector<1x4x12x768xf32>,
    %dma_start3A_1167 = arith.constant 0 : i32
    %dma_start3A_1168 = arith.constant 0 : i32
    %dma_start3A_1169 = tpu.memref_slice %arg13[%dma_start3A_1168] : memref<4x!tpu.dma_semaphore, #tpu.memory_space<semaphore_mem>> -> memref<1x!tpu.dma_semaphore, #tpu.memory_space<semaphore_mem>>
    %dma_start3A_1170 = tpu.memref_squeeze %dma_start3A_1169 : memref<1x!tpu.dma_semaphore, #tpu.memory_space<semaphore_mem>> -> memref<!tpu.dma_semaphore, #tpu.memory_space<semaphore_mem>>
    %dma_start3A_1171 = arith.constant 96 : i32
    %dma_start3A_1172 = arith.constant 0 : i32
    %dma_start3A_1173 = arith.constant 0 : i32
    %dma_start3A_1174 = tpu.memref_slice %arg6[%dma_start3A_1171, %dma_start3A_1172, %dma_start3A_1173] : memref<100x77x768xf32, #tpu.memory_space<hbm>> -> memref<4x77x768xf32, #tpu.memory_space<hbm>>
    %dma_start3A_1175 = arith.constant 0 : i32
    %dma_start3A_1176 = arith.constant 0 : i32
    %dma_start3A_1177 = arith.constant 0 : i32
    %dma_start3A_1178 = tpu.memref_slice %arg9[%dma_start3A_1167, %dma_start3A_1175, %dma_start3A_1176, %dma_start3A_1177] : memref<4x4x77x768xf32, #tpu.memory_space<vmem>> -> memref<1x4x77x768xf32, #tpu.memory_space<vmem>>
    %dma_start3A_1179 = tpu.memref_squeeze %dma_start3A_1178 : memref<1x4x77x768xf32, #tpu.memory_space<vmem>> -> memref<4x77x768xf32, #tpu.memory_space<vmem>>
    tpu.enqueue_dma source(%dma_start3A_1179 : memref<4x77x768xf32, #tpu.memory_space<vmem>>) target(%dma_start3A_1174 : memref<4x77x768xf32, #tpu.memory_space<hbm>>) target_semaphore(%dma_start3A_1170 : memref<!tpu.dma_semaphore, #tpu.memory_space<semaphore_mem>>)
    %dma_wait3A_1180 = arith.constant 1 : i32
    %dma_wait3A_1181 = arith.constant 1 : i32
    %dma_wait3A_1182 = tpu.memref_slice %arg13[%dma_wait3A_1181] : memref<4x!tpu.dma_semaphore, #tpu.memory_space<semaphore_mem>> -> memref<1x!tpu.dma_semaphore, #tpu.memory_space<semaphore_mem>>
    %dma_wait3A_1183 = tpu.memref_squeeze %dma_wait3A_1182 : memref<1x!tpu.dma_semaphore, #tpu.memory_space<semaphore_mem>> -> memref<!tpu.dma_semaphore, #tpu.memory_space<semaphore_mem>>
    %dma_wait3A_1184 = arith.constant 84 : i32
    %dma_wait3A_1185 = arith.constant 0 : i32
    %dma_wait3A_1186 = arith.constant 0 : i32
    %dma_wait3A_1187 = tpu.memref_slice %arg6[%dma_wait3A_1184, %dma_wait3A_1185, %dma_wait3A_1186] : memref<100x77x768xf32, #tpu.memory_space<hbm>> -> memref<4x77x768xf32, #tpu.memory_space<hbm>>
    %dma_wait3A_1188 = arith.constant 0 : i32
    %dma_wait3A_1189 = arith.constant 0 : i32
    %dma_wait3A_1190 = arith.constant 0 : i32
    %dma_wait3A_1191 = tpu.memref_slice %arg9[%dma_wait3A_1180, %dma_wait3A_1188, %dma_wait3A_1189, %dma_wait3A_1190] : memref<4x4x77x768xf32, #tpu.memory_space<vmem>> -> memref<1x4x77x768xf32, #tpu.memory_space<vmem>>
    %dma_wait3A_1192 = tpu.memref_squeeze %dma_wait3A_1191 : memref<1x4x77x768xf32, #tpu.memory_space<vmem>> -> memref<4x77x768xf32, #tpu.memory_space<vmem>>
    tpu.wait_dma2 semaphore(%dma_wait3A_1183 : memref<!tpu.dma_semaphore, #tpu.memory_space<semaphore_mem>>) src(%dma_wait3A_1192 : memref<4x77x768xf32, #tpu.memory_space<vmem>>) dst(%dma_wait3A_1187 : memref<4x77x768xf32, #tpu.memory_space<hbm>>)
    %dma_wait3A_1193 = arith.constant 2 : i32
    %dma_wait3A_1194 = arith.constant 2 : i32
    %dma_wait3A_1195 = tpu.memref_slice %arg13[%dma_wait3A_1194] : memref<4x!tpu.dma_semaphore, #tpu.memory_space<semaphore_mem>> -> memref<1x!tpu.dma_semaphore, #tpu.memory_space<semaphore_mem>>
    %dma_wait3A_1196 = tpu.memref_squeeze %dma_wait3A_1195 : memref<1x!tpu.dma_semaphore, #tpu.memory_space<semaphore_mem>> -> memref<!tpu.dma_semaphore, #tpu.memory_space<semaphore_mem>>
    %dma_wait3A_1197 = arith.constant 88 : i32
    %dma_wait3A_1198 = arith.constant 0 : i32
    %dma_wait3A_1199 = arith.constant 0 : i32
    %dma_wait3A_1200 = tpu.memref_slice %arg6[%dma_wait3A_1197, %dma_wait3A_1198, %dma_wait3A_1199] : memref<100x77x768xf32, #tpu.memory_space<hbm>> -> memref<4x77x768xf32, #tpu.memory_space<hbm>>
    %dma_wait3A_1201 = arith.constant 0 : i32
    %dma_wait3A_1202 = arith.constant 0 : i32
    %dma_wait3A_1203 = arith.constant 0 : i32
    %dma_wait3A_1204 = tpu.memref_slice %arg9[%dma_wait3A_1193, %dma_wait3A_1201, %dma_wait3A_1202, %dma_wait3A_1203] : memref<4x4x77x768xf32, #tpu.memory_space<vmem>> -> memref<1x4x77x768xf32, #tpu.memory_space<vmem>>
    %dma_wait3A_1205 = tpu.memref_squeeze %dma_wait3A_1204 : memref<1x4x77x768xf32, #tpu.memory_space<vmem>> -> memref<4x77x768xf32, #tpu.memory_space<vmem>>
    tpu.wait_dma2 semaphore(%dma_wait3A_1196 : memref<!tpu.dma_semaphore, #tpu.memory_space<semaphore_mem>>) src(%dma_wait3A_1205 : memref<4x77x768xf32, #tpu.memory_space<vmem>>) dst(%dma_wait3A_1200 : memref<4x77x768xf32, #tpu.memory_space<hbm>>)
    %dma_wait3A_1206 = arith.constant 3 : i32
    %dma_wait3A_1207 = arith.constant 3 : i32
    %dma_wait3A_1208 = tpu.memref_slice %arg13[%dma_wait3A_1207] : memref<4x!tpu.dma_semaphore, #tpu.memory_space<semaphore_mem>> -> memref<1x!tpu.dma_semaphore, #tpu.memory_space<semaphore_mem>>
    %dma_wait3A_1209 = tpu.memref_squeeze %dma_wait3A_1208 : memref<1x!tpu.dma_semaphore, #tpu.memory_space<semaphore_mem>> -> memref<!tpu.dma_semaphore, #tpu.memory_space<semaphore_mem>>
    %dma_wait3A_1210 = arith.constant 92 : i32
    %dma_wait3A_1211 = arith.constant 0 : i32
    %dma_wait3A_1212 = arith.constant 0 : i32
    %dma_wait3A_1213 = tpu.memref_slice %arg6[%dma_wait3A_1210, %dma_wait3A_1211, %dma_wait3A_1212] : memref<100x77x768xf32, #tpu.memory_space<hbm>> -> memref<4x77x768xf32, #tpu.memory_space<hbm>>
    %dma_wait3A_1214 = arith.constant 0 : i32
    %dma_wait3A_1215 = arith.constant 0 : i32
    %dma_wait3A_1216 = arith.constant 0 : i32
    %dma_wait3A_1217 = tpu.memref_slice %arg9[%dma_wait3A_1206, %dma_wait3A_1214, %dma_wait3A_1215, %dma_wait3A_1216] : memref<4x4x77x768xf32, #tpu.memory_space<vmem>> -> memref<1x4x77x768xf32, #tpu.memory_space<vmem>>
    %dma_wait3A_1218 = tpu.memref_squeeze %dma_wait3A_1217 : memref<1x4x77x768xf32, #tpu.memory_space<vmem>> -> memref<4x77x768xf32, #tpu.memory_space<vmem>>
    tpu.wait_dma2 semaphore(%dma_wait3A_1209 : memref<!tpu.dma_semaphore, #tpu.memory_space<semaphore_mem>>) src(%dma_wait3A_1218 : memref<4x77x768xf32, #tpu.memory_space<vmem>>) dst(%dma_wait3A_1213 : memref<4x77x768xf32, #tpu.memory_space<hbm>>)
    %dma_wait3A_1219 = arith.constant 0 : i32
    %dma_wait3A_1220 = arith.constant 0 : i32
    %dma_wait3A_1221 = tpu.memref_slice %arg13[%dma_wait3A_1220] : memref<4x!tpu.dma_semaphore, #tpu.memory_space<semaphore_mem>> -> memref<1x!tpu.dma_semaphore, #tpu.memory_space<semaphore_mem>>
    %dma_wait3A_1222 = tpu.memref_squeeze %dma_wait3A_1221 : memref<1x!tpu.dma_semaphore, #tpu.memory_space<semaphore_mem>> -> memref<!tpu.dma_semaphore, #tpu.memory_space<semaphore_mem>>
    %dma_wait3A_1223 = arith.constant 96 : i32
    %dma_wait3A_1224 = arith.constant 0 : i32
    %dma_wait3A_1225 = arith.constant 0 : i32
    %dma_wait3A_1226 = tpu.memref_slice %arg6[%dma_wait3A_1223, %dma_wait3A_1224, %dma_wait3A_1225] : memref<100x77x768xf32, #tpu.memory_space<hbm>> -> memref<4x77x768xf32, #tpu.memory_space<hbm>>
    %dma_wait3A_1227 = arith.constant 0 : i32
    %dma_wait3A_1228 = arith.constant 0 : i32
    %dma_wait3A_1229 = arith.constant 0 : i32
    %dma_wait3A_1230 = tpu.memref_slice %arg9[%dma_wait3A_1219, %dma_wait3A_1227, %dma_wait3A_1228, %dma_wait3A_1229] : memref<4x4x77x768xf32, #tpu.memory_space<vmem>> -> memref<1x4x77x768xf32, #tpu.memory_space<vmem>>
    %dma_wait3A_1231 = tpu.memref_squeeze %dma_wait3A_1230 : memref<1x4x77x768xf32, #tpu.memory_space<vmem>> -> memref<4x77x768xf32, #tpu.memory_space<vmem>>
    tpu.wait_dma2 semaphore(%dma_wait3A_1222 : memref<!tpu.dma_semaphore, #tpu.memory_space<semaphore_mem>>) src(%dma_wait3A_1231 : memref<4x77x768xf32, #tpu.memory_space<vmem>>) dst(%dma_wait3A_1226 : memref<4x77x768xf32, #tpu.memory_space<hbm>>)
    tpu.wait_dma2 semaphore(%arg12 : memref<!tpu.dma_semaphore, #tpu.memory_space<semaphore_mem>>) src(%arg10 : memref<32x32x768xf32, #tpu.memory_space<vmem>>) dst(%arg7 : memref<32x32x768xf32, #tpu.memory_space<hbm>>)
    tpu.wait_dma2 semaphore(%arg12 : memref<!tpu.dma_semaphore, #tpu.memory_space<semaphore_mem>>) src(%arg0 : memref<32x768xf32, #tpu.memory_space<vmem>>) dst(%arg8 : memref<32x768xf32, #tpu.memory_space<hbm>>)
    return
  }
}

</mosaic_0001>

<sc_bundles>
// kernel: _run.4.cloned.1.call-start
scs
__scs_entry_jumppad:
0x0: {  	(pc) =	sbr.rel $0x88, $3  }
0x1: {  	(tag) =	ssettag $0x0;
	lr =	simm.s32 $0x1  }
0x2: {  	[smem:$0x3F97] =	sst lr;
	_ =	strace $0xD0000000  }
0x3: {  	_ = 	snop  }
0x4: {  	_ = 	snop  }
0x5: {  	_ = 	snop  }
0x6: {  	_ = 	snop  }
0x7: {  	_ = 	snop  }
__scs_overlays_trampoline_lowered:
0x8: {  	[smem:$0x3FA6] =	sst s0  }
0x9: {  	[smem:$0x3FA7] =	sst s1  }
0xa: {  	[smem:$0x3FA8] =	sst s2  }
0xb: {  	[smem:$0x3FA9] =	sst s3  }
0xc: {  	[smem:$0x3FAA] =	sst s4  }
0xd: {  	[smem:$0x3FAB] =	sst s5  }
0xe: {  	[smem:$0x3FAC] =	sst s6  }
0xf: {  	[smem:$0x3FAD] =	sst s7  }
0x10: {  	[smem:$0x3FAE] =	sst s8  }
0x11: {  	[smem:$0x3FAF] =	sst s9;
	s0 =	simm.s32 @!p0 $0x0  }
0x12: {  	s1 =	sld [smem:$0x3F95];
	s0 =	simm.s32 @p0 $0x1  }
0x13: {  	[smem:$0x3FB0] =	sst s0;
	s0 =	simm.s32 @!p1 $0x0  }
0x14: {  	s2 =	sld [smem:$0x3F94];
	s0 =	simm.s32 @p1 $0x1  }
0x15: {  	[smem:$0x3FB1] =	sst s0;
	s0 =	simm.s32 @!p2 $0x0  }
0x16: {  	s3 =	sld [smem:$0x3FDB];
	s0 =	simm.s32 @p2 $0x1  }
0x17: {  	s4 =	simm.s32 $0x1BF5;
	[smem:$0x3FB3] =	sst s0  }
0x18: {  	s0 =	sld [smem:$0x3F96];
	_ =	swait.ge [sflag:s4], $0x0  }
0x19: {  	s7 =	sld [smem:$0x3F97]  }
0x1a: {  	s8 =	sadd.s32 $0xFFFFE003, lr  }
0x1b: {  	s9 =	sadd.s32 $0xFFFFFEF7, lr;
	s5 =	simm.s32 $0xFFFFFFFF;
	p2 =	slt.u32 s8, $0xFFFFF086  }
0x1c: {  	p1 =	slt.u32 s9, $0xF7A;
	s5 =	simm.s32 @!p2 $0x0  }
0x1d: {  	s5 =	simm.s32 @p1 $0x1;
	p0 =	seq.s32 s7, s2  }
0x1e: {  	s7 =	smul.u32 @!p0 $0xF7A, s2;
	p2 =	seq.s32 @!p0 s5, $0x0  }
0x1f: {  	s9 =	smul.u32 $0xF7A, s1;
	s8 =	simm.s32 @!p0 $0x1BF5;
	p2 =	por !p2, p0  }
0x20: {  	[sflag:s8] =	ssyncset.s32 @!p0 $0xFFFFF086;
	s6 =	sadd.s32 @!p0 s3, s7;
	s7 =	simm.s32 @!p0 $0x108  }
0x21: {  	s3 =	sadd.s32 s3, s9;
	s6 =	sadd.s32 @!p0 $0x88, s6;
	s7 =	simm.s32 @p2 $0x1082  }
0x22: {  	[simem:s7], [sflag:s8] =	dma.local @!p0 [hbm:s6], $0xF7A  }
0x23: {  	s9 =	sor.u32 $0xD0000000, s2;
	s6 =	simm.s32 $0x108;
	_ =	swait.ge @!p0 [sflag:s8], $0x0  }
0x24: {  	s3 =	sadd.s32 $0x88, s3;
	s6 =	simm.s32 @!p1 $0x1082;
	[sflag:s4] =	ssyncset.s32 $0xFFFFF086  }
0x25: {  	[simem:s6], [sflag:s4] =	dma.local [hbm:s3], $0xF7A  }
0x26: {  	[smem:$0x3F97] =	sst s1;
	(tag) =	ssettag s2;
	_ =	strace s9  }
0x27: {  	s1 =	sld [smem:$0x3FA7]  }
0x28: {  	s2 =	sld [smem:$0x3FA8]  }
0x29: {  	s4 =	sld [smem:$0x3FAA]  }
0x2a: {  	p0 =	seq.s32 s5, $0x0;
	s5 =	sld [smem:$0x3FAB]  }
0x2b: {  	s6 =	sld [smem:$0x3FAC]  }
0x2c: {  	s7 =	sld [smem:$0x3FAD]  }
0x2d: {  	s3 =	simm.s32 $0x108;
	s8 =	sld [smem:$0x3FAE]  }
0x2e: {  	s3 =	simm.s32 @!p0 $0x1082;
	s9 =	sld [smem:$0x3FAF]  }
0x2f: {  	lr =	sadd.s32 s0, s3;
	s0 =	sld [smem:$0x3FA6]  }
0x30: {  	s3 =	sld [smem:$0x3FA9]  }
0x31: {  	[smem:$0x3FB2] =	sst s10  }
0x32: {  	s10 =	sld [smem:$0x3FB0];
	_ =	sdelay $0x3  }
0x33: {  	p0 =	seq.s32 s10, $0x1;
	s10 =	sld [smem:$0x3FB2];
	_ =	sdelay $0x3  }
0x34: {  	[smem:$0x3FB2] =	sst s10  }
0x35: {  	s10 =	sld [smem:$0x3FB1];
	_ =	sdelay $0x3  }
0x36: {  	p1 =	seq.s32 s10, $0x1;
	s10 =	sld [smem:$0x3FB2];
	_ =	sdelay $0x3  }
0x37: {  	[smem:$0x3FB2] =	sst s10  }
0x38: {  	s10 =	sld [smem:$0x3FB3]  }
0x39: {  	_ = 	snop;
	(pc) =	sbr.ind lr, $3  }
0x3a: {  	_ = 	snop  }
0x3b: {  	_ = 	snop  }
0x3c: {  	p2 =	seq.s32 s10, $0x1;
	s10 =	sld [smem:$0x3FB2]  }
0x3d: {  	_ =	shalt  }
0x3e: {  	_ =	shalt  }
0x3f: {  	_ =	shalt  }
0x40: {  	_ =	shalt  }
0x41: {  	_ =	shalt  }
0x42: {  	_ =	shalt  }
0x43: {  	_ =	shalt  }
0x44: {  	_ =	shalt  }
0x45: {  	_ =	shalt  }
0x46: {  	_ =	shalt  }
0x47: {  	_ =	shalt  }
0x48: {  	_ =	shalt  }
0x49: {  	_ =	shalt  }
0x4a: {  	_ =	shalt  }
0x4b: {  	_ =	shalt  }
0x4c: {  	_ =	shalt  }
0x4d: {  	_ =	shalt  }
0x4e: {  	_ =	shalt  }
0x4f: {  	_ =	shalt  }
0x50: {  	_ =	shalt  }
0x51: {  	_ =	shalt  }
0x52: {  	_ =	shalt  }
0x53: {  	_ =	shalt  }
0x54: {  	_ =	shalt  }
0x55: {  	_ =	shalt  }
0x56: {  	_ =	shalt  }
0x57: {  	_ =	shalt  }
0x58: {  	_ =	shalt  }
0x59: {  	_ =	shalt  }
0x5a: {  	_ =	shalt  }
0x5b: {  	_ =	shalt  }
0x5c: {  	_ =	shalt  }
0x5d: {  	_ =	shalt  }
0x5e: {  	_ =	shalt  }
0x5f: {  	_ =	shalt  }
0x60: {  	_ =	shalt  }
0x61: {  	_ =	shalt  }
0x62: {  	_ =	shalt  }
0x63: {  	_ =	shalt  }
0x64: {  	_ =	shalt  }
0x65: {  	_ =	shalt  }
0x66: {  	_ =	shalt  }
0x67: {  	_ =	shalt  }
0x68: {  	_ =	shalt  }
0x69: {  	_ =	shalt  }
0x6a: {  	_ =	shalt  }
0x6b: {  	_ =	shalt  }
0x6c: {  	_ =	shalt  }
0x6d: {  	_ =	shalt  }
0x6e: {  	_ =	shalt  }
0x6f: {  	_ =	shalt  }
0x70: {  	_ =	shalt  }
0x71: {  	_ =	shalt  }
0x72: {  	_ =	shalt  }
0x73: {  	_ =	shalt  }
0x74: {  	_ =	shalt  }
0x75: {  	_ =	shalt  }
0x76: {  	_ =	shalt  }
0x77: {  	_ =	shalt  }
0x78: {  	_ =	shalt  }
0x79: {  	_ =	shalt  }
0x7a: {  	_ =	shalt  }
0x7b: {  	_ =	shalt  }
0x7c: {  	_ =	shalt  }
0x7d: {  	_ =	shalt  }
0x7e: {  	_ =	shalt  }
0x7f: {  	_ =	shalt  }
0x80: {  	_ =	shalt  }
0x81: {  	_ =	shalt  }
0x82: {  	_ =	shalt  }
0x83: {  	_ =	shalt  }
0x84: {  	_ =	shalt  }
0x85: {  	_ =	shalt  }
0x86: {  	_ =	shalt  }
0x87: {  	_ =	shalt  }
.Lfunc_end0:
.L_simem_size_0:
called_computation_lowered:
.L_overlay_start_0:
0x88: {  	s2 =	sld [smem:$0x3FD9]  }
0x89: {  	s3 =	sld [smem:$0x3FFE];
	_ =	sdelay $0x1  }
0x8a: {  	s1 =	srdreg.scid  }
0x8b: {  	s0 =	sand.u32 $0x1, s1  }
0x8c: {  	s14 =	sshll.u32 s0, $0xA;
	s2 =	sadd.s32 s3, s2  }
0x8d: {  	s2 =	sadd.s32 s2, s14  }
0x8e: {  	[smem:$0x3FBE] =	sst s2  }
0x8f: {  	_ = 	snop  }
0x90: {  	s2 =	sld [smem:$0x3FD0];
	_ =	sdelay $0x2  }
0x91: {  	s15 =	simm.s32 $0xA;
	s4 =	simm.s32 $0x10  }
0x92: {  	[smem:s4], [sflag:s15] =	dma.local [hbm:s2], $0x1  }
0x93: {  	_ =	swait.eq [sflag:s15], $0x1  }
0x94: {  	s16 =	sld [smem:$0x10];
	[sflag:s15] =	ssyncset.done $0x0  }
0x95: {  	s17 =	sld [smem:$0x11];
	[sflag:s15] =	ssyncadd.s32 $0xFFFFFFFF  }
0x96: {  	s18 =	sld [smem:$0x12];
	(tm) =	ssettm $0x1  }
0x97: {  	s5 =	sld [smem:$0x3FFB];
	_ =	sdelay $0x3  }
0x98: {  	_ =	strace s5  }
0x99: {  	s5 =	sld [smem:$0x3FFC];
	_ =	sdelay $0x3  }
0x9a: {  	_ =	strace s5  }
0x9b: {  	s5 =	sld [smem:$0x3FFD];
	_ =	sdelay $0x3  }
0x9c: {  	_ =	strace s5  }
0x9d: {  	_ =	strace $0x8FFFFFFF  }
0x9e: {  	s19 =	sld [smem:$0x3FDB];
	_ =	sdelay $0x1  }
0x9f: {  	s6 =	simm.s32 $_scs_section_size  }
0xa0: {  	s7 =	simm.s32 $_size__tile_overlayer_lowered;
	s8 =	simm.s32 $_tile_overlayer_lowered  }
0xa1: {  	s22 =	simm.s32 $0x1BFF;
	s21 =	sshll.u32 s8, $0x1;
	s5 =	sadd.s32 s6, s19  }
0xa2: {  	s9 =	simm.s32 $0x0;
	s20 =	sshll.u32 s7, $0x1;
	s7 =	sadd.s32 s21, s5  }
0xa3: {  	[timem:s9], [sflag:s22] =	dma.local [hbm:s7], s20  }
0xa4: {  	_ =	swait.ge [sflag:s22], s20  }
0xa5: {  	s6 =	ssub.s32 $0x0, s20;
	[sflag:s22] =	ssyncset.done $0x0  }
0xa6: {  	[sflag:s22] =	ssyncadd.s32 s6;
	_ =	sdelay $0x1  }
0xa7: {  	s23 =	simm.s32 $0x1B8B  }
0xa8: {  	_ =	swait.ge [sflag:s23], $0x1  }
0xa9: {  	[sflag:s23] =	ssyncset.done $0x0  }
0xaa: {  	s25 =	simm.s32 $0x1B8E;
	s24 =	sld [smem:$0x3FFE];
	[sflag:s23] =	ssyncadd.s32 $0xFFFFFFFF  }
0xab: {  	s26 =	simm.s32 $execute0_lowered;
	[smem:$0x3FD2] =	sst s25  }
0xac: {  	s7 =	sshll.u32 s26, $0x1;
	_ =	strace $0x80000046;
	[dreg:$0x1] =	wrdreg $0xFFFFFFFF  }
0xad: {  	s28 =	simm.s32 $_size_execute0_lowered;
	s5 =	sadd.s32 s5, s7;
	[dreg:$0x0] =	wrdreg $0x0  }
0xae: {  	s7 =	sshll.u32 s28, $0x1;
	[dreg:$0x2] =	wrdreg s5  }
0xaf: {  	[dreg:$0x3] =	wrdreg s7  }
0xb0: {  	[dreg:$0x4] =	wrdreg $0xC0  }
0xb1: {  	_ =	task [dreg:s9], $0x5FFFF  }
0xb2: {  	[dreg:$0x1] =	wrdreg $0xFFFFFFFF  }
0xb3: {  	[dreg:$0x0] =	wrdreg $0x60  }
0xb4: {  	[dreg:$0x2] =	wrdreg s24  }
0xb5: {  	[dreg:$0x3] =	wrdreg s18  }
0xb6: {  	[dreg:$0x4] =	wrdreg s17  }
0xb7: {  	[dreg:$0x5] =	wrdreg s16  }
0xb8: {  	[dreg:$0x6] =	wrdreg $0x4E800  }
0xb9: {  	[dreg:$0x7] =	wrdreg $0x9  }
0xba: {  	_ =	task.clear_ibuf [dreg:s9], $0x8FFFF;
	_ =	strace $0x90000046  }
0xbb: {  	s29 =	simm.s32 $0x9;
	_ =	strace $0x80000048  }
0xbc: {  	_ =	swait.ge [sflag:s29], $0x1  }
0xbd: {  	[sflag:s29] =	ssyncadd.s32 $0xFFFFFFFF  }
0xbe: {  	_ =	strace $0x90000048  }
0xbf: {  	_ =	sfence  }
0xc0: {  	s30 =	sld [smem:$0x0];
	_ =	sdelay $0x2  }
0xc1: {  	s31 =	sshll.u32 s1, $0xD;
	s1 =	sshrl.u32 s1, $0x2  }
0xc2: {  	s3 =	sand.u32 $0x4000, s31;
	s1 =	sadd.s32 s1, s30  }
0xc3: {  	s0 =	sor.u32 s3, s0;
	s1 =	sshll.u32 s1, $0x11  }
0xc4: {  	s0 =	sor.u32 s1, s0  }
0xc5: {  	s0 =	sadd.s32 $0x8F2B, s0  }
0xc6: {  	[sflag:s0] =	ssyncadd.remote.s32 $0x1  }
0xc7: {  	_ =	sfence.sel $0xFFFF  }
0xc8: {  	[dreg:$0x0] =	wrdreg $0xFFFFFFFF;
	(pc) =	sbr.abs _section_cstart, $3  }
0xc9: {  	[dreg:$0x1] =	wrdreg $0xFFFFFFFF  }
0xca: {  	_ =	task.clear_ibuf [dreg:s9], $0x2FFFF;
	_ =	strace $0x9FFFFFFF  }
0xcb: {  	(tm) =	ssettm $0x7FFFFFFF  }
tec
execute0_lowered:
.L_overlay_start_1:
0x0: {  	(tag) =	ssettag $0x1  }
0x1: {  	s0 =	rddreg [dreg:$0x0]  }
0x2: {  	s3 =	rddreg [dreg:$0x1];
	s15 =	stileid.u32  }
0x3: {  	s1 =	rddreg [dreg:$0x2];
	v0 =	vlaneseq.u32;
	v1 =	vmov s15  }
0x4: {  	s13 =	rddreg [dreg:$0x3];
	s4 =	simm.s32 $0x0;
	vm0 =	veq.s32 v1, v0;
	v1 =	vimm.s32 $0x0  }
0x5: {  	[smem:$0x7FF] =	sst s4;
	v1 =	vsel vm0, $0xFFFFFFFF, v1  }
0x6: {  	s2 =	rddreg [dreg:$0x4];
	_ =	strace $0x80000047;
	vm0 =	vmmov $0x3;
	[tilespmem:$0x1FF10] =	vst v1;
	v1 =	vimm.s32 $0x0  }
0x7: {  	v1 =	vsel vm0, $0xFFFFFFFF, v1  }
0x8: {  	vm0 =	vmmov $0x7;
	[tilespmem:$0x1FF20] =	vst v1;
	v1 =	vimm.s32 $0x0  }
0x9: {  	v1 =	vsel vm0, $0xFFFFFFFF, v1  }
0xa: {  	vm0 =	vmmov $0xf;
	[tilespmem:$0x1FF30] =	vst v1;
	v1 =	vimm.s32 $0x0  }
0xb: {  	v1 =	vsel vm0, $0xFFFFFFFF, v1  }
0xc: {  	vm0 =	vmmov $0x1f;
	[tilespmem:$0x1FF40] =	vst v1;
	v1 =	vimm.s32 $0x0  }
0xd: {  	v1 =	vsel vm0, $0xFFFFFFFF, v1  }
0xe: {  	vm0 =	vmmov $0x3f;
	[tilespmem:$0x1FF50] =	vst v1;
	v1 =	vimm.s32 $0x0  }
0xf: {  	v1 =	vsel vm0, $0xFFFFFFFF, v1  }
0x10: {  	vm0 =	vmmov $0x7f;
	[tilespmem:$0x1FF60] =	vst v1;
	v1 =	vimm.s32 $0x0  }
0x11: {  	v1 =	vsel vm0, $0xFFFFFFFF, v1  }
0x12: {  	vm0 =	vmmov $0xff;
	[tilespmem:$0x1FF70] =	vst v1;
	v1 =	vimm.s32 $0x0  }
0x13: {  	v1 =	vsel vm0, $0xFFFFFFFF, v1  }
0x14: {  	vm0 =	vmmov $0x1ff;
	[tilespmem:$0x1FF80] =	vst v1;
	v1 =	vimm.s32 $0x0  }
0x15: {  	v1 =	vsel vm0, $0xFFFFFFFF, v1  }
0x16: {  	vm0 =	vmmov $0x3ff;
	[tilespmem:$0x1FF90] =	vst v1;
	v1 =	vimm.s32 $0x0  }
0x17: {  	v1 =	vsel vm0, $0xFFFFFFFF, v1  }
0x18: {  	vm0 =	vmmov $0x7ff;
	[tilespmem:$0x1FFA0] =	vst v1;
	v1 =	vimm.s32 $0x0  }
0x19: {  	s6 =	srdreg.scid;
	s22 =	simm.s32 $0x4180;
	s23 =	simm.s32 $0x4480;
	v1 =	vsel vm0, $0xFFFFFFFF, v1  }
0x1a: {  	s24 =	simm.s32 $0x4780;
	s25 =	simm.s32 $0x1;
	s28 =	simm.s32 $0x0;
	vm0 =	vmmov $0xfff;
	[tilespmem:$0x1FFB0] =	vst v1;
	v1 =	vimm.s32 $0x0  }
0x1b: {  	s5 =	sadd.s32 $0xE00, s0;
	s8 =	sand.u32 $0x1, s6;
	s6 =	sadd.s32 $0x1600, s0;
	v1 =	vsel vm0, $0xFFFFFFFF, v1  }
0x1c: {  	s7 =	sadd.s32 $0x1400, s0;
	s9 =	smul.u32 $0x60, s15;
	s11 =	sor.u32 $0x10, s15;
	vm0 =	vmmov $0x1fff;
	[tilespmem:$0x1FFC0] =	vst v1;
	v1 =	vimm.s32 $0x0  }
0x1d: {  	vm6 =	vcmask $0x3F10;
	vm7 =	vcmask $0x3F14;
	s29 =	sshll.u32 s15, $0x4;
	s26 =	ssub.s32 $0x2, s8;
	s8 =	sshll.u32 s8, $0x4;
	v1 =	vsel vm0, $0xFFFFFFFF, v1  }
0x1e: {  	vm8 =	vcmask $0x3F18;
	s14 =	smul.u32 $0x60, s11;
	s30 =	sshll.u32 s11, $0x4;
	s12 =	sor.u32 s15, s8;
	vm0 =	vmmov $0x3fff;
	[tilespmem:$0x1FFD0] =	vst v1;
	v1 =	vimm.s32 $0x0  }
0x1f: {  	vm9 =	vcmask $0x3F1C;
	vm10 =	vcmask $0x3F20;
	s10 =	sshrl.u32 s26, $0x1;
	s8 =	sadd.s32 s3, s9;
	s9 =	smul.u32 $0x300, s12;
	v1 =	vsel vm0, $0xFFFFFFFF, v1  }
0x20: {  	vm11 =	vcmask $0x3F24;
	s11 =	sadd.s32 s29, s2;
	s15 =	simm.s32 $0x2;
	s0 =	ssub.s32 s26, s10;
	vm0 =	vmmov $0x7fff;
	[tilespmem:$0x1FFE0] =	vst v1;
	v1 =	vimm.s32 $0x0  }
0x21: {  	vm12 =	vcmask $0x3F28;
	vm13 =	vcmask $0x3F2C;
	s10 =	sadd.s32 s3, s14;
	s12 =	sadd.s32 s30, s2;
	s31 =	sshrl.u32 s9, $0x3;
	v1 =	vsel vm0, $0xFFFFFFFF, v1  }
0x22: {  	vm14 =	vcmask $0x3F30;
	v2 =	vor.u32 $0x10, v0;
	s26 =	simm.s32 $0x4A80;
	s14 =	smax.u32 s0, $0x1;
	s13 =	sadd.s32 s13, s31;
	[tilespmem:$0x1FFF0] =	vst v1;
	v1 =	vimm.s32 $0x0  }
.LBB2_1:
0x23: {  	[tilespmem:s4], [sflag:$0x2] =	stream.linear.gather [hbm4b:s5+s4], $0x3000, $0x38;
	[tilespmem:$0x4EA0] =	vst v63  }
0x24: {  	_ =	swait.ge [sflag:s15], $0x3000  }
0x25: {  	[sflag:s15] =	ssyncset.done $0x0  }
0x26: {  	s0 =	simm.s32 $0x3000;
	[sflag:s15] =	ssyncadd.s32 $0xFFFFD000  }
0x27: {  	[tilespmem:s0], [sflag:$0x2] =	stream.linear.gather [hbm4b:s8+s4], $0x300, $0x38;
	[tilespmem:$0x4EA0] =	vst v63  }
0x28: {  	_ =	swait.ge [sflag:s15], $0x300  }
0x29: {  	[sflag:s15] =	ssyncset.done $0x0  }
0x2a: {  	s29 =	simm.s32 $0x3300;
	[sflag:s15] =	ssyncadd.s32 $0xFFFFFD00  }
0x2b: {  	[tilespmem:s29], [sflag:$0x2] =	stream.linear.gather [hbm4b:s10+s4], $0x300, $0x38;
	[tilespmem:$0x4EA0] =	vst v63  }
0x2c: {  	_ =	swait.ge [sflag:s15], $0x300  }
0x2d: {  	[sflag:s15] =	ssyncset.done $0x0  }
0x2e: {  	s3 =	simm.s32 $0x3600;
	[sflag:s15] =	ssyncadd.s32 $0xFFFFFD00  }
0x2f: {  	[tilespmem:s3], [sflag:$0x2] =	stream.linear.gather [hbm4b:s6+s4], $0x80, $0x38;
	[tilespmem:$0x4EA0] =	vst v63  }
0x30: {  	_ =	swait.ge [sflag:s15], $0x80  }
0x31: {  	[sflag:s15] =	ssyncset.done $0x0  }
0x32: {  	s19 =	simm.s32 $0x3680;
	[sflag:s15] =	ssyncadd.s32 $0xFFFFFF80  }
0x33: {  	[tilespmem:s19], [sflag:$0x2] =	stream.linear.gather [hbm4b:s7+s4], $0x300, $0x38;
	[tilespmem:$0x4EA0] =	vst v63  }
0x34: {  	_ =	swait.ge [sflag:s15], $0x300  }
0x35: {  	[sflag:s15] =	ssyncset.done $0x0  }
0x36: {  	[sflag:s15] =	ssyncadd.s32 $0xFFFFFD00  }
0x37: {  	s20 =	sand.u32 $0x3F0, s4;
	v3 =	vld [tilespmem:s4+$0x0]  }
0x38: {  	v4 =	vld [tilespmem:s20+$0x300];
	_ =	sdelay $0x1  }
0x39: {  	v5 =	vld [tilespmem:s20+$0x600];
	_ =	sdelay $0x1  }
0x3a: {  	v6 =	vld [tilespmem:s20+$0x900]  }
0x3b: {  	v3 =	vadd.f32 v4, v3  }
0x3c: {  	v4 =	vld [tilespmem:s20+$0xC00]  }
0x3d: {  	v3 =	vadd.f32 v5, v3  }
0x3e: {  	v5 =	vld [tilespmem:s20+$0xF00]  }
0x3f: {  	v3 =	vadd.f32 v6, v3  }
0x40: {  	v6 =	vld [tilespmem:s20+$0x1200]  }
0x41: {  	v3 =	vadd.f32 v4, v3  }
0x42: {  	v4 =	vld [tilespmem:s20+$0x1500]  }
0x43: {  	v7 =	vld [tilespmem:s20+$0x1800];
	v3 =	vadd.f32 v5, v3  }
0x44: {  	s21 =	simm.s32 $0x10;
	v8 =	vld [tilespmem:s20+$0x1B00]  }
0x45: {  	s30 =	sand.u32 $0x3F0, s21;
	v9 =	vld [tilespmem:s21+$0x0];
	v3 =	vadd.f32 v6, v3  }
0x46: {  	v10 =	vld [tilespmem:s30+$0x600]  }
0x47: {  	v6 =	vld [tilespmem:s20+$0x1E00];
	v3 =	vadd.f32 v4, v3  }
0x48: {  	v4 =	vld [tilespmem:s30+$0x300]  }
0x49: {  	v11 =	vld [tilespmem:s30+$0x900];
	v3 =	vadd.f32 v7, v3  }
0x4a: {  	v7 =	vld [tilespmem:s20+$0x2100]  }
0x4b: {  	v5 =	vld [tilespmem:s0+$0x0];
	v3 =	vadd.f32 v8, v3  }
0x4c: {  	v8 =	vld [tilespmem:s20+$0x2400]  }
0x4d: {  	v4 =	vadd.f32 v4, v9;
	v9 =	vld [tilespmem:s30+$0xC00];
	v3 =	vadd.f32 v6, v3  }
0x4e: {  	v6 =	vld [tilespmem:s20+$0x2700]  }
0x4f: {  	v4 =	vadd.f32 v10, v4;
	v10 =	vld [tilespmem:s30+$0xF00];
	v3 =	vadd.f32 v7, v3  }
0x50: {  	v7 =	vld [tilespmem:s20+$0x2A00]  }
0x51: {  	v4 =	vadd.f32 v11, v4;
	v11 =	vld [tilespmem:s30+$0x1200];
	v3 =	vadd.f32 v8, v3  }
0x52: {  	v8 =	vld [tilespmem:s20+$0x2D00]  }
0x53: {  	v14 =	vld [tilespmem:s30+$0x1500];
	v4 =	vadd.f32 v9, v4;
	v3 =	vadd.f32 v6, v3  }
0x54: {  	v6 =	vld [tilespmem:s29+$0x0]  }
0x55: {  	s31 =	simm.s32 $0x3010;
	v9 =	vadd.f32 v10, v4;
	v3 =	vadd.f32 v7, v3  }
0x56: {  	v10 =	vmul.f32 v5, v5;
	v7 =	vld [tilespmem:s31+$0x0]  }
0x57: {  	v12 =	vld [tilespmem:s30+$0x1800];
	v4 =	vimm.f32 $0.0e+00;
	v11 =	vadd.f32 v11, v9;
	v16 =	vadd.f32 v8, v3  }
0x58: {  	v13 =	vld [tilespmem:s30+$0x1B00];
	v3 =	vadd.f32 v10, v4  }
0x59: {  	s3 =	simm.s32 $0x20;
	v10 =	vld [tilespmem:s30+$0x1E00];
	v9 =	vmul.f32 v6, v6;
	v15 =	vadd.f32 v14, v11;
	v8 =	vmul.f32 v5, v16  }
0x5a: {  	s16 =	simm.s32 $0x30;
	s0 =	sand.u32 $0x3F0, s3;
	v14 =	vld [tilespmem:s3+$0x0];
	v11 =	vmul.f32 v6, v16;
	v5 =	vimm.f32 $0.0e+00;
	v6 =	vimm.f32 $0.0e+00  }
.LBB2_2:
0x5b: {  	p0 =	sne.s32 s16, $0x2F0;
	v16 =	vld [tilespmem:s0+$0x300];
	v17 =	vmul.f32 v7, v7;
	v4 =	vadd.f32 v9, v4;
	v18 =	vmov v7  }
0x5c: {  	v7 =	vadd.f32 v12, v15;
	v9 =	vld [tilespmem:s30+$0x2100];
	v5 =	vadd.f32 v11, v5  }
0x5d: {  	v6 =	vadd.f32 v8, v6;
	v11 =	vld [tilespmem:s0+$0x600];
	v3 =	vadd.f32 v17, v3  }
0x5e: {  	v7 =	vadd.f32 v13, v7;
	v8 =	vld [tilespmem:s30+$0x2400]  }
0x5f: {  	v12 =	vld [tilespmem:s0+$0x900]  }
0x60: {  	v13 =	vadd.f32 v16, v14;
	v7 =	vadd.f32 v10, v7;
	v10 =	vld [tilespmem:s30+$0x2700]  }
0x61: {  	v14 =	vld [tilespmem:s0+$0xC00]  }
0x62: {  	v11 =	vadd.f32 v11, v13;
	v7 =	vadd.f32 v9, v7;
	v9 =	vld [tilespmem:s30+$0x2A00]  }
0x63: {  	v13 =	vld [tilespmem:s0+$0xF00]  }
0x64: {  	v11 =	vadd.f32 v12, v11;
	v7 =	vadd.f32 v8, v7;
	v8 =	vld [tilespmem:s30+$0x2D00];
	s30 =	smov.u32 s0  }
0x65: {  	s29 =	sadd.s32 $0x10, s29;
	v15 =	vld [tilespmem:s30+$0x1200]  }
0x66: {  	v11 =	vadd.f32 v14, v11;
	v10 =	vadd.f32 v10, v7;
	v16 =	vld [tilespmem:s29+$0x0]  }
0x67: {  	s31 =	sadd.s32 $0x10, s31;
	v17 =	vld [tilespmem:s30+$0x1500]  }
.Ltmp0:
0x68: {  	v11 =	vadd.f32 v13, v11;
	v7 =	vld [tilespmem:s31+$0x0];
	v9 =	vadd.f32 v9, v10;
	(pc) =	sbr.rel @p0 .LBB2_2-.Ltmp0, $4  }
0x69: {  	v12 =	vld [tilespmem:s30+$0x1800]  }
0x6a: {  	v11 =	vadd.f32 v15, v11;
	v10 =	vld [tilespmem:s30+$0x1E00];
	v19 =	vadd.f32 v8, v9  }
0x6b: {  	s3 =	sadd.s32 $0x10, s3;
	v13 =	vld [tilespmem:s30+$0x1B00];
	v9 =	vmul.f32 v16, v16  }
0x6c: {  	s0 =	sand.u32 $0x3F0, s16;
	s16 =	sadd.s32 $0x10, s16;
	v14 =	vld [tilespmem:s3+$0x0];
	v15 =	vadd.f32 v17, v11;
	v8 =	vmul.f32 v18, v19;
	v11 =	vmul.f32 v16, v19  }
0x6d: {  	v16 =	vld [tilespmem:s0+$0x300];
	_ =	sdelay $0x1  }
0x6e: {  	v17 =	vld [tilespmem:s0+$0x600];
	_ =	sdelay $0x1  }
0x6f: {  	v18 =	vld [tilespmem:s0+$0x900]  }
0x70: {  	v14 =	vadd.f32 v16, v14  }
0x71: {  	v16 =	vld [tilespmem:s0+$0xC00]  }
0x72: {  	v14 =	vadd.f32 v17, v14  }
0x73: {  	v17 =	vld [tilespmem:s0+$0xF00]  }
0x74: {  	v14 =	vadd.f32 v18, v14  }
0x75: {  	v51 =	vld [tilespmem:s0+$0x1200]  }
0x76: {  	v14 =	vadd.f32 v16, v14  }
0x77: {  	v16 =	vld [tilespmem:s0+$0x1500]  }
0x78: {  	v14 =	vadd.f32 v17, v14  }
0x79: {  	v17 =	vld [tilespmem:s0+$0x1800]  }
0x7a: {  	v52 =	vld [tilespmem:s0+$0x1B00];
	v14 =	vadd.f32 v51, v14  }
0x7b: {  	v53 =	vld [tilespmem:s0+$0x2400]  }
0x7c: {  	v12 =	vadd.f32 v12, v15;
	v15 =	vld [tilespmem:s30+$0x2100];
	v14 =	vadd.f32 v16, v14  }
0x7d: {  	v16 =	vld [tilespmem:s0+$0x1E00]  }
0x7e: {  	v12 =	vadd.f32 v13, v12;
	v13 =	vld [tilespmem:s30+$0x2400];
	v14 =	vadd.f32 v17, v14  }
0x7f: {  	v17 =	vld [tilespmem:s0+$0x2100]  }
0x80: {  	v54 =	vld [tilespmem:s0+$0x2D00];
	v10 =	vadd.f32 v10, v12;
	v14 =	vadd.f32 v52, v14  }
0x81: {  	v12 =	vld [tilespmem:s30+$0x2700]  }
0x82: {  	v10 =	vadd.f32 v15, v10;
	v15 =	vld [tilespmem:s30+$0x2A00];
	v14 =	vadd.f32 v16, v14  }
0x83: {  	v16 =	vld [tilespmem:s0+$0x2700]  }
0x84: {  	v10 =	vadd.f32 v13, v10;
	v13 =	vld [tilespmem:s30+$0x2D00];
	v14 =	vadd.f32 v17, v14  }
0x85: {  	v5 =	vadd.f32 v11, v5;
	v17 =	vld [tilespmem:s0+$0x2A00]  }
0x86: {  	s3 =	sadd.s32 $0x10, s29;
	v11 =	vld [tilespmem:$0x1FF10];
	v10 =	vadd.f32 v12, v10;
	v14 =	vadd.f32 v53, v14  }
0x87: {  	v12 =	vld [tilespmem:s3+$0x0]  }
0x88: {  	s16 =	sadd.s32 $0x10, s31;
	v10 =	vadd.f32 v15, v10;
	v15 =	vld [tilespmem:$0x3600];
	v14 =	vadd.f32 v16, v14  }
0x89: {  	v19 =	vld [tilespmem:s16+$0x0]  }
0x8a: {  	s20 =	sadd.s32 $0x10, s3;
	v10 =	vadd.f32 v13, v10;
	v13 =	vadd.f32 v17, v14;
	v14 =	vld [tilespmem:$0x3610]  }
0x8b: {  	v4 =	vadd.f32 v9, v4;
	v6 =	vadd.f32 v8, v6;
	v9 =	vld [tilespmem:s20+$0x0];
	vm0 =	vnez.u8 v11  }
0x8c: {  	v16 =	vmul.f32 v7, v7;
	v7 =	vmul.f32 v7, v10;
	v8 =	vadd.f32 v54, v13  }
0x8d: {  	v11 =	vnsel vm0, $0x0, v15;
	v10 =	vmul.f32 v12, v10  }
0x8e: {  	v12 =	vmul.f32 v12, v12;
	v6 =	vadd.f32 v7, v6;
	v7 =	vmul.f32 v19, v8  }
0x8f: {  	(xrf2) =	vadd.scan.msk.f32 $0xffff, v11;
	v3 =	vadd.f32 v16, v3;
	v13 =	vmul.f32 v19, v19;
	v11 =	vnsel vm0, $0x0, v14  }
0x90: {  	v5 =	vadd.f32 v10, v5;
	v8 =	vmul.f32 v9, v8;
	v6 =	vadd.f32 v7, v6;
	(xrf2) =	vadd.scan.msk.f32 $0xffff, v11  }
0x91: {  	v4 =	vadd.f32 v12, v4;
	v3 =	vadd.f32 v13, v3;
	v7 =	vmul.f32 v9, v9  }
0x92: {  	v5 =	vadd.f32 v8, v5;
	(xrf2) =	vadd.scan.msk.f32 $0xffff, v6  }
0x93: {  	v4 =	vadd.f32 v7, v4;
	(xrf2) =	vadd.scan.msk.f32 $0xffff, v3  }
0x94: {  	(xrf2) =	vadd.scan.msk.f32 $0xffff, v5  }
0x95: {  	(xrf2) =	vadd.scan.msk.f32 $0xffff, v4;
	_ =	sdelay $0x1  }
0x96: {  	v3 =	vld [tilespmem:$0x3620];
	_ =	sdelay $0x1  }
0x97: {  	v4, _, _ =	vpop (xrf2)  }
0x98: {  	(v2sf) =	vpush v4, $0xF;
	v5, _, _ =	vpop (xrf2)  }
0x99: {  	(v2sf) =	vpush v5, $0xF  }
0x9a: {  	v4, _, _ =	vpop (xrf2);
	(v2sf) =	vpush v3, $0x1  }
0x9b: {  	v5, _, _ =	vpop (xrf2);
	(v2sf) =	vpush v4, $0xF  }
0x9c: {  	v4, _, _ =	vpop (xrf2);
	(v2sf) =	vpush v5, $0xF  }
0x9d: {  	(v2sf) =	vpush v4, $0xF;
	v4, _, _ =	vpop (xrf2)  }
0x9e: {  	(v2sf) =	vpush v4, $0xF;
	_ =	sdelay $0x8  }
0x9f: {  	s0 =	spop (v2sf)  }
0xa0: {  	s3 =	spop (v2sf)  }
0xa1: {  	s16 =	spop (v2sf)  }
0xa2: {  	s29 =	spop (v2sf)  }
0xa3: {  	s21 =	spop (v2sf)  }
0xa4: {  	s31 =	spop (v2sf)  }
0xa5: {  	s17 =	sshra.s32 s21, $0x1;
	s30 =	smul.f32 $5.000000000e-01, s21;
	s18 =	spop (v2sf)  }
0xa6: {  	s17 =	ssub.s32 $0x5F3759DF, s17;
	s19 =	sshra.s32 s18, $0x1;
	s18 =	smul.f32 $5.000000000e-01, s18  }
0xa7: {  	s20 =	smul.f32 s17, s30;
	s19 =	ssub.s32 $0x5F3759DF, s19  }
0xa8: {  	s21 =	smul.f32 s19, s18  }
0xa9: {  	s20 =	smul.f32 s17, s20  }
0xaa: {  	s21 =	smul.f32 s19, s21  }
0xab: {  	s20 =	ssub.f32 $1.500000000e+00, s20  }
0xac: {  	s21 =	ssub.f32 $1.500000000e+00, s21  }
0xad: {  	s17 =	smul.f32 s17, s20  }
0xae: {  	s19 =	smul.f32 s19, s21  }
0xaf: {  	s20 =	smul.f32 s17, s30  }
0xb0: {  	s21 =	smul.f32 s19, s18  }
0xb1: {  	s20 =	smul.f32 s20, s17  }
0xb2: {  	s21 =	smul.f32 s21, s19  }
0xb3: {  	s20 =	ssub.f32 $1.500000000e+00, s20  }
0xb4: {  	s21 =	ssub.f32 $1.500000000e+00, s21  }
0xb5: {  	s17 =	smul.f32 s20, s17  }
0xb6: {  	s19 =	smul.f32 s21, s19  }
0xb7: {  	s20 =	smul.f32 s17, s30  }
0xb8: {  	s21 =	smul.f32 s19, s18  }
0xb9: {  	s20 =	smul.f32 s20, s17  }
0xba: {  	s21 =	smul.f32 s21, s19  }
0xbb: {  	s20 =	ssub.f32 $1.500000000e+00, s20  }
0xbc: {  	s21 =	ssub.f32 $1.500000000e+00, s21  }
0xbd: {  	s17 =	smul.f32 s20, s17  }
0xbe: {  	s19 =	smul.f32 s21, s19  }
0xbf: {  	s20 =	smul.f32 s17, s30  }
0xc0: {  	s18 =	smul.f32 s19, s18  }
0xc1: {  	s20 =	smul.f32 s20, s17  }
0xc2: {  	s18 =	smul.f32 s18, s19  }
0xc3: {  	s20 =	ssub.f32 $1.500000000e+00, s20  }
0xc4: {  	s18 =	ssub.f32 $1.500000000e+00, s18  }
0xc5: {  	s17 =	smul.f32 s20, s17  }
0xc6: {  	s18 =	smul.f32 s18, s19  }
0xc7: {  	p0 =	slt.f32 s16, $0.0e+00;
	s17 =	smul.f32 s17, s29  }
0xc8: {  	p1 =	sgt.f32 s16, $0.0e+00;
	s18 =	smul.f32 s18, s31  }
0xc9: {  	s0 =	smul.f32 s0, s17  }
0xca: {  	p0 =	por p1, p0;
	s3 =	smul.f32 s3, s18  }
0xcb: {  	s17 =	smov.u32 @p0 s0  }
0xcc: {  	v4 =	vmov s17;
	s18 =	smov.u32 @p0 s3  }
0xcd: {  	[tilespmem:$0x4D80] =	vst v4;
	v4 =	vmov s18  }
0xce: {  	s3 =	simm.s32 $0x4D80;
	[tilespmem:$0x4E00] =	vst v4  }
0xcf: {  	[spmem:s11] =	stream.linear.scatter [tilespmem:s3], [sflag:$0x2], $0x10, $0x38;
	[tilespmem:$0x4EA0] =	vst v63  }
0xd0: {  	_ =	swait.ge [sflag:s15], $0x10  }
0xd1: {  	[sflag:s15] =	ssyncset.done $0x0  }
0xd2: {  	s16 =	simm.s32 $0x4E00;
	[sflag:s15] =	ssyncadd.s32 $0xFFFFFFF0  }
0xd3: {  	[spmem:s12] =	stream.linear.scatter [tilespmem:s16], [sflag:$0x2], $0x10, $0x38;
	[tilespmem:$0x4EA0] =	vst v63  }
0xd4: {  	_ =	swait.ge [sflag:s15], $0x10  }
0xd5: {  	[sflag:s15] =	ssyncset.done $0x0  }
0xd6: {  	[sflag:s15] =	ssyncadd.s32 $0xFFFFFFF0  }
0xd7: {  	s17 =	simm.s32 $0x3980;
	[bflag:$0x0] =	sbarrier.arrive $0xFFFF  }
0xd8: {  	[tilespmem:s17], [sflag:$0x2] =	stream.linear.gather [spmem:s2], $0x200, $0x38;
	[tilespmem:$0x4EA0] =	vst v63  }
0xd9: {  	_ =	swait.ge [sflag:s15], $0x200  }
0xda: {  	v6 =	vld [tilespmem:$0x1FF20];
	_ =	sdelay $0x4  }
0xdb: {  	vm1 =	vnez.u8 v6;
	v6 =	vld [tilespmem:$0x1FF30];
	_ =	sdelay $0x3  }
0xdc: {  	[sflag:s15] =	ssyncset.done $0x0;
	v8 =	vld [tilespmem:$0x1FF60]  }
0xdd: {  	[sflag:s15] =	ssyncadd.s32 $0xFFFFFE00;
	vm2 =	vnez.u8 v6;
	v6 =	vld [tilespmem:$0x1FF40]  }
0xde: {  	v4 =	vld [tilespmem:$0x3980]  }
0xdf: {  	v20 =	vld.msk [tilespmem:$0x3990 ss:$0x0], $0xffff  }
0xe0: {  	v7 =	vld [tilespmem:$0x3A80]  }
0xe1: {  	v24 =	vld.msk [tilespmem:$0x3A90 ss:$0x0], $0xffff  }
0xe2: {  	vm3 =	vnez.u8 v6;
	v6 =	vld [tilespmem:$0x1FF50]  }
0xe3: {  	v17 =	vld [tilespmem:$0x1FFD0]  }
0xe4: {  	v38 =	vld [tilespmem:$0x1FFF0]  }
0xe5: {  	vm0 =	vcmask $0x704;
	v22 =	vld.msk [tilespmem:$0x39A0 ss:$0x0], $0xffff  }
0xe6: {  	v21 =	vld.msk [tilespmem:$0x3AA0 ss:$0x0], $0xffff;
	v5 =	vsel vm0, v20, v4  }
0xe7: {  	vm4 =	vnez.u8 v6;
	v6 =	vsel vm0, v24, v7;
	vm0 =	vnez.u8 v8;
	v8 =	vld [tilespmem:$0x1FF70]  }
0xe8: {  	v25 =	vld.msk [tilespmem:$0x39B0 ss:$0x0], $0xffff  }
0xe9: {  	v28 =	vld.msk [tilespmem:$0x39C0 ss:$0x0], $0xffff  }
0xea: {  	v29 =	vld.msk [tilespmem:$0x39D0 ss:$0x0], $0xffff  }
0xeb: {  	v55 =	vld.msk [tilespmem:$0x3AB0 ss:$0x0], $0xffff  }
0xec: {  	v5 =	vsel vm1, v5, v22;
	v6 =	vsel vm1, v6, v21;
	vm1 =	vnez.u8 v8;
	v8 =	vld [tilespmem:$0x1FF80]  }
0xed: {  	v31 =	vld.msk [tilespmem:$0x39E0 ss:$0x0], $0xffff  }
0xee: {  	v33 =	vld.msk [tilespmem:$0x39F0 ss:$0x0], $0xffff  }
0xef: {  	v34 =	vld.msk [tilespmem:$0x3A00 ss:$0x0], $0xffff  }
0xf0: {  	v56 =	vld.msk [tilespmem:$0x3AC0 ss:$0x0], $0xffff  }
0xf1: {  	v5 =	vsel vm2, v5, v25;
	v6 =	vsel vm2, v6, v55;
	vm2 =	vnez.u8 v8;
	v8 =	vld [tilespmem:$0x1FF90]  }
0xf2: {  	v36 =	vld.msk [tilespmem:$0x3A10 ss:$0x0], $0xffff  }
0xf3: {  	v37 =	vld.msk [tilespmem:$0x3A20 ss:$0x0], $0xffff  }
0xf4: {  	v35 =	vld.msk [tilespmem:$0x3A30 ss:$0x0], $0xffff  }
0xf5: {  	v16 =	vld.msk [tilespmem:$0x3AD0 ss:$0x0], $0xffff  }
0xf6: {  	v5 =	vsel vm3, v5, v28;
	v6 =	vsel vm3, v6, v56;
	vm3 =	vnez.u8 v8;
	v8 =	vld [tilespmem:$0x1FFA0]  }
0xf7: {  	v32 =	vld.msk [tilespmem:$0x3A40 ss:$0x0], $0xffff  }
0xf8: {  	v30 =	vld.msk [tilespmem:$0x3A50 ss:$0x0], $0xffff  }
0xf9: {  	v27 =	vld.msk [tilespmem:$0x3A60 ss:$0x0], $0xffff  }
0xfa: {  	v15 =	vld.msk [tilespmem:$0x3AE0 ss:$0x0], $0xffff  }
0xfb: {  	v5 =	vsel vm4, v5, v29;
	v6 =	vsel vm4, v6, v16;
	vm4 =	vnez.u8 v8;
	v8 =	vld [tilespmem:$0x1FFB0]  }
0xfc: {  	v26 =	vld.msk [tilespmem:$0x3A70 ss:$0x0], $0xffff  }
0xfd: {  	v14 =	vld.msk [tilespmem:$0x3AF0 ss:$0x0], $0xffff  }
0xfe: {  	v13 =	vld.msk [tilespmem:$0x3B00 ss:$0x0], $0xffff  }
0xff: {  	v12 =	vld.msk [tilespmem:$0x3B10 ss:$0x0], $0xffff  }
0x100: {  	v5 =	vsel vm0, v5, v31;
	v6 =	vsel vm0, v6, v15;
	vm0 =	vnez.u8 v8;
	v8 =	vld [tilespmem:$0x1FFC0]  }
0x101: {  	v11 =	vld.msk [tilespmem:$0x3B20 ss:$0x0], $0xffff;
	v5 =	vsel vm1, v5, v33  }
0x102: {  	v23 =	vbroadcast v4, $0x0;
	v4 =	vld [tilespmem:$0x1FFE0];
	v5 =	vsel vm2, v5, v34  }
0x103: {  	v10 =	vld.msk [tilespmem:$0x3B30 ss:$0x0], $0xffff;
	v5 =	vsel vm3, v5, v36  }
0x104: {  	vm15 =	vcmask $0x3F34;
	v9 =	vld.msk [tilespmem:$0x3B40 ss:$0x0], $0xffff;
	v6 =	vsel vm1, v6, v14;
	v5 =	vsel vm4, v5, v37  }
0x105: {  	v6 =	vsel vm2, v6, v13;
	v5 =	vsel vm0, v5, v35;
	vm1 =	vnez.u8 v8;
	v8 =	vld.msk [tilespmem:$0x3B50 ss:$0x0], $0xffff  }
0x106: {  	vm2 =	vnez.u8 v17;
	v17 =	vsel vm3, v6, v12;
	v6 =	vld.msk [tilespmem:$0x3B60 ss:$0x0], $0xffff;
	v5 =	vsel vm1, v5, v32  }
0x107: {  	vm5 =	vnez.u8 v4;
	v4 =	vld.msk [tilespmem:$0x3B70 ss:$0x0], $0xffff;
	v17 =	vsel vm4, v17, v11;
	v5 =	vsel vm2, v5, v30  }
0x108: {  	vm4 =	vnez.u8 v38;
	v17 =	vsel vm0, v17, v10;
	v5 =	vsel vm5, v5, v27  }
0x109: {  	v57 =	vbroadcast v7, $0x0;
	v17 =	vsel vm1, v17, v9;
	v5 =	vsel vm4, v5, v26  }
0x10a: {  	vm3 =	vcmask $0x3F04;
	vm1 =	veq.f32 v23, v5;
	v17 =	vsel vm2, v17, v8  }
0x10b: {  	vm0 =	vgt.f32 v23, v5;
	vm1 =	vmand vm1, vm3;
	v7 =	vsel vm5, v17, v6  }
0x10c: {  	vm2 =	vgt.f32 v20, v5;
	vm0 =	vmor vm0, vm1;
	v7 =	vsel vm4, v7, v4  }
0x10d: {  	vm4 =	vcmask $0x3F08;
	v17 =	vsel vm0, $0x1, v1;
	vm0 =	veq.f32 v20, v5  }
0x10e: {  	vm5 =	vcmask $0x3F0C;
	vm1 =	vge.f32 v23, v7;
	vm0 =	vmand vm0, vm4  }
0x10f: {  	v23 =	vsel vm1, $0x1, v1;
	vm1 =	vge.f32 v20, v7;
	vm0 =	vmor vm2, vm0  }
0x110: {  	v39 =	vsel vm1, $0x1, v1;
	v20 =	vsel vm0, $0x1, v1;
	vm0 =	veq.f32 v22, v5  }
0x111: {  	vm1 =	vgt.f32 v22, v5;
	vm2 =	veq.f32 v25, v5;
	vm0 =	vmand vm0, vm5  }
0x112: {  	v23 =	vadd.s32 v39, v23;
	vm0 =	vmor vm1, vm0;
	vm1 =	vge.f32 v22, v7  }
0x113: {  	vm2 =	vmand vm2, vm6;
	v58 =	vsel vm1, $0x1, v1;
	vm1 =	vgt.f32 v25, v5  }
0x114: {  	v22 =	vsel vm0, $0x1, v1;
	v39 =	vadd.s32 v58, v23;
	vm0 =	vmor vm1, vm2  }
0x115: {  	vm1 =	veq.f32 v28, v5;
	v23 =	vsel vm0, $0x1, v1;
	vm0 =	vge.f32 v25, v7  }
0x116: {  	vm1 =	vmand vm1, vm7;
	v25 =	vsel vm0, $0x1, v1;
	vm0 =	vgt.f32 v28, v5  }
0x117: {  	vm2 =	veq.f32 v31, v5;
	v39 =	vadd.s32 v25, v39;
	vm0 =	vmor vm0, vm1  }
0x118: {  	vm1 =	vge.f32 v28, v7;
	v25 =	vsel vm0, $0x1, v1;
	vm0 =	veq.f32 v29, v5  }
0x119: {  	v28 =	vsel vm1, $0x1, v1;
	vm1 =	vgt.f32 v29, v5;
	vm0 =	vmand vm0, vm8  }
0x11a: {  	vm2 =	vmand vm2, vm9;
	vm0 =	vmor vm1, vm0;
	vm1 =	vge.f32 v29, v7  }
0x11b: {  	v39 =	vadd.s32 v28, v39;
	v29 =	vsel vm1, $0x1, v1;
	vm1 =	vgt.f32 v31, v5  }
0x11c: {  	v28 =	vsel vm0, $0x1, v1;
	v39 =	vadd.s32 v29, v39;
	vm0 =	vmor vm1, vm2  }
0x11d: {  	vm1 =	veq.f32 v33, v5;
	v29 =	vsel vm0, $0x1, v1;
	vm0 =	vge.f32 v31, v7  }
0x11e: {  	vm1 =	vmand vm1, vm10;
	v31 =	vsel vm0, $0x1, v1;
	vm0 =	vgt.f32 v33, v5  }
0x11f: {  	vm2 =	vge.f32 v34, v7;
	v39 =	vadd.s32 v31, v39;
	vm0 =	vmor vm0, vm1  }
0x120: {  	vm1 =	vge.f32 v33, v7;
	v31 =	vsel vm0, $0x1, v1;
	vm0 =	veq.f32 v34, v5  }
0x121: {  	v33 =	vsel vm1, $0x1, v1;
	vm1 =	vgt.f32 v34, v5;
	vm0 =	vmand vm0, vm11  }
0x122: {  	v60 =	vsel vm2, $0x1, v1;
	vm2 =	veq.f32 v37, v5;
	vm0 =	vmor vm1, vm0  }
0x123: {  	v59 =	vadd.s32 v33, v39;
	v33 =	vsel vm0, $0x1, v1;
	vm0 =	veq.f32 v36, v5  }
0x124: {  	vm2 =	vmand vm2, vm13;
	vm1 =	vgt.f32 v36, v5;
	vm0 =	vmand vm0, vm12  }
0x125: {  	v39 =	vadd.s32 v60, v59;
	vm0 =	vmor vm1, vm0;
	vm1 =	vgt.f32 v37, v5  }
0x126: {  	v34 =	vsel vm0, $0x1, v1;
	vm0 =	vge.f32 v36, v7;
	vm1 =	vmor vm1, vm2  }
0x127: {  	vm2 =	vgt.f32 v35, v5;
	v40 =	vsel vm0, $0x1, v1;
	vm0 =	veq.f32 v35, v5  }
0x128: {  	v36 =	vsel vm1, $0x1, v1;
	vm1 =	vge.f32 v37, v7;
	vm0 =	vmand vm0, vm14  }
0x129: {  	v41 =	vsel vm1, $0x1, v1;
	vm1 =	vge.f32 v35, v7;
	vm0 =	vmor vm2, vm0  }
0x12a: {  	v61 =	vadd.s32 v40, v39;
	v35 =	vsel vm0, $0x1, v1;
	vm0 =	veq.f32 v32, v5  }
0x12b: {  	v42 =	vsel vm1, $0x1, v1;
	vm1 =	vgt.f32 v32, v5;
	vm0 =	vmand vm0, vm15  }
0x12c: {  	vm2 =	veq.f32 v30, v5;
	vm15 =	vcmask $0x3F38;
	vm0 =	vmor vm1, vm0  }
0x12d: {  	vm1 =	vgt.f32 v30, v5;
	vm2 =	vmand vm2, vm15;
	vm15 =	vcmask $0x3F3C  }
0x12e: {  	v37 =	vsel vm0, $0x1, v1;
	vm0 =	vge.f32 v32, v7;
	vm1 =	vmor vm1, vm2  }
0x12f: {  	vm2 =	vgt.f32 v27, v5;
	v43 =	vsel vm0, $0x1, v1;
	vm0 =	veq.f32 v27, v5  }
0x130: {  	v32 =	vsel vm1, $0x1, v1;
	vm1 =	vge.f32 v30, v7;
	vm0 =	vmand vm0, vm15  }
0x131: {  	v30 =	vadd.s32 v41, v61;
	v62 =	vsel vm1, $0x1, v1;
	vm0 =	vmor vm2, vm0  }
0x132: {  	vm1 =	vgt.f32 v26, v5;
	v40 =	vsel vm0, $0x1, v1;
	vm0 =	vge.f32 v27, v7  }
0x133: {  	v44 =	vsel vm1, $0x1, v1;
	v27 =	vsel vm0, $0x1, v1;
	vm0 =	veq.f32 v57, v7  }
0x134: {  	vm1 =	vge.f32 v26, v7;
	vm2 =	vgt.f32 v57, v7;
	vm0 =	vmand vm0, vm3  }
0x135: {  	v26 =	vsel vm1, $0x1, v1;
	vm1 =	vgt.f32 v57, v5;
	vm0 =	vmor vm2, vm0  }
0x136: {  	v38 =	vsel vm1, $0x1, v1;
	v45 =	vsel vm0, $0x1, v1;
	vm0 =	veq.f32 v24, v7  }
0x137: {  	vm1 =	vgt.f32 v24, v5;
	vm2 =	vgt.f32 v24, v7;
	vm0 =	vmand vm0, vm4  }
0x138: {  	v63 =	vsel vm1, $0x1, v1;
	vm1 =	vgt.f32 v21, v5;
	vm0 =	vmor vm2, vm0  }
0x139: {  	v47 =	vsel vm1, $0x1, v1;
	v46 =	vsel vm0, $0x1, v1;
	vm0 =	veq.f32 v21, v7  }
0x13a: {  	vm1 =	vgt.f32 v21, v7;
	vm2 =	veq.f32 v55, v7;
	vm0 =	vmand vm0, vm5  }
0x13b: {  	vm2 =	vmand vm2, vm6;
	vm0 =	vmor vm1, vm0;
	vm1 =	vgt.f32 v55, v7  }
0x13c: {  	v21 =	vsel vm0, $0x1, v1;
	vm0 =	vgt.f32 v55, v5;
	vm1 =	vmor vm1, vm2  }
0x13d: {  	vm2 =	vgt.f32 v56, v7;
	v19 =	vsel vm0, $0x1, v1;
	vm0 =	veq.f32 v56, v7  }
0x13e: {  	v48 =	vsel vm1, $0x1, v1;
	vm1 =	vgt.f32 v56, v5;
	vm0 =	vmand vm0, vm7  }
0x13f: {  	v18 =	vsel vm1, $0x1, v1;
	vm1 =	vgt.f32 v16, v5;
	vm0 =	vmor vm2, vm0  }
0x140: {  	v50 =	vsel vm1, $0x1, v1;
	v49 =	vsel vm0, $0x1, v1;
	vm0 =	veq.f32 v16, v7  }
0x141: {  	vm1 =	vgt.f32 v16, v7;
	vm2 =	veq.f32 v15, v7;
	vm0 =	vmand vm0, vm8  }
0x142: {  	vm2 =	vmand vm2, vm9;
	vm0 =	vmor vm1, vm0;
	vm1 =	vgt.f32 v15, v7  }
0x143: {  	v16 =	vsel vm0, $0x1, v1;
	vm0 =	vgt.f32 v15, v5;
	vm1 =	vmor vm1, vm2  }
0x144: {  	vm2 =	vgt.f32 v14, v7;
	v15 =	vsel vm0, $0x1, v1;
	vm0 =	veq.f32 v14, v7  }
0x145: {  	v51 =	vsel vm1, $0x1, v1;
	vm1 =	vgt.f32 v14, v5;
	vm0 =	vmand vm0, vm10  }
0x146: {  	v14 =	vsel vm1, $0x1, v1;
	vm1 =	veq.f32 v13, v7;
	vm0 =	vmor vm2, vm0  }
0x147: {  	vm1 =	vmand vm1, vm11;
	v56 =	vsel vm0, $0x1, v1;
	vm0 =	vgt.f32 v13, v5  }
0x148: {  	vm2 =	vcmask $0x3F34;
	v52 =	vsel vm0, $0x1, v1;
	vm0 =	vgt.f32 v13, v7  }
0x149: {  	v13 =	vadd.s32 v42, v30;
	vm0 =	vmor vm0, vm1;
	vm1 =	vgt.f32 v12, v5  }
0x14a: {  	v57 =	vsel vm0, $0x1, v1;
	v58 =	vsel vm1, $0x1, v1;
	vm0 =	veq.f32 v12, v7  }
0x14b: {  	vm1 =	vgt.f32 v12, v7;
	v12 =	vadd.s32 v44, v38;
	vm0 =	vmand vm0, vm12  }
0x14c: {  	v13 =	vadd.s32 v43, v13;
	v12 =	vadd.s32 v63, v12;
	vm0 =	vmor vm1, vm0  }
0x14d: {  	v12 =	vadd.s32 v20, v12;
	v59 =	vsel vm0, $0x1, v1;
	vm0 =	vgt.f32 v11, v5  }
0x14e: {  	v12 =	vadd.s32 v17, v12;
	v60 =	vsel vm0, $0x1, v1;
	vm0 =	veq.f32 v11, v7  }
0x14f: {  	vm1 =	vgt.f32 v11, v7;
	v11 =	vadd.s32 v22, v12;
	vm0 =	vmand vm0, vm13  }
0x150: {  	v12 =	vadd.s32 v62, v13;
	v11 =	vadd.s32 v23, v11;
	vm0 =	vmor vm1, vm0  }
0x151: {  	v11 =	vadd.s32 v25, v11;
	v13 =	vsel vm0, $0x1, v1;
	vm0 =	vgt.f32 v10, v5  }
0x152: {  	v11 =	vadd.s32 v28, v11;
	v17 =	vsel vm0, $0x1, v1;
	vm0 =	veq.f32 v10, v7  }
0x153: {  	vm1 =	vgt.f32 v10, v7;
	v10 =	vadd.s32 v29, v11;
	vm0 =	vmand vm0, vm14  }
0x154: {  	v11 =	vadd.s32 v27, v12;
	v10 =	vadd.s32 v31, v10;
	vm0 =	vmor vm1, vm0  }
0x155: {  	v10 =	vadd.s32 v33, v10;
	v12 =	vsel vm0, $0x1, v1;
	vm0 =	vgt.f32 v9, v5  }
0x156: {  	vm1 =	vgt.f32 v9, v7;
	v10 =	vadd.s32 v34, v10;
	v61 =	vsel vm0, $0x1, v1  }
0x157: {  	vm0 =	veq.f32 v9, v7;
	v9 =	vadd.s32 v36, v10;
	v10 =	vadd.s32 v26, v11  }
0x158: {  	vm0 =	vmand vm0, vm2;
	v9 =	vadd.s32 v35, v9;
	vm2 =	vcmask $0x3F38  }
0x159: {  	vm0 =	vmor vm1, vm0;
	v9 =	vadd.s32 v37, v9;
	vm1 =	vgt.f32 v8, v5  }
0x15a: {  	v11 =	vsel vm0, $0x1, v1;
	vm0 =	vgt.f32 v4, v7;
	v9 =	vadd.s32 v32, v9  }
0x15b: {  	v63 =	vsel vm1, $0x1, v1;
	v62 =	vsel vm0, $0x1, v1;
	v9 =	vadd.s32 v40, v9  }
0x15c: {  	vm1 =	veq.f32 v8, v7;
	v10 =	vadd.s32 v62, v10;
	v9 =	vadd.s32 v47, v9  }
0x15d: {  	vm0 =	vgt.f32 v8, v7;
	v10 =	vadd.s32 v45, v10;
	v8 =	vadd.s32 v19, v9  }
0x15e: {  	vm1 =	vmand vm1, vm2;
	v9 =	vadd.s32 v46, v10;
	v8 =	vadd.s32 v18, v8  }
0x15f: {  	vm0 =	vmor vm0, vm1;
	v9 =	vadd.s32 v21, v9;
	v8 =	vadd.s32 v50, v8  }
0x160: {  	vm1 =	veq.f32 v6, v7;
	v9 =	vadd.s32 v48, v9;
	v8 =	vadd.s32 v15, v8  }
0x161: {  	v10 =	vsel vm0, $0x1, v1;
	v9 =	vadd.s32 v49, v9;
	v8 =	vadd.s32 v14, v8  }
0x162: {  	vm0 =	vgt.f32 v6, v5;
	v9 =	vadd.s32 v16, v9;
	v8 =	vadd.s32 v52, v8  }
0x163: {  	v14 =	vsel vm0, $0x1, v1;
	v9 =	vadd.s32 v51, v9;
	v8 =	vadd.s32 v58, v8  }
0x164: {  	vm0 =	vgt.f32 v6, v7;
	v9 =	vadd.s32 v56, v9;
	v6 =	vadd.s32 v60, v8  }
0x165: {  	vm1 =	vmand vm1, vm15;
	v7 =	vadd.s32 v57, v9;
	v6 =	vadd.s32 v17, v6  }
0x166: {  	vm0 =	vmor vm0, vm1;
	v7 =	vadd.s32 v59, v7;
	v6 =	vadd.s32 v61, v6  }
0x167: {  	vm1 =	vgt.f32 v4, v5;
	v7 =	vadd.s32 v13, v7;
	v4 =	vadd.s32 v63, v6  }
0x168: {  	v6 =	vsel vm1, $0x1, v1;
	v5 =	vadd.s32 v12, v7;
	v4 =	vadd.s32 v14, v4  }
0x169: {  	v5 =	vadd.s32 v11, v5;
	v4 =	vadd.s32 v6, v4  }
0x16a: {  	v7 =	vsel vm0, $0x1, v1;
	v5 =	vadd.s32 v10, v5;
	vm0 =	veq.s32 v4, $0x0  }
0x16b: {  	v5 =	vadd.s32 v7, v5;
	v6 =	vnsel vm0, $0x0, v0  }
0x16c: {  	vm0 =	veq.s32 v5, $0x0;
	(xrf0) =	vadd.scan.msk.s32 $0xffff, v6  }
0x16d: {  	v6 =	vnsel vm0, $0x0, v2  }
0x16e: {  	(xrf0) =	vadd.scan.msk.s32 $0xffff, v6  }
0x16f: {  	vm0 =	veq.s32 v4, $0x1  }
0x170: {  	v6 =	vnsel vm0, $0x0, v0;
	vm0 =	veq.s32 v5, $0x1  }
0x171: {  	(xrf0) =	vadd.scan.msk.s32 $0xffff, v6;
	v6 =	vnsel vm0, $0x0, v2  }
0x172: {  	vm0 =	veq.s32 v4, $0x2;
	v7, _, _ =	vpop (xrf0);
	(xrf0) =	vadd.scan.msk.s32 $0xffff, v6  }
0x173: {  	v6 =	vnsel vm0, $0x0, v0;
	vm0 =	veq.s32 v5, $0x2  }
0x174: {  	(v2sf) =	vpush v7, $0xF;
	v7, _, _ =	vpop (xrf0);
	(xrf0) =	vadd.scan.msk.s32 $0xffff, v6;
	v6 =	vnsel vm0, $0x0, v2  }
0x175: {  	(v2sf) =	vpush v7, $0xF  }
0x176: {  	vm0 =	veq.s32 v4, $0x3;
	(xrf0) =	vadd.scan.msk.s32 $0xffff, v6  }
0x177: {  	v7 =	vnsel vm0, $0x0, v0;
	v6, _, _ =	vpop (xrf0)  }
0x178: {  	vm0 =	veq.s32 v5, $0x3;
	(v2sf) =	vpush v6, $0xF;
	v6, _, _ =	vpop (xrf0);
	(xrf0) =	vadd.scan.msk.s32 $0xffff, v7  }
0x179: {  	v7 =	vnsel vm0, $0x0, v2;
	(v2sf) =	vpush v6, $0xF  }
0x17a: {  	vm0 =	veq.s32 v4, $0x4;
	v6, _, _ =	vpop (xrf0);
	(xrf0) =	vadd.scan.msk.s32 $0xffff, v7  }
0x17b: {  	v4 =	vnsel vm0, $0x0, v0;
	(v2sf) =	vpush v6, $0xF  }
0x17c: {  	vm0 =	veq.s32 v5, $0x4;
	v6, _, _ =	vpop (xrf0);
	(xrf0) =	vadd.scan.msk.s32 $0xffff, v4  }
0x17d: {  	v4 =	vnsel vm0, $0x0, v2;
	(v2sf) =	vpush v6, $0xF  }
0x17e: {  	v5, _, _ =	vpop (xrf0);
	(xrf0) =	vadd.scan.msk.s32 $0xffff, v4  }
0x17f: {  	(v2sf) =	vpush v5, $0xF  }
0x180: {  	v4, _, _ =	vpop (xrf0)  }
0x181: {  	(v2sf) =	vpush v4, $0xF  }
0x182: {  	v4, _, _ =	vpop (xrf0)  }
0x183: {  	s18 =	spop (v2sf);
	(v2sf) =	vpush v4, $0xF  }
0x184: {  	s19 =	spop (v2sf);
	v4, _, _ =	vpop (xrf0)  }
0x185: {  	s0 =	sadd.s32 s18, s19;
	(v2sf) =	vpush v4, $0xF  }
0x186: {  	s0 =	smul.u32 $0x6000, s0  }
0x187: {  	s20 =	spop (v2sf)  }
0x188: {  	s16 =	simm.s32 $0x0;
	s0 =	sadd.s32 s9, s0;
	s21 =	spop (v2sf)  }
0x189: {  	s18 =	simm.s32 $0x3B80;
	s0 =	sshrl.u32 s0, $0x3;
	s3 =	sadd.s32 s20, s21  }
0x18a: {  	s29 =	spop (v2sf);
	s0 =	sadd.s32 s1, s0;
	s3 =	smul.u32 $0x6000, s3  }
0x18b: {  	[tilespmem:s18], [sflag:$0x1] =	stream.linear.gather [hbm4b:s0+s16], $0x300, $0x38;
	[tilespmem:$0x4EA0] =	vst v63  }
0x18c: {  	s30 =	spop (v2sf);
	s3 =	sadd.s32 s9, s3  }
0x18d: {  	s20 =	simm.s32 $0x3E80;
	s0 =	sadd.s32 s29, s30;
	s3 =	sshrl.u32 s3, $0x3  }
0x18e: {  	s0 =	smul.u32 $0x6000, s0;
	s31 =	spop (v2sf);
	s3 =	sadd.s32 s1, s3  }
0x18f: {  	[tilespmem:s20], [sflag:$0x1] =	stream.linear.gather [hbm4b:s3+s16], $0x300, $0x38;
	[tilespmem:$0x4EA0] =	vst v63  }
0x190: {  	s0 =	sadd.s32 s9, s0;
	s21 =	spop (v2sf)  }
0x191: {  	s0 =	sshrl.u32 s0, $0x3;
	s3 =	sadd.s32 s31, s21  }
0x192: {  	s29 =	spop (v2sf);
	s0 =	sadd.s32 s1, s0;
	s3 =	smul.u32 $0x6000, s3  }
0x193: {  	[tilespmem:s22], [sflag:$0x1] =	stream.linear.gather [hbm4b:s0+s16], $0x300, $0x38;
	[tilespmem:$0x4EA0] =	vst v63  }
0x194: {  	s30 =	sadd.s32 s9, s3;
	s31 =	spop (v2sf)  }
0x195: {  	s0 =	sshrl.u32 s30, $0x3;
	s3 =	sadd.s32 s29, s31  }
0x196: {  	s0 =	sadd.s32 s1, s0;
	s3 =	smul.u32 $0x6000, s3  }
0x197: {  	[tilespmem:s23], [sflag:$0x1] =	stream.linear.gather [hbm4b:s0+s16], $0x300, $0x38;
	[tilespmem:$0x4EA0] =	vst v63  }
0x198: {  	s19 =	sadd.s32 s9, s3  }
0x199: {  	s0 =	sshrl.u32 s19, $0x3  }
0x19a: {  	s0 =	sadd.s32 s1, s0  }
0x19b: {  	[tilespmem:s24], [sflag:$0x1] =	stream.linear.gather [hbm4b:s0+s16], $0x300, $0x38;
	[tilespmem:$0x4EA0] =	vst v63  }
0x19c: {  	_ =	swait.ge [sflag:s25], $0x300  }
0x19d: {  	[sflag:s25] =	ssyncset.done $0x0  }
0x19e: {  	[sflag:s25] =	ssyncadd.s32 $0xFFFFFD00  }
0x19f: {  	_ =	swait.ge [sflag:s25], $0x300  }
0x1a0: {  	[sflag:s25] =	ssyncset.done $0x0  }
0x1a1: {  	[sflag:s25] =	ssyncadd.s32 $0xFFFFFD00  }
0x1a2: {  	_ =	swait.ge [sflag:s25], $0x300  }
0x1a3: {  	[sflag:s25] =	ssyncset.done $0x0  }
0x1a4: {  	[sflag:s25] =	ssyncadd.s32 $0xFFFFFD00  }
0x1a5: {  	_ =	swait.ge [sflag:s25], $0x300  }
0x1a6: {  	[sflag:s25] =	ssyncset.done $0x0  }
0x1a7: {  	[sflag:s25] =	ssyncadd.s32 $0xFFFFFD00  }
0x1a8: {  	_ =	swait.ge [sflag:s25], $0x300  }
0x1a9: {  	[sflag:s25] =	ssyncset.done $0x0  }
0x1aa: {  	[sflag:s25] =	ssyncadd.s32 $0xFFFFFD00  }
0x1ab: {  	s20 =	simm.s32 $0x3680;
	v5 =	vld [tilespmem:s18+$0x0]  }
0x1ac: {  	s21 =	sand.u32 $0x3F0, s16;
	v8 =	vld [tilespmem:s20+$0x0]  }
0x1ad: {  	v6 =	vld [tilespmem:s21+$0x4780]  }
0x1ae: {  	v10 =	vld [tilespmem:s21+$0x3E80]  }
0x1af: {  	v12 =	vld [tilespmem:s21+$0x4180]  }
0x1b0: {  	s29 =	simm.s32 $0x3B90;
	v15 =	vld [tilespmem:s21+$0x4480]  }
0x1b1: {  	s30 =	simm.s32 $0x10;
	s0 =	simm.s32 $0x3690;
	v9 =	vld [tilespmem:s29+$0x0]  }
0x1b2: {  	s31 =	sand.u32 $0x3F0, s30;
	v4 =	vld [tilespmem:s0+$0x0]  }
0x1b3: {  	v13 =	vmul.f32 v5, v8;
	v6 =	vmul.f32 v6, v8;
	v5 =	vld [tilespmem:s31+$0x4780]  }
0x1b4: {  	v7 =	vimm.f32 $0.0e+00;
	v11 =	vld [tilespmem:s31+$0x3E80];
	v16 =	vmul.f32 v10, v8;
	v12 =	vmul.f32 v12, v8  }
0x1b5: {  	v10 =	vld [tilespmem:s31+$0x4180];
	v15 =	vmul.f32 v15, v8;
	v14 =	vadd.f32 v13, v7;
	v6 =	vadd.f32 v6, v7  }
0x1b6: {  	s3 =	simm.s32 $0x20;
	s16 =	simm.s32 $0x3BA0;
	v8 =	vld [tilespmem:s31+$0x4480];
	v13 =	vadd.f32 v16, v7;
	v12 =	vadd.f32 v12, v7  }
.LBB2_4:
0x1b7: {  	v16 =	vmul.f32 v9, v4;
	v9 =	vld [tilespmem:s16+$0x0];
	s0 =	sadd.s32 $0x10, s0;
	v7 =	vadd.f32 v15, v7;
	v15 =	vmov v4;
	p0 =	sne.s32 s3, $0x2F0  }
.Ltmp1:
0x1b8: {  	s17 =	sand.u32 $0x3F0, s3;
	s3 =	sadd.s32 $0x10, s3;
	v4 =	vld [tilespmem:s0+$0x0];
	v17 =	vmul.f32 v5, v15;
	(pc) =	sbr.rel @p0 .LBB2_4-.Ltmp1, $4  }
0x1b9: {  	v5 =	vld [tilespmem:s17+$0x4780];
	v14 =	vadd.f32 v16, v14;
	v16 =	vmul.f32 v11, v15  }
0x1ba: {  	v11 =	vld [tilespmem:s17+$0x3E80];
	v18 =	vmul.f32 v10, v15;
	v6 =	vadd.f32 v17, v6  }
0x1bb: {  	v10 =	vld [tilespmem:s17+$0x4180];
	v13 =	vadd.f32 v16, v13;
	v15 =	vmul.f32 v8, v15  }
0x1bc: {  	s16 =	sadd.s32 $0x10, s16;
	v8 =	vld [tilespmem:s17+$0x4480];
	v12 =	vadd.f32 v18, v12  }
0x1bd: {  	v9 =	vmul.f32 v9, v4;
	_ =	sdelay $0x1  }
0x1be: {  	v9 =	vadd.f32 v9, v14;
	_ =	sdelay $0x1  }
0x1bf: {  	(xrf2) =	vadd.scan.msk.f32 $0xffff, v9;
	_ =	sdelay $0x9  }
0x1c0: {  	(v2sf) =	vpush v3, $0x0;
	v3, _, _ =	vpop (xrf2)  }
0x1c1: {  	v9 =	vmul.f32 v11, v4;
	(v2sf) =	vpush v3, $0xF;
	_ =	sdelay $0x1  }
0x1c2: {  	v9 =	vadd.f32 v9, v13;
	_ =	sdelay $0x1  }
0x1c3: {  	(xrf2) =	vadd.scan.msk.f32 $0xffff, v9;
	_ =	sdelay $0x8  }
0x1c4: {  	v3 =	vmul.f32 v10, v4  }
0x1c5: {  	s0 =	spop (v2sf);
	v9, _, _ =	vpop (xrf2)  }
0x1c6: {  	v3 =	vadd.f32 v3, v12;
	(v2sf) =	vpush v9, $0xF;
	s3 =	spop (v2sf)  }
0x1c7: {  	s3 =	sadd.f32 s3, s0  }
0x1c8: {  	(xrf2) =	vadd.scan.msk.f32 $0xffff, v3  }
0x1c9: {  	s3 =	ssub.f32 $0.0e+00, s3;
	_ =	sdelay $0x1  }
0x1ca: {  	v3 =	vmov s3  }
0x1cb: {  	v3 =	vmul.f32 $1.442695020e+00, v3;
	_ =	sdelay $0x1  }
0x1cc: {  	v3 =	vbroadcast v3, $0x0;
	_ =	sdelay $0x3  }
0x1cd: {  	(erf) = vpow2.f32 v3;
	v3, _, _ =	vpop (xrf2)  }
0x1ce: {  	v7 =	vadd.f32 v15, v7;
	v8 =	vmul.f32 v8, v4;
	(v2sf) =	vpush v3, $0xF;
	_ =	sdelay $0x1  }
0x1cf: {  	v7 =	vadd.f32 v8, v7;
	s18 =	spop (v2sf)  }
0x1d0: {  	s3 =	sadd.f32 s18, s0  }
0x1d1: {  	(xrf2) =	vadd.scan.msk.f32 $0xffff, v7  }
0x1d2: {  	s3 =	ssub.f32 $0.0e+00, s3;
	_ =	sdelay $0x1  }
0x1d3: {  	v3 =	vmov s3  }
0x1d4: {  	v3 =	vmul.f32 $1.442695020e+00, v3;
	_ =	sdelay $0x1  }
0x1d5: {  	v3 =	vbroadcast v3, $0x0;
	v7 =	vpop (erf)  }
0x1d6: {  	v7 =	vadd.f32 $1.000000000e+00, v7;
	_ =	sdelay $0x1  }
0x1d7: {  	v4 =	vmul.f32 v5, v4;
	(erf) = vrcp.f32 v7  }
0x1d8: {  	(erf) = vpow2.f32 v3;
	v3, _, _ =	vpop (xrf2)  }
0x1d9: {  	v4 =	vadd.f32 v4, v6;
	(v2sf) =	vpush v3, $0xF;
	s19 =	spop (v2sf)  }
0x1da: {  	s3 =	sadd.f32 s19, s0  }
0x1db: {  	(xrf2) =	vadd.scan.msk.f32 $0xffff, v4  }
0x1dc: {  	s3 =	ssub.f32 $0.0e+00, s3;
	_ =	sdelay $0x1  }
0x1dd: {  	v4 =	vmov s3  }
0x1de: {  	v4 =	vmul.f32 $1.442695020e+00, v4  }
0x1df: {  	v3 =	vpop (erf)  }
0x1e0: {  	v5 =	vpop (erf);
	v4 =	vbroadcast v4, $0x0  }
0x1e1: {  	v5 =	vadd.f32 $1.000000000e+00, v5;
	_ =	sdelay $0x1  }
0x1e2: {  	(erf) = vrcp.f32 v5  }
0x1e3: {  	(erf) = vpow2.f32 v4;
	v4, _, _ =	vpop (xrf2)  }
0x1e4: {  	(v2sf) =	vpush v4, $0xF;
	_ =	sdelay $0x1  }
0x1e5: {  	s20 =	spop (v2sf)  }
0x1e6: {  	s3 =	sadd.f32 s20, s0;
	_ =	sdelay $0x1  }
0x1e7: {  	s3 =	ssub.f32 $0.0e+00, s3;
	_ =	sdelay $0x1  }
0x1e8: {  	v4 =	vpop (erf);
	v5 =	vmov s3  }
0x1e9: {  	v5 =	vmul.f32 $1.442695020e+00, v5;
	v6 =	vpop (erf)  }
0x1ea: {  	v6 =	vadd.f32 $1.000000000e+00, v6  }
0x1eb: {  	v5 =	vbroadcast v5, $0x0  }
0x1ec: {  	(erf) = vrcp.f32 v6  }
0x1ed: {  	(erf) = vpow2.f32 v5;
	_ =	sdelay $0x2  }
0x1ee: {  	s21 =	spop (v2sf)  }
0x1ef: {  	s0 =	sadd.f32 s21, s0;
	_ =	sdelay $0x1  }
0x1f0: {  	s0 =	ssub.f32 $0.0e+00, s0;
	_ =	sdelay $0x1  }
0x1f1: {  	v5 =	vpop (erf);
	v6 =	vmov s0  }
0x1f2: {  	v7 =	vpop (erf);
	v6 =	vmul.f32 $1.442695020e+00, v6  }
0x1f3: {  	v7 =	vadd.f32 $1.000000000e+00, v7  }
0x1f4: {  	v6 =	vbroadcast v6, $0x0  }
0x1f5: {  	(erf) = vrcp.f32 v7  }
0x1f6: {  	(erf) = vpow2.f32 v6;
	_ =	sdelay $0x7  }
0x1f7: {  	v6 =	vpop (erf)  }
0x1f8: {  	s30 =	simm.s32 $0x0;
	s31 =	simm.s32 $0x3B80;
	v7 =	vpop (erf)  }
0x1f9: {  	v8 =	vld [tilespmem:s31+$0x0];
	s0 =	sand.u32 $0x3F0, s30;
	v7 =	vadd.f32 $1.000000000e+00, v7  }
0x1fa: {  	v9 =	vld [tilespmem:s0+$0x3E80]  }
0x1fb: {  	(erf) = vrcp.f32 v7;
	v7 =	vld [tilespmem:s0+$0x4180];
	_ =	sdelay $0x2  }
0x1fc: {  	v10 =	vld [tilespmem:s0+$0x4480]  }
0x1fd: {  	v8 =	vmul.f32 v8, v3;
	v9 =	vmul.f32 v9, v4  }
0x1fe: {  	v11 =	vld [tilespmem:s0+$0x4780];
	v7 =	vmul.f32 v7, v5  }
0x1ff: {  	v8 =	vadd.f32 v9, v8;
	_ =	sdelay $0x1  }
0x200: {  	v9 =	vmul.f32 v10, v6;
	v8 =	vadd.f32 v7, v8  }
0x201: {  	v7 =	vpop (erf)  }
0x202: {  	v8 =	vadd.f32 v9, v8;
	v9 =	vmul.f32 v11, v7;
	_ =	sdelay $0x1  }
0x203: {  	v8 =	vadd.f32 v9, v8  }
0x204: {  	s0 =	simm.s32 $0x4A80  }
0x205: {  	s16 =	simm.s32 $0x10;
	s3 =	simm.s32 $0x3B90;
	[tilespmem:s0+$0x0] =	vst v8  }
0x206: {  	s29 =	sand.u32 $0x3F0, s16;
	s16 =	simm.s32 $0x20;
	v8 =	vld [tilespmem:s3+$0x0]  }
.LBB2_6:
0x207: {  	p0 =	sne.s32 s16, $0x2F0;
	v9 =	vld [tilespmem:s29+$0x3E80];
	_ =	sdelay $0x1  }
0x208: {  	v10 =	vld [tilespmem:s29+$0x4180];
	_ =	sdelay $0x1  }
0x209: {  	v11 =	vld [tilespmem:s29+$0x4480]  }
0x20a: {  	v8 =	vmul.f32 v8, v3;
	v9 =	vmul.f32 v9, v4  }
0x20b: {  	v12 =	vld [tilespmem:s29+$0x4780]  }
0x20c: {  	v8 =	vadd.f32 v9, v8;
	v9 =	vmul.f32 v10, v5;
	_ =	sdelay $0x1  }
0x20d: {  	v8 =	vadd.f32 v9, v8;
	v9 =	vmul.f32 v11, v6;
	_ =	sdelay $0x1  }
0x20e: {  	v8 =	vadd.f32 v9, v8;
	v9 =	vmul.f32 v12, v7  }
.Ltmp2:
0x20f: {  	(pc) =	sbr.rel @p0 .LBB2_6-.Ltmp2, $4  }
0x210: {  	v8 =	vadd.f32 v9, v8  }
0x211: {  	s0 =	sadd.s32 $0x10, s0  }
0x212: {  	s3 =	sadd.s32 $0x10, s3;
	[tilespmem:s0+$0x0] =	vst v8  }
0x213: {  	s29 =	sand.u32 $0x3F0, s16;
	s16 =	sadd.s32 $0x10, s16;
	v8 =	vld [tilespmem:s3+$0x0]  }
0x214: {  	v9 =	vld [tilespmem:s29+$0x3E80];
	_ =	sdelay $0x1  }
0x215: {  	v10 =	vld [tilespmem:s29+$0x4180];
	_ =	sdelay $0x1  }
0x216: {  	v11 =	vld [tilespmem:s29+$0x4480]  }
0x217: {  	v3 =	vmul.f32 v8, v3;
	v4 =	vmul.f32 v9, v4  }
0x218: {  	v60 =	vld [tilespmem:s29+$0x4780]  }
0x219: {  	v61 =	vmul.f32 v10, v5;
	v3 =	vadd.f32 v4, v3;
	_ =	sdelay $0x1  }
0x21a: {  	v62 =	vmul.f32 v11, v6;
	v3 =	vadd.f32 v61, v3;
	_ =	sdelay $0x1  }
0x21b: {  	v63 =	vmul.f32 v60, v7;
	v3 =	vadd.f32 v62, v3;
	_ =	sdelay $0x1  }
0x21c: {  	s28 =	sadd.s32 $0x1, s28;
	v3 =	vadd.f32 v63, v3  }
0x21d: {  	s0 =	sadd.s32 $0x10, s0;
	p0 =	sne.s32 s28, s14  }
.Ltmp3:
0x21e: {  	[tilespmem:s0+$0x0] =	vst v3;
	(pc) =	sbr.rel @p0 .LBB2_1-.Ltmp3, $4  }
0x21f: {  	[hbm4b:s13+s4] =	stream.linear.scatter [tilespmem:s26], [sflag:$0x2], $0x300, $0x38;
	[tilespmem:$0x4EA0] =	vst v63  }
0x220: {  	_ =	swait.ge [sflag:s15], $0x300  }
0x221: {  	[sflag:s15] =	ssyncset.done $0x0  }
0x222: {  	[sflag:s15] =	ssyncadd.s32 $0xFFFFFD00  }
0x223: {  	_ =	sfence.sel $0x180000  }
0x224: {  	[bflag:$0x0] =	sbarrier.arrive $0xFFFF  }
0x225: {  	_ =	strace $0x90000047  }
0x226: {  	s0 =	stileid.u32;
	[bflag:$0x2] =	sbarrier.arrive $0xFFFF  }
0x227: {  	p0 =	sne.s32 s0, $0x0;
	s0 =	rddreg [dreg:$0x5]  }
0x228: {  	s0 =	sadd.s32 @!p0 $0x100000, s0  }
0x229: {  	[sflag:s0] =	ssyncadd.tile.s32 @!p0 $0x1;
	_ =	shalt  }
.Lfunc_end2:
_tile_overlayer_lowered:
.L_overlay_start_2:
0x22a: {  	(tag) =	ssettag $0x2  }
0x22b: {  	s0 =	rddreg [dreg:$0x0];
	s2 =	stileid.u32  }
0x22c: {  	s1 =	rddreg [dreg:$0x1];
	p0 =	sne.s32 s2, $0x0  }
0x22d: {  	s3 =	rddreg [dreg:$0x2];
	[bflag:$0x3] =	sbarrier.arrive $0xFFFF;
	s2 =	simm.s32 @!p0 $0x1C02  }
0x22e: {  	[timem:s3], [sflag:s2] =	dma.local @!p0 [hbm:s0], s1  }
0x22f: {  	s0 =	simm.s32 @!p0 $0x2  }
0x230: {  	_ =	swait.ge @!p0 [sflag:s0], s1  }
0x231: {  	s1 =	ssub.s32 @!p0 $0x0, s1;
	[sflag:s0] =	ssyncset.done @!p0 $0x0  }
0x232: {  	[sflag:s0] =	ssyncadd.s32 @!p0 s1  }
0x233: {  	[bflag:$0x3] =	sbarrier.arrive $0xFFFF  }
0x234: {  	_ =	shalt  }

</sc_bundles>
